<compile_context>
chip_gen: v7x
topology: tpu7x:2x2x1
jax: 0.10.2.dev20260603
libtpu: 0.0.44.dev20260713+nightly
codegen_flags: <defaults>
</compile_context>

<pallas_src>
import functools

import jax
import jax.numpy as jnp
from jax import lax
from jax.experimental import pallas as pl
from jax.experimental.pallas import tpu as pltpu
from jax.experimental.pallas import tpu_sc as plsc

B = 16384
L = 50
D = 64
NB = 8
RPB = NB * L
NW = 32
UPW = B // NW
NBLK = UPW // NB
CHUNKS = ((0, 104), (104, 104), (208, 104), (312, 88))


def _body(uid_hbm, ida_hbm, idc_hbm, uf_hbm, ef_hbm, rkt_hbm,
          pred_hbm, sco_hbm, ca_hbm, cd_hbm, na_hbm, nc_hbm,
          uid_v0, uid_v1, idxa_v0, idxa_v1, idxc_v0, idxc_v1,
          users_v0, users_v1, rows_a0, rows_a1, rows_c0, rows_c1,
          niua_v0, niua_v1, niuc_v0, niuc_v1,
          part_a, part_c,
          rkt_v, ca_v, cd_v, sk_v, pred_v, cam_v, cdm_v, sco_v,
          sem_g0, sem_g1, sem_o0, sem_o1):
    wid = lax.axis_index("s") * 2 + lax.axis_index("c")
    base = wid * UPW

    slots = (
        (uid_v0, idxa_v0, idxc_v0, users_v0, rows_a0, rows_c0,
         niua_v0, niuc_v0, sem_g0, sem_o0),
        (uid_v1, idxa_v1, idxc_v1, users_v1, rows_a1, rows_c1,
         niua_v1, niuc_v1, sem_g1, sem_o1),
    )

    pltpu.sync_copy(rkt_hbm, rkt_v)

    lane = lax.iota(jnp.int32, 16)
    lane16 = lane * 16
    last = lane == 15
    perms = [lane ^ s for s in (8, 4, 2, 1)]

    dnums = lax.GatherDimensionNumbers(
        offset_dims=(), collapsed_slice_dims=(0,), start_index_map=(0,))

    def xlane(v, p):
        return lax.gather(v, p[:, None], dnums, (1,),
                          mode=lax.GatherScatterMode.PROMISE_IN_BOUNDS)

    def vreduce(v):
        for p in perms:
            v = v + xlane(v, p)
        return v

    def scat1(ref, idx, vec):
        plsc.store_scatter(ref, [jnp.full((16,), idx, jnp.int32)], vec,
                           mask=last)

    def stage(slot, blk):
        uid_v, idxa_v, idxc_v, users_v, rows_a, rows_c, _, _, sem_g, _ = slot
        gb = base + blk * NB
        pltpu.sync_copy(uid_hbm.at[pl.ds(gb, NB)], uid_v)
        pltpu.sync_copy(ida_hbm.at[pl.ds(gb * L, RPB)], idxa_v)
        pltpu.sync_copy(idc_hbm.at[pl.ds(gb * L, RPB)], idxc_v)
        pltpu.async_copy(uf_hbm.at[uid_v], users_v, sem_g)
        for off, n in CHUNKS:
            pltpu.async_copy(ef_hbm.at[idxa_v.at[pl.ds(off, n)]],
                             rows_a.at[pl.ds(off, n)], sem_g)
            pltpu.async_copy(ef_hbm.at[idxc_v.at[pl.ds(off, n)]],
                             rows_c.at[pl.ds(off, n)], sem_g)

    def wait_gathers(slot):
        _, _, _, users_v, rows_a, rows_c, _, _, sem_g, _ = slot
        pltpu.make_async_copy(uf_hbm.at[pl.ds(0, NB)], users_v, sem_g).wait()
        pltpu.make_async_copy(ef_hbm.at[pl.ds(0, RPB)], rows_a, sem_g).wait()
        pltpu.make_async_copy(ef_hbm.at[pl.ds(0, RPB)], rows_c, sem_g).wait()

    def compute(slot, blk):
        _, _, _, users_v, rows_a, rows_c, niua_v, niuc_v, _, sem_o = slot
        gb = base + blk * NB
        @pl.when(blk >= 2)
        def _():
            pltpu.make_async_copy(na_hbm.at[pl.ds(0, RPB)], niua_v,
                                  sem_o).wait()
            pltpu.make_async_copy(nc_hbm.at[pl.ds(0, RPB)], niuc_v,
                                  sem_o).wait()

        def table(u, uv, rows, niu, part_v):
            def dots(l, vacc):
                acc01 = (rows[u * L + l, pl.ds(0, 16)] * uv[0]
                         + rows[u * L + l, pl.ds(16, 16)] * uv[1])
                acc23 = (rows[u * L + l, pl.ds(32, 16)] * uv[2]
                         + rows[u * L + l, pl.ds(48, 16)] * uv[3])
                acc = acc01 + acc23
                part_v[pl.ds(l * 16, 16)] = acc
                return vacc + acc

            zero = jnp.zeros((16,), jnp.float32)
            vacc = lax.fori_loop(0, L, dots, zero, unroll=10)

            for g in range(4):
                terms = [plsc.load_gather(part_v, [lane16 + (256 * g + j)])
                         for j in range(16)]
                while len(terms) > 1:
                    terms = [terms[i] + terms[i + 1]
                             for i in range(0, len(terms) - 1, 2)] + (
                                 [terms[-1]] if len(terms) % 2 else [])
                dots16 = terms[0]
                idx = jnp.full((16,), u * L + 16 * g, jnp.int32) + lane
                if g < 3:
                    plsc.store_scatter(niu, [idx], dots16)
                else:
                    plsc.store_scatter(niu, [idx], dots16, mask=lane < 2)
            return vacc

        def user_body(u, carry):
            uv = [users_v[u, pl.ds(16 * k, 16)] for k in range(4)]
            for k3 in range(3):
                acc = rkt_v[k3, pl.ds(0, 16)] * uv[0]
                for k in range(1, 4):
                    acc = acc + rkt_v[k3, pl.ds(16 * k, 16)] * uv[k]
                scat1(sk_v, k3 * UPW + blk * NB + u, vreduce(acc))

            va = table(u, uv, rows_a, niua_v, part_a)
            vc = table(u, uv, rows_c, niuc_v, part_c)
            scat1(ca_v, blk * NB + u, vreduce(va))
            scat1(cd_v, blk * NB + u, vreduce(vc))
            return carry

        lax.fori_loop(0, NB, user_body, jnp.int32(0))

        pltpu.async_copy(niua_v, na_hbm.at[pl.ds(gb * L, RPB)], sem_o)
        pltpu.async_copy(niuc_v, nc_hbm.at[pl.ds(gb * L, RPB)], sem_o)

    stage(slots[0], 0)

    def pair(gi, carry):
        for p in range(2):
            blk = gi * 2 + p

            @pl.when(blk + 1 < NBLK)
            def _():
                stage(slots[1 - p], blk + 1)

            wait_gathers(slots[p])
            compute(slots[p], blk)
        return carry

    lax.fori_loop(0, NBLK // 2, pair, jnp.int32(0))

    pltpu.make_async_copy(na_hbm.at[pl.ds(0, RPB)], niua_v0, sem_o0).wait()
    pltpu.make_async_copy(nc_hbm.at[pl.ds(0, RPB)], niuc_v0, sem_o0).wait()
    pltpu.make_async_copy(na_hbm.at[pl.ds(0, RPB)], niua_v1, sem_o1).wait()
    pltpu.make_async_copy(nc_hbm.at[pl.ds(0, RPB)], niuc_v1, sem_o1).wait()

    def lrelu(x):
        return jnp.where(x >= 0, x, 0.2 * x)

    def head(g, carry):
        sl = pl.ds(g * 16, 16)
        s0 = lrelu(sk_v[pl.ds(0 * UPW + g * 16, 16)])
        s1 = lrelu(sk_v[pl.ds(1 * UPW + g * 16, 16)])
        s2 = lrelu(sk_v[pl.ds(2 * UPW + g * 16, 16)])
        m = jnp.maximum(jnp.maximum(s0, s1), s2)
        e0, e1, e2 = jnp.exp(s0 - m), jnp.exp(s1 - m), jnp.exp(s2 - m)
        rden = 1.0 / (e0 + e1 + e2)
        sc0, sc1, sc2 = e0 * rden, e1 * rden, e2 * rden
        ca = ca_v[sl] * jnp.float32(1.0 / L)
        cd = cd_v[sl] * jnp.float32(1.0 / L)
        pred_v[sl] = (ca * sc0 + cd * sc1) / (sc0 + sc1)
        cam_v[sl] = ca
        cdm_v[sl] = cd
        rows3 = (lane + g * 16) * 3
        for k3, sck in enumerate((sc0, sc1, sc2)):
            plsc.store_scatter(sco_v, [rows3 + k3], sck)
        return carry

    lax.fori_loop(0, UPW // 16, head, jnp.int32(0), unroll=4)

    pltpu.sync_copy(pred_v, pred_hbm.at[pl.ds(base, UPW)])
    pltpu.sync_copy(sco_v, sco_hbm.at[pl.ds(base * 3, UPW * 3)])
    pltpu.sync_copy(cam_v, ca_hbm.at[pl.ds(base, UPW)])
    pltpu.sync_copy(cdm_v, cd_hbm.at[pl.ds(base, UPW)])


@jax.jit
def _run(user_id, ida_f, idc_f, user_factors, entity_factors, rkt):
    f32 = jnp.float32
    out_type = [
        jax.ShapeDtypeStruct((B,), f32),
        jax.ShapeDtypeStruct((B * 3,), f32),
        jax.ShapeDtypeStruct((B,), f32),
        jax.ShapeDtypeStruct((B,), f32),
        jax.ShapeDtypeStruct((B * L,), f32),
        jax.ShapeDtypeStruct((B * L,), f32),
    ]
    i32 = jnp.int32
    scratch_types = [
        pltpu.VMEM((NB,), i32), pltpu.VMEM((NB,), i32),
        pltpu.VMEM((RPB,), i32), pltpu.VMEM((RPB,), i32),
        pltpu.VMEM((RPB,), i32), pltpu.VMEM((RPB,), i32),
        pltpu.VMEM((NB, D), f32), pltpu.VMEM((NB, D), f32),
        pltpu.VMEM((RPB, D), f32), pltpu.VMEM((RPB, D), f32),
        pltpu.VMEM((RPB, D), f32), pltpu.VMEM((RPB, D), f32),
        pltpu.VMEM((RPB,), f32), pltpu.VMEM((RPB,), f32),
        pltpu.VMEM((RPB,), f32), pltpu.VMEM((RPB,), f32),
        pltpu.VMEM((16 * L,), f32),
        pltpu.VMEM((16 * L,), f32),
        pltpu.VMEM((3, D), f32),
        pltpu.VMEM((UPW,), f32),
        pltpu.VMEM((UPW,), f32),
        pltpu.VMEM((3 * UPW,), f32),
        pltpu.VMEM((UPW,), f32),
        pltpu.VMEM((UPW,), f32),
        pltpu.VMEM((UPW,), f32),
        pltpu.VMEM((UPW * 3,), f32),
        pltpu.SemaphoreType.DMA, pltpu.SemaphoreType.DMA,
        pltpu.SemaphoreType.DMA, pltpu.SemaphoreType.DMA,
    ]
    mesh = plsc.VectorSubcoreMesh(core_axis_name="c", subcore_axis_name="s")
    fn = pl.kernel(_body, mesh=mesh, out_type=out_type,
                   scratch_types=scratch_types,
                   compiler_params=pltpu.CompilerParams(
                       needs_layout_passes=False,
                       use_tc_tiling_on_sc=False))
    return fn(user_id, ida_f, idc_f, user_factors, entity_factors, rkt)


def kernel(user_id, artists_id, categories_id, user_factors, entity_factors,
           relation_k):
    uid = user_id.astype(jnp.int32)
    ida = artists_id.astype(jnp.int32).reshape(-1)
    idc = categories_id.astype(jnp.int32).reshape(-1)
    rkt = relation_k.T
    pred, sco, ca, cd, na, nc = _run(uid, ida, idc, user_factors,
                                     entity_factors, rkt)
    return (pred, sco.reshape(B, 3), ca, cd,
            (na.reshape(B, L, 1), nc.reshape(B, L, 1)))

# --- scband reference (transcript-rebuilt; emitter-appended) ---
"""Pipeline reference for scband-aspect-augumentation-55224689492133 (READ-ONLY COPY).

The authoritative reference and input builder live on the scoring server;
editing this copy changes nothing except your own understanding.
"""

import jax, jax.numpy as jnp
import numpy as np

B = 16384
L = 50
N_USERS = 100000
N_ENTITY = 100000
D = 64
N_RK = 3


def leaky_relu(x):
    return jnp.where(x >= 0, x, 0.2 * x)


def setup_inputs(seed: int = 0) -> dict:
    key = jax.random.key(seed)
    ks = jax.random.split(key, 6)
    return {
        "user_id": jax.random.randint(ks[0], (B,), 0, N_USERS),
        "artists_id": jax.random.randint(ks[1], (B, L), 0, N_ENTITY),
        "categories_id": jax.random.randint(ks[2], (B, L), 0, N_ENTITY),
        "user_factors": jax.random.normal(ks[3], (N_USERS, D), dtype=jnp.float32),
        "entity_factors": jax.random.normal(ks[4], (N_ENTITY, D), dtype=jnp.float32),
        "relation_k": jax.random.normal(ks[5], (D, N_RK), dtype=jnp.float32),
    }


def calculate_score(ids, users, entity_factors):
    # ids: [B, L] entity indices per user (ragged lists modeled as uniform length L)
    emb = jnp.take(entity_factors, ids, axis=0)            # [B, L, D] gather
    niubi = jnp.einsum('bld,bd->bl', emb, users)[..., None]  # per-user mm(actors, user) -> [B, L, 1]
    contribute = jnp.mean(niubi[..., 0], axis=1)           # pre_rating / L then sum(0) == mean over L -> [B]
    return contribute, niubi


def reference(user_id, artists_id, categories_id, user_factors, entity_factors, relation_k):
    users = jnp.take(user_factors, user_id, axis=0)        # [B, D]
    # dropout rate is 0 in the original -> identity
    scores = users @ relation_k                            # [B, N_RK]
    scores = leaky_relu(scores)
    scores = jax.nn.softmax(scores, axis=1)
    scores_actors = scores[:, 0]
    scores_directors = scores[:, 1]
    contribute_actors, niubi_act = calculate_score(artists_id, users, entity_factors)
    contribute_directors, niubi_dir = calculate_score(categories_id, users, entity_factors)
    importance_sum = scores_actors + scores_directors
    prediction_sum = contribute_actors * scores_actors + contribute_directors * scores_directors
    prediction = prediction_sum / importance_sum
    cnm = (niubi_act, niubi_dir)
    return (prediction, scores, contribute_actors, contribute_directors, cnm)

if __name__ == "__main__":
    import jax
    _d = setup_inputs()
    print(jax.jit(kernel)(*tuple(_d.values())))

</pallas_src>

<mosaic_0001>
#map = affine_map<(d0, d1) -> (0)>
#map1 = affine_map<(d0, d1) -> (0, 0)>
module attributes {stable_mosaic.version = 14 : i64} {
  func.func @_body(%arg0: i32, %arg1: i32, %arg2: memref<16384xi32, #tpu.memory_space<hbm>>, %arg3: memref<819200xi32, #tpu.memory_space<hbm>>, %arg4: memref<819200xi32, #tpu.memory_space<hbm>>, %arg5: memref<100000x64xf32, #tpu.memory_space<hbm>>, %arg6: memref<100000x64xf32, #tpu.memory_space<hbm>>, %arg7: memref<3x64xf32, #tpu.memory_space<hbm>>, %arg8: memref<16384xf32, #tpu.memory_space<hbm>>, %arg9: memref<49152xf32, #tpu.memory_space<hbm>>, %arg10: memref<16384xf32, #tpu.memory_space<hbm>>, %arg11: memref<16384xf32, #tpu.memory_space<hbm>>, %arg12: memref<819200xf32, #tpu.memory_space<hbm>>, %arg13: memref<819200xf32, #tpu.memory_space<hbm>>, %arg14: memref<8xi32, #tpu.memory_space<vmem>>, %arg15: memref<8xi32, #tpu.memory_space<vmem>>, %arg16: memref<400xi32, #tpu.memory_space<vmem>>, %arg17: memref<400xi32, #tpu.memory_space<vmem>>, %arg18: memref<400xi32, #tpu.memory_space<vmem>>, %arg19: memref<400xi32, #tpu.memory_space<vmem>>, %arg20: memref<8x64xf32, #tpu.memory_space<vmem>>, %arg21: memref<8x64xf32, #tpu.memory_space<vmem>>, %arg22: memref<400x64xf32, #tpu.memory_space<vmem>>, %arg23: memref<400x64xf32, #tpu.memory_space<vmem>>, %arg24: memref<400x64xf32, #tpu.memory_space<vmem>>, %arg25: memref<400x64xf32, #tpu.memory_space<vmem>>, %arg26: memref<400xf32, #tpu.memory_space<vmem>>, %arg27: memref<400xf32, #tpu.memory_space<vmem>>, %arg28: memref<400xf32, #tpu.memory_space<vmem>>, %arg29: memref<400xf32, #tpu.memory_space<vmem>>, %arg30: memref<800xf32, #tpu.memory_space<vmem>>, %arg31: memref<800xf32, #tpu.memory_space<vmem>>, %arg32: memref<3x64xf32, #tpu.memory_space<vmem>>, %arg33: memref<512xf32, #tpu.memory_space<vmem>>, %arg34: memref<512xf32, #tpu.memory_space<vmem>>, %arg35: memref<1536xf32, #tpu.memory_space<vmem>>, %arg36: memref<512xf32, #tpu.memory_space<vmem>>, %arg37: memref<512xf32, #tpu.memory_space<vmem>>, %arg38: memref<512xf32, #tpu.memory_space<vmem>>, %arg39: memref<1536xf32, #tpu.memory_space<vmem>>, %arg40: memref<!tpu.dma_semaphore, #tpu.memory_space<semaphore_mem>>, %arg41: memref<!tpu.dma_semaphore, #tpu.memory_space<semaphore_mem>>, %arg42: memref<!tpu.dma_semaphore, #tpu.memory_space<semaphore_mem>>, %arg43: memref<!tpu.dma_semaphore, #tpu.memory_space<semaphore_mem>>) attributes {dimension_semantics = [#tpu.dimension_semantics<core_parallel>, #tpu.dimension_semantics<subcore_parallel>], iteration_bounds = array<i64: 2, 16>, scalar_prefetch = 0 : i64, scratch_operands = 30 : i64, tpu.core_type = #tpu.core_type<sc_vector_subcore>, window_params = [{transform_indices = #map}, {transform_indices = #map}, {transform_indices = #map}, {transform_indices = #map1}, {transform_indices = #map1}, {transform_indices = #map1}, {transform_indices = #map}, {transform_indices = #map}, {transform_indices = #map}, {transform_indices = #map}, {transform_indices = #map}, {transform_indices = #map}]} {
    %mul3A = arith.constant 2 : i32
    %mul3A_0 = arith.muli %arg1, %mul3A : i32
    %add3A = arith.addi %mul3A_0, %arg0 : i32
    %mul3A_1 = arith.constant 512 : i32
    %mul3A_2 = arith.muli %add3A, %mul3A_1 : i32
    "tpu.region"() ({
      %run_scoped3A = tpu.sem_alloc : memref<!tpu.dma_semaphore, #tpu.memory_space<semaphore_mem>>
      tpu.enqueue_dma source(%arg7 : memref<3x64xf32, #tpu.memory_space<hbm>>) target(%arg32 : memref<3x64xf32, #tpu.memory_space<vmem>>) target_semaphore(%run_scoped3A : memref<!tpu.dma_semaphore, #tpu.memory_space<semaphore_mem>>)
      tpu.wait_dma2 semaphore(%run_scoped3A : memref<!tpu.dma_semaphore, #tpu.memory_space<semaphore_mem>>) src(%arg7 : memref<3x64xf32, #tpu.memory_space<hbm>>) dst(%arg32 : memref<3x64xf32, #tpu.memory_space<vmem>>)
      tpu.yield
    }) : () -> ()
    %iota3A = tpu.iota {dimensions = array<i32: 0>} : vector<16xi32>
    %mul3A_3 = arith.constant 16 : i32
    %mul3A_4 = vector.broadcast %mul3A_3 : i32 to vector<16xi32>
    %mul3A_5 = arith.muli %iota3A, %mul3A_4 : vector<16xi32>
    %eq3A = arith.constant 15 : i32
    %eq3A_6 = vector.broadcast %eq3A : i32 to vector<16xi32>
    %eq3A_7 = arith.cmpi eq, %iota3A, %eq3A_6 : vector<16xi32>
    %xor3A = arith.constant 8 : i32
    %xor3A_8 = vector.broadcast %xor3A : i32 to vector<16xi32>
    %xor3A_9 = arith.xori %iota3A, %xor3A_8 : vector<16xi32>
    %xor3A_10 = arith.constant 4 : i32
    %xor3A_11 = vector.broadcast %xor3A_10 : i32 to vector<16xi32>
    %xor3A_12 = arith.xori %iota3A, %xor3A_11 : vector<16xi32>
    %xor3A_13 = arith.constant 2 : i32
    %xor3A_14 = vector.broadcast %xor3A_13 : i32 to vector<16xi32>
    %xor3A_15 = arith.xori %iota3A, %xor3A_14 : vector<16xi32>
    %xor3A_16 = arith.constant 1 : i32
    %xor3A_17 = vector.broadcast %xor3A_16 : i32 to vector<16xi32>
    %xor3A_18 = arith.xori %iota3A, %xor3A_17 : vector<16xi32>
    %add3A_19 = arith.constant 0 : i32
    %add3A_20 = arith.addi %mul3A_2, %add3A_19 : i32
    "tpu.region"() ({
      %run_scoped3A = tpu.sem_alloc : memref<!tpu.dma_semaphore, #tpu.memory_space<semaphore_mem>>
      %dma_start3A_119 = tpu.memref_slice %arg2[%add3A_20] : memref<16384xi32, #tpu.memory_space<hbm>> -> memref<8xi32, #tpu.memory_space<hbm>>
      %dma_start3A_120 = tpu.memref_slice %arg2[%add3A_20] : memref<16384xi32, #tpu.memory_space<hbm>> -> memref<8xi32, #tpu.memory_space<hbm>>
      tpu.enqueue_dma source(%dma_start3A_120 : memref<8xi32, #tpu.memory_space<hbm>>) target(%arg14 : memref<8xi32, #tpu.memory_space<vmem>>) target_semaphore(%run_scoped3A : memref<!tpu.dma_semaphore, #tpu.memory_space<semaphore_mem>>)
      %dma_wait3A_121 = tpu.memref_slice %arg2[%add3A_20] : memref<16384xi32, #tpu.memory_space<hbm>> -> memref<8xi32, #tpu.memory_space<hbm>>
      %dma_wait3A_122 = tpu.memref_slice %arg2[%add3A_20] : memref<16384xi32, #tpu.memory_space<hbm>> -> memref<8xi32, #tpu.memory_space<hbm>>
      tpu.wait_dma2 semaphore(%run_scoped3A : memref<!tpu.dma_semaphore, #tpu.memory_space<semaphore_mem>>) src(%dma_wait3A_122 : memref<8xi32, #tpu.memory_space<hbm>>) dst(%arg14 : memref<8xi32, #tpu.memory_space<vmem>>)
      tpu.yield
    }) : () -> ()
    %mul3A_21 = arith.constant 50 : i32
    %mul3A_22 = arith.muli %add3A_20, %mul3A_21 : i32
    "tpu.region"() ({
      %run_scoped3A = tpu.sem_alloc : memref<!tpu.dma_semaphore, #tpu.memory_space<semaphore_mem>>
      %dma_start3A_119 = tpu.memref_slice %arg3[%mul3A_22] : memref<819200xi32, #tpu.memory_space<hbm>> -> memref<400xi32, #tpu.memory_space<hbm>>
      %dma_start3A_120 = tpu.memref_slice %arg3[%mul3A_22] : memref<819200xi32, #tpu.memory_space<hbm>> -> memref<400xi32, #tpu.memory_space<hbm>>
      tpu.enqueue_dma source(%dma_start3A_120 : memref<400xi32, #tpu.memory_space<hbm>>) target(%arg16 : memref<400xi32, #tpu.memory_space<vmem>>) target_semaphore(%run_scoped3A : memref<!tpu.dma_semaphore, #tpu.memory_space<semaphore_mem>>)
      %dma_wait3A_121 = tpu.memref_slice %arg3[%mul3A_22] : memref<819200xi32, #tpu.memory_space<hbm>> -> memref<400xi32, #tpu.memory_space<hbm>>
      %dma_wait3A_122 = tpu.memref_slice %arg3[%mul3A_22] : memref<819200xi32, #tpu.memory_space<hbm>> -> memref<400xi32, #tpu.memory_space<hbm>>
      tpu.wait_dma2 semaphore(%run_scoped3A : memref<!tpu.dma_semaphore, #tpu.memory_space<semaphore_mem>>) src(%dma_wait3A_122 : memref<400xi32, #tpu.memory_space<hbm>>) dst(%arg16 : memref<400xi32, #tpu.memory_space<vmem>>)
      tpu.yield
    }) : () -> ()
    %mul3A_23 = arith.constant 50 : i32
    %mul3A_24 = arith.muli %add3A_20, %mul3A_23 : i32
    "tpu.region"() ({
      %run_scoped3A = tpu.sem_alloc : memref<!tpu.dma_semaphore, #tpu.memory_space<semaphore_mem>>
      %dma_start3A_119 = tpu.memref_slice %arg4[%mul3A_24] : memref<819200xi32, #tpu.memory_space<hbm>> -> memref<400xi32, #tpu.memory_space<hbm>>
      %dma_start3A_120 = tpu.memref_slice %arg4[%mul3A_24] : memref<819200xi32, #tpu.memory_space<hbm>> -> memref<400xi32, #tpu.memory_space<hbm>>
      tpu.enqueue_dma source(%dma_start3A_120 : memref<400xi32, #tpu.memory_space<hbm>>) target(%arg18 : memref<400xi32, #tpu.memory_space<vmem>>) target_semaphore(%run_scoped3A : memref<!tpu.dma_semaphore, #tpu.memory_space<semaphore_mem>>)
      %dma_wait3A_121 = tpu.memref_slice %arg4[%mul3A_24] : memref<819200xi32, #tpu.memory_space<hbm>> -> memref<400xi32, #tpu.memory_space<hbm>>
      %dma_wait3A_122 = tpu.memref_slice %arg4[%mul3A_24] : memref<819200xi32, #tpu.memory_space<hbm>> -> memref<400xi32, #tpu.memory_space<hbm>>
      tpu.wait_dma2 semaphore(%run_scoped3A : memref<!tpu.dma_semaphore, #tpu.memory_space<semaphore_mem>>) src(%dma_wait3A_122 : memref<400xi32, #tpu.memory_space<hbm>>) dst(%arg18 : memref<400xi32, #tpu.memory_space<vmem>>)
      tpu.yield
    }) : () -> ()
    %dma_start3A = arith.constant 0 : i32
    %dma_start3A_25 = arith.constant 0 : i32
    %dma_start3A_26 = tpu.memref_slice %arg5[%dma_start3A, %dma_start3A_25] : memref<100000x64xf32, #tpu.memory_space<hbm>> -> memref<100000x64xf32, #tpu.memory_space<hbm>>
    tpu.enqueue_indirect_dma source(%dma_start3A_26 : memref<100000x64xf32, #tpu.memory_space<hbm>>) target(%arg20 : memref<8x64xf32, #tpu.memory_space<vmem>>) offsets(%arg14 : memref<8xi32, #tpu.memory_space<vmem>>) semaphore(%arg40 : memref<!tpu.dma_semaphore, #tpu.memory_space<semaphore_mem>>)
    %dma_start3A_27 = arith.constant 0 : i32
    %dma_start3A_28 = arith.constant 0 : i32
    %dma_start3A_29 = tpu.memref_slice %arg22[%dma_start3A_27, %dma_start3A_28] : memref<400x64xf32, #tpu.memory_space<vmem>> -> memref<104x64xf32, #tpu.memory_space<vmem>>
    %dma_start3A_30 = arith.constant 0 : i32
    %dma_start3A_31 = tpu.memref_slice %arg16[%dma_start3A_30] : memref<400xi32, #tpu.memory_space<vmem>> -> memref<104xi32, #tpu.memory_space<vmem>>
    %dma_start3A_32 = arith.constant 0 : i32
    %dma_start3A_33 = arith.constant 0 : i32
    %dma_start3A_34 = tpu.memref_slice %arg6[%dma_start3A_32, %dma_start3A_33] : memref<100000x64xf32, #tpu.memory_space<hbm>> -> memref<100000x64xf32, #tpu.memory_space<hbm>>
    tpu.enqueue_indirect_dma source(%dma_start3A_34 : memref<100000x64xf32, #tpu.memory_space<hbm>>) target(%dma_start3A_29 : memref<104x64xf32, #tpu.memory_space<vmem>>) offsets(%dma_start3A_31 : memref<104xi32, #tpu.memory_space<vmem>>) semaphore(%arg40 : memref<!tpu.dma_semaphore, #tpu.memory_space<semaphore_mem>>)
    %dma_start3A_35 = arith.constant 0 : i32
    %dma_start3A_36 = arith.constant 0 : i32
    %dma_start3A_37 = tpu.memref_slice %arg24[%dma_start3A_35, %dma_start3A_36] : memref<400x64xf32, #tpu.memory_space<vmem>> -> memref<104x64xf32, #tpu.memory_space<vmem>>
    %dma_start3A_38 = arith.constant 0 : i32
    %dma_start3A_39 = tpu.memref_slice %arg18[%dma_start3A_38] : memref<400xi32, #tpu.memory_space<vmem>> -> memref<104xi32, #tpu.memory_space<vmem>>
    %dma_start3A_40 = arith.constant 0 : i32
    %dma_start3A_41 = arith.constant 0 : i32
    %dma_start3A_42 = tpu.memref_slice %arg6[%dma_start3A_40, %dma_start3A_41] : memref<100000x64xf32, #tpu.memory_space<hbm>> -> memref<100000x64xf32, #tpu.memory_space<hbm>>
    tpu.enqueue_indirect_dma source(%dma_start3A_42 : memref<100000x64xf32, #tpu.memory_space<hbm>>) target(%dma_start3A_37 : memref<104x64xf32, #tpu.memory_space<vmem>>) offsets(%dma_start3A_39 : memref<104xi32, #tpu.memory_space<vmem>>) semaphore(%arg40 : memref<!tpu.dma_semaphore, #tpu.memory_space<semaphore_mem>>)
    %dma_start3A_43 = arith.constant 104 : i32
    %dma_start3A_44 = arith.constant 0 : i32
    %dma_start3A_45 = tpu.memref_slice %arg22[%dma_start3A_43, %dma_start3A_44] : memref<400x64xf32, #tpu.memory_space<vmem>> -> memref<104x64xf32, #tpu.memory_space<vmem>>
    %dma_start3A_46 = arith.constant 104 : i32
    %dma_start3A_47 = tpu.memref_slice %arg16[%dma_start3A_46] : memref<400xi32, #tpu.memory_space<vmem>> -> memref<104xi32, #tpu.memory_space<vmem>>
    %dma_start3A_48 = arith.constant 0 : i32
    %dma_start3A_49 = arith.constant 0 : i32
    %dma_start3A_50 = tpu.memref_slice %arg6[%dma_start3A_48, %dma_start3A_49] : memref<100000x64xf32, #tpu.memory_space<hbm>> -> memref<100000x64xf32, #tpu.memory_space<hbm>>
    tpu.enqueue_indirect_dma source(%dma_start3A_50 : memref<100000x64xf32, #tpu.memory_space<hbm>>) target(%dma_start3A_45 : memref<104x64xf32, #tpu.memory_space<vmem>>) offsets(%dma_start3A_47 : memref<104xi32, #tpu.memory_space<vmem>>) semaphore(%arg40 : memref<!tpu.dma_semaphore, #tpu.memory_space<semaphore_mem>>)
    %dma_start3A_51 = arith.constant 104 : i32
    %dma_start3A_52 = arith.constant 0 : i32
    %dma_start3A_53 = tpu.memref_slice %arg24[%dma_start3A_51, %dma_start3A_52] : memref<400x64xf32, #tpu.memory_space<vmem>> -> memref<104x64xf32, #tpu.memory_space<vmem>>
    %dma_start3A_54 = arith.constant 104 : i32
    %dma_start3A_55 = tpu.memref_slice %arg18[%dma_start3A_54] : memref<400xi32, #tpu.memory_space<vmem>> -> memref<104xi32, #tpu.memory_space<vmem>>
    %dma_start3A_56 = arith.constant 0 : i32
    %dma_start3A_57 = arith.constant 0 : i32
    %dma_start3A_58 = tpu.memref_slice %arg6[%dma_start3A_56, %dma_start3A_57] : memref<100000x64xf32, #tpu.memory_space<hbm>> -> memref<100000x64xf32, #tpu.memory_space<hbm>>
    tpu.enqueue_indirect_dma source(%dma_start3A_58 : memref<100000x64xf32, #tpu.memory_space<hbm>>) target(%dma_start3A_53 : memref<104x64xf32, #tpu.memory_space<vmem>>) offsets(%dma_start3A_55 : memref<104xi32, #tpu.memory_space<vmem>>) semaphore(%arg40 : memref<!tpu.dma_semaphore, #tpu.memory_space<semaphore_mem>>)
    %dma_start3A_59 = arith.constant 208 : i32
    %dma_start3A_60 = arith.constant 0 : i32
    %dma_start3A_61 = tpu.memref_slice %arg22[%dma_start3A_59, %dma_start3A_60] : memref<400x64xf32, #tpu.memory_space<vmem>> -> memref<104x64xf32, #tpu.memory_space<vmem>>
    %dma_start3A_62 = arith.constant 208 : i32
    %dma_start3A_63 = tpu.memref_slice %arg16[%dma_start3A_62] : memref<400xi32, #tpu.memory_space<vmem>> -> memref<104xi32, #tpu.memory_space<vmem>>
    %dma_start3A_64 = arith.constant 0 : i32
    %dma_start3A_65 = arith.constant 0 : i32
    %dma_start3A_66 = tpu.memref_slice %arg6[%dma_start3A_64, %dma_start3A_65] : memref<100000x64xf32, #tpu.memory_space<hbm>> -> memref<100000x64xf32, #tpu.memory_space<hbm>>
    tpu.enqueue_indirect_dma source(%dma_start3A_66 : memref<100000x64xf32, #tpu.memory_space<hbm>>) target(%dma_start3A_61 : memref<104x64xf32, #tpu.memory_space<vmem>>) offsets(%dma_start3A_63 : memref<104xi32, #tpu.memory_space<vmem>>) semaphore(%arg40 : memref<!tpu.dma_semaphore, #tpu.memory_space<semaphore_mem>>)
    %dma_start3A_67 = arith.constant 208 : i32
    %dma_start3A_68 = arith.constant 0 : i32
    %dma_start3A_69 = tpu.memref_slice %arg24[%dma_start3A_67, %dma_start3A_68] : memref<400x64xf32, #tpu.memory_space<vmem>> -> memref<104x64xf32, #tpu.memory_space<vmem>>
    %dma_start3A_70 = arith.constant 208 : i32
    %dma_start3A_71 = tpu.memref_slice %arg18[%dma_start3A_70] : memref<400xi32, #tpu.memory_space<vmem>> -> memref<104xi32, #tpu.memory_space<vmem>>
    %dma_start3A_72 = arith.constant 0 : i32
    %dma_start3A_73 = arith.constant 0 : i32
    %dma_start3A_74 = tpu.memref_slice %arg6[%dma_start3A_72, %dma_start3A_73] : memref<100000x64xf32, #tpu.memory_space<hbm>> -> memref<100000x64xf32, #tpu.memory_space<hbm>>
    tpu.enqueue_indirect_dma source(%dma_start3A_74 : memref<100000x64xf32, #tpu.memory_space<hbm>>) target(%dma_start3A_69 : memref<104x64xf32, #tpu.memory_space<vmem>>) offsets(%dma_start3A_71 : memref<104xi32, #tpu.memory_space<vmem>>) semaphore(%arg40 : memref<!tpu.dma_semaphore, #tpu.memory_space<semaphore_mem>>)
    %dma_start3A_75 = arith.constant 312 : i32
    %dma_start3A_76 = arith.constant 0 : i32
    %dma_start3A_77 = tpu.memref_slice %arg22[%dma_start3A_75, %dma_start3A_76] : memref<400x64xf32, #tpu.memory_space<vmem>> -> memref<88x64xf32, #tpu.memory_space<vmem>>
    %dma_start3A_78 = arith.constant 312 : i32
    %dma_start3A_79 = tpu.memref_slice %arg16[%dma_start3A_78] : memref<400xi32, #tpu.memory_space<vmem>> -> memref<88xi32, #tpu.memory_space<vmem>>
    %dma_start3A_80 = arith.constant 0 : i32
    %dma_start3A_81 = arith.constant 0 : i32
    %dma_start3A_82 = tpu.memref_slice %arg6[%dma_start3A_80, %dma_start3A_81] : memref<100000x64xf32, #tpu.memory_space<hbm>> -> memref<100000x64xf32, #tpu.memory_space<hbm>>
    tpu.enqueue_indirect_dma source(%dma_start3A_82 : memref<100000x64xf32, #tpu.memory_space<hbm>>) target(%dma_start3A_77 : memref<88x64xf32, #tpu.memory_space<vmem>>) offsets(%dma_start3A_79 : memref<88xi32, #tpu.memory_space<vmem>>) semaphore(%arg40 : memref<!tpu.dma_semaphore, #tpu.memory_space<semaphore_mem>>)
    %dma_start3A_83 = arith.constant 312 : i32
    %dma_start3A_84 = arith.constant 0 : i32
    %dma_start3A_85 = tpu.memref_slice %arg24[%dma_start3A_83, %dma_start3A_84] : memref<400x64xf32, #tpu.memory_space<vmem>> -> memref<88x64xf32, #tpu.memory_space<vmem>>
    %dma_start3A_86 = arith.constant 312 : i32
    %dma_start3A_87 = tpu.memref_slice %arg18[%dma_start3A_86] : memref<400xi32, #tpu.memory_space<vmem>> -> memref<88xi32, #tpu.memory_space<vmem>>
    %dma_start3A_88 = arith.constant 0 : i32
    %dma_start3A_89 = arith.constant 0 : i32
    %dma_start3A_90 = tpu.memref_slice %arg6[%dma_start3A_88, %dma_start3A_89] : memref<100000x64xf32, #tpu.memory_space<hbm>> -> memref<100000x64xf32, #tpu.memory_space<hbm>>
    tpu.enqueue_indirect_dma source(%dma_start3A_90 : memref<100000x64xf32, #tpu.memory_space<hbm>>) target(%dma_start3A_85 : memref<88x64xf32, #tpu.memory_space<vmem>>) offsets(%dma_start3A_87 : memref<88xi32, #tpu.memory_space<vmem>>) semaphore(%arg40 : memref<!tpu.dma_semaphore, #tpu.memory_space<semaphore_mem>>)
    %scan3A = arith.constant 0 : i32
    %scan3A_91 = arith.constant 0 : i32
    %scan3A_92 = arith.constant 32 : i32
    %scan3A_93 = arith.addi %scan3A_91, %scan3A_92 : i32
    %scan3A_94 = arith.constant 1 : i32
    scf.for %scan3A_119 = %scan3A_91 to %scan3A_93 step %scan3A_94  : i32 {
      %mul3A_120 = arith.constant 2 : i32
      %mul3A_121 = arith.muli %scan3A_119, %mul3A_120 : i32
      %add3A_122 = arith.constant 0 : i32
      %add3A_123 = arith.addi %mul3A_121, %add3A_122 : i32
      %add3A_124 = arith.constant 1 : i32
      %add3A_125 = arith.addi %add3A_123, %add3A_124 : i32
      %lt3A = arith.constant 64 : i32
      %lt3A_126 = arith.cmpi slt, %add3A_125, %lt3A : i32
      %convert_element_type3A = arith.extui %lt3A_126 : i1 to i32
      %cond3A = arith.constant 0 : i32
      %cond3A_127 = arith.cmpi ne, %convert_element_type3A, %cond3A : i32
      scf.if %cond3A_127 {
        %add3A_218 = arith.constant 1 : i32
        %add3A_219 = arith.addi %add3A_123, %add3A_218 : i32
        %mul3A_220 = arith.constant 8 : i32
        %mul3A_221 = arith.muli %add3A_219, %mul3A_220 : i32
        %add3A_222 = arith.addi %mul3A_2, %mul3A_221 : i32
        "tpu.region"() ({
          %run_scoped3A = tpu.sem_alloc : memref<!tpu.dma_semaphore, #tpu.memory_space<semaphore_mem>>
          %dma_start3A_294 = tpu.memref_slice %arg2[%add3A_222] : memref<16384xi32, #tpu.memory_space<hbm>> -> memref<8xi32, #tpu.memory_space<hbm>>
          %dma_start3A_295 = tpu.memref_slice %arg2[%add3A_222] : memref<16384xi32, #tpu.memory_space<hbm>> -> memref<8xi32, #tpu.memory_space<hbm>>
          tpu.enqueue_dma source(%dma_start3A_295 : memref<8xi32, #tpu.memory_space<hbm>>) target(%arg15 : memref<8xi32, #tpu.memory_space<vmem>>) target_semaphore(%run_scoped3A : memref<!tpu.dma_semaphore, #tpu.memory_space<semaphore_mem>>)
          %dma_wait3A_296 = tpu.memref_slice %arg2[%add3A_222] : memref<16384xi32, #tpu.memory_space<hbm>> -> memref<8xi32, #tpu.memory_space<hbm>>
          %dma_wait3A_297 = tpu.memref_slice %arg2[%add3A_222] : memref<16384xi32, #tpu.memory_space<hbm>> -> memref<8xi32, #tpu.memory_space<hbm>>
          tpu.wait_dma2 semaphore(%run_scoped3A : memref<!tpu.dma_semaphore, #tpu.memory_space<semaphore_mem>>) src(%dma_wait3A_297 : memref<8xi32, #tpu.memory_space<hbm>>) dst(%arg15 : memref<8xi32, #tpu.memory_space<vmem>>)
          tpu.yield
        }) : () -> ()
        %mul3A_223 = arith.constant 50 : i32
        %mul3A_224 = arith.muli %add3A_222, %mul3A_223 : i32
        "tpu.region"() ({
          %run_scoped3A = tpu.sem_alloc : memref<!tpu.dma_semaphore, #tpu.memory_space<semaphore_mem>>
          %dma_start3A_294 = tpu.memref_slice %arg3[%mul3A_224] : memref<819200xi32, #tpu.memory_space<hbm>> -> memref<400xi32, #tpu.memory_space<hbm>>
          %dma_start3A_295 = tpu.memref_slice %arg3[%mul3A_224] : memref<819200xi32, #tpu.memory_space<hbm>> -> memref<400xi32, #tpu.memory_space<hbm>>
          tpu.enqueue_dma source(%dma_start3A_295 : memref<400xi32, #tpu.memory_space<hbm>>) target(%arg17 : memref<400xi32, #tpu.memory_space<vmem>>) target_semaphore(%run_scoped3A : memref<!tpu.dma_semaphore, #tpu.memory_space<semaphore_mem>>)
          %dma_wait3A_296 = tpu.memref_slice %arg3[%mul3A_224] : memref<819200xi32, #tpu.memory_space<hbm>> -> memref<400xi32, #tpu.memory_space<hbm>>
          %dma_wait3A_297 = tpu.memref_slice %arg3[%mul3A_224] : memref<819200xi32, #tpu.memory_space<hbm>> -> memref<400xi32, #tpu.memory_space<hbm>>
          tpu.wait_dma2 semaphore(%run_scoped3A : memref<!tpu.dma_semaphore, #tpu.memory_space<semaphore_mem>>) src(%dma_wait3A_297 : memref<400xi32, #tpu.memory_space<hbm>>) dst(%arg17 : memref<400xi32, #tpu.memory_space<vmem>>)
          tpu.yield
        }) : () -> ()
        %mul3A_225 = arith.constant 50 : i32
        %mul3A_226 = arith.muli %add3A_222, %mul3A_225 : i32
        "tpu.region"() ({
          %run_scoped3A = tpu.sem_alloc : memref<!tpu.dma_semaphore, #tpu.memory_space<semaphore_mem>>
          %dma_start3A_294 = tpu.memref_slice %arg4[%mul3A_226] : memref<819200xi32, #tpu.memory_space<hbm>> -> memref<400xi32, #tpu.memory_space<hbm>>
          %dma_start3A_295 = tpu.memref_slice %arg4[%mul3A_226] : memref<819200xi32, #tpu.memory_space<hbm>> -> memref<400xi32, #tpu.memory_space<hbm>>
          tpu.enqueue_dma source(%dma_start3A_295 : memref<400xi32, #tpu.memory_space<hbm>>) target(%arg19 : memref<400xi32, #tpu.memory_space<vmem>>) target_semaphore(%run_scoped3A : memref<!tpu.dma_semaphore, #tpu.memory_space<semaphore_mem>>)
          %dma_wait3A_296 = tpu.memref_slice %arg4[%mul3A_226] : memref<819200xi32, #tpu.memory_space<hbm>> -> memref<400xi32, #tpu.memory_space<hbm>>
          %dma_wait3A_297 = tpu.memref_slice %arg4[%mul3A_226] : memref<819200xi32, #tpu.memory_space<hbm>> -> memref<400xi32, #tpu.memory_space<hbm>>
          tpu.wait_dma2 semaphore(%run_scoped3A : memref<!tpu.dma_semaphore, #tpu.memory_space<semaphore_mem>>) src(%dma_wait3A_297 : memref<400xi32, #tpu.memory_space<hbm>>) dst(%arg19 : memref<400xi32, #tpu.memory_space<vmem>>)
          tpu.yield
        }) : () -> ()
        %dma_start3A_227 = arith.constant 0 : i32
        %dma_start3A_228 = arith.constant 0 : i32
        %dma_start3A_229 = tpu.memref_slice %arg5[%dma_start3A_227, %dma_start3A_228] : memref<100000x64xf32, #tpu.memory_space<hbm>> -> memref<100000x64xf32, #tpu.memory_space<hbm>>
        tpu.enqueue_indirect_dma source(%dma_start3A_229 : memref<100000x64xf32, #tpu.memory_space<hbm>>) target(%arg21 : memref<8x64xf32, #tpu.memory_space<vmem>>) offsets(%arg15 : memref<8xi32, #tpu.memory_space<vmem>>) semaphore(%arg41 : memref<!tpu.dma_semaphore, #tpu.memory_space<semaphore_mem>>)
        %dma_start3A_230 = arith.constant 0 : i32
        %dma_start3A_231 = arith.constant 0 : i32
        %dma_start3A_232 = tpu.memref_slice %arg23[%dma_start3A_230, %dma_start3A_231] : memref<400x64xf32, #tpu.memory_space<vmem>> -> memref<104x64xf32, #tpu.memory_space<vmem>>
        %dma_start3A_233 = arith.constant 0 : i32
        %dma_start3A_234 = tpu.memref_slice %arg17[%dma_start3A_233] : memref<400xi32, #tpu.memory_space<vmem>> -> memref<104xi32, #tpu.memory_space<vmem>>
        %dma_start3A_235 = arith.constant 0 : i32
        %dma_start3A_236 = arith.constant 0 : i32
        %dma_start3A_237 = tpu.memref_slice %arg6[%dma_start3A_235, %dma_start3A_236] : memref<100000x64xf32, #tpu.memory_space<hbm>> -> memref<100000x64xf32, #tpu.memory_space<hbm>>
        tpu.enqueue_indirect_dma source(%dma_start3A_237 : memref<100000x64xf32, #tpu.memory_space<hbm>>) target(%dma_start3A_232 : memref<104x64xf32, #tpu.memory_space<vmem>>) offsets(%dma_start3A_234 : memref<104xi32, #tpu.memory_space<vmem>>) semaphore(%arg41 : memref<!tpu.dma_semaphore, #tpu.memory_space<semaphore_mem>>)
        %dma_start3A_238 = arith.constant 0 : i32
        %dma_start3A_239 = arith.constant 0 : i32
        %dma_start3A_240 = tpu.memref_slice %arg25[%dma_start3A_238, %dma_start3A_239] : memref<400x64xf32, #tpu.memory_space<vmem>> -> memref<104x64xf32, #tpu.memory_space<vmem>>
        %dma_start3A_241 = arith.constant 0 : i32
        %dma_start3A_242 = tpu.memref_slice %arg19[%dma_start3A_241] : memref<400xi32, #tpu.memory_space<vmem>> -> memref<104xi32, #tpu.memory_space<vmem>>
        %dma_start3A_243 = arith.constant 0 : i32
        %dma_start3A_244 = arith.constant 0 : i32
        %dma_start3A_245 = tpu.memref_slice %arg6[%dma_start3A_243, %dma_start3A_244] : memref<100000x64xf32, #tpu.memory_space<hbm>> -> memref<100000x64xf32, #tpu.memory_space<hbm>>
        tpu.enqueue_indirect_dma source(%dma_start3A_245 : memref<100000x64xf32, #tpu.memory_space<hbm>>) target(%dma_start3A_240 : memref<104x64xf32, #tpu.memory_space<vmem>>) offsets(%dma_start3A_242 : memref<104xi32, #tpu.memory_space<vmem>>) semaphore(%arg41 : memref<!tpu.dma_semaphore, #tpu.memory_space<semaphore_mem>>)
        %dma_start3A_246 = arith.constant 104 : i32
        %dma_start3A_247 = arith.constant 0 : i32
        %dma_start3A_248 = tpu.memref_slice %arg23[%dma_start3A_246, %dma_start3A_247] : memref<400x64xf32, #tpu.memory_space<vmem>> -> memref<104x64xf32, #tpu.memory_space<vmem>>
        %dma_start3A_249 = arith.constant 104 : i32
        %dma_start3A_250 = tpu.memref_slice %arg17[%dma_start3A_249] : memref<400xi32, #tpu.memory_space<vmem>> -> memref<104xi32, #tpu.memory_space<vmem>>
        %dma_start3A_251 = arith.constant 0 : i32
        %dma_start3A_252 = arith.constant 0 : i32
        %dma_start3A_253 = tpu.memref_slice %arg6[%dma_start3A_251, %dma_start3A_252] : memref<100000x64xf32, #tpu.memory_space<hbm>> -> memref<100000x64xf32, #tpu.memory_space<hbm>>
        tpu.enqueue_indirect_dma source(%dma_start3A_253 : memref<100000x64xf32, #tpu.memory_space<hbm>>) target(%dma_start3A_248 : memref<104x64xf32, #tpu.memory_space<vmem>>) offsets(%dma_start3A_250 : memref<104xi32, #tpu.memory_space<vmem>>) semaphore(%arg41 : memref<!tpu.dma_semaphore, #tpu.memory_space<semaphore_mem>>)
        %dma_start3A_254 = arith.constant 104 : i32
        %dma_start3A_255 = arith.constant 0 : i32
        %dma_start3A_256 = tpu.memref_slice %arg25[%dma_start3A_254, %dma_start3A_255] : memref<400x64xf32, #tpu.memory_space<vmem>> -> memref<104x64xf32, #tpu.memory_space<vmem>>
        %dma_start3A_257 = arith.constant 104 : i32
        %dma_start3A_258 = tpu.memref_slice %arg19[%dma_start3A_257] : memref<400xi32, #tpu.memory_space<vmem>> -> memref<104xi32, #tpu.memory_space<vmem>>
        %dma_start3A_259 = arith.constant 0 : i32
        %dma_start3A_260 = arith.constant 0 : i32
        %dma_start3A_261 = tpu.memref_slice %arg6[%dma_start3A_259, %dma_start3A_260] : memref<100000x64xf32, #tpu.memory_space<hbm>> -> memref<100000x64xf32, #tpu.memory_space<hbm>>
        tpu.enqueue_indirect_dma source(%dma_start3A_261 : memref<100000x64xf32, #tpu.memory_space<hbm>>) target(%dma_start3A_256 : memref<104x64xf32, #tpu.memory_space<vmem>>) offsets(%dma_start3A_258 : memref<104xi32, #tpu.memory_space<vmem>>) semaphore(%arg41 : memref<!tpu.dma_semaphore, #tpu.memory_space<semaphore_mem>>)
        %dma_start3A_262 = arith.constant 208 : i32
        %dma_start3A_263 = arith.constant 0 : i32
        %dma_start3A_264 = tpu.memref_slice %arg23[%dma_start3A_262, %dma_start3A_263] : memref<400x64xf32, #tpu.memory_space<vmem>> -> memref<104x64xf32, #tpu.memory_space<vmem>>
        %dma_start3A_265 = arith.constant 208 : i32
        %dma_start3A_266 = tpu.memref_slice %arg17[%dma_start3A_265] : memref<400xi32, #tpu.memory_space<vmem>> -> memref<104xi32, #tpu.memory_space<vmem>>
        %dma_start3A_267 = arith.constant 0 : i32
        %dma_start3A_268 = arith.constant 0 : i32
        %dma_start3A_269 = tpu.memref_slice %arg6[%dma_start3A_267, %dma_start3A_268] : memref<100000x64xf32, #tpu.memory_space<hbm>> -> memref<100000x64xf32, #tpu.memory_space<hbm>>
        tpu.enqueue_indirect_dma source(%dma_start3A_269 : memref<100000x64xf32, #tpu.memory_space<hbm>>) target(%dma_start3A_264 : memref<104x64xf32, #tpu.memory_space<vmem>>) offsets(%dma_start3A_266 : memref<104xi32, #tpu.memory_space<vmem>>) semaphore(%arg41 : memref<!tpu.dma_semaphore, #tpu.memory_space<semaphore_mem>>)
        %dma_start3A_270 = arith.constant 208 : i32
        %dma_start3A_271 = arith.constant 0 : i32
        %dma_start3A_272 = tpu.memref_slice %arg25[%dma_start3A_270, %dma_start3A_271] : memref<400x64xf32, #tpu.memory_space<vmem>> -> memref<104x64xf32, #tpu.memory_space<vmem>>
        %dma_start3A_273 = arith.constant 208 : i32
        %dma_start3A_274 = tpu.memref_slice %arg19[%dma_start3A_273] : memref<400xi32, #tpu.memory_space<vmem>> -> memref<104xi32, #tpu.memory_space<vmem>>
        %dma_start3A_275 = arith.constant 0 : i32
        %dma_start3A_276 = arith.constant 0 : i32
        %dma_start3A_277 = tpu.memref_slice %arg6[%dma_start3A_275, %dma_start3A_276] : memref<100000x64xf32, #tpu.memory_space<hbm>> -> memref<100000x64xf32, #tpu.memory_space<hbm>>
        tpu.enqueue_indirect_dma source(%dma_start3A_277 : memref<100000x64xf32, #tpu.memory_space<hbm>>) target(%dma_start3A_272 : memref<104x64xf32, #tpu.memory_space<vmem>>) offsets(%dma_start3A_274 : memref<104xi32, #tpu.memory_space<vmem>>) semaphore(%arg41 : memref<!tpu.dma_semaphore, #tpu.memory_space<semaphore_mem>>)
        %dma_start3A_278 = arith.constant 312 : i32
        %dma_start3A_279 = arith.constant 0 : i32
        %dma_start3A_280 = tpu.memref_slice %arg23[%dma_start3A_278, %dma_start3A_279] : memref<400x64xf32, #tpu.memory_space<vmem>> -> memref<88x64xf32, #tpu.memory_space<vmem>>
        %dma_start3A_281 = arith.constant 312 : i32
        %dma_start3A_282 = tpu.memref_slice %arg17[%dma_start3A_281] : memref<400xi32, #tpu.memory_space<vmem>> -> memref<88xi32, #tpu.memory_space<vmem>>
        %dma_start3A_283 = arith.constant 0 : i32
        %dma_start3A_284 = arith.constant 0 : i32
        %dma_start3A_285 = tpu.memref_slice %arg6[%dma_start3A_283, %dma_start3A_284] : memref<100000x64xf32, #tpu.memory_space<hbm>> -> memref<100000x64xf32, #tpu.memory_space<hbm>>
        tpu.enqueue_indirect_dma source(%dma_start3A_285 : memref<100000x64xf32, #tpu.memory_space<hbm>>) target(%dma_start3A_280 : memref<88x64xf32, #tpu.memory_space<vmem>>) offsets(%dma_start3A_282 : memref<88xi32, #tpu.memory_space<vmem>>) semaphore(%arg41 : memref<!tpu.dma_semaphore, #tpu.memory_space<semaphore_mem>>)
        %dma_start3A_286 = arith.constant 312 : i32
        %dma_start3A_287 = arith.constant 0 : i32
        %dma_start3A_288 = tpu.memref_slice %arg25[%dma_start3A_286, %dma_start3A_287] : memref<400x64xf32, #tpu.memory_space<vmem>> -> memref<88x64xf32, #tpu.memory_space<vmem>>
        %dma_start3A_289 = arith.constant 312 : i32
        %dma_start3A_290 = tpu.memref_slice %arg19[%dma_start3A_289] : memref<400xi32, #tpu.memory_space<vmem>> -> memref<88xi32, #tpu.memory_space<vmem>>
        %dma_start3A_291 = arith.constant 0 : i32
        %dma_start3A_292 = arith.constant 0 : i32
        %dma_start3A_293 = tpu.memref_slice %arg6[%dma_start3A_291, %dma_start3A_292] : memref<100000x64xf32, #tpu.memory_space<hbm>> -> memref<100000x64xf32, #tpu.memory_space<hbm>>
        tpu.enqueue_indirect_dma source(%dma_start3A_293 : memref<100000x64xf32, #tpu.memory_space<hbm>>) target(%dma_start3A_288 : memref<88x64xf32, #tpu.memory_space<vmem>>) offsets(%dma_start3A_290 : memref<88xi32, #tpu.memory_space<vmem>>) semaphore(%arg41 : memref<!tpu.dma_semaphore, #tpu.memory_space<semaphore_mem>>)
      } else {
      }
      %dma_wait3A_128 = arith.constant 0 : i32
      %dma_wait3A_129 = arith.constant 0 : i32
      %dma_wait3A_130 = tpu.memref_slice %arg5[%dma_wait3A_128, %dma_wait3A_129] : memref<100000x64xf32, #tpu.memory_space<hbm>> -> memref<8x64xf32, #tpu.memory_space<hbm>>
      %dma_wait3A_131 = arith.constant 0 : i32
      %dma_wait3A_132 = arith.constant 0 : i32
      %dma_wait3A_133 = tpu.memref_slice %arg5[%dma_wait3A_131, %dma_wait3A_132] : memref<100000x64xf32, #tpu.memory_space<hbm>> -> memref<8x64xf32, #tpu.memory_space<hbm>>
      tpu.wait_dma2 semaphore(%arg40 : memref<!tpu.dma_semaphore, #tpu.memory_space<semaphore_mem>>) src(%dma_wait3A_133 : memref<8x64xf32, #tpu.memory_space<hbm>>) dst(%arg20 : memref<8x64xf32, #tpu.memory_space<vmem>>)
      %dma_wait3A_134 = arith.constant 0 : i32
      %dma_wait3A_135 = arith.constant 0 : i32
      %dma_wait3A_136 = tpu.memref_slice %arg6[%dma_wait3A_134, %dma_wait3A_135] : memref<100000x64xf32, #tpu.memory_space<hbm>> -> memref<400x64xf32, #tpu.memory_space<hbm>>
      %dma_wait3A_137 = arith.constant 0 : i32
      %dma_wait3A_138 = arith.constant 0 : i32
      %dma_wait3A_139 = tpu.memref_slice %arg6[%dma_wait3A_137, %dma_wait3A_138] : memref<100000x64xf32, #tpu.memory_space<hbm>> -> memref<400x64xf32, #tpu.memory_space<hbm>>
      tpu.wait_dma2 semaphore(%arg40 : memref<!tpu.dma_semaphore, #tpu.memory_space<semaphore_mem>>) src(%dma_wait3A_139 : memref<400x64xf32, #tpu.memory_space<hbm>>) dst(%arg22 : memref<400x64xf32, #tpu.memory_space<vmem>>)
      %dma_wait3A_140 = arith.constant 0 : i32
      %dma_wait3A_141 = arith.constant 0 : i32
      %dma_wait3A_142 = tpu.memref_slice %arg6[%dma_wait3A_140, %dma_wait3A_141] : memref<100000x64xf32, #tpu.memory_space<hbm>> -> memref<400x64xf32, #tpu.memory_space<hbm>>
      %dma_wait3A_143 = arith.constant 0 : i32
      %dma_wait3A_144 = arith.constant 0 : i32
      %dma_wait3A_145 = tpu.memref_slice %arg6[%dma_wait3A_143, %dma_wait3A_144] : memref<100000x64xf32, #tpu.memory_space<hbm>> -> memref<400x64xf32, #tpu.memory_space<hbm>>
      tpu.wait_dma2 semaphore(%arg40 : memref<!tpu.dma_semaphore, #tpu.memory_space<semaphore_mem>>) src(%dma_wait3A_145 : memref<400x64xf32, #tpu.memory_space<hbm>>) dst(%arg24 : memref<400x64xf32, #tpu.memory_space<vmem>>)
      %mul3A_146 = arith.constant 8 : i32
      %mul3A_147 = arith.muli %add3A_123, %mul3A_146 : i32
      %add3A_148 = arith.addi %mul3A_2, %mul3A_147 : i32
      %ge3A = arith.constant 2 : i32
      %ge3A_149 = arith.cmpi sge, %add3A_123, %ge3A : i32
      %convert_element_type3A_150 = arith.extui %ge3A_149 : i1 to i32
      %cond3A_151 = arith.constant 0 : i32
      %cond3A_152 = arith.cmpi ne, %convert_element_type3A_150, %cond3A_151 : i32
      scf.if %cond3A_152 {
        %dma_wait3A_218 = arith.constant 0 : i32
        %dma_wait3A_219 = tpu.memref_slice %arg12[%dma_wait3A_218] : memref<819200xf32, #tpu.memory_space<hbm>> -> memref<400xf32, #tpu.memory_space<hbm>>
        %dma_wait3A_220 = arith.constant 0 : i32
        %dma_wait3A_221 = tpu.memref_slice %arg12[%dma_wait3A_220] : memref<819200xf32, #tpu.memory_space<hbm>> -> memref<400xf32, #tpu.memory_space<hbm>>
        tpu.wait_dma2 semaphore(%arg42 : memref<!tpu.dma_semaphore, #tpu.memory_space<semaphore_mem>>) src(%dma_wait3A_221 : memref<400xf32, #tpu.memory_space<hbm>>) dst(%arg26 : memref<400xf32, #tpu.memory_space<vmem>>)
        %dma_wait3A_222 = arith.constant 0 : i32
        %dma_wait3A_223 = tpu.memref_slice %arg13[%dma_wait3A_222] : memref<819200xf32, #tpu.memory_space<hbm>> -> memref<400xf32, #tpu.memory_space<hbm>>
        %dma_wait3A_224 = arith.constant 0 : i32
        %dma_wait3A_225 = tpu.memref_slice %arg13[%dma_wait3A_224] : memref<819200xf32, #tpu.memory_space<hbm>> -> memref<400xf32, #tpu.memory_space<hbm>>
        tpu.wait_dma2 semaphore(%arg42 : memref<!tpu.dma_semaphore, #tpu.memory_space<semaphore_mem>>) src(%dma_wait3A_225 : memref<400xf32, #tpu.memory_space<hbm>>) dst(%arg28 : memref<400xf32, #tpu.memory_space<vmem>>)
      } else {
      }
      %scan3A_153 = arith.constant 0 : i32
      %scan3A_154 = arith.constant 0 : i32
      %scan3A_155 = arith.constant 8 : i32
      %scan3A_156 = arith.addi %scan3A_154, %scan3A_155 : i32
      %scan3A_157 = arith.constant 1 : i32
      scf.for %scan3A_218 = %scan3A_154 to %scan3A_156 step %scan3A_157  : i32 {
        %get3A = arith.index_cast %scan3A_218 : i32 to index
        %get3A_219 = arith.constant 0 : index
        %get3A_220 = tpu.vector_load %arg20[%get3A, %get3A_219] {strides = array<i32>} : memref<8x64xf32, #tpu.memory_space<vmem>>, vector<16xf32>,
        %get3A_221 = arith.index_cast %scan3A_218 : i32 to index
        %get3A_222 = arith.constant 16 : index
        %get3A_223 = tpu.vector_load %arg20[%get3A_221, %get3A_222] {strides = array<i32>} : memref<8x64xf32, #tpu.memory_space<vmem>>, vector<16xf32>,
        %get3A_224 = arith.index_cast %scan3A_218 : i32 to index
        %get3A_225 = arith.constant 32 : index
        %get3A_226 = tpu.vector_load %arg20[%get3A_224, %get3A_225] {strides = array<i32>} : memref<8x64xf32, #tpu.memory_space<vmem>>, vector<16xf32>,
        %get3A_227 = arith.index_cast %scan3A_218 : i32 to index
        %get3A_228 = arith.constant 48 : index
        %get3A_229 = tpu.vector_load %arg20[%get3A_227, %get3A_228] {strides = array<i32>} : memref<8x64xf32, #tpu.memory_space<vmem>>, vector<16xf32>,
        %get3A_230 = arith.constant 0 : i32
        %get3A_231 = arith.index_cast %get3A_230 : i32 to index
        %get3A_232 = arith.constant 0 : index
        %get3A_233 = tpu.vector_load %arg32[%get3A_231, %get3A_232] {strides = array<i32>} : memref<3x64xf32, #tpu.memory_space<vmem>>, vector<16xf32>,
        %mul3A_234 = arith.mulf %get3A_233, %get3A_220 : vector<16xf32>
        %get3A_235 = arith.constant 0 : i32
        %get3A_236 = arith.index_cast %get3A_235 : i32 to index
        %get3A_237 = arith.constant 16 : index
        %get3A_238 = tpu.vector_load %arg32[%get3A_236, %get3A_237] {strides = array<i32>} : memref<3x64xf32, #tpu.memory_space<vmem>>, vector<16xf32>,
        %mul3A_239 = arith.mulf %get3A_238, %get3A_223 : vector<16xf32>
        %add3A_240 = arith.addf %mul3A_234, %mul3A_239 : vector<16xf32>
        %get3A_241 = arith.constant 0 : i32
        %get3A_242 = arith.index_cast %get3A_241 : i32 to index
        %get3A_243 = arith.constant 32 : index
        %get3A_244 = tpu.vector_load %arg32[%get3A_242, %get3A_243] {strides = array<i32>} : memref<3x64xf32, #tpu.memory_space<vmem>>, vector<16xf32>,
        %mul3A_245 = arith.mulf %get3A_244, %get3A_226 : vector<16xf32>
        %add3A_246 = arith.addf %add3A_240, %mul3A_245 : vector<16xf32>
        %get3A_247 = arith.constant 0 : i32
        %get3A_248 = arith.index_cast %get3A_247 : i32 to index
        %get3A_249 = arith.constant 48 : index
        %get3A_250 = tpu.vector_load %arg32[%get3A_248, %get3A_249] {strides = array<i32>} : memref<3x64xf32, #tpu.memory_space<vmem>>, vector<16xf32>,
        %mul3A_251 = arith.mulf %get3A_250, %get3A_229 : vector<16xf32>
        %add3A_252 = arith.addf %add3A_246, %mul3A_251 : vector<16xf32>
        %mul3A_253 = arith.constant 8 : i32
        %mul3A_254 = arith.muli %add3A_123, %mul3A_253 : i32
        %add3A_255 = arith.constant 0 : i32
        %add3A_256 = arith.addi %add3A_255, %mul3A_254 : i32
        %add3A_257 = arith.addi %add3A_256, %scan3A_218 : i32
        %broadcast_in_dim3A = vector.shape_cast %xor3A_9 : vector<16xi32> to vector<16x1xi32>
        %gather3A = vector.shape_cast %broadcast_in_dim3A : vector<16x1xi32> to vector<16xi32>
        %gather3A_258 = tpu.dynamic_gather %add3A_252[%gather3A] in [0] : vector<16xf32>, vector<16xi32> -> vector<16xf32>
        %add3A_259 = arith.addf %add3A_252, %gather3A_258 : vector<16xf32>
        %broadcast_in_dim3A_260 = vector.shape_cast %xor3A_12 : vector<16xi32> to vector<16x1xi32>
        %gather3A_261 = vector.shape_cast %broadcast_in_dim3A_260 : vector<16x1xi32> to vector<16xi32>
        %gather3A_262 = tpu.dynamic_gather %add3A_259[%gather3A_261] in [0] : vector<16xf32>, vector<16xi32> -> vector<16xf32>
        %add3A_263 = arith.addf %add3A_259, %gather3A_262 : vector<16xf32>
        %broadcast_in_dim3A_264 = vector.shape_cast %xor3A_15 : vector<16xi32> to vector<16x1xi32>
        %gather3A_265 = vector.shape_cast %broadcast_in_dim3A_264 : vector<16x1xi32> to vector<16xi32>
        %gather3A_266 = tpu.dynamic_gather %add3A_263[%gather3A_265] in [0] : vector<16xf32>, vector<16xi32> -> vector<16xf32>
        %add3A_267 = arith.addf %add3A_263, %gather3A_266 : vector<16xf32>
        %broadcast_in_dim3A_268 = vector.shape_cast %xor3A_18 : vector<16xi32> to vector<16x1xi32>
        %gather3A_269 = vector.shape_cast %broadcast_in_dim3A_268 : vector<16x1xi32> to vector<16xi32>
        %gather3A_270 = tpu.dynamic_gather %add3A_267[%gather3A_269] in [0] : vector<16xf32>, vector<16xi32> -> vector<16xf32>
        %add3A_271 = arith.addf %add3A_267, %gather3A_270 : vector<16xf32>
        %broadcast_in_dim3A_272 = vector.broadcast %add3A_257 : i32 to vector<16xi32>
        tpu.vector_store_idx %arg35[%broadcast_in_dim3A_272], %add3A_271 masked %eq3A_7 : memref<1536xf32, #tpu.memory_space<vmem>>[vector<16xi32>], vector<16xf32>, vector<16xi1>
        %get3A_273 = arith.constant 1 : i32
        %get3A_274 = arith.index_cast %get3A_273 : i32 to index
        %get3A_275 = arith.constant 0 : index
        %get3A_276 = tpu.vector_load %arg32[%get3A_274, %get3A_275] {strides = array<i32>} : memref<3x64xf32, #tpu.memory_space<vmem>>, vector<16xf32>,
        %mul3A_277 = arith.mulf %get3A_276, %get3A_220 : vector<16xf32>
        %get3A_278 = arith.constant 1 : i32
        %get3A_279 = arith.index_cast %get3A_278 : i32 to index
        %get3A_280 = arith.constant 16 : index
        %get3A_281 = tpu.vector_load %arg32[%get3A_279, %get3A_280] {strides = array<i32>} : memref<3x64xf32, #tpu.memory_space<vmem>>, vector<16xf32>,
        %mul3A_282 = arith.mulf %get3A_281, %get3A_223 : vector<16xf32>
        %add3A_283 = arith.addf %mul3A_277, %mul3A_282 : vector<16xf32>
        %get3A_284 = arith.constant 1 : i32
        %get3A_285 = arith.index_cast %get3A_284 : i32 to index
        %get3A_286 = arith.constant 32 : index
        %get3A_287 = tpu.vector_load %arg32[%get3A_285, %get3A_286] {strides = array<i32>} : memref<3x64xf32, #tpu.memory_space<vmem>>, vector<16xf32>,
        %mul3A_288 = arith.mulf %get3A_287, %get3A_226 : vector<16xf32>
        %add3A_289 = arith.addf %add3A_283, %mul3A_288 : vector<16xf32>
        %get3A_290 = arith.constant 1 : i32
        %get3A_291 = arith.index_cast %get3A_290 : i32 to index
        %get3A_292 = arith.constant 48 : index
        %get3A_293 = tpu.vector_load %arg32[%get3A_291, %get3A_292] {strides = array<i32>} : memref<3x64xf32, #tpu.memory_space<vmem>>, vector<16xf32>,
        %mul3A_294 = arith.mulf %get3A_293, %get3A_229 : vector<16xf32>
        %add3A_295 = arith.addf %add3A_289, %mul3A_294 : vector<16xf32>
        %mul3A_296 = arith.constant 8 : i32
        %mul3A_297 = arith.muli %add3A_123, %mul3A_296 : i32
        %add3A_298 = arith.constant 512 : i32
        %add3A_299 = arith.addi %add3A_298, %mul3A_297 : i32
        %add3A_300 = arith.addi %add3A_299, %scan3A_218 : i32
        %broadcast_in_dim3A_301 = vector.shape_cast %xor3A_9 : vector<16xi32> to vector<16x1xi32>
        %gather3A_302 = vector.shape_cast %broadcast_in_dim3A_301 : vector<16x1xi32> to vector<16xi32>
        %gather3A_303 = tpu.dynamic_gather %add3A_295[%gather3A_302] in [0] : vector<16xf32>, vector<16xi32> -> vector<16xf32>
        %add3A_304 = arith.addf %add3A_295, %gather3A_303 : vector<16xf32>
        %broadcast_in_dim3A_305 = vector.shape_cast %xor3A_12 : vector<16xi32> to vector<16x1xi32>
        %gather3A_306 = vector.shape_cast %broadcast_in_dim3A_305 : vector<16x1xi32> to vector<16xi32>
        %gather3A_307 = tpu.dynamic_gather %add3A_304[%gather3A_306] in [0] : vector<16xf32>, vector<16xi32> -> vector<16xf32>
        %add3A_308 = arith.addf %add3A_304, %gather3A_307 : vector<16xf32>
        %broadcast_in_dim3A_309 = vector.shape_cast %xor3A_15 : vector<16xi32> to vector<16x1xi32>
        %gather3A_310 = vector.shape_cast %broadcast_in_dim3A_309 : vector<16x1xi32> to vector<16xi32>
        %gather3A_311 = tpu.dynamic_gather %add3A_308[%gather3A_310] in [0] : vector<16xf32>, vector<16xi32> -> vector<16xf32>
        %add3A_312 = arith.addf %add3A_308, %gather3A_311 : vector<16xf32>
        %broadcast_in_dim3A_313 = vector.shape_cast %xor3A_18 : vector<16xi32> to vector<16x1xi32>
        %gather3A_314 = vector.shape_cast %broadcast_in_dim3A_313 : vector<16x1xi32> to vector<16xi32>
        %gather3A_315 = tpu.dynamic_gather %add3A_312[%gather3A_314] in [0] : vector<16xf32>, vector<16xi32> -> vector<16xf32>
        %add3A_316 = arith.addf %add3A_312, %gather3A_315 : vector<16xf32>
        %broadcast_in_dim3A_317 = vector.broadcast %add3A_300 : i32 to vector<16xi32>
        tpu.vector_store_idx %arg35[%broadcast_in_dim3A_317], %add3A_316 masked %eq3A_7 : memref<1536xf32, #tpu.memory_space<vmem>>[vector<16xi32>], vector<16xf32>, vector<16xi1>
        %get3A_318 = arith.constant 2 : i32
        %get3A_319 = arith.index_cast %get3A_318 : i32 to index
        %get3A_320 = arith.constant 0 : index
        %get3A_321 = tpu.vector_load %arg32[%get3A_319, %get3A_320] {strides = array<i32>} : memref<3x64xf32, #tpu.memory_space<vmem>>, vector<16xf32>,
        %mul3A_322 = arith.mulf %get3A_321, %get3A_220 : vector<16xf32>
        %get3A_323 = arith.constant 2 : i32
        %get3A_324 = arith.index_cast %get3A_323 : i32 to index
        %get3A_325 = arith.constant 16 : index
        %get3A_326 = tpu.vector_load %arg32[%get3A_324, %get3A_325] {strides = array<i32>} : memref<3x64xf32, #tpu.memory_space<vmem>>, vector<16xf32>,
        %mul3A_327 = arith.mulf %get3A_326, %get3A_223 : vector<16xf32>
        %add3A_328 = arith.addf %mul3A_322, %mul3A_327 : vector<16xf32>
        %get3A_329 = arith.constant 2 : i32
        %get3A_330 = arith.index_cast %get3A_329 : i32 to index
        %get3A_331 = arith.constant 32 : index
        %get3A_332 = tpu.vector_load %arg32[%get3A_330, %get3A_331] {strides = array<i32>} : memref<3x64xf32, #tpu.memory_space<vmem>>, vector<16xf32>,
        %mul3A_333 = arith.mulf %get3A_332, %get3A_226 : vector<16xf32>
        %add3A_334 = arith.addf %add3A_328, %mul3A_333 : vector<16xf32>
        %get3A_335 = arith.constant 2 : i32
        %get3A_336 = arith.index_cast %get3A_335 : i32 to index
        %get3A_337 = arith.constant 48 : index
        %get3A_338 = tpu.vector_load %arg32[%get3A_336, %get3A_337] {strides = array<i32>} : memref<3x64xf32, #tpu.memory_space<vmem>>, vector<16xf32>,
        %mul3A_339 = arith.mulf %get3A_338, %get3A_229 : vector<16xf32>
        %add3A_340 = arith.addf %add3A_334, %mul3A_339 : vector<16xf32>
        %mul3A_341 = arith.constant 8 : i32
        %mul3A_342 = arith.muli %add3A_123, %mul3A_341 : i32
        %add3A_343 = arith.constant 1024 : i32
        %add3A_344 = arith.addi %add3A_343, %mul3A_342 : i32
        %add3A_345 = arith.addi %add3A_344, %scan3A_218 : i32
        %broadcast_in_dim3A_346 = vector.shape_cast %xor3A_9 : vector<16xi32> to vector<16x1xi32>
        %gather3A_347 = vector.shape_cast %broadcast_in_dim3A_346 : vector<16x1xi32> to vector<16xi32>
        %gather3A_348 = tpu.dynamic_gather %add3A_340[%gather3A_347] in [0] : vector<16xf32>, vector<16xi32> -> vector<16xf32>
        %add3A_349 = arith.addf %add3A_340, %gather3A_348 : vector<16xf32>
        %broadcast_in_dim3A_350 = vector.shape_cast %xor3A_12 : vector<16xi32> to vector<16x1xi32>
        %gather3A_351 = vector.shape_cast %broadcast_in_dim3A_350 : vector<16x1xi32> to vector<16xi32>
        %gather3A_352 = tpu.dynamic_gather %add3A_349[%gather3A_351] in [0] : vector<16xf32>, vector<16xi32> -> vector<16xf32>
        %add3A_353 = arith.addf %add3A_349, %gather3A_352 : vector<16xf32>
        %broadcast_in_dim3A_354 = vector.shape_cast %xor3A_15 : vector<16xi32> to vector<16x1xi32>
        %gather3A_355 = vector.shape_cast %broadcast_in_dim3A_354 : vector<16x1xi32> to vector<16xi32>
        %gather3A_356 = tpu.dynamic_gather %add3A_353[%gather3A_355] in [0] : vector<16xf32>, vector<16xi32> -> vector<16xf32>
        %add3A_357 = arith.addf %add3A_353, %gather3A_356 : vector<16xf32>
        %broadcast_in_dim3A_358 = vector.shape_cast %xor3A_18 : vector<16xi32> to vector<16x1xi32>
        %gather3A_359 = vector.shape_cast %broadcast_in_dim3A_358 : vector<16x1xi32> to vector<16xi32>
        %gather3A_360 = tpu.dynamic_gather %add3A_357[%gather3A_359] in [0] : vector<16xf32>, vector<16xi32> -> vector<16xf32>
        %add3A_361 = arith.addf %add3A_357, %gather3A_360 : vector<16xf32>
        %broadcast_in_dim3A_362 = vector.broadcast %add3A_345 : i32 to vector<16xi32>
        tpu.vector_store_idx %arg35[%broadcast_in_dim3A_362], %add3A_361 masked %eq3A_7 : memref<1536xf32, #tpu.memory_space<vmem>>[vector<16xi32>], vector<16xf32>, vector<16xi1>
        %broadcast_in_dim3A_363 = arith.constant 0.000000e+00 : f32
        %broadcast_in_dim3A_364 = vector.broadcast %broadcast_in_dim3A_363 : f32 to vector<16xf32>
        %scan3A_365 = arith.constant 0 : i32
        %scan3A_366 = arith.constant 50 : i32
        %scan3A_367 = arith.addi %scan3A_365, %scan3A_366 : i32
        %scan3A_368 = arith.constant 10 : i32
        %scan3A_369 = scf.for %scan3A_1105 = %scan3A_365 to %scan3A_367 step %scan3A_368 iter_args(%scan3A_1106 = %broadcast_in_dim3A_364) -> (vector<16xf32>)  : i32 {
          %mul3A_1107 = arith.constant 50 : i32
          %mul3A_1108 = arith.muli %scan3A_218, %mul3A_1107 : i32
          %add3A_1109 = arith.addi %mul3A_1108, %scan3A_1105 : i32
          %get3A_1110 = arith.index_cast %add3A_1109 : i32 to index
          %get3A_1111 = arith.constant 0 : index
          %get3A_1112 = tpu.vector_load %arg22[%get3A_1110, %get3A_1111] {strides = array<i32>} : memref<400x64xf32, #tpu.memory_space<vmem>>, vector<16xf32>,
          %mul3A_1113 = arith.mulf %get3A_1112, %get3A_220 : vector<16xf32>
          %mul3A_1114 = arith.constant 50 : i32
          %mul3A_1115 = arith.muli %scan3A_218, %mul3A_1114 : i32
          %add3A_1116 = arith.addi %mul3A_1115, %scan3A_1105 : i32
          %get3A_1117 = arith.index_cast %add3A_1116 : i32 to index
          %get3A_1118 = arith.constant 16 : index
          %get3A_1119 = tpu.vector_load %arg22[%get3A_1117, %get3A_1118] {strides = array<i32>} : memref<400x64xf32, #tpu.memory_space<vmem>>, vector<16xf32>,
          %mul3A_1120 = arith.mulf %get3A_1119, %get3A_223 : vector<16xf32>
          %add3A_1121 = arith.addf %mul3A_1113, %mul3A_1120 : vector<16xf32>
          %mul3A_1122 = arith.constant 50 : i32
          %mul3A_1123 = arith.muli %scan3A_218, %mul3A_1122 : i32
          %add3A_1124 = arith.addi %mul3A_1123, %scan3A_1105 : i32
          %get3A_1125 = arith.index_cast %add3A_1124 : i32 to index
          %get3A_1126 = arith.constant 32 : index
          %get3A_1127 = tpu.vector_load %arg22[%get3A_1125, %get3A_1126] {strides = array<i32>} : memref<400x64xf32, #tpu.memory_space<vmem>>, vector<16xf32>,
          %mul3A_1128 = arith.mulf %get3A_1127, %get3A_226 : vector<16xf32>
          %mul3A_1129 = arith.constant 50 : i32
          %mul3A_1130 = arith.muli %scan3A_218, %mul3A_1129 : i32
          %add3A_1131 = arith.addi %mul3A_1130, %scan3A_1105 : i32
          %get3A_1132 = arith.index_cast %add3A_1131 : i32 to index
          %get3A_1133 = arith.constant 48 : index
          %get3A_1134 = tpu.vector_load %arg22[%get3A_1132, %get3A_1133] {strides = array<i32>} : memref<400x64xf32, #tpu.memory_space<vmem>>, vector<16xf32>,
          %mul3A_1135 = arith.mulf %get3A_1134, %get3A_229 : vector<16xf32>
          %add3A_1136 = arith.addf %mul3A_1128, %mul3A_1135 : vector<16xf32>
          %add3A_1137 = arith.addf %add3A_1121, %add3A_1136 : vector<16xf32>
          %mul3A_1138 = arith.constant 16 : i32
          %mul3A_1139 = arith.muli %scan3A_1105, %mul3A_1138 : i32
          %swap3A = arith.index_cast %mul3A_1139 : i32 to index
          %swap3A_1140 = tpu.vector_load %arg30[%swap3A] {strides = array<i32>} : memref<800xf32, #tpu.memory_space<vmem>>, vector<16xf32>,
          tpu.vector_store %arg30[%swap3A], %add3A_1137 {strides = array<i32>} : memref<800xf32, #tpu.memory_space<vmem>>, vector<16xf32>,
          %add3A_1141 = arith.addf %scan3A_1106, %add3A_1137 : vector<16xf32>
          %scan3A_1142 = arith.constant 1 : i32
          %scan3A_1143 = arith.addi %scan3A_1105, %scan3A_1142 : i32
          %mul3A_1144 = arith.constant 50 : i32
          %mul3A_1145 = arith.muli %scan3A_218, %mul3A_1144 : i32
          %add3A_1146 = arith.addi %mul3A_1145, %scan3A_1143 : i32
          %get3A_1147 = arith.index_cast %add3A_1146 : i32 to index
          %get3A_1148 = arith.constant 0 : index
          %get3A_1149 = tpu.vector_load %arg22[%get3A_1147, %get3A_1148] {strides = array<i32>} : memref<400x64xf32, #tpu.memory_space<vmem>>, vector<16xf32>,
          %mul3A_1150 = arith.mulf %get3A_1149, %get3A_220 : vector<16xf32>
          %mul3A_1151 = arith.constant 50 : i32
          %mul3A_1152 = arith.muli %scan3A_218, %mul3A_1151 : i32
          %add3A_1153 = arith.addi %mul3A_1152, %scan3A_1143 : i32
          %get3A_1154 = arith.index_cast %add3A_1153 : i32 to index
          %get3A_1155 = arith.constant 16 : index
          %get3A_1156 = tpu.vector_load %arg22[%get3A_1154, %get3A_1155] {strides = array<i32>} : memref<400x64xf32, #tpu.memory_space<vmem>>, vector<16xf32>,
          %mul3A_1157 = arith.mulf %get3A_1156, %get3A_223 : vector<16xf32>
          %add3A_1158 = arith.addf %mul3A_1150, %mul3A_1157 : vector<16xf32>
          %mul3A_1159 = arith.constant 50 : i32
          %mul3A_1160 = arith.muli %scan3A_218, %mul3A_1159 : i32
          %add3A_1161 = arith.addi %mul3A_1160, %scan3A_1143 : i32
          %get3A_1162 = arith.index_cast %add3A_1161 : i32 to index
          %get3A_1163 = arith.constant 32 : index
          %get3A_1164 = tpu.vector_load %arg22[%get3A_1162, %get3A_1163] {strides = array<i32>} : memref<400x64xf32, #tpu.memory_space<vmem>>, vector<16xf32>,
          %mul3A_1165 = arith.mulf %get3A_1164, %get3A_226 : vector<16xf32>
          %mul3A_1166 = arith.constant 50 : i32
          %mul3A_1167 = arith.muli %scan3A_218, %mul3A_1166 : i32
          %add3A_1168 = arith.addi %mul3A_1167, %scan3A_1143 : i32
          %get3A_1169 = arith.index_cast %add3A_1168 : i32 to index
          %get3A_1170 = arith.constant 48 : index
          %get3A_1171 = tpu.vector_load %arg22[%get3A_1169, %get3A_1170] {strides = array<i32>} : memref<400x64xf32, #tpu.memory_space<vmem>>, vector<16xf32>,
          %mul3A_1172 = arith.mulf %get3A_1171, %get3A_229 : vector<16xf32>
          %add3A_1173 = arith.addf %mul3A_1165, %mul3A_1172 : vector<16xf32>
          %add3A_1174 = arith.addf %add3A_1158, %add3A_1173 : vector<16xf32>
          %mul3A_1175 = arith.constant 16 : i32
          %mul3A_1176 = arith.muli %scan3A_1143, %mul3A_1175 : i32
          %swap3A_1177 = arith.index_cast %mul3A_1176 : i32 to index
          %swap3A_1178 = tpu.vector_load %arg30[%swap3A_1177] {strides = array<i32>} : memref<800xf32, #tpu.memory_space<vmem>>, vector<16xf32>,
          tpu.vector_store %arg30[%swap3A_1177], %add3A_1174 {strides = array<i32>} : memref<800xf32, #tpu.memory_space<vmem>>, vector<16xf32>,
          %add3A_1179 = arith.addf %add3A_1141, %add3A_1174 : vector<16xf32>
          %scan3A_1180 = arith.constant 2 : i32
          %scan3A_1181 = arith.addi %scan3A_1105, %scan3A_1180 : i32
          %mul3A_1182 = arith.constant 50 : i32
          %mul3A_1183 = arith.muli %scan3A_218, %mul3A_1182 : i32
          %add3A_1184 = arith.addi %mul3A_1183, %scan3A_1181 : i32
          %get3A_1185 = arith.index_cast %add3A_1184 : i32 to index
          %get3A_1186 = arith.constant 0 : index
          %get3A_1187 = tpu.vector_load %arg22[%get3A_1185, %get3A_1186] {strides = array<i32>} : memref<400x64xf32, #tpu.memory_space<vmem>>, vector<16xf32>,
          %mul3A_1188 = arith.mulf %get3A_1187, %get3A_220 : vector<16xf32>
          %mul3A_1189 = arith.constant 50 : i32
          %mul3A_1190 = arith.muli %scan3A_218, %mul3A_1189 : i32
          %add3A_1191 = arith.addi %mul3A_1190, %scan3A_1181 : i32
          %get3A_1192 = arith.index_cast %add3A_1191 : i32 to index
          %get3A_1193 = arith.constant 16 : index
          %get3A_1194 = tpu.vector_load %arg22[%get3A_1192, %get3A_1193] {strides = array<i32>} : memref<400x64xf32, #tpu.memory_space<vmem>>, vector<16xf32>,
          %mul3A_1195 = arith.mulf %get3A_1194, %get3A_223 : vector<16xf32>
          %add3A_1196 = arith.addf %mul3A_1188, %mul3A_1195 : vector<16xf32>
          %mul3A_1197 = arith.constant 50 : i32
          %mul3A_1198 = arith.muli %scan3A_218, %mul3A_1197 : i32
          %add3A_1199 = arith.addi %mul3A_1198, %scan3A_1181 : i32
          %get3A_1200 = arith.index_cast %add3A_1199 : i32 to index
          %get3A_1201 = arith.constant 32 : index
          %get3A_1202 = tpu.vector_load %arg22[%get3A_1200, %get3A_1201] {strides = array<i32>} : memref<400x64xf32, #tpu.memory_space<vmem>>, vector<16xf32>,
          %mul3A_1203 = arith.mulf %get3A_1202, %get3A_226 : vector<16xf32>
          %mul3A_1204 = arith.constant 50 : i32
          %mul3A_1205 = arith.muli %scan3A_218, %mul3A_1204 : i32
          %add3A_1206 = arith.addi %mul3A_1205, %scan3A_1181 : i32
          %get3A_1207 = arith.index_cast %add3A_1206 : i32 to index
          %get3A_1208 = arith.constant 48 : index
          %get3A_1209 = tpu.vector_load %arg22[%get3A_1207, %get3A_1208] {strides = array<i32>} : memref<400x64xf32, #tpu.memory_space<vmem>>, vector<16xf32>,
          %mul3A_1210 = arith.mulf %get3A_1209, %get3A_229 : vector<16xf32>
          %add3A_1211 = arith.addf %mul3A_1203, %mul3A_1210 : vector<16xf32>
          %add3A_1212 = arith.addf %add3A_1196, %add3A_1211 : vector<16xf32>
          %mul3A_1213 = arith.constant 16 : i32
          %mul3A_1214 = arith.muli %scan3A_1181, %mul3A_1213 : i32
          %swap3A_1215 = arith.index_cast %mul3A_1214 : i32 to index
          %swap3A_1216 = tpu.vector_load %arg30[%swap3A_1215] {strides = array<i32>} : memref<800xf32, #tpu.memory_space<vmem>>, vector<16xf32>,
          tpu.vector_store %arg30[%swap3A_1215], %add3A_1212 {strides = array<i32>} : memref<800xf32, #tpu.memory_space<vmem>>, vector<16xf32>,
          %add3A_1217 = arith.addf %add3A_1179, %add3A_1212 : vector<16xf32>
          %scan3A_1218 = arith.constant 3 : i32
          %scan3A_1219 = arith.addi %scan3A_1105, %scan3A_1218 : i32
          %mul3A_1220 = arith.constant 50 : i32
          %mul3A_1221 = arith.muli %scan3A_218, %mul3A_1220 : i32
          %add3A_1222 = arith.addi %mul3A_1221, %scan3A_1219 : i32
          %get3A_1223 = arith.index_cast %add3A_1222 : i32 to index
          %get3A_1224 = arith.constant 0 : index
          %get3A_1225 = tpu.vector_load %arg22[%get3A_1223, %get3A_1224] {strides = array<i32>} : memref<400x64xf32, #tpu.memory_space<vmem>>, vector<16xf32>,
          %mul3A_1226 = arith.mulf %get3A_1225, %get3A_220 : vector<16xf32>
          %mul3A_1227 = arith.constant 50 : i32
          %mul3A_1228 = arith.muli %scan3A_218, %mul3A_1227 : i32
          %add3A_1229 = arith.addi %mul3A_1228, %scan3A_1219 : i32
          %get3A_1230 = arith.index_cast %add3A_1229 : i32 to index
          %get3A_1231 = arith.constant 16 : index
          %get3A_1232 = tpu.vector_load %arg22[%get3A_1230, %get3A_1231] {strides = array<i32>} : memref<400x64xf32, #tpu.memory_space<vmem>>, vector<16xf32>,
          %mul3A_1233 = arith.mulf %get3A_1232, %get3A_223 : vector<16xf32>
          %add3A_1234 = arith.addf %mul3A_1226, %mul3A_1233 : vector<16xf32>
          %mul3A_1235 = arith.constant 50 : i32
          %mul3A_1236 = arith.muli %scan3A_218, %mul3A_1235 : i32
          %add3A_1237 = arith.addi %mul3A_1236, %scan3A_1219 : i32
          %get3A_1238 = arith.index_cast %add3A_1237 : i32 to index
          %get3A_1239 = arith.constant 32 : index
          %get3A_1240 = tpu.vector_load %arg22[%get3A_1238, %get3A_1239] {strides = array<i32>} : memref<400x64xf32, #tpu.memory_space<vmem>>, vector<16xf32>,
          %mul3A_1241 = arith.mulf %get3A_1240, %get3A_226 : vector<16xf32>
          %mul3A_1242 = arith.constant 50 : i32
          %mul3A_1243 = arith.muli %scan3A_218, %mul3A_1242 : i32
          %add3A_1244 = arith.addi %mul3A_1243, %scan3A_1219 : i32
          %get3A_1245 = arith.index_cast %add3A_1244 : i32 to index
          %get3A_1246 = arith.constant 48 : index
          %get3A_1247 = tpu.vector_load %arg22[%get3A_1245, %get3A_1246] {strides = array<i32>} : memref<400x64xf32, #tpu.memory_space<vmem>>, vector<16xf32>,
          %mul3A_1248 = arith.mulf %get3A_1247, %get3A_229 : vector<16xf32>
          %add3A_1249 = arith.addf %mul3A_1241, %mul3A_1248 : vector<16xf32>
          %add3A_1250 = arith.addf %add3A_1234, %add3A_1249 : vector<16xf32>
          %mul3A_1251 = arith.constant 16 : i32
          %mul3A_1252 = arith.muli %scan3A_1219, %mul3A_1251 : i32
          %swap3A_1253 = arith.index_cast %mul3A_1252 : i32 to index
          %swap3A_1254 = tpu.vector_load %arg30[%swap3A_1253] {strides = array<i32>} : memref<800xf32, #tpu.memory_space<vmem>>, vector<16xf32>,
          tpu.vector_store %arg30[%swap3A_1253], %add3A_1250 {strides = array<i32>} : memref<800xf32, #tpu.memory_space<vmem>>, vector<16xf32>,
          %add3A_1255 = arith.addf %add3A_1217, %add3A_1250 : vector<16xf32>
          %scan3A_1256 = arith.constant 4 : i32
          %scan3A_1257 = arith.addi %scan3A_1105, %scan3A_1256 : i32
          %mul3A_1258 = arith.constant 50 : i32
          %mul3A_1259 = arith.muli %scan3A_218, %mul3A_1258 : i32
          %add3A_1260 = arith.addi %mul3A_1259, %scan3A_1257 : i32
          %get3A_1261 = arith.index_cast %add3A_1260 : i32 to index
          %get3A_1262 = arith.constant 0 : index
          %get3A_1263 = tpu.vector_load %arg22[%get3A_1261, %get3A_1262] {strides = array<i32>} : memref<400x64xf32, #tpu.memory_space<vmem>>, vector<16xf32>,
          %mul3A_1264 = arith.mulf %get3A_1263, %get3A_220 : vector<16xf32>
          %mul3A_1265 = arith.constant 50 : i32
          %mul3A_1266 = arith.muli %scan3A_218, %mul3A_1265 : i32
          %add3A_1267 = arith.addi %mul3A_1266, %scan3A_1257 : i32
          %get3A_1268 = arith.index_cast %add3A_1267 : i32 to index
          %get3A_1269 = arith.constant 16 : index
          %get3A_1270 = tpu.vector_load %arg22[%get3A_1268, %get3A_1269] {strides = array<i32>} : memref<400x64xf32, #tpu.memory_space<vmem>>, vector<16xf32>,
          %mul3A_1271 = arith.mulf %get3A_1270, %get3A_223 : vector<16xf32>
          %add3A_1272 = arith.addf %mul3A_1264, %mul3A_1271 : vector<16xf32>
          %mul3A_1273 = arith.constant 50 : i32
          %mul3A_1274 = arith.muli %scan3A_218, %mul3A_1273 : i32
          %add3A_1275 = arith.addi %mul3A_1274, %scan3A_1257 : i32
          %get3A_1276 = arith.index_cast %add3A_1275 : i32 to index
          %get3A_1277 = arith.constant 32 : index
          %get3A_1278 = tpu.vector_load %arg22[%get3A_1276, %get3A_1277] {strides = array<i32>} : memref<400x64xf32, #tpu.memory_space<vmem>>, vector<16xf32>,
          %mul3A_1279 = arith.mulf %get3A_1278, %get3A_226 : vector<16xf32>
          %mul3A_1280 = arith.constant 50 : i32
          %mul3A_1281 = arith.muli %scan3A_218, %mul3A_1280 : i32
          %add3A_1282 = arith.addi %mul3A_1281, %scan3A_1257 : i32
          %get3A_1283 = arith.index_cast %add3A_1282 : i32 to index
          %get3A_1284 = arith.constant 48 : index
          %get3A_1285 = tpu.vector_load %arg22[%get3A_1283, %get3A_1284] {strides = array<i32>} : memref<400x64xf32, #tpu.memory_space<vmem>>, vector<16xf32>,
          %mul3A_1286 = arith.mulf %get3A_1285, %get3A_229 : vector<16xf32>
          %add3A_1287 = arith.addf %mul3A_1279, %mul3A_1286 : vector<16xf32>
          %add3A_1288 = arith.addf %add3A_1272, %add3A_1287 : vector<16xf32>
          %mul3A_1289 = arith.constant 16 : i32
          %mul3A_1290 = arith.muli %scan3A_1257, %mul3A_1289 : i32
          %swap3A_1291 = arith.index_cast %mul3A_1290 : i32 to index
          %swap3A_1292 = tpu.vector_load %arg30[%swap3A_1291] {strides = array<i32>} : memref<800xf32, #tpu.memory_space<vmem>>, vector<16xf32>,
          tpu.vector_store %arg30[%swap3A_1291], %add3A_1288 {strides = array<i32>} : memref<800xf32, #tpu.memory_space<vmem>>, vector<16xf32>,
          %add3A_1293 = arith.addf %add3A_1255, %add3A_1288 : vector<16xf32>
          %scan3A_1294 = arith.constant 5 : i32
          %scan3A_1295 = arith.addi %scan3A_1105, %scan3A_1294 : i32
          %mul3A_1296 = arith.constant 50 : i32
          %mul3A_1297 = arith.muli %scan3A_218, %mul3A_1296 : i32
          %add3A_1298 = arith.addi %mul3A_1297, %scan3A_1295 : i32
          %get3A_1299 = arith.index_cast %add3A_1298 : i32 to index
          %get3A_1300 = arith.constant 0 : index
          %get3A_1301 = tpu.vector_load %arg22[%get3A_1299, %get3A_1300] {strides = array<i32>} : memref<400x64xf32, #tpu.memory_space<vmem>>, vector<16xf32>,
          %mul3A_1302 = arith.mulf %get3A_1301, %get3A_220 : vector<16xf32>
          %mul3A_1303 = arith.constant 50 : i32
          %mul3A_1304 = arith.muli %scan3A_218, %mul3A_1303 : i32
          %add3A_1305 = arith.addi %mul3A_1304, %scan3A_1295 : i32
          %get3A_1306 = arith.index_cast %add3A_1305 : i32 to index
          %get3A_1307 = arith.constant 16 : index
          %get3A_1308 = tpu.vector_load %arg22[%get3A_1306, %get3A_1307] {strides = array<i32>} : memref<400x64xf32, #tpu.memory_space<vmem>>, vector<16xf32>,
          %mul3A_1309 = arith.mulf %get3A_1308, %get3A_223 : vector<16xf32>
          %add3A_1310 = arith.addf %mul3A_1302, %mul3A_1309 : vector<16xf32>
          %mul3A_1311 = arith.constant 50 : i32
          %mul3A_1312 = arith.muli %scan3A_218, %mul3A_1311 : i32
          %add3A_1313 = arith.addi %mul3A_1312, %scan3A_1295 : i32
          %get3A_1314 = arith.index_cast %add3A_1313 : i32 to index
          %get3A_1315 = arith.constant 32 : index
          %get3A_1316 = tpu.vector_load %arg22[%get3A_1314, %get3A_1315] {strides = array<i32>} : memref<400x64xf32, #tpu.memory_space<vmem>>, vector<16xf32>,
          %mul3A_1317 = arith.mulf %get3A_1316, %get3A_226 : vector<16xf32>
          %mul3A_1318 = arith.constant 50 : i32
          %mul3A_1319 = arith.muli %scan3A_218, %mul3A_1318 : i32
          %add3A_1320 = arith.addi %mul3A_1319, %scan3A_1295 : i32
          %get3A_1321 = arith.index_cast %add3A_1320 : i32 to index
          %get3A_1322 = arith.constant 48 : index
          %get3A_1323 = tpu.vector_load %arg22[%get3A_1321, %get3A_1322] {strides = array<i32>} : memref<400x64xf32, #tpu.memory_space<vmem>>, vector<16xf32>,
          %mul3A_1324 = arith.mulf %get3A_1323, %get3A_229 : vector<16xf32>
          %add3A_1325 = arith.addf %mul3A_1317, %mul3A_1324 : vector<16xf32>
          %add3A_1326 = arith.addf %add3A_1310, %add3A_1325 : vector<16xf32>
          %mul3A_1327 = arith.constant 16 : i32
          %mul3A_1328 = arith.muli %scan3A_1295, %mul3A_1327 : i32
          %swap3A_1329 = arith.index_cast %mul3A_1328 : i32 to index
          %swap3A_1330 = tpu.vector_load %arg30[%swap3A_1329] {strides = array<i32>} : memref<800xf32, #tpu.memory_space<vmem>>, vector<16xf32>,
          tpu.vector_store %arg30[%swap3A_1329], %add3A_1326 {strides = array<i32>} : memref<800xf32, #tpu.memory_space<vmem>>, vector<16xf32>,
          %add3A_1331 = arith.addf %add3A_1293, %add3A_1326 : vector<16xf32>
          %scan3A_1332 = arith.constant 6 : i32
          %scan3A_1333 = arith.addi %scan3A_1105, %scan3A_1332 : i32
          %mul3A_1334 = arith.constant 50 : i32
          %mul3A_1335 = arith.muli %scan3A_218, %mul3A_1334 : i32
          %add3A_1336 = arith.addi %mul3A_1335, %scan3A_1333 : i32
          %get3A_1337 = arith.index_cast %add3A_1336 : i32 to index
          %get3A_1338 = arith.constant 0 : index
          %get3A_1339 = tpu.vector_load %arg22[%get3A_1337, %get3A_1338] {strides = array<i32>} : memref<400x64xf32, #tpu.memory_space<vmem>>, vector<16xf32>,
          %mul3A_1340 = arith.mulf %get3A_1339, %get3A_220 : vector<16xf32>
          %mul3A_1341 = arith.constant 50 : i32
          %mul3A_1342 = arith.muli %scan3A_218, %mul3A_1341 : i32
          %add3A_1343 = arith.addi %mul3A_1342, %scan3A_1333 : i32
          %get3A_1344 = arith.index_cast %add3A_1343 : i32 to index
          %get3A_1345 = arith.constant 16 : index
          %get3A_1346 = tpu.vector_load %arg22[%get3A_1344, %get3A_1345] {strides = array<i32>} : memref<400x64xf32, #tpu.memory_space<vmem>>, vector<16xf32>,
          %mul3A_1347 = arith.mulf %get3A_1346, %get3A_223 : vector<16xf32>
          %add3A_1348 = arith.addf %mul3A_1340, %mul3A_1347 : vector<16xf32>
          %mul3A_1349 = arith.constant 50 : i32
          %mul3A_1350 = arith.muli %scan3A_218, %mul3A_1349 : i32
          %add3A_1351 = arith.addi %mul3A_1350, %scan3A_1333 : i32
          %get3A_1352 = arith.index_cast %add3A_1351 : i32 to index
          %get3A_1353 = arith.constant 32 : index
          %get3A_1354 = tpu.vector_load %arg22[%get3A_1352, %get3A_1353] {strides = array<i32>} : memref<400x64xf32, #tpu.memory_space<vmem>>, vector<16xf32>,
          %mul3A_1355 = arith.mulf %get3A_1354, %get3A_226 : vector<16xf32>
          %mul3A_1356 = arith.constant 50 : i32
          %mul3A_1357 = arith.muli %scan3A_218, %mul3A_1356 : i32
          %add3A_1358 = arith.addi %mul3A_1357, %scan3A_1333 : i32
          %get3A_1359 = arith.index_cast %add3A_1358 : i32 to index
          %get3A_1360 = arith.constant 48 : index
          %get3A_1361 = tpu.vector_load %arg22[%get3A_1359, %get3A_1360] {strides = array<i32>} : memref<400x64xf32, #tpu.memory_space<vmem>>, vector<16xf32>,
          %mul3A_1362 = arith.mulf %get3A_1361, %get3A_229 : vector<16xf32>
          %add3A_1363 = arith.addf %mul3A_1355, %mul3A_1362 : vector<16xf32>
          %add3A_1364 = arith.addf %add3A_1348, %add3A_1363 : vector<16xf32>
          %mul3A_1365 = arith.constant 16 : i32
          %mul3A_1366 = arith.muli %scan3A_1333, %mul3A_1365 : i32
          %swap3A_1367 = arith.index_cast %mul3A_1366 : i32 to index
          %swap3A_1368 = tpu.vector_load %arg30[%swap3A_1367] {strides = array<i32>} : memref<800xf32, #tpu.memory_space<vmem>>, vector<16xf32>,
          tpu.vector_store %arg30[%swap3A_1367], %add3A_1364 {strides = array<i32>} : memref<800xf32, #tpu.memory_space<vmem>>, vector<16xf32>,
          %add3A_1369 = arith.addf %add3A_1331, %add3A_1364 : vector<16xf32>
          %scan3A_1370 = arith.constant 7 : i32
          %scan3A_1371 = arith.addi %scan3A_1105, %scan3A_1370 : i32
          %mul3A_1372 = arith.constant 50 : i32
          %mul3A_1373 = arith.muli %scan3A_218, %mul3A_1372 : i32
          %add3A_1374 = arith.addi %mul3A_1373, %scan3A_1371 : i32
          %get3A_1375 = arith.index_cast %add3A_1374 : i32 to index
          %get3A_1376 = arith.constant 0 : index
          %get3A_1377 = tpu.vector_load %arg22[%get3A_1375, %get3A_1376] {strides = array<i32>} : memref<400x64xf32, #tpu.memory_space<vmem>>, vector<16xf32>,
          %mul3A_1378 = arith.mulf %get3A_1377, %get3A_220 : vector<16xf32>
          %mul3A_1379 = arith.constant 50 : i32
          %mul3A_1380 = arith.muli %scan3A_218, %mul3A_1379 : i32
          %add3A_1381 = arith.addi %mul3A_1380, %scan3A_1371 : i32
          %get3A_1382 = arith.index_cast %add3A_1381 : i32 to index
          %get3A_1383 = arith.constant 16 : index
          %get3A_1384 = tpu.vector_load %arg22[%get3A_1382, %get3A_1383] {strides = array<i32>} : memref<400x64xf32, #tpu.memory_space<vmem>>, vector<16xf32>,
          %mul3A_1385 = arith.mulf %get3A_1384, %get3A_223 : vector<16xf32>
          %add3A_1386 = arith.addf %mul3A_1378, %mul3A_1385 : vector<16xf32>
          %mul3A_1387 = arith.constant 50 : i32
          %mul3A_1388 = arith.muli %scan3A_218, %mul3A_1387 : i32
          %add3A_1389 = arith.addi %mul3A_1388, %scan3A_1371 : i32
          %get3A_1390 = arith.index_cast %add3A_1389 : i32 to index
          %get3A_1391 = arith.constant 32 : index
          %get3A_1392 = tpu.vector_load %arg22[%get3A_1390, %get3A_1391] {strides = array<i32>} : memref<400x64xf32, #tpu.memory_space<vmem>>, vector<16xf32>,
          %mul3A_1393 = arith.mulf %get3A_1392, %get3A_226 : vector<16xf32>
          %mul3A_1394 = arith.constant 50 : i32
          %mul3A_1395 = arith.muli %scan3A_218, %mul3A_1394 : i32
          %add3A_1396 = arith.addi %mul3A_1395, %scan3A_1371 : i32
          %get3A_1397 = arith.index_cast %add3A_1396 : i32 to index
          %get3A_1398 = arith.constant 48 : index
          %get3A_1399 = tpu.vector_load %arg22[%get3A_1397, %get3A_1398] {strides = array<i32>} : memref<400x64xf32, #tpu.memory_space<vmem>>, vector<16xf32>,
          %mul3A_1400 = arith.mulf %get3A_1399, %get3A_229 : vector<16xf32>
          %add3A_1401 = arith.addf %mul3A_1393, %mul3A_1400 : vector<16xf32>
          %add3A_1402 = arith.addf %add3A_1386, %add3A_1401 : vector<16xf32>
          %mul3A_1403 = arith.constant 16 : i32
          %mul3A_1404 = arith.muli %scan3A_1371, %mul3A_1403 : i32
          %swap3A_1405 = arith.index_cast %mul3A_1404 : i32 to index
          %swap3A_1406 = tpu.vector_load %arg30[%swap3A_1405] {strides = array<i32>} : memref<800xf32, #tpu.memory_space<vmem>>, vector<16xf32>,
          tpu.vector_store %arg30[%swap3A_1405], %add3A_1402 {strides = array<i32>} : memref<800xf32, #tpu.memory_space<vmem>>, vector<16xf32>,
          %add3A_1407 = arith.addf %add3A_1369, %add3A_1402 : vector<16xf32>
          %scan3A_1408 = arith.constant 8 : i32
          %scan3A_1409 = arith.addi %scan3A_1105, %scan3A_1408 : i32
          %mul3A_1410 = arith.constant 50 : i32
          %mul3A_1411 = arith.muli %scan3A_218, %mul3A_1410 : i32
          %add3A_1412 = arith.addi %mul3A_1411, %scan3A_1409 : i32
          %get3A_1413 = arith.index_cast %add3A_1412 : i32 to index
          %get3A_1414 = arith.constant 0 : index
          %get3A_1415 = tpu.vector_load %arg22[%get3A_1413, %get3A_1414] {strides = array<i32>} : memref<400x64xf32, #tpu.memory_space<vmem>>, vector<16xf32>,
          %mul3A_1416 = arith.mulf %get3A_1415, %get3A_220 : vector<16xf32>
          %mul3A_1417 = arith.constant 50 : i32
          %mul3A_1418 = arith.muli %scan3A_218, %mul3A_1417 : i32
          %add3A_1419 = arith.addi %mul3A_1418, %scan3A_1409 : i32
          %get3A_1420 = arith.index_cast %add3A_1419 : i32 to index
          %get3A_1421 = arith.constant 16 : index
          %get3A_1422 = tpu.vector_load %arg22[%get3A_1420, %get3A_1421] {strides = array<i32>} : memref<400x64xf32, #tpu.memory_space<vmem>>, vector<16xf32>,
          %mul3A_1423 = arith.mulf %get3A_1422, %get3A_223 : vector<16xf32>
          %add3A_1424 = arith.addf %mul3A_1416, %mul3A_1423 : vector<16xf32>
          %mul3A_1425 = arith.constant 50 : i32
          %mul3A_1426 = arith.muli %scan3A_218, %mul3A_1425 : i32
          %add3A_1427 = arith.addi %mul3A_1426, %scan3A_1409 : i32
          %get3A_1428 = arith.index_cast %add3A_1427 : i32 to index
          %get3A_1429 = arith.constant 32 : index
          %get3A_1430 = tpu.vector_load %arg22[%get3A_1428, %get3A_1429] {strides = array<i32>} : memref<400x64xf32, #tpu.memory_space<vmem>>, vector<16xf32>,
          %mul3A_1431 = arith.mulf %get3A_1430, %get3A_226 : vector<16xf32>
          %mul3A_1432 = arith.constant 50 : i32
          %mul3A_1433 = arith.muli %scan3A_218, %mul3A_1432 : i32
          %add3A_1434 = arith.addi %mul3A_1433, %scan3A_1409 : i32
          %get3A_1435 = arith.index_cast %add3A_1434 : i32 to index
          %get3A_1436 = arith.constant 48 : index
          %get3A_1437 = tpu.vector_load %arg22[%get3A_1435, %get3A_1436] {strides = array<i32>} : memref<400x64xf32, #tpu.memory_space<vmem>>, vector<16xf32>,
          %mul3A_1438 = arith.mulf %get3A_1437, %get3A_229 : vector<16xf32>
          %add3A_1439 = arith.addf %mul3A_1431, %mul3A_1438 : vector<16xf32>
          %add3A_1440 = arith.addf %add3A_1424, %add3A_1439 : vector<16xf32>
          %mul3A_1441 = arith.constant 16 : i32
          %mul3A_1442 = arith.muli %scan3A_1409, %mul3A_1441 : i32
          %swap3A_1443 = arith.index_cast %mul3A_1442 : i32 to index
          %swap3A_1444 = tpu.vector_load %arg30[%swap3A_1443] {strides = array<i32>} : memref<800xf32, #tpu.memory_space<vmem>>, vector<16xf32>,
          tpu.vector_store %arg30[%swap3A_1443], %add3A_1440 {strides = array<i32>} : memref<800xf32, #tpu.memory_space<vmem>>, vector<16xf32>,
          %add3A_1445 = arith.addf %add3A_1407, %add3A_1440 : vector<16xf32>
          %scan3A_1446 = arith.constant 9 : i32
          %scan3A_1447 = arith.addi %scan3A_1105, %scan3A_1446 : i32
          %mul3A_1448 = arith.constant 50 : i32
          %mul3A_1449 = arith.muli %scan3A_218, %mul3A_1448 : i32
          %add3A_1450 = arith.addi %mul3A_1449, %scan3A_1447 : i32
          %get3A_1451 = arith.index_cast %add3A_1450 : i32 to index
          %get3A_1452 = arith.constant 0 : index
          %get3A_1453 = tpu.vector_load %arg22[%get3A_1451, %get3A_1452] {strides = array<i32>} : memref<400x64xf32, #tpu.memory_space<vmem>>, vector<16xf32>,
          %mul3A_1454 = arith.mulf %get3A_1453, %get3A_220 : vector<16xf32>
          %mul3A_1455 = arith.constant 50 : i32
          %mul3A_1456 = arith.muli %scan3A_218, %mul3A_1455 : i32
          %add3A_1457 = arith.addi %mul3A_1456, %scan3A_1447 : i32
          %get3A_1458 = arith.index_cast %add3A_1457 : i32 to index
          %get3A_1459 = arith.constant 16 : index
          %get3A_1460 = tpu.vector_load %arg22[%get3A_1458, %get3A_1459] {strides = array<i32>} : memref<400x64xf32, #tpu.memory_space<vmem>>, vector<16xf32>,
          %mul3A_1461 = arith.mulf %get3A_1460, %get3A_223 : vector<16xf32>
          %add3A_1462 = arith.addf %mul3A_1454, %mul3A_1461 : vector<16xf32>
          %mul3A_1463 = arith.constant 50 : i32
          %mul3A_1464 = arith.muli %scan3A_218, %mul3A_1463 : i32
          %add3A_1465 = arith.addi %mul3A_1464, %scan3A_1447 : i32
          %get3A_1466 = arith.index_cast %add3A_1465 : i32 to index
          %get3A_1467 = arith.constant 32 : index
          %get3A_1468 = tpu.vector_load %arg22[%get3A_1466, %get3A_1467] {strides = array<i32>} : memref<400x64xf32, #tpu.memory_space<vmem>>, vector<16xf32>,
          %mul3A_1469 = arith.mulf %get3A_1468, %get3A_226 : vector<16xf32>
          %mul3A_1470 = arith.constant 50 : i32
          %mul3A_1471 = arith.muli %scan3A_218, %mul3A_1470 : i32
          %add3A_1472 = arith.addi %mul3A_1471, %scan3A_1447 : i32
          %get3A_1473 = arith.index_cast %add3A_1472 : i32 to index
          %get3A_1474 = arith.constant 48 : index
          %get3A_1475 = tpu.vector_load %arg22[%get3A_1473, %get3A_1474] {strides = array<i32>} : memref<400x64xf32, #tpu.memory_space<vmem>>, vector<16xf32>,
          %mul3A_1476 = arith.mulf %get3A_1475, %get3A_229 : vector<16xf32>
          %add3A_1477 = arith.addf %mul3A_1469, %mul3A_1476 : vector<16xf32>
          %add3A_1478 = arith.addf %add3A_1462, %add3A_1477 : vector<16xf32>
          %mul3A_1479 = arith.constant 16 : i32
          %mul3A_1480 = arith.muli %scan3A_1447, %mul3A_1479 : i32
          %swap3A_1481 = arith.index_cast %mul3A_1480 : i32 to index
          %swap3A_1482 = tpu.vector_load %arg30[%swap3A_1481] {strides = array<i32>} : memref<800xf32, #tpu.memory_space<vmem>>, vector<16xf32>,
          tpu.vector_store %arg30[%swap3A_1481], %add3A_1478 {strides = array<i32>} : memref<800xf32, #tpu.memory_space<vmem>>, vector<16xf32>,
          %add3A_1483 = arith.addf %add3A_1445, %add3A_1478 : vector<16xf32>
          scf.yield %add3A_1483 : vector<16xf32>
        }
        %scan3A_370 = arith.constant 50 : i32
        %add3A_371 = arith.constant 0 : i32
        %add3A_372 = vector.broadcast %add3A_371 : i32 to vector<16xi32>
        %add3A_373 = arith.addi %mul3A_5, %add3A_372 : vector<16xi32>
        %gather3A_374 = tpu.vector_load_idx %arg30[%add3A_373] : memref<800xf32, #tpu.memory_space<vmem>>[vector<16xi32>], vector<16xf32>,
        %add3A_375 = arith.constant 1 : i32
        %add3A_376 = vector.broadcast %add3A_375 : i32 to vector<16xi32>
        %add3A_377 = arith.addi %mul3A_5, %add3A_376 : vector<16xi32>
        %gather3A_378 = tpu.vector_load_idx %arg30[%add3A_377] : memref<800xf32, #tpu.memory_space<vmem>>[vector<16xi32>], vector<16xf32>,
        %add3A_379 = arith.constant 2 : i32
        %add3A_380 = vector.broadcast %add3A_379 : i32 to vector<16xi32>
        %add3A_381 = arith.addi %mul3A_5, %add3A_380 : vector<16xi32>
        %gather3A_382 = tpu.vector_load_idx %arg30[%add3A_381] : memref<800xf32, #tpu.memory_space<vmem>>[vector<16xi32>], vector<16xf32>,
        %add3A_383 = arith.constant 3 : i32
        %add3A_384 = vector.broadcast %add3A_383 : i32 to vector<16xi32>
        %add3A_385 = arith.addi %mul3A_5, %add3A_384 : vector<16xi32>
        %gather3A_386 = tpu.vector_load_idx %arg30[%add3A_385] : memref<800xf32, #tpu.memory_space<vmem>>[vector<16xi32>], vector<16xf32>,
        %add3A_387 = arith.constant 4 : i32
        %add3A_388 = vector.broadcast %add3A_387 : i32 to vector<16xi32>
        %add3A_389 = arith.addi %mul3A_5, %add3A_388 : vector<16xi32>
        %gather3A_390 = tpu.vector_load_idx %arg30[%add3A_389] : memref<800xf32, #tpu.memory_space<vmem>>[vector<16xi32>], vector<16xf32>,
        %add3A_391 = arith.constant 5 : i32
        %add3A_392 = vector.broadcast %add3A_391 : i32 to vector<16xi32>
        %add3A_393 = arith.addi %mul3A_5, %add3A_392 : vector<16xi32>
        %gather3A_394 = tpu.vector_load_idx %arg30[%add3A_393] : memref<800xf32, #tpu.memory_space<vmem>>[vector<16xi32>], vector<16xf32>,
        %add3A_395 = arith.constant 6 : i32
        %add3A_396 = vector.broadcast %add3A_395 : i32 to vector<16xi32>
        %add3A_397 = arith.addi %mul3A_5, %add3A_396 : vector<16xi32>
        %gather3A_398 = tpu.vector_load_idx %arg30[%add3A_397] : memref<800xf32, #tpu.memory_space<vmem>>[vector<16xi32>], vector<16xf32>,
        %add3A_399 = arith.constant 7 : i32
        %add3A_400 = vector.broadcast %add3A_399 : i32 to vector<16xi32>
        %add3A_401 = arith.addi %mul3A_5, %add3A_400 : vector<16xi32>
        %gather3A_402 = tpu.vector_load_idx %arg30[%add3A_401] : memref<800xf32, #tpu.memory_space<vmem>>[vector<16xi32>], vector<16xf32>,
        %add3A_403 = arith.constant 8 : i32
        %add3A_404 = vector.broadcast %add3A_403 : i32 to vector<16xi32>
        %add3A_405 = arith.addi %mul3A_5, %add3A_404 : vector<16xi32>
        %gather3A_406 = tpu.vector_load_idx %arg30[%add3A_405] : memref<800xf32, #tpu.memory_space<vmem>>[vector<16xi32>], vector<16xf32>,
        %add3A_407 = arith.constant 9 : i32
        %add3A_408 = vector.broadcast %add3A_407 : i32 to vector<16xi32>
        %add3A_409 = arith.addi %mul3A_5, %add3A_408 : vector<16xi32>
        %gather3A_410 = tpu.vector_load_idx %arg30[%add3A_409] : memref<800xf32, #tpu.memory_space<vmem>>[vector<16xi32>], vector<16xf32>,
        %add3A_411 = arith.constant 10 : i32
        %add3A_412 = vector.broadcast %add3A_411 : i32 to vector<16xi32>
        %add3A_413 = arith.addi %mul3A_5, %add3A_412 : vector<16xi32>
        %gather3A_414 = tpu.vector_load_idx %arg30[%add3A_413] : memref<800xf32, #tpu.memory_space<vmem>>[vector<16xi32>], vector<16xf32>,
        %add3A_415 = arith.constant 11 : i32
        %add3A_416 = vector.broadcast %add3A_415 : i32 to vector<16xi32>
        %add3A_417 = arith.addi %mul3A_5, %add3A_416 : vector<16xi32>
        %gather3A_418 = tpu.vector_load_idx %arg30[%add3A_417] : memref<800xf32, #tpu.memory_space<vmem>>[vector<16xi32>], vector<16xf32>,
        %add3A_419 = arith.constant 12 : i32
        %add3A_420 = vector.broadcast %add3A_419 : i32 to vector<16xi32>
        %add3A_421 = arith.addi %mul3A_5, %add3A_420 : vector<16xi32>
        %gather3A_422 = tpu.vector_load_idx %arg30[%add3A_421] : memref<800xf32, #tpu.memory_space<vmem>>[vector<16xi32>], vector<16xf32>,
        %add3A_423 = arith.constant 13 : i32
        %add3A_424 = vector.broadcast %add3A_423 : i32 to vector<16xi32>
        %add3A_425 = arith.addi %mul3A_5, %add3A_424 : vector<16xi32>
        %gather3A_426 = tpu.vector_load_idx %arg30[%add3A_425] : memref<800xf32, #tpu.memory_space<vmem>>[vector<16xi32>], vector<16xf32>,
        %add3A_427 = arith.constant 14 : i32
        %add3A_428 = vector.broadcast %add3A_427 : i32 to vector<16xi32>
        %add3A_429 = arith.addi %mul3A_5, %add3A_428 : vector<16xi32>
        %gather3A_430 = tpu.vector_load_idx %arg30[%add3A_429] : memref<800xf32, #tpu.memory_space<vmem>>[vector<16xi32>], vector<16xf32>,
        %add3A_431 = arith.constant 15 : i32
        %add3A_432 = vector.broadcast %add3A_431 : i32 to vector<16xi32>
        %add3A_433 = arith.addi %mul3A_5, %add3A_432 : vector<16xi32>
        %gather3A_434 = tpu.vector_load_idx %arg30[%add3A_433] : memref<800xf32, #tpu.memory_space<vmem>>[vector<16xi32>], vector<16xf32>,
        %add3A_435 = arith.addf %gather3A_374, %gather3A_378 : vector<16xf32>
        %add3A_436 = arith.addf %gather3A_382, %gather3A_386 : vector<16xf32>
        %add3A_437 = arith.addf %gather3A_390, %gather3A_394 : vector<16xf32>
        %add3A_438 = arith.addf %gather3A_398, %gather3A_402 : vector<16xf32>
        %add3A_439 = arith.addf %gather3A_406, %gather3A_410 : vector<16xf32>
        %add3A_440 = arith.addf %gather3A_414, %gather3A_418 : vector<16xf32>
        %add3A_441 = arith.addf %gather3A_422, %gather3A_426 : vector<16xf32>
        %add3A_442 = arith.addf %gather3A_430, %gather3A_434 : vector<16xf32>
        %add3A_443 = arith.addf %add3A_435, %add3A_436 : vector<16xf32>
        %add3A_444 = arith.addf %add3A_437, %add3A_438 : vector<16xf32>
        %add3A_445 = arith.addf %add3A_439, %add3A_440 : vector<16xf32>
        %add3A_446 = arith.addf %add3A_441, %add3A_442 : vector<16xf32>
        %add3A_447 = arith.addf %add3A_443, %add3A_444 : vector<16xf32>
        %add3A_448 = arith.addf %add3A_445, %add3A_446 : vector<16xf32>
        %add3A_449 = arith.addf %add3A_447, %add3A_448 : vector<16xf32>
        %mul3A_450 = arith.constant 50 : i32
        %mul3A_451 = arith.muli %scan3A_218, %mul3A_450 : i32
        %add3A_452 = arith.constant 0 : i32
        %add3A_453 = arith.addi %mul3A_451, %add3A_452 : i32
        %broadcast_in_dim3A_454 = vector.broadcast %add3A_453 : i32 to vector<16xi32>
        %add3A_455 = arith.addi %broadcast_in_dim3A_454, %iota3A : vector<16xi32>
        tpu.vector_store_idx %arg26[%add3A_455], %add3A_449 : memref<400xf32, #tpu.memory_space<vmem>>[vector<16xi32>], vector<16xf32>,
        %add3A_456 = arith.constant 256 : i32
        %add3A_457 = vector.broadcast %add3A_456 : i32 to vector<16xi32>
        %add3A_458 = arith.addi %mul3A_5, %add3A_457 : vector<16xi32>
        %gather3A_459 = tpu.vector_load_idx %arg30[%add3A_458] : memref<800xf32, #tpu.memory_space<vmem>>[vector<16xi32>], vector<16xf32>,
        %add3A_460 = arith.constant 257 : i32
        %add3A_461 = vector.broadcast %add3A_460 : i32 to vector<16xi32>
        %add3A_462 = arith.addi %mul3A_5, %add3A_461 : vector<16xi32>
        %gather3A_463 = tpu.vector_load_idx %arg30[%add3A_462] : memref<800xf32, #tpu.memory_space<vmem>>[vector<16xi32>], vector<16xf32>,
        %add3A_464 = arith.constant 258 : i32
        %add3A_465 = vector.broadcast %add3A_464 : i32 to vector<16xi32>
        %add3A_466 = arith.addi %mul3A_5, %add3A_465 : vector<16xi32>
        %gather3A_467 = tpu.vector_load_idx %arg30[%add3A_466] : memref<800xf32, #tpu.memory_space<vmem>>[vector<16xi32>], vector<16xf32>,
        %add3A_468 = arith.constant 259 : i32
        %add3A_469 = vector.broadcast %add3A_468 : i32 to vector<16xi32>
        %add3A_470 = arith.addi %mul3A_5, %add3A_469 : vector<16xi32>
        %gather3A_471 = tpu.vector_load_idx %arg30[%add3A_470] : memref<800xf32, #tpu.memory_space<vmem>>[vector<16xi32>], vector<16xf32>,
        %add3A_472 = arith.constant 260 : i32
        %add3A_473 = vector.broadcast %add3A_472 : i32 to vector<16xi32>
        %add3A_474 = arith.addi %mul3A_5, %add3A_473 : vector<16xi32>
        %gather3A_475 = tpu.vector_load_idx %arg30[%add3A_474] : memref<800xf32, #tpu.memory_space<vmem>>[vector<16xi32>], vector<16xf32>,
        %add3A_476 = arith.constant 261 : i32
        %add3A_477 = vector.broadcast %add3A_476 : i32 to vector<16xi32>
        %add3A_478 = arith.addi %mul3A_5, %add3A_477 : vector<16xi32>
        %gather3A_479 = tpu.vector_load_idx %arg30[%add3A_478] : memref<800xf32, #tpu.memory_space<vmem>>[vector<16xi32>], vector<16xf32>,
        %add3A_480 = arith.constant 262 : i32
        %add3A_481 = vector.broadcast %add3A_480 : i32 to vector<16xi32>
        %add3A_482 = arith.addi %mul3A_5, %add3A_481 : vector<16xi32>
        %gather3A_483 = tpu.vector_load_idx %arg30[%add3A_482] : memref<800xf32, #tpu.memory_space<vmem>>[vector<16xi32>], vector<16xf32>,
        %add3A_484 = arith.constant 263 : i32
        %add3A_485 = vector.broadcast %add3A_484 : i32 to vector<16xi32>
        %add3A_486 = arith.addi %mul3A_5, %add3A_485 : vector<16xi32>
        %gather3A_487 = tpu.vector_load_idx %arg30[%add3A_486] : memref<800xf32, #tpu.memory_space<vmem>>[vector<16xi32>], vector<16xf32>,
        %add3A_488 = arith.constant 264 : i32
        %add3A_489 = vector.broadcast %add3A_488 : i32 to vector<16xi32>
        %add3A_490 = arith.addi %mul3A_5, %add3A_489 : vector<16xi32>
        %gather3A_491 = tpu.vector_load_idx %arg30[%add3A_490] : memref<800xf32, #tpu.memory_space<vmem>>[vector<16xi32>], vector<16xf32>,
        %add3A_492 = arith.constant 265 : i32
        %add3A_493 = vector.broadcast %add3A_492 : i32 to vector<16xi32>
        %add3A_494 = arith.addi %mul3A_5, %add3A_493 : vector<16xi32>
        %gather3A_495 = tpu.vector_load_idx %arg30[%add3A_494] : memref<800xf32, #tpu.memory_space<vmem>>[vector<16xi32>], vector<16xf32>,
        %add3A_496 = arith.constant 266 : i32
        %add3A_497 = vector.broadcast %add3A_496 : i32 to vector<16xi32>
        %add3A_498 = arith.addi %mul3A_5, %add3A_497 : vector<16xi32>
        %gather3A_499 = tpu.vector_load_idx %arg30[%add3A_498] : memref<800xf32, #tpu.memory_space<vmem>>[vector<16xi32>], vector<16xf32>,
        %add3A_500 = arith.constant 267 : i32
        %add3A_501 = vector.broadcast %add3A_500 : i32 to vector<16xi32>
        %add3A_502 = arith.addi %mul3A_5, %add3A_501 : vector<16xi32>
        %gather3A_503 = tpu.vector_load_idx %arg30[%add3A_502] : memref<800xf32, #tpu.memory_space<vmem>>[vector<16xi32>], vector<16xf32>,
        %add3A_504 = arith.constant 268 : i32
        %add3A_505 = vector.broadcast %add3A_504 : i32 to vector<16xi32>
        %add3A_506 = arith.addi %mul3A_5, %add3A_505 : vector<16xi32>
        %gather3A_507 = tpu.vector_load_idx %arg30[%add3A_506] : memref<800xf32, #tpu.memory_space<vmem>>[vector<16xi32>], vector<16xf32>,
        %add3A_508 = arith.constant 269 : i32
        %add3A_509 = vector.broadcast %add3A_508 : i32 to vector<16xi32>
        %add3A_510 = arith.addi %mul3A_5, %add3A_509 : vector<16xi32>
        %gather3A_511 = tpu.vector_load_idx %arg30[%add3A_510] : memref<800xf32, #tpu.memory_space<vmem>>[vector<16xi32>], vector<16xf32>,
        %add3A_512 = arith.constant 270 : i32
        %add3A_513 = vector.broadcast %add3A_512 : i32 to vector<16xi32>
        %add3A_514 = arith.addi %mul3A_5, %add3A_513 : vector<16xi32>
        %gather3A_515 = tpu.vector_load_idx %arg30[%add3A_514] : memref<800xf32, #tpu.memory_space<vmem>>[vector<16xi32>], vector<16xf32>,
        %add3A_516 = arith.constant 271 : i32
        %add3A_517 = vector.broadcast %add3A_516 : i32 to vector<16xi32>
        %add3A_518 = arith.addi %mul3A_5, %add3A_517 : vector<16xi32>
        %gather3A_519 = tpu.vector_load_idx %arg30[%add3A_518] : memref<800xf32, #tpu.memory_space<vmem>>[vector<16xi32>], vector<16xf32>,
        %add3A_520 = arith.addf %gather3A_459, %gather3A_463 : vector<16xf32>
        %add3A_521 = arith.addf %gather3A_467, %gather3A_471 : vector<16xf32>
        %add3A_522 = arith.addf %gather3A_475, %gather3A_479 : vector<16xf32>
        %add3A_523 = arith.addf %gather3A_483, %gather3A_487 : vector<16xf32>
        %add3A_524 = arith.addf %gather3A_491, %gather3A_495 : vector<16xf32>
        %add3A_525 = arith.addf %gather3A_499, %gather3A_503 : vector<16xf32>
        %add3A_526 = arith.addf %gather3A_507, %gather3A_511 : vector<16xf32>
        %add3A_527 = arith.addf %gather3A_515, %gather3A_519 : vector<16xf32>
        %add3A_528 = arith.addf %add3A_520, %add3A_521 : vector<16xf32>
        %add3A_529 = arith.addf %add3A_522, %add3A_523 : vector<16xf32>
        %add3A_530 = arith.addf %add3A_524, %add3A_525 : vector<16xf32>
        %add3A_531 = arith.addf %add3A_526, %add3A_527 : vector<16xf32>
        %add3A_532 = arith.addf %add3A_528, %add3A_529 : vector<16xf32>
        %add3A_533 = arith.addf %add3A_530, %add3A_531 : vector<16xf32>
        %add3A_534 = arith.addf %add3A_532, %add3A_533 : vector<16xf32>
        %mul3A_535 = arith.constant 50 : i32
        %mul3A_536 = arith.muli %scan3A_218, %mul3A_535 : i32
        %add3A_537 = arith.constant 16 : i32
        %add3A_538 = arith.addi %mul3A_536, %add3A_537 : i32
        %broadcast_in_dim3A_539 = vector.broadcast %add3A_538 : i32 to vector<16xi32>
        %add3A_540 = arith.addi %broadcast_in_dim3A_539, %iota3A : vector<16xi32>
        tpu.vector_store_idx %arg26[%add3A_540], %add3A_534 : memref<400xf32, #tpu.memory_space<vmem>>[vector<16xi32>], vector<16xf32>,
        %add3A_541 = arith.constant 512 : i32
        %add3A_542 = vector.broadcast %add3A_541 : i32 to vector<16xi32>
        %add3A_543 = arith.addi %mul3A_5, %add3A_542 : vector<16xi32>
        %gather3A_544 = tpu.vector_load_idx %arg30[%add3A_543] : memref<800xf32, #tpu.memory_space<vmem>>[vector<16xi32>], vector<16xf32>,
        %add3A_545 = arith.constant 513 : i32
        %add3A_546 = vector.broadcast %add3A_545 : i32 to vector<16xi32>
        %add3A_547 = arith.addi %mul3A_5, %add3A_546 : vector<16xi32>
        %gather3A_548 = tpu.vector_load_idx %arg30[%add3A_547] : memref<800xf32, #tpu.memory_space<vmem>>[vector<16xi32>], vector<16xf32>,
        %add3A_549 = arith.constant 514 : i32
        %add3A_550 = vector.broadcast %add3A_549 : i32 to vector<16xi32>
        %add3A_551 = arith.addi %mul3A_5, %add3A_550 : vector<16xi32>
        %gather3A_552 = tpu.vector_load_idx %arg30[%add3A_551] : memref<800xf32, #tpu.memory_space<vmem>>[vector<16xi32>], vector<16xf32>,
        %add3A_553 = arith.constant 515 : i32
        %add3A_554 = vector.broadcast %add3A_553 : i32 to vector<16xi32>
        %add3A_555 = arith.addi %mul3A_5, %add3A_554 : vector<16xi32>
        %gather3A_556 = tpu.vector_load_idx %arg30[%add3A_555] : memref<800xf32, #tpu.memory_space<vmem>>[vector<16xi32>], vector<16xf32>,
        %add3A_557 = arith.constant 516 : i32
        %add3A_558 = vector.broadcast %add3A_557 : i32 to vector<16xi32>
        %add3A_559 = arith.addi %mul3A_5, %add3A_558 : vector<16xi32>
        %gather3A_560 = tpu.vector_load_idx %arg30[%add3A_559] : memref<800xf32, #tpu.memory_space<vmem>>[vector<16xi32>], vector<16xf32>,
        %add3A_561 = arith.constant 517 : i32
        %add3A_562 = vector.broadcast %add3A_561 : i32 to vector<16xi32>
        %add3A_563 = arith.addi %mul3A_5, %add3A_562 : vector<16xi32>
        %gather3A_564 = tpu.vector_load_idx %arg30[%add3A_563] : memref<800xf32, #tpu.memory_space<vmem>>[vector<16xi32>], vector<16xf32>,
        %add3A_565 = arith.constant 518 : i32
        %add3A_566 = vector.broadcast %add3A_565 : i32 to vector<16xi32>
        %add3A_567 = arith.addi %mul3A_5, %add3A_566 : vector<16xi32>
        %gather3A_568 = tpu.vector_load_idx %arg30[%add3A_567] : memref<800xf32, #tpu.memory_space<vmem>>[vector<16xi32>], vector<16xf32>,
        %add3A_569 = arith.constant 519 : i32
        %add3A_570 = vector.broadcast %add3A_569 : i32 to vector<16xi32>
        %add3A_571 = arith.addi %mul3A_5, %add3A_570 : vector<16xi32>
        %gather3A_572 = tpu.vector_load_idx %arg30[%add3A_571] : memref<800xf32, #tpu.memory_space<vmem>>[vector<16xi32>], vector<16xf32>,
        %add3A_573 = arith.constant 520 : i32
        %add3A_574 = vector.broadcast %add3A_573 : i32 to vector<16xi32>
        %add3A_575 = arith.addi %mul3A_5, %add3A_574 : vector<16xi32>
        %gather3A_576 = tpu.vector_load_idx %arg30[%add3A_575] : memref<800xf32, #tpu.memory_space<vmem>>[vector<16xi32>], vector<16xf32>,
        %add3A_577 = arith.constant 521 : i32
        %add3A_578 = vector.broadcast %add3A_577 : i32 to vector<16xi32>
        %add3A_579 = arith.addi %mul3A_5, %add3A_578 : vector<16xi32>
        %gather3A_580 = tpu.vector_load_idx %arg30[%add3A_579] : memref<800xf32, #tpu.memory_space<vmem>>[vector<16xi32>], vector<16xf32>,
        %add3A_581 = arith.constant 522 : i32
        %add3A_582 = vector.broadcast %add3A_581 : i32 to vector<16xi32>
        %add3A_583 = arith.addi %mul3A_5, %add3A_582 : vector<16xi32>
        %gather3A_584 = tpu.vector_load_idx %arg30[%add3A_583] : memref<800xf32, #tpu.memory_space<vmem>>[vector<16xi32>], vector<16xf32>,
        %add3A_585 = arith.constant 523 : i32
        %add3A_586 = vector.broadcast %add3A_585 : i32 to vector<16xi32>
        %add3A_587 = arith.addi %mul3A_5, %add3A_586 : vector<16xi32>
        %gather3A_588 = tpu.vector_load_idx %arg30[%add3A_587] : memref<800xf32, #tpu.memory_space<vmem>>[vector<16xi32>], vector<16xf32>,
        %add3A_589 = arith.constant 524 : i32
        %add3A_590 = vector.broadcast %add3A_589 : i32 to vector<16xi32>
        %add3A_591 = arith.addi %mul3A_5, %add3A_590 : vector<16xi32>
        %gather3A_592 = tpu.vector_load_idx %arg30[%add3A_591] : memref<800xf32, #tpu.memory_space<vmem>>[vector<16xi32>], vector<16xf32>,
        %add3A_593 = arith.constant 525 : i32
        %add3A_594 = vector.broadcast %add3A_593 : i32 to vector<16xi32>
        %add3A_595 = arith.addi %mul3A_5, %add3A_594 : vector<16xi32>
        %gather3A_596 = tpu.vector_load_idx %arg30[%add3A_595] : memref<800xf32, #tpu.memory_space<vmem>>[vector<16xi32>], vector<16xf32>,
        %add3A_597 = arith.constant 526 : i32
        %add3A_598 = vector.broadcast %add3A_597 : i32 to vector<16xi32>
        %add3A_599 = arith.addi %mul3A_5, %add3A_598 : vector<16xi32>
        %gather3A_600 = tpu.vector_load_idx %arg30[%add3A_599] : memref<800xf32, #tpu.memory_space<vmem>>[vector<16xi32>], vector<16xf32>,
        %add3A_601 = arith.constant 527 : i32
        %add3A_602 = vector.broadcast %add3A_601 : i32 to vector<16xi32>
        %add3A_603 = arith.addi %mul3A_5, %add3A_602 : vector<16xi32>
        %gather3A_604 = tpu.vector_load_idx %arg30[%add3A_603] : memref<800xf32, #tpu.memory_space<vmem>>[vector<16xi32>], vector<16xf32>,
        %add3A_605 = arith.addf %gather3A_544, %gather3A_548 : vector<16xf32>
        %add3A_606 = arith.addf %gather3A_552, %gather3A_556 : vector<16xf32>
        %add3A_607 = arith.addf %gather3A_560, %gather3A_564 : vector<16xf32>
        %add3A_608 = arith.addf %gather3A_568, %gather3A_572 : vector<16xf32>
        %add3A_609 = arith.addf %gather3A_576, %gather3A_580 : vector<16xf32>
        %add3A_610 = arith.addf %gather3A_584, %gather3A_588 : vector<16xf32>
        %add3A_611 = arith.addf %gather3A_592, %gather3A_596 : vector<16xf32>
        %add3A_612 = arith.addf %gather3A_600, %gather3A_604 : vector<16xf32>
        %add3A_613 = arith.addf %add3A_605, %add3A_606 : vector<16xf32>
        %add3A_614 = arith.addf %add3A_607, %add3A_608 : vector<16xf32>
        %add3A_615 = arith.addf %add3A_609, %add3A_610 : vector<16xf32>
        %add3A_616 = arith.addf %add3A_611, %add3A_612 : vector<16xf32>
        %add3A_617 = arith.addf %add3A_613, %add3A_614 : vector<16xf32>
        %add3A_618 = arith.addf %add3A_615, %add3A_616 : vector<16xf32>
        %add3A_619 = arith.addf %add3A_617, %add3A_618 : vector<16xf32>
        %mul3A_620 = arith.constant 50 : i32
        %mul3A_621 = arith.muli %scan3A_218, %mul3A_620 : i32
        %add3A_622 = arith.constant 32 : i32
        %add3A_623 = arith.addi %mul3A_621, %add3A_622 : i32
        %broadcast_in_dim3A_624 = vector.broadcast %add3A_623 : i32 to vector<16xi32>
        %add3A_625 = arith.addi %broadcast_in_dim3A_624, %iota3A : vector<16xi32>
        tpu.vector_store_idx %arg26[%add3A_625], %add3A_619 : memref<400xf32, #tpu.memory_space<vmem>>[vector<16xi32>], vector<16xf32>,
        %add3A_626 = arith.constant 768 : i32
        %add3A_627 = vector.broadcast %add3A_626 : i32 to vector<16xi32>
        %add3A_628 = arith.addi %mul3A_5, %add3A_627 : vector<16xi32>
        %gather3A_629 = tpu.vector_load_idx %arg30[%add3A_628] : memref<800xf32, #tpu.memory_space<vmem>>[vector<16xi32>], vector<16xf32>,
        %add3A_630 = arith.constant 769 : i32
        %add3A_631 = vector.broadcast %add3A_630 : i32 to vector<16xi32>
        %add3A_632 = arith.addi %mul3A_5, %add3A_631 : vector<16xi32>
        %gather3A_633 = tpu.vector_load_idx %arg30[%add3A_632] : memref<800xf32, #tpu.memory_space<vmem>>[vector<16xi32>], vector<16xf32>,
        %add3A_634 = arith.constant 770 : i32
        %add3A_635 = vector.broadcast %add3A_634 : i32 to vector<16xi32>
        %add3A_636 = arith.addi %mul3A_5, %add3A_635 : vector<16xi32>
        %gather3A_637 = tpu.vector_load_idx %arg30[%add3A_636] : memref<800xf32, #tpu.memory_space<vmem>>[vector<16xi32>], vector<16xf32>,
        %add3A_638 = arith.constant 771 : i32
        %add3A_639 = vector.broadcast %add3A_638 : i32 to vector<16xi32>
        %add3A_640 = arith.addi %mul3A_5, %add3A_639 : vector<16xi32>
        %gather3A_641 = tpu.vector_load_idx %arg30[%add3A_640] : memref<800xf32, #tpu.memory_space<vmem>>[vector<16xi32>], vector<16xf32>,
        %add3A_642 = arith.constant 772 : i32
        %add3A_643 = vector.broadcast %add3A_642 : i32 to vector<16xi32>
        %add3A_644 = arith.addi %mul3A_5, %add3A_643 : vector<16xi32>
        %gather3A_645 = tpu.vector_load_idx %arg30[%add3A_644] : memref<800xf32, #tpu.memory_space<vmem>>[vector<16xi32>], vector<16xf32>,
        %add3A_646 = arith.constant 773 : i32
        %add3A_647 = vector.broadcast %add3A_646 : i32 to vector<16xi32>
        %add3A_648 = arith.addi %mul3A_5, %add3A_647 : vector<16xi32>
        %gather3A_649 = tpu.vector_load_idx %arg30[%add3A_648] : memref<800xf32, #tpu.memory_space<vmem>>[vector<16xi32>], vector<16xf32>,
        %add3A_650 = arith.constant 774 : i32
        %add3A_651 = vector.broadcast %add3A_650 : i32 to vector<16xi32>
        %add3A_652 = arith.addi %mul3A_5, %add3A_651 : vector<16xi32>
        %gather3A_653 = tpu.vector_load_idx %arg30[%add3A_652] : memref<800xf32, #tpu.memory_space<vmem>>[vector<16xi32>], vector<16xf32>,
        %add3A_654 = arith.constant 775 : i32
        %add3A_655 = vector.broadcast %add3A_654 : i32 to vector<16xi32>
        %add3A_656 = arith.addi %mul3A_5, %add3A_655 : vector<16xi32>
        %gather3A_657 = tpu.vector_load_idx %arg30[%add3A_656] : memref<800xf32, #tpu.memory_space<vmem>>[vector<16xi32>], vector<16xf32>,
        %add3A_658 = arith.constant 776 : i32
        %add3A_659 = vector.broadcast %add3A_658 : i32 to vector<16xi32>
        %add3A_660 = arith.addi %mul3A_5, %add3A_659 : vector<16xi32>
        %gather3A_661 = tpu.vector_load_idx %arg30[%add3A_660] : memref<800xf32, #tpu.memory_space<vmem>>[vector<16xi32>], vector<16xf32>,
        %add3A_662 = arith.constant 777 : i32
        %add3A_663 = vector.broadcast %add3A_662 : i32 to vector<16xi32>
        %add3A_664 = arith.addi %mul3A_5, %add3A_663 : vector<16xi32>
        %gather3A_665 = tpu.vector_load_idx %arg30[%add3A_664] : memref<800xf32, #tpu.memory_space<vmem>>[vector<16xi32>], vector<16xf32>,
        %add3A_666 = arith.constant 778 : i32
        %add3A_667 = vector.broadcast %add3A_666 : i32 to vector<16xi32>
        %add3A_668 = arith.addi %mul3A_5, %add3A_667 : vector<16xi32>
        %gather3A_669 = tpu.vector_load_idx %arg30[%add3A_668] : memref<800xf32, #tpu.memory_space<vmem>>[vector<16xi32>], vector<16xf32>,
        %add3A_670 = arith.constant 779 : i32
        %add3A_671 = vector.broadcast %add3A_670 : i32 to vector<16xi32>
        %add3A_672 = arith.addi %mul3A_5, %add3A_671 : vector<16xi32>
        %gather3A_673 = tpu.vector_load_idx %arg30[%add3A_672] : memref<800xf32, #tpu.memory_space<vmem>>[vector<16xi32>], vector<16xf32>,
        %add3A_674 = arith.constant 780 : i32
        %add3A_675 = vector.broadcast %add3A_674 : i32 to vector<16xi32>
        %add3A_676 = arith.addi %mul3A_5, %add3A_675 : vector<16xi32>
        %gather3A_677 = tpu.vector_load_idx %arg30[%add3A_676] : memref<800xf32, #tpu.memory_space<vmem>>[vector<16xi32>], vector<16xf32>,
        %add3A_678 = arith.constant 781 : i32
        %add3A_679 = vector.broadcast %add3A_678 : i32 to vector<16xi32>
        %add3A_680 = arith.addi %mul3A_5, %add3A_679 : vector<16xi32>
        %gather3A_681 = tpu.vector_load_idx %arg30[%add3A_680] : memref<800xf32, #tpu.memory_space<vmem>>[vector<16xi32>], vector<16xf32>,
        %add3A_682 = arith.constant 782 : i32
        %add3A_683 = vector.broadcast %add3A_682 : i32 to vector<16xi32>
        %add3A_684 = arith.addi %mul3A_5, %add3A_683 : vector<16xi32>
        %gather3A_685 = tpu.vector_load_idx %arg30[%add3A_684] : memref<800xf32, #tpu.memory_space<vmem>>[vector<16xi32>], vector<16xf32>,
        %add3A_686 = arith.constant 783 : i32
        %add3A_687 = vector.broadcast %add3A_686 : i32 to vector<16xi32>
        %add3A_688 = arith.addi %mul3A_5, %add3A_687 : vector<16xi32>
        %gather3A_689 = tpu.vector_load_idx %arg30[%add3A_688] : memref<800xf32, #tpu.memory_space<vmem>>[vector<16xi32>], vector<16xf32>,
        %add3A_690 = arith.addf %gather3A_629, %gather3A_633 : vector<16xf32>
        %add3A_691 = arith.addf %gather3A_637, %gather3A_641 : vector<16xf32>
        %add3A_692 = arith.addf %gather3A_645, %gather3A_649 : vector<16xf32>
        %add3A_693 = arith.addf %gather3A_653, %gather3A_657 : vector<16xf32>
        %add3A_694 = arith.addf %gather3A_661, %gather3A_665 : vector<16xf32>
        %add3A_695 = arith.addf %gather3A_669, %gather3A_673 : vector<16xf32>
        %add3A_696 = arith.addf %gather3A_677, %gather3A_681 : vector<16xf32>
        %add3A_697 = arith.addf %gather3A_685, %gather3A_689 : vector<16xf32>
        %add3A_698 = arith.addf %add3A_690, %add3A_691 : vector<16xf32>
        %add3A_699 = arith.addf %add3A_692, %add3A_693 : vector<16xf32>
        %add3A_700 = arith.addf %add3A_694, %add3A_695 : vector<16xf32>
        %add3A_701 = arith.addf %add3A_696, %add3A_697 : vector<16xf32>
        %add3A_702 = arith.addf %add3A_698, %add3A_699 : vector<16xf32>
        %add3A_703 = arith.addf %add3A_700, %add3A_701 : vector<16xf32>
        %add3A_704 = arith.addf %add3A_702, %add3A_703 : vector<16xf32>
        %mul3A_705 = arith.constant 50 : i32
        %mul3A_706 = arith.muli %scan3A_218, %mul3A_705 : i32
        %add3A_707 = arith.constant 48 : i32
        %add3A_708 = arith.addi %mul3A_706, %add3A_707 : i32
        %broadcast_in_dim3A_709 = vector.broadcast %add3A_708 : i32 to vector<16xi32>
        %add3A_710 = arith.addi %broadcast_in_dim3A_709, %iota3A : vector<16xi32>
        %lt3A_711 = arith.constant 2 : i32
        %lt3A_712 = vector.broadcast %lt3A_711 : i32 to vector<16xi32>
        %lt3A_713 = arith.cmpi slt, %iota3A, %lt3A_712 : vector<16xi32>
        tpu.vector_store_idx %arg26[%add3A_710], %add3A_704 masked %lt3A_713 : memref<400xf32, #tpu.memory_space<vmem>>[vector<16xi32>], vector<16xf32>, vector<16xi1>
        %broadcast_in_dim3A_714 = arith.constant 0.000000e+00 : f32
        %broadcast_in_dim3A_715 = vector.broadcast %broadcast_in_dim3A_714 : f32 to vector<16xf32>
        %scan3A_716 = arith.constant 0 : i32
        %scan3A_717 = arith.constant 50 : i32
        %scan3A_718 = arith.addi %scan3A_716, %scan3A_717 : i32
        %scan3A_719 = arith.constant 10 : i32
        %scan3A_720 = scf.for %scan3A_1105 = %scan3A_716 to %scan3A_718 step %scan3A_719 iter_args(%scan3A_1106 = %broadcast_in_dim3A_715) -> (vector<16xf32>)  : i32 {
          %mul3A_1107 = arith.constant 50 : i32
          %mul3A_1108 = arith.muli %scan3A_218, %mul3A_1107 : i32
          %add3A_1109 = arith.addi %mul3A_1108, %scan3A_1105 : i32
          %get3A_1110 = arith.index_cast %add3A_1109 : i32 to index
          %get3A_1111 = arith.constant 0 : index
          %get3A_1112 = tpu.vector_load %arg24[%get3A_1110, %get3A_1111] {strides = array<i32>} : memref<400x64xf32, #tpu.memory_space<vmem>>, vector<16xf32>,
          %mul3A_1113 = arith.mulf %get3A_1112, %get3A_220 : vector<16xf32>
          %mul3A_1114 = arith.constant 50 : i32
          %mul3A_1115 = arith.muli %scan3A_218, %mul3A_1114 : i32
          %add3A_1116 = arith.addi %mul3A_1115, %scan3A_1105 : i32
          %get3A_1117 = arith.index_cast %add3A_1116 : i32 to index
          %get3A_1118 = arith.constant 16 : index
          %get3A_1119 = tpu.vector_load %arg24[%get3A_1117, %get3A_1118] {strides = array<i32>} : memref<400x64xf32, #tpu.memory_space<vmem>>, vector<16xf32>,
          %mul3A_1120 = arith.mulf %get3A_1119, %get3A_223 : vector<16xf32>
          %add3A_1121 = arith.addf %mul3A_1113, %mul3A_1120 : vector<16xf32>
          %mul3A_1122 = arith.constant 50 : i32
          %mul3A_1123 = arith.muli %scan3A_218, %mul3A_1122 : i32
          %add3A_1124 = arith.addi %mul3A_1123, %scan3A_1105 : i32
          %get3A_1125 = arith.index_cast %add3A_1124 : i32 to index
          %get3A_1126 = arith.constant 32 : index
          %get3A_1127 = tpu.vector_load %arg24[%get3A_1125, %get3A_1126] {strides = array<i32>} : memref<400x64xf32, #tpu.memory_space<vmem>>, vector<16xf32>,
          %mul3A_1128 = arith.mulf %get3A_1127, %get3A_226 : vector<16xf32>
          %mul3A_1129 = arith.constant 50 : i32
          %mul3A_1130 = arith.muli %scan3A_218, %mul3A_1129 : i32
          %add3A_1131 = arith.addi %mul3A_1130, %scan3A_1105 : i32
          %get3A_1132 = arith.index_cast %add3A_1131 : i32 to index
          %get3A_1133 = arith.constant 48 : index
          %get3A_1134 = tpu.vector_load %arg24[%get3A_1132, %get3A_1133] {strides = array<i32>} : memref<400x64xf32, #tpu.memory_space<vmem>>, vector<16xf32>,
          %mul3A_1135 = arith.mulf %get3A_1134, %get3A_229 : vector<16xf32>
          %add3A_1136 = arith.addf %mul3A_1128, %mul3A_1135 : vector<16xf32>
          %add3A_1137 = arith.addf %add3A_1121, %add3A_1136 : vector<16xf32>
          %mul3A_1138 = arith.constant 16 : i32
          %mul3A_1139 = arith.muli %scan3A_1105, %mul3A_1138 : i32
          %swap3A = arith.index_cast %mul3A_1139 : i32 to index
          %swap3A_1140 = tpu.vector_load %arg31[%swap3A] {strides = array<i32>} : memref<800xf32, #tpu.memory_space<vmem>>, vector<16xf32>,
          tpu.vector_store %arg31[%swap3A], %add3A_1137 {strides = array<i32>} : memref<800xf32, #tpu.memory_space<vmem>>, vector<16xf32>,
          %add3A_1141 = arith.addf %scan3A_1106, %add3A_1137 : vector<16xf32>
          %scan3A_1142 = arith.constant 1 : i32
          %scan3A_1143 = arith.addi %scan3A_1105, %scan3A_1142 : i32
          %mul3A_1144 = arith.constant 50 : i32
          %mul3A_1145 = arith.muli %scan3A_218, %mul3A_1144 : i32
          %add3A_1146 = arith.addi %mul3A_1145, %scan3A_1143 : i32
          %get3A_1147 = arith.index_cast %add3A_1146 : i32 to index
          %get3A_1148 = arith.constant 0 : index
          %get3A_1149 = tpu.vector_load %arg24[%get3A_1147, %get3A_1148] {strides = array<i32>} : memref<400x64xf32, #tpu.memory_space<vmem>>, vector<16xf32>,
          %mul3A_1150 = arith.mulf %get3A_1149, %get3A_220 : vector<16xf32>
          %mul3A_1151 = arith.constant 50 : i32
          %mul3A_1152 = arith.muli %scan3A_218, %mul3A_1151 : i32
          %add3A_1153 = arith.addi %mul3A_1152, %scan3A_1143 : i32
          %get3A_1154 = arith.index_cast %add3A_1153 : i32 to index
          %get3A_1155 = arith.constant 16 : index
          %get3A_1156 = tpu.vector_load %arg24[%get3A_1154, %get3A_1155] {strides = array<i32>} : memref<400x64xf32, #tpu.memory_space<vmem>>, vector<16xf32>,
          %mul3A_1157 = arith.mulf %get3A_1156, %get3A_223 : vector<16xf32>
          %add3A_1158 = arith.addf %mul3A_1150, %mul3A_1157 : vector<16xf32>
          %mul3A_1159 = arith.constant 50 : i32
          %mul3A_1160 = arith.muli %scan3A_218, %mul3A_1159 : i32
          %add3A_1161 = arith.addi %mul3A_1160, %scan3A_1143 : i32
          %get3A_1162 = arith.index_cast %add3A_1161 : i32 to index
          %get3A_1163 = arith.constant 32 : index
          %get3A_1164 = tpu.vector_load %arg24[%get3A_1162, %get3A_1163] {strides = array<i32>} : memref<400x64xf32, #tpu.memory_space<vmem>>, vector<16xf32>,
          %mul3A_1165 = arith.mulf %get3A_1164, %get3A_226 : vector<16xf32>
          %mul3A_1166 = arith.constant 50 : i32
          %mul3A_1167 = arith.muli %scan3A_218, %mul3A_1166 : i32
          %add3A_1168 = arith.addi %mul3A_1167, %scan3A_1143 : i32
          %get3A_1169 = arith.index_cast %add3A_1168 : i32 to index
          %get3A_1170 = arith.constant 48 : index
          %get3A_1171 = tpu.vector_load %arg24[%get3A_1169, %get3A_1170] {strides = array<i32>} : memref<400x64xf32, #tpu.memory_space<vmem>>, vector<16xf32>,
          %mul3A_1172 = arith.mulf %get3A_1171, %get3A_229 : vector<16xf32>
          %add3A_1173 = arith.addf %mul3A_1165, %mul3A_1172 : vector<16xf32>
          %add3A_1174 = arith.addf %add3A_1158, %add3A_1173 : vector<16xf32>
          %mul3A_1175 = arith.constant 16 : i32
          %mul3A_1176 = arith.muli %scan3A_1143, %mul3A_1175 : i32
          %swap3A_1177 = arith.index_cast %mul3A_1176 : i32 to index
          %swap3A_1178 = tpu.vector_load %arg31[%swap3A_1177] {strides = array<i32>} : memref<800xf32, #tpu.memory_space<vmem>>, vector<16xf32>,
          tpu.vector_store %arg31[%swap3A_1177], %add3A_1174 {strides = array<i32>} : memref<800xf32, #tpu.memory_space<vmem>>, vector<16xf32>,
          %add3A_1179 = arith.addf %add3A_1141, %add3A_1174 : vector<16xf32>
          %scan3A_1180 = arith.constant 2 : i32
          %scan3A_1181 = arith.addi %scan3A_1105, %scan3A_1180 : i32
          %mul3A_1182 = arith.constant 50 : i32
          %mul3A_1183 = arith.muli %scan3A_218, %mul3A_1182 : i32
          %add3A_1184 = arith.addi %mul3A_1183, %scan3A_1181 : i32
          %get3A_1185 = arith.index_cast %add3A_1184 : i32 to index
          %get3A_1186 = arith.constant 0 : index
          %get3A_1187 = tpu.vector_load %arg24[%get3A_1185, %get3A_1186] {strides = array<i32>} : memref<400x64xf32, #tpu.memory_space<vmem>>, vector<16xf32>,
          %mul3A_1188 = arith.mulf %get3A_1187, %get3A_220 : vector<16xf32>
          %mul3A_1189 = arith.constant 50 : i32
          %mul3A_1190 = arith.muli %scan3A_218, %mul3A_1189 : i32
          %add3A_1191 = arith.addi %mul3A_1190, %scan3A_1181 : i32
          %get3A_1192 = arith.index_cast %add3A_1191 : i32 to index
          %get3A_1193 = arith.constant 16 : index
          %get3A_1194 = tpu.vector_load %arg24[%get3A_1192, %get3A_1193] {strides = array<i32>} : memref<400x64xf32, #tpu.memory_space<vmem>>, vector<16xf32>,
          %mul3A_1195 = arith.mulf %get3A_1194, %get3A_223 : vector<16xf32>
          %add3A_1196 = arith.addf %mul3A_1188, %mul3A_1195 : vector<16xf32>
          %mul3A_1197 = arith.constant 50 : i32
          %mul3A_1198 = arith.muli %scan3A_218, %mul3A_1197 : i32
          %add3A_1199 = arith.addi %mul3A_1198, %scan3A_1181 : i32
          %get3A_1200 = arith.index_cast %add3A_1199 : i32 to index
          %get3A_1201 = arith.constant 32 : index
          %get3A_1202 = tpu.vector_load %arg24[%get3A_1200, %get3A_1201] {strides = array<i32>} : memref<400x64xf32, #tpu.memory_space<vmem>>, vector<16xf32>,
          %mul3A_1203 = arith.mulf %get3A_1202, %get3A_226 : vector<16xf32>
          %mul3A_1204 = arith.constant 50 : i32
          %mul3A_1205 = arith.muli %scan3A_218, %mul3A_1204 : i32
          %add3A_1206 = arith.addi %mul3A_1205, %scan3A_1181 : i32
          %get3A_1207 = arith.index_cast %add3A_1206 : i32 to index
          %get3A_1208 = arith.constant 48 : index
          %get3A_1209 = tpu.vector_load %arg24[%get3A_1207, %get3A_1208] {strides = array<i32>} : memref<400x64xf32, #tpu.memory_space<vmem>>, vector<16xf32>,
          %mul3A_1210 = arith.mulf %get3A_1209, %get3A_229 : vector<16xf32>
          %add3A_1211 = arith.addf %mul3A_1203, %mul3A_1210 : vector<16xf32>
          %add3A_1212 = arith.addf %add3A_1196, %add3A_1211 : vector<16xf32>
          %mul3A_1213 = arith.constant 16 : i32
          %mul3A_1214 = arith.muli %scan3A_1181, %mul3A_1213 : i32
          %swap3A_1215 = arith.index_cast %mul3A_1214 : i32 to index
          %swap3A_1216 = tpu.vector_load %arg31[%swap3A_1215] {strides = array<i32>} : memref<800xf32, #tpu.memory_space<vmem>>, vector<16xf32>,
          tpu.vector_store %arg31[%swap3A_1215], %add3A_1212 {strides = array<i32>} : memref<800xf32, #tpu.memory_space<vmem>>, vector<16xf32>,
          %add3A_1217 = arith.addf %add3A_1179, %add3A_1212 : vector<16xf32>
          %scan3A_1218 = arith.constant 3 : i32
          %scan3A_1219 = arith.addi %scan3A_1105, %scan3A_1218 : i32
          %mul3A_1220 = arith.constant 50 : i32
          %mul3A_1221 = arith.muli %scan3A_218, %mul3A_1220 : i32
          %add3A_1222 = arith.addi %mul3A_1221, %scan3A_1219 : i32
          %get3A_1223 = arith.index_cast %add3A_1222 : i32 to index
          %get3A_1224 = arith.constant 0 : index
          %get3A_1225 = tpu.vector_load %arg24[%get3A_1223, %get3A_1224] {strides = array<i32>} : memref<400x64xf32, #tpu.memory_space<vmem>>, vector<16xf32>,
          %mul3A_1226 = arith.mulf %get3A_1225, %get3A_220 : vector<16xf32>
          %mul3A_1227 = arith.constant 50 : i32
          %mul3A_1228 = arith.muli %scan3A_218, %mul3A_1227 : i32
          %add3A_1229 = arith.addi %mul3A_1228, %scan3A_1219 : i32
          %get3A_1230 = arith.index_cast %add3A_1229 : i32 to index
          %get3A_1231 = arith.constant 16 : index
          %get3A_1232 = tpu.vector_load %arg24[%get3A_1230, %get3A_1231] {strides = array<i32>} : memref<400x64xf32, #tpu.memory_space<vmem>>, vector<16xf32>,
          %mul3A_1233 = arith.mulf %get3A_1232, %get3A_223 : vector<16xf32>
          %add3A_1234 = arith.addf %mul3A_1226, %mul3A_1233 : vector<16xf32>
          %mul3A_1235 = arith.constant 50 : i32
          %mul3A_1236 = arith.muli %scan3A_218, %mul3A_1235 : i32
          %add3A_1237 = arith.addi %mul3A_1236, %scan3A_1219 : i32
          %get3A_1238 = arith.index_cast %add3A_1237 : i32 to index
          %get3A_1239 = arith.constant 32 : index
          %get3A_1240 = tpu.vector_load %arg24[%get3A_1238, %get3A_1239] {strides = array<i32>} : memref<400x64xf32, #tpu.memory_space<vmem>>, vector<16xf32>,
          %mul3A_1241 = arith.mulf %get3A_1240, %get3A_226 : vector<16xf32>
          %mul3A_1242 = arith.constant 50 : i32
          %mul3A_1243 = arith.muli %scan3A_218, %mul3A_1242 : i32
          %add3A_1244 = arith.addi %mul3A_1243, %scan3A_1219 : i32
          %get3A_1245 = arith.index_cast %add3A_1244 : i32 to index
          %get3A_1246 = arith.constant 48 : index
          %get3A_1247 = tpu.vector_load %arg24[%get3A_1245, %get3A_1246] {strides = array<i32>} : memref<400x64xf32, #tpu.memory_space<vmem>>, vector<16xf32>,
          %mul3A_1248 = arith.mulf %get3A_1247, %get3A_229 : vector<16xf32>
          %add3A_1249 = arith.addf %mul3A_1241, %mul3A_1248 : vector<16xf32>
          %add3A_1250 = arith.addf %add3A_1234, %add3A_1249 : vector<16xf32>
          %mul3A_1251 = arith.constant 16 : i32
          %mul3A_1252 = arith.muli %scan3A_1219, %mul3A_1251 : i32
          %swap3A_1253 = arith.index_cast %mul3A_1252 : i32 to index
          %swap3A_1254 = tpu.vector_load %arg31[%swap3A_1253] {strides = array<i32>} : memref<800xf32, #tpu.memory_space<vmem>>, vector<16xf32>,
          tpu.vector_store %arg31[%swap3A_1253], %add3A_1250 {strides = array<i32>} : memref<800xf32, #tpu.memory_space<vmem>>, vector<16xf32>,
          %add3A_1255 = arith.addf %add3A_1217, %add3A_1250 : vector<16xf32>
          %scan3A_1256 = arith.constant 4 : i32
          %scan3A_1257 = arith.addi %scan3A_1105, %scan3A_1256 : i32
          %mul3A_1258 = arith.constant 50 : i32
          %mul3A_1259 = arith.muli %scan3A_218, %mul3A_1258 : i32
          %add3A_1260 = arith.addi %mul3A_1259, %scan3A_1257 : i32
          %get3A_1261 = arith.index_cast %add3A_1260 : i32 to index
          %get3A_1262 = arith.constant 0 : index
          %get3A_1263 = tpu.vector_load %arg24[%get3A_1261, %get3A_1262] {strides = array<i32>} : memref<400x64xf32, #tpu.memory_space<vmem>>, vector<16xf32>,
          %mul3A_1264 = arith.mulf %get3A_1263, %get3A_220 : vector<16xf32>
          %mul3A_1265 = arith.constant 50 : i32
          %mul3A_1266 = arith.muli %scan3A_218, %mul3A_1265 : i32
          %add3A_1267 = arith.addi %mul3A_1266, %scan3A_1257 : i32
          %get3A_1268 = arith.index_cast %add3A_1267 : i32 to index
          %get3A_1269 = arith.constant 16 : index
          %get3A_1270 = tpu.vector_load %arg24[%get3A_1268, %get3A_1269] {strides = array<i32>} : memref<400x64xf32, #tpu.memory_space<vmem>>, vector<16xf32>,
          %mul3A_1271 = arith.mulf %get3A_1270, %get3A_223 : vector<16xf32>
          %add3A_1272 = arith.addf %mul3A_1264, %mul3A_1271 : vector<16xf32>
          %mul3A_1273 = arith.constant 50 : i32
          %mul3A_1274 = arith.muli %scan3A_218, %mul3A_1273 : i32
          %add3A_1275 = arith.addi %mul3A_1274, %scan3A_1257 : i32
          %get3A_1276 = arith.index_cast %add3A_1275 : i32 to index
          %get3A_1277 = arith.constant 32 : index
          %get3A_1278 = tpu.vector_load %arg24[%get3A_1276, %get3A_1277] {strides = array<i32>} : memref<400x64xf32, #tpu.memory_space<vmem>>, vector<16xf32>,
          %mul3A_1279 = arith.mulf %get3A_1278, %get3A_226 : vector<16xf32>
          %mul3A_1280 = arith.constant 50 : i32
          %mul3A_1281 = arith.muli %scan3A_218, %mul3A_1280 : i32
          %add3A_1282 = arith.addi %mul3A_1281, %scan3A_1257 : i32
          %get3A_1283 = arith.index_cast %add3A_1282 : i32 to index
          %get3A_1284 = arith.constant 48 : index
          %get3A_1285 = tpu.vector_load %arg24[%get3A_1283, %get3A_1284] {strides = array<i32>} : memref<400x64xf32, #tpu.memory_space<vmem>>, vector<16xf32>,
          %mul3A_1286 = arith.mulf %get3A_1285, %get3A_229 : vector<16xf32>
          %add3A_1287 = arith.addf %mul3A_1279, %mul3A_1286 : vector<16xf32>
          %add3A_1288 = arith.addf %add3A_1272, %add3A_1287 : vector<16xf32>
          %mul3A_1289 = arith.constant 16 : i32
          %mul3A_1290 = arith.muli %scan3A_1257, %mul3A_1289 : i32
          %swap3A_1291 = arith.index_cast %mul3A_1290 : i32 to index
          %swap3A_1292 = tpu.vector_load %arg31[%swap3A_1291] {strides = array<i32>} : memref<800xf32, #tpu.memory_space<vmem>>, vector<16xf32>,
          tpu.vector_store %arg31[%swap3A_1291], %add3A_1288 {strides = array<i32>} : memref<800xf32, #tpu.memory_space<vmem>>, vector<16xf32>,
          %add3A_1293 = arith.addf %add3A_1255, %add3A_1288 : vector<16xf32>
          %scan3A_1294 = arith.constant 5 : i32
          %scan3A_1295 = arith.addi %scan3A_1105, %scan3A_1294 : i32
          %mul3A_1296 = arith.constant 50 : i32
          %mul3A_1297 = arith.muli %scan3A_218, %mul3A_1296 : i32
          %add3A_1298 = arith.addi %mul3A_1297, %scan3A_1295 : i32
          %get3A_1299 = arith.index_cast %add3A_1298 : i32 to index
          %get3A_1300 = arith.constant 0 : index
          %get3A_1301 = tpu.vector_load %arg24[%get3A_1299, %get3A_1300] {strides = array<i32>} : memref<400x64xf32, #tpu.memory_space<vmem>>, vector<16xf32>,
          %mul3A_1302 = arith.mulf %get3A_1301, %get3A_220 : vector<16xf32>
          %mul3A_1303 = arith.constant 50 : i32
          %mul3A_1304 = arith.muli %scan3A_218, %mul3A_1303 : i32
          %add3A_1305 = arith.addi %mul3A_1304, %scan3A_1295 : i32
          %get3A_1306 = arith.index_cast %add3A_1305 : i32 to index
          %get3A_1307 = arith.constant 16 : index
          %get3A_1308 = tpu.vector_load %arg24[%get3A_1306, %get3A_1307] {strides = array<i32>} : memref<400x64xf32, #tpu.memory_space<vmem>>, vector<16xf32>,
          %mul3A_1309 = arith.mulf %get3A_1308, %get3A_223 : vector<16xf32>
          %add3A_1310 = arith.addf %mul3A_1302, %mul3A_1309 : vector<16xf32>
          %mul3A_1311 = arith.constant 50 : i32
          %mul3A_1312 = arith.muli %scan3A_218, %mul3A_1311 : i32
          %add3A_1313 = arith.addi %mul3A_1312, %scan3A_1295 : i32
          %get3A_1314 = arith.index_cast %add3A_1313 : i32 to index
          %get3A_1315 = arith.constant 32 : index
          %get3A_1316 = tpu.vector_load %arg24[%get3A_1314, %get3A_1315] {strides = array<i32>} : memref<400x64xf32, #tpu.memory_space<vmem>>, vector<16xf32>,
          %mul3A_1317 = arith.mulf %get3A_1316, %get3A_226 : vector<16xf32>
          %mul3A_1318 = arith.constant 50 : i32
          %mul3A_1319 = arith.muli %scan3A_218, %mul3A_1318 : i32
          %add3A_1320 = arith.addi %mul3A_1319, %scan3A_1295 : i32
          %get3A_1321 = arith.index_cast %add3A_1320 : i32 to index
          %get3A_1322 = arith.constant 48 : index
          %get3A_1323 = tpu.vector_load %arg24[%get3A_1321, %get3A_1322] {strides = array<i32>} : memref<400x64xf32, #tpu.memory_space<vmem>>, vector<16xf32>,
          %mul3A_1324 = arith.mulf %get3A_1323, %get3A_229 : vector<16xf32>
          %add3A_1325 = arith.addf %mul3A_1317, %mul3A_1324 : vector<16xf32>
          %add3A_1326 = arith.addf %add3A_1310, %add3A_1325 : vector<16xf32>
          %mul3A_1327 = arith.constant 16 : i32
          %mul3A_1328 = arith.muli %scan3A_1295, %mul3A_1327 : i32
          %swap3A_1329 = arith.index_cast %mul3A_1328 : i32 to index
          %swap3A_1330 = tpu.vector_load %arg31[%swap3A_1329] {strides = array<i32>} : memref<800xf32, #tpu.memory_space<vmem>>, vector<16xf32>,
          tpu.vector_store %arg31[%swap3A_1329], %add3A_1326 {strides = array<i32>} : memref<800xf32, #tpu.memory_space<vmem>>, vector<16xf32>,
          %add3A_1331 = arith.addf %add3A_1293, %add3A_1326 : vector<16xf32>
          %scan3A_1332 = arith.constant 6 : i32
          %scan3A_1333 = arith.addi %scan3A_1105, %scan3A_1332 : i32
          %mul3A_1334 = arith.constant 50 : i32
          %mul3A_1335 = arith.muli %scan3A_218, %mul3A_1334 : i32
          %add3A_1336 = arith.addi %mul3A_1335, %scan3A_1333 : i32
          %get3A_1337 = arith.index_cast %add3A_1336 : i32 to index
          %get3A_1338 = arith.constant 0 : index
          %get3A_1339 = tpu.vector_load %arg24[%get3A_1337, %get3A_1338] {strides = array<i32>} : memref<400x64xf32, #tpu.memory_space<vmem>>, vector<16xf32>,
          %mul3A_1340 = arith.mulf %get3A_1339, %get3A_220 : vector<16xf32>
          %mul3A_1341 = arith.constant 50 : i32
          %mul3A_1342 = arith.muli %scan3A_218, %mul3A_1341 : i32
          %add3A_1343 = arith.addi %mul3A_1342, %scan3A_1333 : i32
          %get3A_1344 = arith.index_cast %add3A_1343 : i32 to index
          %get3A_1345 = arith.constant 16 : index
          %get3A_1346 = tpu.vector_load %arg24[%get3A_1344, %get3A_1345] {strides = array<i32>} : memref<400x64xf32, #tpu.memory_space<vmem>>, vector<16xf32>,
          %mul3A_1347 = arith.mulf %get3A_1346, %get3A_223 : vector<16xf32>
          %add3A_1348 = arith.addf %mul3A_1340, %mul3A_1347 : vector<16xf32>
          %mul3A_1349 = arith.constant 50 : i32
          %mul3A_1350 = arith.muli %scan3A_218, %mul3A_1349 : i32
          %add3A_1351 = arith.addi %mul3A_1350, %scan3A_1333 : i32
          %get3A_1352 = arith.index_cast %add3A_1351 : i32 to index
          %get3A_1353 = arith.constant 32 : index
          %get3A_1354 = tpu.vector_load %arg24[%get3A_1352, %get3A_1353] {strides = array<i32>} : memref<400x64xf32, #tpu.memory_space<vmem>>, vector<16xf32>,
          %mul3A_1355 = arith.mulf %get3A_1354, %get3A_226 : vector<16xf32>
          %mul3A_1356 = arith.constant 50 : i32
          %mul3A_1357 = arith.muli %scan3A_218, %mul3A_1356 : i32
          %add3A_1358 = arith.addi %mul3A_1357, %scan3A_1333 : i32
          %get3A_1359 = arith.index_cast %add3A_1358 : i32 to index
          %get3A_1360 = arith.constant 48 : index
          %get3A_1361 = tpu.vector_load %arg24[%get3A_1359, %get3A_1360] {strides = array<i32>} : memref<400x64xf32, #tpu.memory_space<vmem>>, vector<16xf32>,
          %mul3A_1362 = arith.mulf %get3A_1361, %get3A_229 : vector<16xf32>
          %add3A_1363 = arith.addf %mul3A_1355, %mul3A_1362 : vector<16xf32>
          %add3A_1364 = arith.addf %add3A_1348, %add3A_1363 : vector<16xf32>
          %mul3A_1365 = arith.constant 16 : i32
          %mul3A_1366 = arith.muli %scan3A_1333, %mul3A_1365 : i32
          %swap3A_1367 = arith.index_cast %mul3A_1366 : i32 to index
          %swap3A_1368 = tpu.vector_load %arg31[%swap3A_1367] {strides = array<i32>} : memref<800xf32, #tpu.memory_space<vmem>>, vector<16xf32>,
          tpu.vector_store %arg31[%swap3A_1367], %add3A_1364 {strides = array<i32>} : memref<800xf32, #tpu.memory_space<vmem>>, vector<16xf32>,
          %add3A_1369 = arith.addf %add3A_1331, %add3A_1364 : vector<16xf32>
          %scan3A_1370 = arith.constant 7 : i32
          %scan3A_1371 = arith.addi %scan3A_1105, %scan3A_1370 : i32
          %mul3A_1372 = arith.constant 50 : i32
          %mul3A_1373 = arith.muli %scan3A_218, %mul3A_1372 : i32
          %add3A_1374 = arith.addi %mul3A_1373, %scan3A_1371 : i32
          %get3A_1375 = arith.index_cast %add3A_1374 : i32 to index
          %get3A_1376 = arith.constant 0 : index
          %get3A_1377 = tpu.vector_load %arg24[%get3A_1375, %get3A_1376] {strides = array<i32>} : memref<400x64xf32, #tpu.memory_space<vmem>>, vector<16xf32>,
          %mul3A_1378 = arith.mulf %get3A_1377, %get3A_220 : vector<16xf32>
          %mul3A_1379 = arith.constant 50 : i32
          %mul3A_1380 = arith.muli %scan3A_218, %mul3A_1379 : i32
          %add3A_1381 = arith.addi %mul3A_1380, %scan3A_1371 : i32
          %get3A_1382 = arith.index_cast %add3A_1381 : i32 to index
          %get3A_1383 = arith.constant 16 : index
          %get3A_1384 = tpu.vector_load %arg24[%get3A_1382, %get3A_1383] {strides = array<i32>} : memref<400x64xf32, #tpu.memory_space<vmem>>, vector<16xf32>,
          %mul3A_1385 = arith.mulf %get3A_1384, %get3A_223 : vector<16xf32>
          %add3A_1386 = arith.addf %mul3A_1378, %mul3A_1385 : vector<16xf32>
          %mul3A_1387 = arith.constant 50 : i32
          %mul3A_1388 = arith.muli %scan3A_218, %mul3A_1387 : i32
          %add3A_1389 = arith.addi %mul3A_1388, %scan3A_1371 : i32
          %get3A_1390 = arith.index_cast %add3A_1389 : i32 to index
          %get3A_1391 = arith.constant 32 : index
          %get3A_1392 = tpu.vector_load %arg24[%get3A_1390, %get3A_1391] {strides = array<i32>} : memref<400x64xf32, #tpu.memory_space<vmem>>, vector<16xf32>,
          %mul3A_1393 = arith.mulf %get3A_1392, %get3A_226 : vector<16xf32>
          %mul3A_1394 = arith.constant 50 : i32
          %mul3A_1395 = arith.muli %scan3A_218, %mul3A_1394 : i32
          %add3A_1396 = arith.addi %mul3A_1395, %scan3A_1371 : i32
          %get3A_1397 = arith.index_cast %add3A_1396 : i32 to index
          %get3A_1398 = arith.constant 48 : index
          %get3A_1399 = tpu.vector_load %arg24[%get3A_1397, %get3A_1398] {strides = array<i32>} : memref<400x64xf32, #tpu.memory_space<vmem>>, vector<16xf32>,
          %mul3A_1400 = arith.mulf %get3A_1399, %get3A_229 : vector<16xf32>
          %add3A_1401 = arith.addf %mul3A_1393, %mul3A_1400 : vector<16xf32>
          %add3A_1402 = arith.addf %add3A_1386, %add3A_1401 : vector<16xf32>
          %mul3A_1403 = arith.constant 16 : i32
          %mul3A_1404 = arith.muli %scan3A_1371, %mul3A_1403 : i32
          %swap3A_1405 = arith.index_cast %mul3A_1404 : i32 to index
          %swap3A_1406 = tpu.vector_load %arg31[%swap3A_1405] {strides = array<i32>} : memref<800xf32, #tpu.memory_space<vmem>>, vector<16xf32>,
          tpu.vector_store %arg31[%swap3A_1405], %add3A_1402 {strides = array<i32>} : memref<800xf32, #tpu.memory_space<vmem>>, vector<16xf32>,
          %add3A_1407 = arith.addf %add3A_1369, %add3A_1402 : vector<16xf32>
          %scan3A_1408 = arith.constant 8 : i32
          %scan3A_1409 = arith.addi %scan3A_1105, %scan3A_1408 : i32
          %mul3A_1410 = arith.constant 50 : i32
          %mul3A_1411 = arith.muli %scan3A_218, %mul3A_1410 : i32
          %add3A_1412 = arith.addi %mul3A_1411, %scan3A_1409 : i32
          %get3A_1413 = arith.index_cast %add3A_1412 : i32 to index
          %get3A_1414 = arith.constant 0 : index
          %get3A_1415 = tpu.vector_load %arg24[%get3A_1413, %get3A_1414] {strides = array<i32>} : memref<400x64xf32, #tpu.memory_space<vmem>>, vector<16xf32>,
          %mul3A_1416 = arith.mulf %get3A_1415, %get3A_220 : vector<16xf32>
          %mul3A_1417 = arith.constant 50 : i32
          %mul3A_1418 = arith.muli %scan3A_218, %mul3A_1417 : i32
          %add3A_1419 = arith.addi %mul3A_1418, %scan3A_1409 : i32
          %get3A_1420 = arith.index_cast %add3A_1419 : i32 to index
          %get3A_1421 = arith.constant 16 : index
          %get3A_1422 = tpu.vector_load %arg24[%get3A_1420, %get3A_1421] {strides = array<i32>} : memref<400x64xf32, #tpu.memory_space<vmem>>, vector<16xf32>,
          %mul3A_1423 = arith.mulf %get3A_1422, %get3A_223 : vector<16xf32>
          %add3A_1424 = arith.addf %mul3A_1416, %mul3A_1423 : vector<16xf32>
          %mul3A_1425 = arith.constant 50 : i32
          %mul3A_1426 = arith.muli %scan3A_218, %mul3A_1425 : i32
          %add3A_1427 = arith.addi %mul3A_1426, %scan3A_1409 : i32
          %get3A_1428 = arith.index_cast %add3A_1427 : i32 to index
          %get3A_1429 = arith.constant 32 : index
          %get3A_1430 = tpu.vector_load %arg24[%get3A_1428, %get3A_1429] {strides = array<i32>} : memref<400x64xf32, #tpu.memory_space<vmem>>, vector<16xf32>,
          %mul3A_1431 = arith.mulf %get3A_1430, %get3A_226 : vector<16xf32>
          %mul3A_1432 = arith.constant 50 : i32
          %mul3A_1433 = arith.muli %scan3A_218, %mul3A_1432 : i32
          %add3A_1434 = arith.addi %mul3A_1433, %scan3A_1409 : i32
          %get3A_1435 = arith.index_cast %add3A_1434 : i32 to index
          %get3A_1436 = arith.constant 48 : index
          %get3A_1437 = tpu.vector_load %arg24[%get3A_1435, %get3A_1436] {strides = array<i32>} : memref<400x64xf32, #tpu.memory_space<vmem>>, vector<16xf32>,
          %mul3A_1438 = arith.mulf %get3A_1437, %get3A_229 : vector<16xf32>
          %add3A_1439 = arith.addf %mul3A_1431, %mul3A_1438 : vector<16xf32>
          %add3A_1440 = arith.addf %add3A_1424, %add3A_1439 : vector<16xf32>
          %mul3A_1441 = arith.constant 16 : i32
          %mul3A_1442 = arith.muli %scan3A_1409, %mul3A_1441 : i32
          %swap3A_1443 = arith.index_cast %mul3A_1442 : i32 to index
          %swap3A_1444 = tpu.vector_load %arg31[%swap3A_1443] {strides = array<i32>} : memref<800xf32, #tpu.memory_space<vmem>>, vector<16xf32>,
          tpu.vector_store %arg31[%swap3A_1443], %add3A_1440 {strides = array<i32>} : memref<800xf32, #tpu.memory_space<vmem>>, vector<16xf32>,
          %add3A_1445 = arith.addf %add3A_1407, %add3A_1440 : vector<16xf32>
          %scan3A_1446 = arith.constant 9 : i32
          %scan3A_1447 = arith.addi %scan3A_1105, %scan3A_1446 : i32
          %mul3A_1448 = arith.constant 50 : i32
          %mul3A_1449 = arith.muli %scan3A_218, %mul3A_1448 : i32
          %add3A_1450 = arith.addi %mul3A_1449, %scan3A_1447 : i32
          %get3A_1451 = arith.index_cast %add3A_1450 : i32 to index
          %get3A_1452 = arith.constant 0 : index
          %get3A_1453 = tpu.vector_load %arg24[%get3A_1451, %get3A_1452] {strides = array<i32>} : memref<400x64xf32, #tpu.memory_space<vmem>>, vector<16xf32>,
          %mul3A_1454 = arith.mulf %get3A_1453, %get3A_220 : vector<16xf32>
          %mul3A_1455 = arith.constant 50 : i32
          %mul3A_1456 = arith.muli %scan3A_218, %mul3A_1455 : i32
          %add3A_1457 = arith.addi %mul3A_1456, %scan3A_1447 : i32
          %get3A_1458 = arith.index_cast %add3A_1457 : i32 to index
          %get3A_1459 = arith.constant 16 : index
          %get3A_1460 = tpu.vector_load %arg24[%get3A_1458, %get3A_1459] {strides = array<i32>} : memref<400x64xf32, #tpu.memory_space<vmem>>, vector<16xf32>,
          %mul3A_1461 = arith.mulf %get3A_1460, %get3A_223 : vector<16xf32>
          %add3A_1462 = arith.addf %mul3A_1454, %mul3A_1461 : vector<16xf32>
          %mul3A_1463 = arith.constant 50 : i32
          %mul3A_1464 = arith.muli %scan3A_218, %mul3A_1463 : i32
          %add3A_1465 = arith.addi %mul3A_1464, %scan3A_1447 : i32
          %get3A_1466 = arith.index_cast %add3A_1465 : i32 to index
          %get3A_1467 = arith.constant 32 : index
          %get3A_1468 = tpu.vector_load %arg24[%get3A_1466, %get3A_1467] {strides = array<i32>} : memref<400x64xf32, #tpu.memory_space<vmem>>, vector<16xf32>,
          %mul3A_1469 = arith.mulf %get3A_1468, %get3A_226 : vector<16xf32>
          %mul3A_1470 = arith.constant 50 : i32
          %mul3A_1471 = arith.muli %scan3A_218, %mul3A_1470 : i32
          %add3A_1472 = arith.addi %mul3A_1471, %scan3A_1447 : i32
          %get3A_1473 = arith.index_cast %add3A_1472 : i32 to index
          %get3A_1474 = arith.constant 48 : index
          %get3A_1475 = tpu.vector_load %arg24[%get3A_1473, %get3A_1474] {strides = array<i32>} : memref<400x64xf32, #tpu.memory_space<vmem>>, vector<16xf32>,
          %mul3A_1476 = arith.mulf %get3A_1475, %get3A_229 : vector<16xf32>
          %add3A_1477 = arith.addf %mul3A_1469, %mul3A_1476 : vector<16xf32>
          %add3A_1478 = arith.addf %add3A_1462, %add3A_1477 : vector<16xf32>
          %mul3A_1479 = arith.constant 16 : i32
          %mul3A_1480 = arith.muli %scan3A_1447, %mul3A_1479 : i32
          %swap3A_1481 = arith.index_cast %mul3A_1480 : i32 to index
          %swap3A_1482 = tpu.vector_load %arg31[%swap3A_1481] {strides = array<i32>} : memref<800xf32, #tpu.memory_space<vmem>>, vector<16xf32>,
          tpu.vector_store %arg31[%swap3A_1481], %add3A_1478 {strides = array<i32>} : memref<800xf32, #tpu.memory_space<vmem>>, vector<16xf32>,
          %add3A_1483 = arith.addf %add3A_1445, %add3A_1478 : vector<16xf32>
          scf.yield %add3A_1483 : vector<16xf32>
        }
        %scan3A_721 = arith.constant 50 : i32
        %add3A_722 = arith.constant 0 : i32
        %add3A_723 = vector.broadcast %add3A_722 : i32 to vector<16xi32>
        %add3A_724 = arith.addi %mul3A_5, %add3A_723 : vector<16xi32>
        %gather3A_725 = tpu.vector_load_idx %arg31[%add3A_724] : memref<800xf32, #tpu.memory_space<vmem>>[vector<16xi32>], vector<16xf32>,
        %add3A_726 = arith.constant 1 : i32
        %add3A_727 = vector.broadcast %add3A_726 : i32 to vector<16xi32>
        %add3A_728 = arith.addi %mul3A_5, %add3A_727 : vector<16xi32>
        %gather3A_729 = tpu.vector_load_idx %arg31[%add3A_728] : memref<800xf32, #tpu.memory_space<vmem>>[vector<16xi32>], vector<16xf32>,
        %add3A_730 = arith.constant 2 : i32
        %add3A_731 = vector.broadcast %add3A_730 : i32 to vector<16xi32>
        %add3A_732 = arith.addi %mul3A_5, %add3A_731 : vector<16xi32>
        %gather3A_733 = tpu.vector_load_idx %arg31[%add3A_732] : memref<800xf32, #tpu.memory_space<vmem>>[vector<16xi32>], vector<16xf32>,
        %add3A_734 = arith.constant 3 : i32
        %add3A_735 = vector.broadcast %add3A_734 : i32 to vector<16xi32>
        %add3A_736 = arith.addi %mul3A_5, %add3A_735 : vector<16xi32>
        %gather3A_737 = tpu.vector_load_idx %arg31[%add3A_736] : memref<800xf32, #tpu.memory_space<vmem>>[vector<16xi32>], vector<16xf32>,
        %add3A_738 = arith.constant 4 : i32
        %add3A_739 = vector.broadcast %add3A_738 : i32 to vector<16xi32>
        %add3A_740 = arith.addi %mul3A_5, %add3A_739 : vector<16xi32>
        %gather3A_741 = tpu.vector_load_idx %arg31[%add3A_740] : memref<800xf32, #tpu.memory_space<vmem>>[vector<16xi32>], vector<16xf32>,
        %add3A_742 = arith.constant 5 : i32
        %add3A_743 = vector.broadcast %add3A_742 : i32 to vector<16xi32>
        %add3A_744 = arith.addi %mul3A_5, %add3A_743 : vector<16xi32>
        %gather3A_745 = tpu.vector_load_idx %arg31[%add3A_744] : memref<800xf32, #tpu.memory_space<vmem>>[vector<16xi32>], vector<16xf32>,
        %add3A_746 = arith.constant 6 : i32
        %add3A_747 = vector.broadcast %add3A_746 : i32 to vector<16xi32>
        %add3A_748 = arith.addi %mul3A_5, %add3A_747 : vector<16xi32>
        %gather3A_749 = tpu.vector_load_idx %arg31[%add3A_748] : memref<800xf32, #tpu.memory_space<vmem>>[vector<16xi32>], vector<16xf32>,
        %add3A_750 = arith.constant 7 : i32
        %add3A_751 = vector.broadcast %add3A_750 : i32 to vector<16xi32>
        %add3A_752 = arith.addi %mul3A_5, %add3A_751 : vector<16xi32>
        %gather3A_753 = tpu.vector_load_idx %arg31[%add3A_752] : memref<800xf32, #tpu.memory_space<vmem>>[vector<16xi32>], vector<16xf32>,
        %add3A_754 = arith.constant 8 : i32
        %add3A_755 = vector.broadcast %add3A_754 : i32 to vector<16xi32>
        %add3A_756 = arith.addi %mul3A_5, %add3A_755 : vector<16xi32>
        %gather3A_757 = tpu.vector_load_idx %arg31[%add3A_756] : memref<800xf32, #tpu.memory_space<vmem>>[vector<16xi32>], vector<16xf32>,
        %add3A_758 = arith.constant 9 : i32
        %add3A_759 = vector.broadcast %add3A_758 : i32 to vector<16xi32>
        %add3A_760 = arith.addi %mul3A_5, %add3A_759 : vector<16xi32>
        %gather3A_761 = tpu.vector_load_idx %arg31[%add3A_760] : memref<800xf32, #tpu.memory_space<vmem>>[vector<16xi32>], vector<16xf32>,
        %add3A_762 = arith.constant 10 : i32
        %add3A_763 = vector.broadcast %add3A_762 : i32 to vector<16xi32>
        %add3A_764 = arith.addi %mul3A_5, %add3A_763 : vector<16xi32>
        %gather3A_765 = tpu.vector_load_idx %arg31[%add3A_764] : memref<800xf32, #tpu.memory_space<vmem>>[vector<16xi32>], vector<16xf32>,
        %add3A_766 = arith.constant 11 : i32
        %add3A_767 = vector.broadcast %add3A_766 : i32 to vector<16xi32>
        %add3A_768 = arith.addi %mul3A_5, %add3A_767 : vector<16xi32>
        %gather3A_769 = tpu.vector_load_idx %arg31[%add3A_768] : memref<800xf32, #tpu.memory_space<vmem>>[vector<16xi32>], vector<16xf32>,
        %add3A_770 = arith.constant 12 : i32
        %add3A_771 = vector.broadcast %add3A_770 : i32 to vector<16xi32>
        %add3A_772 = arith.addi %mul3A_5, %add3A_771 : vector<16xi32>
        %gather3A_773 = tpu.vector_load_idx %arg31[%add3A_772] : memref<800xf32, #tpu.memory_space<vmem>>[vector<16xi32>], vector<16xf32>,
        %add3A_774 = arith.constant 13 : i32
        %add3A_775 = vector.broadcast %add3A_774 : i32 to vector<16xi32>
        %add3A_776 = arith.addi %mul3A_5, %add3A_775 : vector<16xi32>
        %gather3A_777 = tpu.vector_load_idx %arg31[%add3A_776] : memref<800xf32, #tpu.memory_space<vmem>>[vector<16xi32>], vector<16xf32>,
        %add3A_778 = arith.constant 14 : i32
        %add3A_779 = vector.broadcast %add3A_778 : i32 to vector<16xi32>
        %add3A_780 = arith.addi %mul3A_5, %add3A_779 : vector<16xi32>
        %gather3A_781 = tpu.vector_load_idx %arg31[%add3A_780] : memref<800xf32, #tpu.memory_space<vmem>>[vector<16xi32>], vector<16xf32>,
        %add3A_782 = arith.constant 15 : i32
        %add3A_783 = vector.broadcast %add3A_782 : i32 to vector<16xi32>
        %add3A_784 = arith.addi %mul3A_5, %add3A_783 : vector<16xi32>
        %gather3A_785 = tpu.vector_load_idx %arg31[%add3A_784] : memref<800xf32, #tpu.memory_space<vmem>>[vector<16xi32>], vector<16xf32>,
        %add3A_786 = arith.addf %gather3A_725, %gather3A_729 : vector<16xf32>
        %add3A_787 = arith.addf %gather3A_733, %gather3A_737 : vector<16xf32>
        %add3A_788 = arith.addf %gather3A_741, %gather3A_745 : vector<16xf32>
        %add3A_789 = arith.addf %gather3A_749, %gather3A_753 : vector<16xf32>
        %add3A_790 = arith.addf %gather3A_757, %gather3A_761 : vector<16xf32>
        %add3A_791 = arith.addf %gather3A_765, %gather3A_769 : vector<16xf32>
        %add3A_792 = arith.addf %gather3A_773, %gather3A_777 : vector<16xf32>
        %add3A_793 = arith.addf %gather3A_781, %gather3A_785 : vector<16xf32>
        %add3A_794 = arith.addf %add3A_786, %add3A_787 : vector<16xf32>
        %add3A_795 = arith.addf %add3A_788, %add3A_789 : vector<16xf32>
        %add3A_796 = arith.addf %add3A_790, %add3A_791 : vector<16xf32>
        %add3A_797 = arith.addf %add3A_792, %add3A_793 : vector<16xf32>
        %add3A_798 = arith.addf %add3A_794, %add3A_795 : vector<16xf32>
        %add3A_799 = arith.addf %add3A_796, %add3A_797 : vector<16xf32>
        %add3A_800 = arith.addf %add3A_798, %add3A_799 : vector<16xf32>
        %mul3A_801 = arith.constant 50 : i32
        %mul3A_802 = arith.muli %scan3A_218, %mul3A_801 : i32
        %add3A_803 = arith.constant 0 : i32
        %add3A_804 = arith.addi %mul3A_802, %add3A_803 : i32
        %broadcast_in_dim3A_805 = vector.broadcast %add3A_804 : i32 to vector<16xi32>
        %add3A_806 = arith.addi %broadcast_in_dim3A_805, %iota3A : vector<16xi32>
        tpu.vector_store_idx %arg28[%add3A_806], %add3A_800 : memref<400xf32, #tpu.memory_space<vmem>>[vector<16xi32>], vector<16xf32>,
        %add3A_807 = arith.constant 256 : i32
        %add3A_808 = vector.broadcast %add3A_807 : i32 to vector<16xi32>
        %add3A_809 = arith.addi %mul3A_5, %add3A_808 : vector<16xi32>
        %gather3A_810 = tpu.vector_load_idx %arg31[%add3A_809] : memref<800xf32, #tpu.memory_space<vmem>>[vector<16xi32>], vector<16xf32>,
        %add3A_811 = arith.constant 257 : i32
        %add3A_812 = vector.broadcast %add3A_811 : i32 to vector<16xi32>
        %add3A_813 = arith.addi %mul3A_5, %add3A_812 : vector<16xi32>
        %gather3A_814 = tpu.vector_load_idx %arg31[%add3A_813] : memref<800xf32, #tpu.memory_space<vmem>>[vector<16xi32>], vector<16xf32>,
        %add3A_815 = arith.constant 258 : i32
        %add3A_816 = vector.broadcast %add3A_815 : i32 to vector<16xi32>
        %add3A_817 = arith.addi %mul3A_5, %add3A_816 : vector<16xi32>
        %gather3A_818 = tpu.vector_load_idx %arg31[%add3A_817] : memref<800xf32, #tpu.memory_space<vmem>>[vector<16xi32>], vector<16xf32>,
        %add3A_819 = arith.constant 259 : i32
        %add3A_820 = vector.broadcast %add3A_819 : i32 to vector<16xi32>
        %add3A_821 = arith.addi %mul3A_5, %add3A_820 : vector<16xi32>
        %gather3A_822 = tpu.vector_load_idx %arg31[%add3A_821] : memref<800xf32, #tpu.memory_space<vmem>>[vector<16xi32>], vector<16xf32>,
        %add3A_823 = arith.constant 260 : i32
        %add3A_824 = vector.broadcast %add3A_823 : i32 to vector<16xi32>
        %add3A_825 = arith.addi %mul3A_5, %add3A_824 : vector<16xi32>
        %gather3A_826 = tpu.vector_load_idx %arg31[%add3A_825] : memref<800xf32, #tpu.memory_space<vmem>>[vector<16xi32>], vector<16xf32>,
        %add3A_827 = arith.constant 261 : i32
        %add3A_828 = vector.broadcast %add3A_827 : i32 to vector<16xi32>
        %add3A_829 = arith.addi %mul3A_5, %add3A_828 : vector<16xi32>
        %gather3A_830 = tpu.vector_load_idx %arg31[%add3A_829] : memref<800xf32, #tpu.memory_space<vmem>>[vector<16xi32>], vector<16xf32>,
        %add3A_831 = arith.constant 262 : i32
        %add3A_832 = vector.broadcast %add3A_831 : i32 to vector<16xi32>
        %add3A_833 = arith.addi %mul3A_5, %add3A_832 : vector<16xi32>
        %gather3A_834 = tpu.vector_load_idx %arg31[%add3A_833] : memref<800xf32, #tpu.memory_space<vmem>>[vector<16xi32>], vector<16xf32>,
        %add3A_835 = arith.constant 263 : i32
        %add3A_836 = vector.broadcast %add3A_835 : i32 to vector<16xi32>
        %add3A_837 = arith.addi %mul3A_5, %add3A_836 : vector<16xi32>
        %gather3A_838 = tpu.vector_load_idx %arg31[%add3A_837] : memref<800xf32, #tpu.memory_space<vmem>>[vector<16xi32>], vector<16xf32>,
        %add3A_839 = arith.constant 264 : i32
        %add3A_840 = vector.broadcast %add3A_839 : i32 to vector<16xi32>
        %add3A_841 = arith.addi %mul3A_5, %add3A_840 : vector<16xi32>
        %gather3A_842 = tpu.vector_load_idx %arg31[%add3A_841] : memref<800xf32, #tpu.memory_space<vmem>>[vector<16xi32>], vector<16xf32>,
        %add3A_843 = arith.constant 265 : i32
        %add3A_844 = vector.broadcast %add3A_843 : i32 to vector<16xi32>
        %add3A_845 = arith.addi %mul3A_5, %add3A_844 : vector<16xi32>
        %gather3A_846 = tpu.vector_load_idx %arg31[%add3A_845] : memref<800xf32, #tpu.memory_space<vmem>>[vector<16xi32>], vector<16xf32>,
        %add3A_847 = arith.constant 266 : i32
        %add3A_848 = vector.broadcast %add3A_847 : i32 to vector<16xi32>
        %add3A_849 = arith.addi %mul3A_5, %add3A_848 : vector<16xi32>
        %gather3A_850 = tpu.vector_load_idx %arg31[%add3A_849] : memref<800xf32, #tpu.memory_space<vmem>>[vector<16xi32>], vector<16xf32>,
        %add3A_851 = arith.constant 267 : i32
        %add3A_852 = vector.broadcast %add3A_851 : i32 to vector<16xi32>
        %add3A_853 = arith.addi %mul3A_5, %add3A_852 : vector<16xi32>
        %gather3A_854 = tpu.vector_load_idx %arg31[%add3A_853] : memref<800xf32, #tpu.memory_space<vmem>>[vector<16xi32>], vector<16xf32>,
        %add3A_855 = arith.constant 268 : i32
        %add3A_856 = vector.broadcast %add3A_855 : i32 to vector<16xi32>
        %add3A_857 = arith.addi %mul3A_5, %add3A_856 : vector<16xi32>
        %gather3A_858 = tpu.vector_load_idx %arg31[%add3A_857] : memref<800xf32, #tpu.memory_space<vmem>>[vector<16xi32>], vector<16xf32>,
        %add3A_859 = arith.constant 269 : i32
        %add3A_860 = vector.broadcast %add3A_859 : i32 to vector<16xi32>
        %add3A_861 = arith.addi %mul3A_5, %add3A_860 : vector<16xi32>
        %gather3A_862 = tpu.vector_load_idx %arg31[%add3A_861] : memref<800xf32, #tpu.memory_space<vmem>>[vector<16xi32>], vector<16xf32>,
        %add3A_863 = arith.constant 270 : i32
        %add3A_864 = vector.broadcast %add3A_863 : i32 to vector<16xi32>
        %add3A_865 = arith.addi %mul3A_5, %add3A_864 : vector<16xi32>
        %gather3A_866 = tpu.vector_load_idx %arg31[%add3A_865] : memref<800xf32, #tpu.memory_space<vmem>>[vector<16xi32>], vector<16xf32>,
        %add3A_867 = arith.constant 271 : i32
        %add3A_868 = vector.broadcast %add3A_867 : i32 to vector<16xi32>
        %add3A_869 = arith.addi %mul3A_5, %add3A_868 : vector<16xi32>
        %gather3A_870 = tpu.vector_load_idx %arg31[%add3A_869] : memref<800xf32, #tpu.memory_space<vmem>>[vector<16xi32>], vector<16xf32>,
        %add3A_871 = arith.addf %gather3A_810, %gather3A_814 : vector<16xf32>
        %add3A_872 = arith.addf %gather3A_818, %gather3A_822 : vector<16xf32>
        %add3A_873 = arith.addf %gather3A_826, %gather3A_830 : vector<16xf32>
        %add3A_874 = arith.addf %gather3A_834, %gather3A_838 : vector<16xf32>
        %add3A_875 = arith.addf %gather3A_842, %gather3A_846 : vector<16xf32>
        %add3A_876 = arith.addf %gather3A_850, %gather3A_854 : vector<16xf32>
        %add3A_877 = arith.addf %gather3A_858, %gather3A_862 : vector<16xf32>
        %add3A_878 = arith.addf %gather3A_866, %gather3A_870 : vector<16xf32>
        %add3A_879 = arith.addf %add3A_871, %add3A_872 : vector<16xf32>
        %add3A_880 = arith.addf %add3A_873, %add3A_874 : vector<16xf32>
        %add3A_881 = arith.addf %add3A_875, %add3A_876 : vector<16xf32>
        %add3A_882 = arith.addf %add3A_877, %add3A_878 : vector<16xf32>
        %add3A_883 = arith.addf %add3A_879, %add3A_880 : vector<16xf32>
        %add3A_884 = arith.addf %add3A_881, %add3A_882 : vector<16xf32>
        %add3A_885 = arith.addf %add3A_883, %add3A_884 : vector<16xf32>
        %mul3A_886 = arith.constant 50 : i32
        %mul3A_887 = arith.muli %scan3A_218, %mul3A_886 : i32
        %add3A_888 = arith.constant 16 : i32
        %add3A_889 = arith.addi %mul3A_887, %add3A_888 : i32
        %broadcast_in_dim3A_890 = vector.broadcast %add3A_889 : i32 to vector<16xi32>
        %add3A_891 = arith.addi %broadcast_in_dim3A_890, %iota3A : vector<16xi32>
        tpu.vector_store_idx %arg28[%add3A_891], %add3A_885 : memref<400xf32, #tpu.memory_space<vmem>>[vector<16xi32>], vector<16xf32>,
        %add3A_892 = arith.constant 512 : i32
        %add3A_893 = vector.broadcast %add3A_892 : i32 to vector<16xi32>
        %add3A_894 = arith.addi %mul3A_5, %add3A_893 : vector<16xi32>
        %gather3A_895 = tpu.vector_load_idx %arg31[%add3A_894] : memref<800xf32, #tpu.memory_space<vmem>>[vector<16xi32>], vector<16xf32>,
        %add3A_896 = arith.constant 513 : i32
        %add3A_897 = vector.broadcast %add3A_896 : i32 to vector<16xi32>
        %add3A_898 = arith.addi %mul3A_5, %add3A_897 : vector<16xi32>
        %gather3A_899 = tpu.vector_load_idx %arg31[%add3A_898] : memref<800xf32, #tpu.memory_space<vmem>>[vector<16xi32>], vector<16xf32>,
        %add3A_900 = arith.constant 514 : i32
        %add3A_901 = vector.broadcast %add3A_900 : i32 to vector<16xi32>
        %add3A_902 = arith.addi %mul3A_5, %add3A_901 : vector<16xi32>
        %gather3A_903 = tpu.vector_load_idx %arg31[%add3A_902] : memref<800xf32, #tpu.memory_space<vmem>>[vector<16xi32>], vector<16xf32>,
        %add3A_904 = arith.constant 515 : i32
        %add3A_905 = vector.broadcast %add3A_904 : i32 to vector<16xi32>
        %add3A_906 = arith.addi %mul3A_5, %add3A_905 : vector<16xi32>
        %gather3A_907 = tpu.vector_load_idx %arg31[%add3A_906] : memref<800xf32, #tpu.memory_space<vmem>>[vector<16xi32>], vector<16xf32>,
        %add3A_908 = arith.constant 516 : i32
        %add3A_909 = vector.broadcast %add3A_908 : i32 to vector<16xi32>
        %add3A_910 = arith.addi %mul3A_5, %add3A_909 : vector<16xi32>
        %gather3A_911 = tpu.vector_load_idx %arg31[%add3A_910] : memref<800xf32, #tpu.memory_space<vmem>>[vector<16xi32>], vector<16xf32>,
        %add3A_912 = arith.constant 517 : i32
        %add3A_913 = vector.broadcast %add3A_912 : i32 to vector<16xi32>
        %add3A_914 = arith.addi %mul3A_5, %add3A_913 : vector<16xi32>
        %gather3A_915 = tpu.vector_load_idx %arg31[%add3A_914] : memref<800xf32, #tpu.memory_space<vmem>>[vector<16xi32>], vector<16xf32>,
        %add3A_916 = arith.constant 518 : i32
        %add3A_917 = vector.broadcast %add3A_916 : i32 to vector<16xi32>
        %add3A_918 = arith.addi %mul3A_5, %add3A_917 : vector<16xi32>
        %gather3A_919 = tpu.vector_load_idx %arg31[%add3A_918] : memref<800xf32, #tpu.memory_space<vmem>>[vector<16xi32>], vector<16xf32>,
        %add3A_920 = arith.constant 519 : i32
        %add3A_921 = vector.broadcast %add3A_920 : i32 to vector<16xi32>
        %add3A_922 = arith.addi %mul3A_5, %add3A_921 : vector<16xi32>
        %gather3A_923 = tpu.vector_load_idx %arg31[%add3A_922] : memref<800xf32, #tpu.memory_space<vmem>>[vector<16xi32>], vector<16xf32>,
        %add3A_924 = arith.constant 520 : i32
        %add3A_925 = vector.broadcast %add3A_924 : i32 to vector<16xi32>
        %add3A_926 = arith.addi %mul3A_5, %add3A_925 : vector<16xi32>
        %gather3A_927 = tpu.vector_load_idx %arg31[%add3A_926] : memref<800xf32, #tpu.memory_space<vmem>>[vector<16xi32>], vector<16xf32>,
        %add3A_928 = arith.constant 521 : i32
        %add3A_929 = vector.broadcast %add3A_928 : i32 to vector<16xi32>
        %add3A_930 = arith.addi %mul3A_5, %add3A_929 : vector<16xi32>
        %gather3A_931 = tpu.vector_load_idx %arg31[%add3A_930] : memref<800xf32, #tpu.memory_space<vmem>>[vector<16xi32>], vector<16xf32>,
        %add3A_932 = arith.constant 522 : i32
        %add3A_933 = vector.broadcast %add3A_932 : i32 to vector<16xi32>
        %add3A_934 = arith.addi %mul3A_5, %add3A_933 : vector<16xi32>
        %gather3A_935 = tpu.vector_load_idx %arg31[%add3A_934] : memref<800xf32, #tpu.memory_space<vmem>>[vector<16xi32>], vector<16xf32>,
        %add3A_936 = arith.constant 523 : i32
        %add3A_937 = vector.broadcast %add3A_936 : i32 to vector<16xi32>
        %add3A_938 = arith.addi %mul3A_5, %add3A_937 : vector<16xi32>
        %gather3A_939 = tpu.vector_load_idx %arg31[%add3A_938] : memref<800xf32, #tpu.memory_space<vmem>>[vector<16xi32>], vector<16xf32>,
        %add3A_940 = arith.constant 524 : i32
        %add3A_941 = vector.broadcast %add3A_940 : i32 to vector<16xi32>
        %add3A_942 = arith.addi %mul3A_5, %add3A_941 : vector<16xi32>
        %gather3A_943 = tpu.vector_load_idx %arg31[%add3A_942] : memref<800xf32, #tpu.memory_space<vmem>>[vector<16xi32>], vector<16xf32>,
        %add3A_944 = arith.constant 525 : i32
        %add3A_945 = vector.broadcast %add3A_944 : i32 to vector<16xi32>
        %add3A_946 = arith.addi %mul3A_5, %add3A_945 : vector<16xi32>
        %gather3A_947 = tpu.vector_load_idx %arg31[%add3A_946] : memref<800xf32, #tpu.memory_space<vmem>>[vector<16xi32>], vector<16xf32>,
        %add3A_948 = arith.constant 526 : i32
        %add3A_949 = vector.broadcast %add3A_948 : i32 to vector<16xi32>
        %add3A_950 = arith.addi %mul3A_5, %add3A_949 : vector<16xi32>
        %gather3A_951 = tpu.vector_load_idx %arg31[%add3A_950] : memref<800xf32, #tpu.memory_space<vmem>>[vector<16xi32>], vector<16xf32>,
        %add3A_952 = arith.constant 527 : i32
        %add3A_953 = vector.broadcast %add3A_952 : i32 to vector<16xi32>
        %add3A_954 = arith.addi %mul3A_5, %add3A_953 : vector<16xi32>
        %gather3A_955 = tpu.vector_load_idx %arg31[%add3A_954] : memref<800xf32, #tpu.memory_space<vmem>>[vector<16xi32>], vector<16xf32>,
        %add3A_956 = arith.addf %gather3A_895, %gather3A_899 : vector<16xf32>
        %add3A_957 = arith.addf %gather3A_903, %gather3A_907 : vector<16xf32>
        %add3A_958 = arith.addf %gather3A_911, %gather3A_915 : vector<16xf32>
        %add3A_959 = arith.addf %gather3A_919, %gather3A_923 : vector<16xf32>
        %add3A_960 = arith.addf %gather3A_927, %gather3A_931 : vector<16xf32>
        %add3A_961 = arith.addf %gather3A_935, %gather3A_939 : vector<16xf32>
        %add3A_962 = arith.addf %gather3A_943, %gather3A_947 : vector<16xf32>
        %add3A_963 = arith.addf %gather3A_951, %gather3A_955 : vector<16xf32>
        %add3A_964 = arith.addf %add3A_956, %add3A_957 : vector<16xf32>
        %add3A_965 = arith.addf %add3A_958, %add3A_959 : vector<16xf32>
        %add3A_966 = arith.addf %add3A_960, %add3A_961 : vector<16xf32>
        %add3A_967 = arith.addf %add3A_962, %add3A_963 : vector<16xf32>
        %add3A_968 = arith.addf %add3A_964, %add3A_965 : vector<16xf32>
        %add3A_969 = arith.addf %add3A_966, %add3A_967 : vector<16xf32>
        %add3A_970 = arith.addf %add3A_968, %add3A_969 : vector<16xf32>
        %mul3A_971 = arith.constant 50 : i32
        %mul3A_972 = arith.muli %scan3A_218, %mul3A_971 : i32
        %add3A_973 = arith.constant 32 : i32
        %add3A_974 = arith.addi %mul3A_972, %add3A_973 : i32
        %broadcast_in_dim3A_975 = vector.broadcast %add3A_974 : i32 to vector<16xi32>
        %add3A_976 = arith.addi %broadcast_in_dim3A_975, %iota3A : vector<16xi32>
        tpu.vector_store_idx %arg28[%add3A_976], %add3A_970 : memref<400xf32, #tpu.memory_space<vmem>>[vector<16xi32>], vector<16xf32>,
        %add3A_977 = arith.constant 768 : i32
        %add3A_978 = vector.broadcast %add3A_977 : i32 to vector<16xi32>
        %add3A_979 = arith.addi %mul3A_5, %add3A_978 : vector<16xi32>
        %gather3A_980 = tpu.vector_load_idx %arg31[%add3A_979] : memref<800xf32, #tpu.memory_space<vmem>>[vector<16xi32>], vector<16xf32>,
        %add3A_981 = arith.constant 769 : i32
        %add3A_982 = vector.broadcast %add3A_981 : i32 to vector<16xi32>
        %add3A_983 = arith.addi %mul3A_5, %add3A_982 : vector<16xi32>
        %gather3A_984 = tpu.vector_load_idx %arg31[%add3A_983] : memref<800xf32, #tpu.memory_space<vmem>>[vector<16xi32>], vector<16xf32>,
        %add3A_985 = arith.constant 770 : i32
        %add3A_986 = vector.broadcast %add3A_985 : i32 to vector<16xi32>
        %add3A_987 = arith.addi %mul3A_5, %add3A_986 : vector<16xi32>
        %gather3A_988 = tpu.vector_load_idx %arg31[%add3A_987] : memref<800xf32, #tpu.memory_space<vmem>>[vector<16xi32>], vector<16xf32>,
        %add3A_989 = arith.constant 771 : i32
        %add3A_990 = vector.broadcast %add3A_989 : i32 to vector<16xi32>
        %add3A_991 = arith.addi %mul3A_5, %add3A_990 : vector<16xi32>
        %gather3A_992 = tpu.vector_load_idx %arg31[%add3A_991] : memref<800xf32, #tpu.memory_space<vmem>>[vector<16xi32>], vector<16xf32>,
        %add3A_993 = arith.constant 772 : i32
        %add3A_994 = vector.broadcast %add3A_993 : i32 to vector<16xi32>
        %add3A_995 = arith.addi %mul3A_5, %add3A_994 : vector<16xi32>
        %gather3A_996 = tpu.vector_load_idx %arg31[%add3A_995] : memref<800xf32, #tpu.memory_space<vmem>>[vector<16xi32>], vector<16xf32>,
        %add3A_997 = arith.constant 773 : i32
        %add3A_998 = vector.broadcast %add3A_997 : i32 to vector<16xi32>
        %add3A_999 = arith.addi %mul3A_5, %add3A_998 : vector<16xi32>
        %gather3A_1000 = tpu.vector_load_idx %arg31[%add3A_999] : memref<800xf32, #tpu.memory_space<vmem>>[vector<16xi32>], vector<16xf32>,
        %add3A_1001 = arith.constant 774 : i32
        %add3A_1002 = vector.broadcast %add3A_1001 : i32 to vector<16xi32>
        %add3A_1003 = arith.addi %mul3A_5, %add3A_1002 : vector<16xi32>
        %gather3A_1004 = tpu.vector_load_idx %arg31[%add3A_1003] : memref<800xf32, #tpu.memory_space<vmem>>[vector<16xi32>], vector<16xf32>,
        %add3A_1005 = arith.constant 775 : i32
        %add3A_1006 = vector.broadcast %add3A_1005 : i32 to vector<16xi32>
        %add3A_1007 = arith.addi %mul3A_5, %add3A_1006 : vector<16xi32>
        %gather3A_1008 = tpu.vector_load_idx %arg31[%add3A_1007] : memref<800xf32, #tpu.memory_space<vmem>>[vector<16xi32>], vector<16xf32>,
        %add3A_1009 = arith.constant 776 : i32
        %add3A_1010 = vector.broadcast %add3A_1009 : i32 to vector<16xi32>
        %add3A_1011 = arith.addi %mul3A_5, %add3A_1010 : vector<16xi32>
        %gather3A_1012 = tpu.vector_load_idx %arg31[%add3A_1011] : memref<800xf32, #tpu.memory_space<vmem>>[vector<16xi32>], vector<16xf32>,
        %add3A_1013 = arith.constant 777 : i32
        %add3A_1014 = vector.broadcast %add3A_1013 : i32 to vector<16xi32>
        %add3A_1015 = arith.addi %mul3A_5, %add3A_1014 : vector<16xi32>
        %gather3A_1016 = tpu.vector_load_idx %arg31[%add3A_1015] : memref<800xf32, #tpu.memory_space<vmem>>[vector<16xi32>], vector<16xf32>,
        %add3A_1017 = arith.constant 778 : i32
        %add3A_1018 = vector.broadcast %add3A_1017 : i32 to vector<16xi32>
        %add3A_1019 = arith.addi %mul3A_5, %add3A_1018 : vector<16xi32>
        %gather3A_1020 = tpu.vector_load_idx %arg31[%add3A_1019] : memref<800xf32, #tpu.memory_space<vmem>>[vector<16xi32>], vector<16xf32>,
        %add3A_1021 = arith.constant 779 : i32
        %add3A_1022 = vector.broadcast %add3A_1021 : i32 to vector<16xi32>
        %add3A_1023 = arith.addi %mul3A_5, %add3A_1022 : vector<16xi32>
        %gather3A_1024 = tpu.vector_load_idx %arg31[%add3A_1023] : memref<800xf32, #tpu.memory_space<vmem>>[vector<16xi32>], vector<16xf32>,
        %add3A_1025 = arith.constant 780 : i32
        %add3A_1026 = vector.broadcast %add3A_1025 : i32 to vector<16xi32>
        %add3A_1027 = arith.addi %mul3A_5, %add3A_1026 : vector<16xi32>
        %gather3A_1028 = tpu.vector_load_idx %arg31[%add3A_1027] : memref<800xf32, #tpu.memory_space<vmem>>[vector<16xi32>], vector<16xf32>,
        %add3A_1029 = arith.constant 781 : i32
        %add3A_1030 = vector.broadcast %add3A_1029 : i32 to vector<16xi32>
        %add3A_1031 = arith.addi %mul3A_5, %add3A_1030 : vector<16xi32>
        %gather3A_1032 = tpu.vector_load_idx %arg31[%add3A_1031] : memref<800xf32, #tpu.memory_space<vmem>>[vector<16xi32>], vector<16xf32>,
        %add3A_1033 = arith.constant 782 : i32
        %add3A_1034 = vector.broadcast %add3A_1033 : i32 to vector<16xi32>
        %add3A_1035 = arith.addi %mul3A_5, %add3A_1034 : vector<16xi32>
        %gather3A_1036 = tpu.vector_load_idx %arg31[%add3A_1035] : memref<800xf32, #tpu.memory_space<vmem>>[vector<16xi32>], vector<16xf32>,
        %add3A_1037 = arith.constant 783 : i32
        %add3A_1038 = vector.broadcast %add3A_1037 : i32 to vector<16xi32>
        %add3A_1039 = arith.addi %mul3A_5, %add3A_1038 : vector<16xi32>
        %gather3A_1040 = tpu.vector_load_idx %arg31[%add3A_1039] : memref<800xf32, #tpu.memory_space<vmem>>[vector<16xi32>], vector<16xf32>,
        %add3A_1041 = arith.addf %gather3A_980, %gather3A_984 : vector<16xf32>
        %add3A_1042 = arith.addf %gather3A_988, %gather3A_992 : vector<16xf32>
        %add3A_1043 = arith.addf %gather3A_996, %gather3A_1000 : vector<16xf32>
        %add3A_1044 = arith.addf %gather3A_1004, %gather3A_1008 : vector<16xf32>
        %add3A_1045 = arith.addf %gather3A_1012, %gather3A_1016 : vector<16xf32>
        %add3A_1046 = arith.addf %gather3A_1020, %gather3A_1024 : vector<16xf32>
        %add3A_1047 = arith.addf %gather3A_1028, %gather3A_1032 : vector<16xf32>
        %add3A_1048 = arith.addf %gather3A_1036, %gather3A_1040 : vector<16xf32>
        %add3A_1049 = arith.addf %add3A_1041, %add3A_1042 : vector<16xf32>
        %add3A_1050 = arith.addf %add3A_1043, %add3A_1044 : vector<16xf32>
        %add3A_1051 = arith.addf %add3A_1045, %add3A_1046 : vector<16xf32>
        %add3A_1052 = arith.addf %add3A_1047, %add3A_1048 : vector<16xf32>
        %add3A_1053 = arith.addf %add3A_1049, %add3A_1050 : vector<16xf32>
        %add3A_1054 = arith.addf %add3A_1051, %add3A_1052 : vector<16xf32>
        %add3A_1055 = arith.addf %add3A_1053, %add3A_1054 : vector<16xf32>
        %mul3A_1056 = arith.constant 50 : i32
        %mul3A_1057 = arith.muli %scan3A_218, %mul3A_1056 : i32
        %add3A_1058 = arith.constant 48 : i32
        %add3A_1059 = arith.addi %mul3A_1057, %add3A_1058 : i32
        %broadcast_in_dim3A_1060 = vector.broadcast %add3A_1059 : i32 to vector<16xi32>
        %add3A_1061 = arith.addi %broadcast_in_dim3A_1060, %iota3A : vector<16xi32>
        %lt3A_1062 = arith.constant 2 : i32
        %lt3A_1063 = vector.broadcast %lt3A_1062 : i32 to vector<16xi32>
        %lt3A_1064 = arith.cmpi slt, %iota3A, %lt3A_1063 : vector<16xi32>
        tpu.vector_store_idx %arg28[%add3A_1061], %add3A_1055 masked %lt3A_1064 : memref<400xf32, #tpu.memory_space<vmem>>[vector<16xi32>], vector<16xf32>, vector<16xi1>
        %mul3A_1065 = arith.constant 8 : i32
        %mul3A_1066 = arith.muli %add3A_123, %mul3A_1065 : i32
        %add3A_1067 = arith.addi %mul3A_1066, %scan3A_218 : i32
        %broadcast_in_dim3A_1068 = vector.shape_cast %xor3A_9 : vector<16xi32> to vector<16x1xi32>
        %gather3A_1069 = vector.shape_cast %broadcast_in_dim3A_1068 : vector<16x1xi32> to vector<16xi32>
        %gather3A_1070 = tpu.dynamic_gather %scan3A_369[%gather3A_1069] in [0] : vector<16xf32>, vector<16xi32> -> vector<16xf32>
        %add3A_1071 = arith.addf %scan3A_369, %gather3A_1070 : vector<16xf32>
        %broadcast_in_dim3A_1072 = vector.shape_cast %xor3A_12 : vector<16xi32> to vector<16x1xi32>
        %gather3A_1073 = vector.shape_cast %broadcast_in_dim3A_1072 : vector<16x1xi32> to vector<16xi32>
        %gather3A_1074 = tpu.dynamic_gather %add3A_1071[%gather3A_1073] in [0] : vector<16xf32>, vector<16xi32> -> vector<16xf32>
        %add3A_1075 = arith.addf %add3A_1071, %gather3A_1074 : vector<16xf32>
        %broadcast_in_dim3A_1076 = vector.shape_cast %xor3A_15 : vector<16xi32> to vector<16x1xi32>
        %gather3A_1077 = vector.shape_cast %broadcast_in_dim3A_1076 : vector<16x1xi32> to vector<16xi32>
        %gather3A_1078 = tpu.dynamic_gather %add3A_1075[%gather3A_1077] in [0] : vector<16xf32>, vector<16xi32> -> vector<16xf32>
        %add3A_1079 = arith.addf %add3A_1075, %gather3A_1078 : vector<16xf32>
        %broadcast_in_dim3A_1080 = vector.shape_cast %xor3A_18 : vector<16xi32> to vector<16x1xi32>
        %gather3A_1081 = vector.shape_cast %broadcast_in_dim3A_1080 : vector<16x1xi32> to vector<16xi32>
        %gather3A_1082 = tpu.dynamic_gather %add3A_1079[%gather3A_1081] in [0] : vector<16xf32>, vector<16xi32> -> vector<16xf32>
        %add3A_1083 = arith.addf %add3A_1079, %gather3A_1082 : vector<16xf32>
        %broadcast_in_dim3A_1084 = vector.broadcast %add3A_1067 : i32 to vector<16xi32>
        tpu.vector_store_idx %arg33[%broadcast_in_dim3A_1084], %add3A_1083 masked %eq3A_7 : memref<512xf32, #tpu.memory_space<vmem>>[vector<16xi32>], vector<16xf32>, vector<16xi1>
        %mul3A_1085 = arith.constant 8 : i32
        %mul3A_1086 = arith.muli %add3A_123, %mul3A_1085 : i32
        %add3A_1087 = arith.addi %mul3A_1086, %scan3A_218 : i32
        %broadcast_in_dim3A_1088 = vector.shape_cast %xor3A_9 : vector<16xi32> to vector<16x1xi32>
        %gather3A_1089 = vector.shape_cast %broadcast_in_dim3A_1088 : vector<16x1xi32> to vector<16xi32>
        %gather3A_1090 = tpu.dynamic_gather %scan3A_720[%gather3A_1089] in [0] : vector<16xf32>, vector<16xi32> -> vector<16xf32>
        %add3A_1091 = arith.addf %scan3A_720, %gather3A_1090 : vector<16xf32>
        %broadcast_in_dim3A_1092 = vector.shape_cast %xor3A_12 : vector<16xi32> to vector<16x1xi32>
        %gather3A_1093 = vector.shape_cast %broadcast_in_dim3A_1092 : vector<16x1xi32> to vector<16xi32>
        %gather3A_1094 = tpu.dynamic_gather %add3A_1091[%gather3A_1093] in [0] : vector<16xf32>, vector<16xi32> -> vector<16xf32>
        %add3A_1095 = arith.addf %add3A_1091, %gather3A_1094 : vector<16xf32>
        %broadcast_in_dim3A_1096 = vector.shape_cast %xor3A_15 : vector<16xi32> to vector<16x1xi32>
        %gather3A_1097 = vector.shape_cast %broadcast_in_dim3A_1096 : vector<16x1xi32> to vector<16xi32>
        %gather3A_1098 = tpu.dynamic_gather %add3A_1095[%gather3A_1097] in [0] : vector<16xf32>, vector<16xi32> -> vector<16xf32>
        %add3A_1099 = arith.addf %add3A_1095, %gather3A_1098 : vector<16xf32>
        %broadcast_in_dim3A_1100 = vector.shape_cast %xor3A_18 : vector<16xi32> to vector<16x1xi32>
        %gather3A_1101 = vector.shape_cast %broadcast_in_dim3A_1100 : vector<16x1xi32> to vector<16xi32>
        %gather3A_1102 = tpu.dynamic_gather %add3A_1099[%gather3A_1101] in [0] : vector<16xf32>, vector<16xi32> -> vector<16xf32>
        %add3A_1103 = arith.addf %add3A_1099, %gather3A_1102 : vector<16xf32>
        %broadcast_in_dim3A_1104 = vector.broadcast %add3A_1087 : i32 to vector<16xi32>
        tpu.vector_store_idx %arg34[%broadcast_in_dim3A_1104], %add3A_1103 masked %eq3A_7 : memref<512xf32, #tpu.memory_space<vmem>>[vector<16xi32>], vector<16xf32>, vector<16xi1>
      }
      %scan3A_158 = arith.constant 8 : i32
      %mul3A_159 = arith.constant 50 : i32
      %mul3A_160 = arith.muli %add3A_148, %mul3A_159 : i32
      %dma_start3A_161 = tpu.memref_slice %arg12[%mul3A_160] : memref<819200xf32, #tpu.memory_space<hbm>> -> memref<400xf32, #tpu.memory_space<hbm>>
      %dma_start3A_162 = tpu.memref_slice %arg12[%mul3A_160] : memref<819200xf32, #tpu.memory_space<hbm>> -> memref<400xf32, #tpu.memory_space<hbm>>
      tpu.enqueue_dma source(%arg26 : memref<400xf32, #tpu.memory_space<vmem>>) target(%dma_start3A_162 : memref<400xf32, #tpu.memory_space<hbm>>) target_semaphore(%arg42 : memref<!tpu.dma_semaphore, #tpu.memory_space<semaphore_mem>>)
      %mul3A_163 = arith.constant 50 : i32
      %mul3A_164 = arith.muli %add3A_148, %mul3A_163 : i32
      %dma_start3A_165 = tpu.memref_slice %arg13[%mul3A_164] : memref<819200xf32, #tpu.memory_space<hbm>> -> memref<400xf32, #tpu.memory_space<hbm>>
      %dma_start3A_166 = tpu.memref_slice %arg13[%mul3A_164] : memref<819200xf32, #tpu.memory_space<hbm>> -> memref<400xf32, #tpu.memory_space<hbm>>
      tpu.enqueue_dma source(%arg28 : memref<400xf32, #tpu.memory_space<vmem>>) target(%dma_start3A_166 : memref<400xf32, #tpu.memory_space<hbm>>) target_semaphore(%arg42 : memref<!tpu.dma_semaphore, #tpu.memory_space<semaphore_mem>>)
      %mul3A_167 = arith.constant 2 : i32
      %mul3A_168 = arith.muli %scan3A_119, %mul3A_167 : i32
      %add3A_169 = arith.constant 1 : i32
      %add3A_170 = arith.addi %mul3A_168, %add3A_169 : i32
      %add3A_171 = arith.constant 1 : i32
      %add3A_172 = arith.addi %add3A_170, %add3A_171 : i32
      %lt3A_173 = arith.constant 64 : i32
      %lt3A_174 = arith.cmpi slt, %add3A_172, %lt3A_173 : i32
      %convert_element_type3A_175 = arith.extui %lt3A_174 : i1 to i32
      %cond3A_176 = arith.constant 0 : i32
      %cond3A_177 = arith.cmpi ne, %convert_element_type3A_175, %cond3A_176 : i32
      scf.if %cond3A_177 {
        %add3A_218 = arith.constant 1 : i32
        %add3A_219 = arith.addi %add3A_170, %add3A_218 : i32
        %mul3A_220 = arith.constant 8 : i32
        %mul3A_221 = arith.muli %add3A_219, %mul3A_220 : i32
        %add3A_222 = arith.addi %mul3A_2, %mul3A_221 : i32
        "tpu.region"() ({
          %run_scoped3A = tpu.sem_alloc : memref<!tpu.dma_semaphore, #tpu.memory_space<semaphore_mem>>
          %dma_start3A_294 = tpu.memref_slice %arg2[%add3A_222] : memref<16384xi32, #tpu.memory_space<hbm>> -> memref<8xi32, #tpu.memory_space<hbm>>
          %dma_start3A_295 = tpu.memref_slice %arg2[%add3A_222] : memref<16384xi32, #tpu.memory_space<hbm>> -> memref<8xi32, #tpu.memory_space<hbm>>
          tpu.enqueue_dma source(%dma_start3A_295 : memref<8xi32, #tpu.memory_space<hbm>>) target(%arg14 : memref<8xi32, #tpu.memory_space<vmem>>) target_semaphore(%run_scoped3A : memref<!tpu.dma_semaphore, #tpu.memory_space<semaphore_mem>>)
          %dma_wait3A_296 = tpu.memref_slice %arg2[%add3A_222] : memref<16384xi32, #tpu.memory_space<hbm>> -> memref<8xi32, #tpu.memory_space<hbm>>
          %dma_wait3A_297 = tpu.memref_slice %arg2[%add3A_222] : memref<16384xi32, #tpu.memory_space<hbm>> -> memref<8xi32, #tpu.memory_space<hbm>>
          tpu.wait_dma2 semaphore(%run_scoped3A : memref<!tpu.dma_semaphore, #tpu.memory_space<semaphore_mem>>) src(%dma_wait3A_297 : memref<8xi32, #tpu.memory_space<hbm>>) dst(%arg14 : memref<8xi32, #tpu.memory_space<vmem>>)
          tpu.yield
        }) : () -> ()
        %mul3A_223 = arith.constant 50 : i32
        %mul3A_224 = arith.muli %add3A_222, %mul3A_223 : i32
        "tpu.region"() ({
          %run_scoped3A = tpu.sem_alloc : memref<!tpu.dma_semaphore, #tpu.memory_space<semaphore_mem>>
          %dma_start3A_294 = tpu.memref_slice %arg3[%mul3A_224] : memref<819200xi32, #tpu.memory_space<hbm>> -> memref<400xi32, #tpu.memory_space<hbm>>
          %dma_start3A_295 = tpu.memref_slice %arg3[%mul3A_224] : memref<819200xi32, #tpu.memory_space<hbm>> -> memref<400xi32, #tpu.memory_space<hbm>>
          tpu.enqueue_dma source(%dma_start3A_295 : memref<400xi32, #tpu.memory_space<hbm>>) target(%arg16 : memref<400xi32, #tpu.memory_space<vmem>>) target_semaphore(%run_scoped3A : memref<!tpu.dma_semaphore, #tpu.memory_space<semaphore_mem>>)
          %dma_wait3A_296 = tpu.memref_slice %arg3[%mul3A_224] : memref<819200xi32, #tpu.memory_space<hbm>> -> memref<400xi32, #tpu.memory_space<hbm>>
          %dma_wait3A_297 = tpu.memref_slice %arg3[%mul3A_224] : memref<819200xi32, #tpu.memory_space<hbm>> -> memref<400xi32, #tpu.memory_space<hbm>>
          tpu.wait_dma2 semaphore(%run_scoped3A : memref<!tpu.dma_semaphore, #tpu.memory_space<semaphore_mem>>) src(%dma_wait3A_297 : memref<400xi32, #tpu.memory_space<hbm>>) dst(%arg16 : memref<400xi32, #tpu.memory_space<vmem>>)
          tpu.yield
        }) : () -> ()
        %mul3A_225 = arith.constant 50 : i32
        %mul3A_226 = arith.muli %add3A_222, %mul3A_225 : i32
        "tpu.region"() ({
          %run_scoped3A = tpu.sem_alloc : memref<!tpu.dma_semaphore, #tpu.memory_space<semaphore_mem>>
          %dma_start3A_294 = tpu.memref_slice %arg4[%mul3A_226] : memref<819200xi32, #tpu.memory_space<hbm>> -> memref<400xi32, #tpu.memory_space<hbm>>
          %dma_start3A_295 = tpu.memref_slice %arg4[%mul3A_226] : memref<819200xi32, #tpu.memory_space<hbm>> -> memref<400xi32, #tpu.memory_space<hbm>>
          tpu.enqueue_dma source(%dma_start3A_295 : memref<400xi32, #tpu.memory_space<hbm>>) target(%arg18 : memref<400xi32, #tpu.memory_space<vmem>>) target_semaphore(%run_scoped3A : memref<!tpu.dma_semaphore, #tpu.memory_space<semaphore_mem>>)
          %dma_wait3A_296 = tpu.memref_slice %arg4[%mul3A_226] : memref<819200xi32, #tpu.memory_space<hbm>> -> memref<400xi32, #tpu.memory_space<hbm>>
          %dma_wait3A_297 = tpu.memref_slice %arg4[%mul3A_226] : memref<819200xi32, #tpu.memory_space<hbm>> -> memref<400xi32, #tpu.memory_space<hbm>>
          tpu.wait_dma2 semaphore(%run_scoped3A : memref<!tpu.dma_semaphore, #tpu.memory_space<semaphore_mem>>) src(%dma_wait3A_297 : memref<400xi32, #tpu.memory_space<hbm>>) dst(%arg18 : memref<400xi32, #tpu.memory_space<vmem>>)
          tpu.yield
        }) : () -> ()
        %dma_start3A_227 = arith.constant 0 : i32
        %dma_start3A_228 = arith.constant 0 : i32
        %dma_start3A_229 = tpu.memref_slice %arg5[%dma_start3A_227, %dma_start3A_228] : memref<100000x64xf32, #tpu.memory_space<hbm>> -> memref<100000x64xf32, #tpu.memory_space<hbm>>
        tpu.enqueue_indirect_dma source(%dma_start3A_229 : memref<100000x64xf32, #tpu.memory_space<hbm>>) target(%arg20 : memref<8x64xf32, #tpu.memory_space<vmem>>) offsets(%arg14 : memref<8xi32, #tpu.memory_space<vmem>>) semaphore(%arg40 : memref<!tpu.dma_semaphore, #tpu.memory_space<semaphore_mem>>)
        %dma_start3A_230 = arith.constant 0 : i32
        %dma_start3A_231 = arith.constant 0 : i32
        %dma_start3A_232 = tpu.memref_slice %arg22[%dma_start3A_230, %dma_start3A_231] : memref<400x64xf32, #tpu.memory_space<vmem>> -> memref<104x64xf32, #tpu.memory_space<vmem>>
        %dma_start3A_233 = arith.constant 0 : i32
        %dma_start3A_234 = tpu.memref_slice %arg16[%dma_start3A_233] : memref<400xi32, #tpu.memory_space<vmem>> -> memref<104xi32, #tpu.memory_space<vmem>>
        %dma_start3A_235 = arith.constant 0 : i32
        %dma_start3A_236 = arith.constant 0 : i32
        %dma_start3A_237 = tpu.memref_slice %arg6[%dma_start3A_235, %dma_start3A_236] : memref<100000x64xf32, #tpu.memory_space<hbm>> -> memref<100000x64xf32, #tpu.memory_space<hbm>>
        tpu.enqueue_indirect_dma source(%dma_start3A_237 : memref<100000x64xf32, #tpu.memory_space<hbm>>) target(%dma_start3A_232 : memref<104x64xf32, #tpu.memory_space<vmem>>) offsets(%dma_start3A_234 : memref<104xi32, #tpu.memory_space<vmem>>) semaphore(%arg40 : memref<!tpu.dma_semaphore, #tpu.memory_space<semaphore_mem>>)
        %dma_start3A_238 = arith.constant 0 : i32
        %dma_start3A_239 = arith.constant 0 : i32
        %dma_start3A_240 = tpu.memref_slice %arg24[%dma_start3A_238, %dma_start3A_239] : memref<400x64xf32, #tpu.memory_space<vmem>> -> memref<104x64xf32, #tpu.memory_space<vmem>>
        %dma_start3A_241 = arith.constant 0 : i32
        %dma_start3A_242 = tpu.memref_slice %arg18[%dma_start3A_241] : memref<400xi32, #tpu.memory_space<vmem>> -> memref<104xi32, #tpu.memory_space<vmem>>
        %dma_start3A_243 = arith.constant 0 : i32
        %dma_start3A_244 = arith.constant 0 : i32
        %dma_start3A_245 = tpu.memref_slice %arg6[%dma_start3A_243, %dma_start3A_244] : memref<100000x64xf32, #tpu.memory_space<hbm>> -> memref<100000x64xf32, #tpu.memory_space<hbm>>
        tpu.enqueue_indirect_dma source(%dma_start3A_245 : memref<100000x64xf32, #tpu.memory_space<hbm>>) target(%dma_start3A_240 : memref<104x64xf32, #tpu.memory_space<vmem>>) offsets(%dma_start3A_242 : memref<104xi32, #tpu.memory_space<vmem>>) semaphore(%arg40 : memref<!tpu.dma_semaphore, #tpu.memory_space<semaphore_mem>>)
        %dma_start3A_246 = arith.constant 104 : i32
        %dma_start3A_247 = arith.constant 0 : i32
        %dma_start3A_248 = tpu.memref_slice %arg22[%dma_start3A_246, %dma_start3A_247] : memref<400x64xf32, #tpu.memory_space<vmem>> -> memref<104x64xf32, #tpu.memory_space<vmem>>
        %dma_start3A_249 = arith.constant 104 : i32
        %dma_start3A_250 = tpu.memref_slice %arg16[%dma_start3A_249] : memref<400xi32, #tpu.memory_space<vmem>> -> memref<104xi32, #tpu.memory_space<vmem>>
        %dma_start3A_251 = arith.constant 0 : i32
        %dma_start3A_252 = arith.constant 0 : i32
        %dma_start3A_253 = tpu.memref_slice %arg6[%dma_start3A_251, %dma_start3A_252] : memref<100000x64xf32, #tpu.memory_space<hbm>> -> memref<100000x64xf32, #tpu.memory_space<hbm>>
        tpu.enqueue_indirect_dma source(%dma_start3A_253 : memref<100000x64xf32, #tpu.memory_space<hbm>>) target(%dma_start3A_248 : memref<104x64xf32, #tpu.memory_space<vmem>>) offsets(%dma_start3A_250 : memref<104xi32, #tpu.memory_space<vmem>>) semaphore(%arg40 : memref<!tpu.dma_semaphore, #tpu.memory_space<semaphore_mem>>)
        %dma_start3A_254 = arith.constant 104 : i32
        %dma_start3A_255 = arith.constant 0 : i32
        %dma_start3A_256 = tpu.memref_slice %arg24[%dma_start3A_254, %dma_start3A_255] : memref<400x64xf32, #tpu.memory_space<vmem>> -> memref<104x64xf32, #tpu.memory_space<vmem>>
        %dma_start3A_257 = arith.constant 104 : i32
        %dma_start3A_258 = tpu.memref_slice %arg18[%dma_start3A_257] : memref<400xi32, #tpu.memory_space<vmem>> -> memref<104xi32, #tpu.memory_space<vmem>>
        %dma_start3A_259 = arith.constant 0 : i32
        %dma_start3A_260 = arith.constant 0 : i32
        %dma_start3A_261 = tpu.memref_slice %arg6[%dma_start3A_259, %dma_start3A_260] : memref<100000x64xf32, #tpu.memory_space<hbm>> -> memref<100000x64xf32, #tpu.memory_space<hbm>>
        tpu.enqueue_indirect_dma source(%dma_start3A_261 : memref<100000x64xf32, #tpu.memory_space<hbm>>) target(%dma_start3A_256 : memref<104x64xf32, #tpu.memory_space<vmem>>) offsets(%dma_start3A_258 : memref<104xi32, #tpu.memory_space<vmem>>) semaphore(%arg40 : memref<!tpu.dma_semaphore, #tpu.memory_space<semaphore_mem>>)
        %dma_start3A_262 = arith.constant 208 : i32
        %dma_start3A_263 = arith.constant 0 : i32
        %dma_start3A_264 = tpu.memref_slice %arg22[%dma_start3A_262, %dma_start3A_263] : memref<400x64xf32, #tpu.memory_space<vmem>> -> memref<104x64xf32, #tpu.memory_space<vmem>>
        %dma_start3A_265 = arith.constant 208 : i32
        %dma_start3A_266 = tpu.memref_slice %arg16[%dma_start3A_265] : memref<400xi32, #tpu.memory_space<vmem>> -> memref<104xi32, #tpu.memory_space<vmem>>
        %dma_start3A_267 = arith.constant 0 : i32
        %dma_start3A_268 = arith.constant 0 : i32
        %dma_start3A_269 = tpu.memref_slice %arg6[%dma_start3A_267, %dma_start3A_268] : memref<100000x64xf32, #tpu.memory_space<hbm>> -> memref<100000x64xf32, #tpu.memory_space<hbm>>
        tpu.enqueue_indirect_dma source(%dma_start3A_269 : memref<100000x64xf32, #tpu.memory_space<hbm>>) target(%dma_start3A_264 : memref<104x64xf32, #tpu.memory_space<vmem>>) offsets(%dma_start3A_266 : memref<104xi32, #tpu.memory_space<vmem>>) semaphore(%arg40 : memref<!tpu.dma_semaphore, #tpu.memory_space<semaphore_mem>>)
        %dma_start3A_270 = arith.constant 208 : i32
        %dma_start3A_271 = arith.constant 0 : i32
        %dma_start3A_272 = tpu.memref_slice %arg24[%dma_start3A_270, %dma_start3A_271] : memref<400x64xf32, #tpu.memory_space<vmem>> -> memref<104x64xf32, #tpu.memory_space<vmem>>
        %dma_start3A_273 = arith.constant 208 : i32
        %dma_start3A_274 = tpu.memref_slice %arg18[%dma_start3A_273] : memref<400xi32, #tpu.memory_space<vmem>> -> memref<104xi32, #tpu.memory_space<vmem>>
        %dma_start3A_275 = arith.constant 0 : i32
        %dma_start3A_276 = arith.constant 0 : i32
        %dma_start3A_277 = tpu.memref_slice %arg6[%dma_start3A_275, %dma_start3A_276] : memref<100000x64xf32, #tpu.memory_space<hbm>> -> memref<100000x64xf32, #tpu.memory_space<hbm>>
        tpu.enqueue_indirect_dma source(%dma_start3A_277 : memref<100000x64xf32, #tpu.memory_space<hbm>>) target(%dma_start3A_272 : memref<104x64xf32, #tpu.memory_space<vmem>>) offsets(%dma_start3A_274 : memref<104xi32, #tpu.memory_space<vmem>>) semaphore(%arg40 : memref<!tpu.dma_semaphore, #tpu.memory_space<semaphore_mem>>)
        %dma_start3A_278 = arith.constant 312 : i32
        %dma_start3A_279 = arith.constant 0 : i32
        %dma_start3A_280 = tpu.memref_slice %arg22[%dma_start3A_278, %dma_start3A_279] : memref<400x64xf32, #tpu.memory_space<vmem>> -> memref<88x64xf32, #tpu.memory_space<vmem>>
        %dma_start3A_281 = arith.constant 312 : i32
        %dma_start3A_282 = tpu.memref_slice %arg16[%dma_start3A_281] : memref<400xi32, #tpu.memory_space<vmem>> -> memref<88xi32, #tpu.memory_space<vmem>>
        %dma_start3A_283 = arith.constant 0 : i32
        %dma_start3A_284 = arith.constant 0 : i32
        %dma_start3A_285 = tpu.memref_slice %arg6[%dma_start3A_283, %dma_start3A_284] : memref<100000x64xf32, #tpu.memory_space<hbm>> -> memref<100000x64xf32, #tpu.memory_space<hbm>>
        tpu.enqueue_indirect_dma source(%dma_start3A_285 : memref<100000x64xf32, #tpu.memory_space<hbm>>) target(%dma_start3A_280 : memref<88x64xf32, #tpu.memory_space<vmem>>) offsets(%dma_start3A_282 : memref<88xi32, #tpu.memory_space<vmem>>) semaphore(%arg40 : memref<!tpu.dma_semaphore, #tpu.memory_space<semaphore_mem>>)
        %dma_start3A_286 = arith.constant 312 : i32
        %dma_start3A_287 = arith.constant 0 : i32
        %dma_start3A_288 = tpu.memref_slice %arg24[%dma_start3A_286, %dma_start3A_287] : memref<400x64xf32, #tpu.memory_space<vmem>> -> memref<88x64xf32, #tpu.memory_space<vmem>>
        %dma_start3A_289 = arith.constant 312 : i32
        %dma_start3A_290 = tpu.memref_slice %arg18[%dma_start3A_289] : memref<400xi32, #tpu.memory_space<vmem>> -> memref<88xi32, #tpu.memory_space<vmem>>
        %dma_start3A_291 = arith.constant 0 : i32
        %dma_start3A_292 = arith.constant 0 : i32
        %dma_start3A_293 = tpu.memref_slice %arg6[%dma_start3A_291, %dma_start3A_292] : memref<100000x64xf32, #tpu.memory_space<hbm>> -> memref<100000x64xf32, #tpu.memory_space<hbm>>
        tpu.enqueue_indirect_dma source(%dma_start3A_293 : memref<100000x64xf32, #tpu.memory_space<hbm>>) target(%dma_start3A_288 : memref<88x64xf32, #tpu.memory_space<vmem>>) offsets(%dma_start3A_290 : memref<88xi32, #tpu.memory_space<vmem>>) semaphore(%arg40 : memref<!tpu.dma_semaphore, #tpu.memory_space<semaphore_mem>>)
      } else {
      }
      %dma_wait3A_178 = arith.constant 0 : i32
      %dma_wait3A_179 = arith.constant 0 : i32
      %dma_wait3A_180 = tpu.memref_slice %arg5[%dma_wait3A_178, %dma_wait3A_179] : memref<100000x64xf32, #tpu.memory_space<hbm>> -> memref<8x64xf32, #tpu.memory_space<hbm>>
      %dma_wait3A_181 = arith.constant 0 : i32
      %dma_wait3A_182 = arith.constant 0 : i32
      %dma_wait3A_183 = tpu.memref_slice %arg5[%dma_wait3A_181, %dma_wait3A_182] : memref<100000x64xf32, #tpu.memory_space<hbm>> -> memref<8x64xf32, #tpu.memory_space<hbm>>
      tpu.wait_dma2 semaphore(%arg41 : memref<!tpu.dma_semaphore, #tpu.memory_space<semaphore_mem>>) src(%dma_wait3A_183 : memref<8x64xf32, #tpu.memory_space<hbm>>) dst(%arg21 : memref<8x64xf32, #tpu.memory_space<vmem>>)
      %dma_wait3A_184 = arith.constant 0 : i32
      %dma_wait3A_185 = arith.constant 0 : i32
      %dma_wait3A_186 = tpu.memref_slice %arg6[%dma_wait3A_184, %dma_wait3A_185] : memref<100000x64xf32, #tpu.memory_space<hbm>> -> memref<400x64xf32, #tpu.memory_space<hbm>>
      %dma_wait3A_187 = arith.constant 0 : i32
      %dma_wait3A_188 = arith.constant 0 : i32
      %dma_wait3A_189 = tpu.memref_slice %arg6[%dma_wait3A_187, %dma_wait3A_188] : memref<100000x64xf32, #tpu.memory_space<hbm>> -> memref<400x64xf32, #tpu.memory_space<hbm>>
      tpu.wait_dma2 semaphore(%arg41 : memref<!tpu.dma_semaphore, #tpu.memory_space<semaphore_mem>>) src(%dma_wait3A_189 : memref<400x64xf32, #tpu.memory_space<hbm>>) dst(%arg23 : memref<400x64xf32, #tpu.memory_space<vmem>>)
      %dma_wait3A_190 = arith.constant 0 : i32
      %dma_wait3A_191 = arith.constant 0 : i32
      %dma_wait3A_192 = tpu.memref_slice %arg6[%dma_wait3A_190, %dma_wait3A_191] : memref<100000x64xf32, #tpu.memory_space<hbm>> -> memref<400x64xf32, #tpu.memory_space<hbm>>
      %dma_wait3A_193 = arith.constant 0 : i32
      %dma_wait3A_194 = arith.constant 0 : i32
      %dma_wait3A_195 = tpu.memref_slice %arg6[%dma_wait3A_193, %dma_wait3A_194] : memref<100000x64xf32, #tpu.memory_space<hbm>> -> memref<400x64xf32, #tpu.memory_space<hbm>>
      tpu.wait_dma2 semaphore(%arg41 : memref<!tpu.dma_semaphore, #tpu.memory_space<semaphore_mem>>) src(%dma_wait3A_195 : memref<400x64xf32, #tpu.memory_space<hbm>>) dst(%arg25 : memref<400x64xf32, #tpu.memory_space<vmem>>)
      %mul3A_196 = arith.constant 8 : i32
      %mul3A_197 = arith.muli %add3A_170, %mul3A_196 : i32
      %add3A_198 = arith.addi %mul3A_2, %mul3A_197 : i32
      %ge3A_199 = arith.constant 2 : i32
      %ge3A_200 = arith.cmpi sge, %add3A_170, %ge3A_199 : i32
      %convert_element_type3A_201 = arith.extui %ge3A_200 : i1 to i32
      %cond3A_202 = arith.constant 0 : i32
      %cond3A_203 = arith.cmpi ne, %convert_element_type3A_201, %cond3A_202 : i32
      scf.if %cond3A_203 {
        %dma_wait3A_218 = arith.constant 0 : i32
        %dma_wait3A_219 = tpu.memref_slice %arg12[%dma_wait3A_218] : memref<819200xf32, #tpu.memory_space<hbm>> -> memref<400xf32, #tpu.memory_space<hbm>>
        %dma_wait3A_220 = arith.constant 0 : i32
        %dma_wait3A_221 = tpu.memref_slice %arg12[%dma_wait3A_220] : memref<819200xf32, #tpu.memory_space<hbm>> -> memref<400xf32, #tpu.memory_space<hbm>>
        tpu.wait_dma2 semaphore(%arg43 : memref<!tpu.dma_semaphore, #tpu.memory_space<semaphore_mem>>) src(%dma_wait3A_221 : memref<400xf32, #tpu.memory_space<hbm>>) dst(%arg27 : memref<400xf32, #tpu.memory_space<vmem>>)
        %dma_wait3A_222 = arith.constant 0 : i32
        %dma_wait3A_223 = tpu.memref_slice %arg13[%dma_wait3A_222] : memref<819200xf32, #tpu.memory_space<hbm>> -> memref<400xf32, #tpu.memory_space<hbm>>
        %dma_wait3A_224 = arith.constant 0 : i32
        %dma_wait3A_225 = tpu.memref_slice %arg13[%dma_wait3A_224] : memref<819200xf32, #tpu.memory_space<hbm>> -> memref<400xf32, #tpu.memory_space<hbm>>
        tpu.wait_dma2 semaphore(%arg43 : memref<!tpu.dma_semaphore, #tpu.memory_space<semaphore_mem>>) src(%dma_wait3A_225 : memref<400xf32, #tpu.memory_space<hbm>>) dst(%arg29 : memref<400xf32, #tpu.memory_space<vmem>>)
      } else {
      }
      %scan3A_204 = arith.constant 0 : i32
      %scan3A_205 = arith.constant 0 : i32
      %scan3A_206 = arith.constant 8 : i32
      %scan3A_207 = arith.addi %scan3A_205, %scan3A_206 : i32
      %scan3A_208 = arith.constant 1 : i32
      scf.for %scan3A_218 = %scan3A_205 to %scan3A_207 step %scan3A_208  : i32 {
        %get3A = arith.index_cast %scan3A_218 : i32 to index
        %get3A_219 = arith.constant 0 : index
        %get3A_220 = tpu.vector_load %arg21[%get3A, %get3A_219] {strides = array<i32>} : memref<8x64xf32, #tpu.memory_space<vmem>>, vector<16xf32>,
        %get3A_221 = arith.index_cast %scan3A_218 : i32 to index
        %get3A_222 = arith.constant 16 : index
        %get3A_223 = tpu.vector_load %arg21[%get3A_221, %get3A_222] {strides = array<i32>} : memref<8x64xf32, #tpu.memory_space<vmem>>, vector<16xf32>,
        %get3A_224 = arith.index_cast %scan3A_218 : i32 to index
        %get3A_225 = arith.constant 32 : index
        %get3A_226 = tpu.vector_load %arg21[%get3A_224, %get3A_225] {strides = array<i32>} : memref<8x64xf32, #tpu.memory_space<vmem>>, vector<16xf32>,
        %get3A_227 = arith.index_cast %scan3A_218 : i32 to index
        %get3A_228 = arith.constant 48 : index
        %get3A_229 = tpu.vector_load %arg21[%get3A_227, %get3A_228] {strides = array<i32>} : memref<8x64xf32, #tpu.memory_space<vmem>>, vector<16xf32>,
        %get3A_230 = arith.constant 0 : i32
        %get3A_231 = arith.index_cast %get3A_230 : i32 to index
        %get3A_232 = arith.constant 0 : index
        %get3A_233 = tpu.vector_load %arg32[%get3A_231, %get3A_232] {strides = array<i32>} : memref<3x64xf32, #tpu.memory_space<vmem>>, vector<16xf32>,
        %mul3A_234 = arith.mulf %get3A_233, %get3A_220 : vector<16xf32>
        %get3A_235 = arith.constant 0 : i32
        %get3A_236 = arith.index_cast %get3A_235 : i32 to index
        %get3A_237 = arith.constant 16 : index
        %get3A_238 = tpu.vector_load %arg32[%get3A_236, %get3A_237] {strides = array<i32>} : memref<3x64xf32, #tpu.memory_space<vmem>>, vector<16xf32>,
        %mul3A_239 = arith.mulf %get3A_238, %get3A_223 : vector<16xf32>
        %add3A_240 = arith.addf %mul3A_234, %mul3A_239 : vector<16xf32>
        %get3A_241 = arith.constant 0 : i32
        %get3A_242 = arith.index_cast %get3A_241 : i32 to index
        %get3A_243 = arith.constant 32 : index
        %get3A_244 = tpu.vector_load %arg32[%get3A_242, %get3A_243] {strides = array<i32>} : memref<3x64xf32, #tpu.memory_space<vmem>>, vector<16xf32>,
        %mul3A_245 = arith.mulf %get3A_244, %get3A_226 : vector<16xf32>
        %add3A_246 = arith.addf %add3A_240, %mul3A_245 : vector<16xf32>
        %get3A_247 = arith.constant 0 : i32
        %get3A_248 = arith.index_cast %get3A_247 : i32 to index
        %get3A_249 = arith.constant 48 : index
        %get3A_250 = tpu.vector_load %arg32[%get3A_248, %get3A_249] {strides = array<i32>} : memref<3x64xf32, #tpu.memory_space<vmem>>, vector<16xf32>,
        %mul3A_251 = arith.mulf %get3A_250, %get3A_229 : vector<16xf32>
        %add3A_252 = arith.addf %add3A_246, %mul3A_251 : vector<16xf32>
        %mul3A_253 = arith.constant 8 : i32
        %mul3A_254 = arith.muli %add3A_170, %mul3A_253 : i32
        %add3A_255 = arith.constant 0 : i32
        %add3A_256 = arith.addi %add3A_255, %mul3A_254 : i32
        %add3A_257 = arith.addi %add3A_256, %scan3A_218 : i32
        %broadcast_in_dim3A = vector.shape_cast %xor3A_9 : vector<16xi32> to vector<16x1xi32>
        %gather3A = vector.shape_cast %broadcast_in_dim3A : vector<16x1xi32> to vector<16xi32>
        %gather3A_258 = tpu.dynamic_gather %add3A_252[%gather3A] in [0] : vector<16xf32>, vector<16xi32> -> vector<16xf32>
        %add3A_259 = arith.addf %add3A_252, %gather3A_258 : vector<16xf32>
        %broadcast_in_dim3A_260 = vector.shape_cast %xor3A_12 : vector<16xi32> to vector<16x1xi32>
        %gather3A_261 = vector.shape_cast %broadcast_in_dim3A_260 : vector<16x1xi32> to vector<16xi32>
        %gather3A_262 = tpu.dynamic_gather %add3A_259[%gather3A_261] in [0] : vector<16xf32>, vector<16xi32> -> vector<16xf32>
        %add3A_263 = arith.addf %add3A_259, %gather3A_262 : vector<16xf32>
        %broadcast_in_dim3A_264 = vector.shape_cast %xor3A_15 : vector<16xi32> to vector<16x1xi32>
        %gather3A_265 = vector.shape_cast %broadcast_in_dim3A_264 : vector<16x1xi32> to vector<16xi32>
        %gather3A_266 = tpu.dynamic_gather %add3A_263[%gather3A_265] in [0] : vector<16xf32>, vector<16xi32> -> vector<16xf32>
        %add3A_267 = arith.addf %add3A_263, %gather3A_266 : vector<16xf32>
        %broadcast_in_dim3A_268 = vector.shape_cast %xor3A_18 : vector<16xi32> to vector<16x1xi32>
        %gather3A_269 = vector.shape_cast %broadcast_in_dim3A_268 : vector<16x1xi32> to vector<16xi32>
        %gather3A_270 = tpu.dynamic_gather %add3A_267[%gather3A_269] in [0] : vector<16xf32>, vector<16xi32> -> vector<16xf32>
        %add3A_271 = arith.addf %add3A_267, %gather3A_270 : vector<16xf32>
        %broadcast_in_dim3A_272 = vector.broadcast %add3A_257 : i32 to vector<16xi32>
        tpu.vector_store_idx %arg35[%broadcast_in_dim3A_272], %add3A_271 masked %eq3A_7 : memref<1536xf32, #tpu.memory_space<vmem>>[vector<16xi32>], vector<16xf32>, vector<16xi1>
        %get3A_273 = arith.constant 1 : i32
        %get3A_274 = arith.index_cast %get3A_273 : i32 to index
        %get3A_275 = arith.constant 0 : index
        %get3A_276 = tpu.vector_load %arg32[%get3A_274, %get3A_275] {strides = array<i32>} : memref<3x64xf32, #tpu.memory_space<vmem>>, vector<16xf32>,
        %mul3A_277 = arith.mulf %get3A_276, %get3A_220 : vector<16xf32>
        %get3A_278 = arith.constant 1 : i32
        %get3A_279 = arith.index_cast %get3A_278 : i32 to index
        %get3A_280 = arith.constant 16 : index
        %get3A_281 = tpu.vector_load %arg32[%get3A_279, %get3A_280] {strides = array<i32>} : memref<3x64xf32, #tpu.memory_space<vmem>>, vector<16xf32>,
        %mul3A_282 = arith.mulf %get3A_281, %get3A_223 : vector<16xf32>
        %add3A_283 = arith.addf %mul3A_277, %mul3A_282 : vector<16xf32>
        %get3A_284 = arith.constant 1 : i32
        %get3A_285 = arith.index_cast %get3A_284 : i32 to index
        %get3A_286 = arith.constant 32 : index
        %get3A_287 = tpu.vector_load %arg32[%get3A_285, %get3A_286] {strides = array<i32>} : memref<3x64xf32, #tpu.memory_space<vmem>>, vector<16xf32>,
        %mul3A_288 = arith.mulf %get3A_287, %get3A_226 : vector<16xf32>
        %add3A_289 = arith.addf %add3A_283, %mul3A_288 : vector<16xf32>
        %get3A_290 = arith.constant 1 : i32
        %get3A_291 = arith.index_cast %get3A_290 : i32 to index
        %get3A_292 = arith.constant 48 : index
        %get3A_293 = tpu.vector_load %arg32[%get3A_291, %get3A_292] {strides = array<i32>} : memref<3x64xf32, #tpu.memory_space<vmem>>, vector<16xf32>,
        %mul3A_294 = arith.mulf %get3A_293, %get3A_229 : vector<16xf32>
        %add3A_295 = arith.addf %add3A_289, %mul3A_294 : vector<16xf32>
        %mul3A_296 = arith.constant 8 : i32
        %mul3A_297 = arith.muli %add3A_170, %mul3A_296 : i32
        %add3A_298 = arith.constant 512 : i32
        %add3A_299 = arith.addi %add3A_298, %mul3A_297 : i32
        %add3A_300 = arith.addi %add3A_299, %scan3A_218 : i32
        %broadcast_in_dim3A_301 = vector.shape_cast %xor3A_9 : vector<16xi32> to vector<16x1xi32>
        %gather3A_302 = vector.shape_cast %broadcast_in_dim3A_301 : vector<16x1xi32> to vector<16xi32>
        %gather3A_303 = tpu.dynamic_gather %add3A_295[%gather3A_302] in [0] : vector<16xf32>, vector<16xi32> -> vector<16xf32>
        %add3A_304 = arith.addf %add3A_295, %gather3A_303 : vector<16xf32>
        %broadcast_in_dim3A_305 = vector.shape_cast %xor3A_12 : vector<16xi32> to vector<16x1xi32>
        %gather3A_306 = vector.shape_cast %broadcast_in_dim3A_305 : vector<16x1xi32> to vector<16xi32>
        %gather3A_307 = tpu.dynamic_gather %add3A_304[%gather3A_306] in [0] : vector<16xf32>, vector<16xi32> -> vector<16xf32>
        %add3A_308 = arith.addf %add3A_304, %gather3A_307 : vector<16xf32>
        %broadcast_in_dim3A_309 = vector.shape_cast %xor3A_15 : vector<16xi32> to vector<16x1xi32>
        %gather3A_310 = vector.shape_cast %broadcast_in_dim3A_309 : vector<16x1xi32> to vector<16xi32>
        %gather3A_311 = tpu.dynamic_gather %add3A_308[%gather3A_310] in [0] : vector<16xf32>, vector<16xi32> -> vector<16xf32>
        %add3A_312 = arith.addf %add3A_308, %gather3A_311 : vector<16xf32>
        %broadcast_in_dim3A_313 = vector.shape_cast %xor3A_18 : vector<16xi32> to vector<16x1xi32>
        %gather3A_314 = vector.shape_cast %broadcast_in_dim3A_313 : vector<16x1xi32> to vector<16xi32>
        %gather3A_315 = tpu.dynamic_gather %add3A_312[%gather3A_314] in [0] : vector<16xf32>, vector<16xi32> -> vector<16xf32>
        %add3A_316 = arith.addf %add3A_312, %gather3A_315 : vector<16xf32>
        %broadcast_in_dim3A_317 = vector.broadcast %add3A_300 : i32 to vector<16xi32>
        tpu.vector_store_idx %arg35[%broadcast_in_dim3A_317], %add3A_316 masked %eq3A_7 : memref<1536xf32, #tpu.memory_space<vmem>>[vector<16xi32>], vector<16xf32>, vector<16xi1>
        %get3A_318 = arith.constant 2 : i32
        %get3A_319 = arith.index_cast %get3A_318 : i32 to index
        %get3A_320 = arith.constant 0 : index
        %get3A_321 = tpu.vector_load %arg32[%get3A_319, %get3A_320] {strides = array<i32>} : memref<3x64xf32, #tpu.memory_space<vmem>>, vector<16xf32>,
        %mul3A_322 = arith.mulf %get3A_321, %get3A_220 : vector<16xf32>
        %get3A_323 = arith.constant 2 : i32
        %get3A_324 = arith.index_cast %get3A_323 : i32 to index
        %get3A_325 = arith.constant 16 : index
        %get3A_326 = tpu.vector_load %arg32[%get3A_324, %get3A_325] {strides = array<i32>} : memref<3x64xf32, #tpu.memory_space<vmem>>, vector<16xf32>,
        %mul3A_327 = arith.mulf %get3A_326, %get3A_223 : vector<16xf32>
        %add3A_328 = arith.addf %mul3A_322, %mul3A_327 : vector<16xf32>
        %get3A_329 = arith.constant 2 : i32
        %get3A_330 = arith.index_cast %get3A_329 : i32 to index
        %get3A_331 = arith.constant 32 : index
        %get3A_332 = tpu.vector_load %arg32[%get3A_330, %get3A_331] {strides = array<i32>} : memref<3x64xf32, #tpu.memory_space<vmem>>, vector<16xf32>,
        %mul3A_333 = arith.mulf %get3A_332, %get3A_226 : vector<16xf32>
        %add3A_334 = arith.addf %add3A_328, %mul3A_333 : vector<16xf32>
        %get3A_335 = arith.constant 2 : i32
        %get3A_336 = arith.index_cast %get3A_335 : i32 to index
        %get3A_337 = arith.constant 48 : index
        %get3A_338 = tpu.vector_load %arg32[%get3A_336, %get3A_337] {strides = array<i32>} : memref<3x64xf32, #tpu.memory_space<vmem>>, vector<16xf32>,
        %mul3A_339 = arith.mulf %get3A_338, %get3A_229 : vector<16xf32>
        %add3A_340 = arith.addf %add3A_334, %mul3A_339 : vector<16xf32>
        %mul3A_341 = arith.constant 8 : i32
        %mul3A_342 = arith.muli %add3A_170, %mul3A_341 : i32
        %add3A_343 = arith.constant 1024 : i32
        %add3A_344 = arith.addi %add3A_343, %mul3A_342 : i32
        %add3A_345 = arith.addi %add3A_344, %scan3A_218 : i32
        %broadcast_in_dim3A_346 = vector.shape_cast %xor3A_9 : vector<16xi32> to vector<16x1xi32>
        %gather3A_347 = vector.shape_cast %broadcast_in_dim3A_346 : vector<16x1xi32> to vector<16xi32>
        %gather3A_348 = tpu.dynamic_gather %add3A_340[%gather3A_347] in [0] : vector<16xf32>, vector<16xi32> -> vector<16xf32>
        %add3A_349 = arith.addf %add3A_340, %gather3A_348 : vector<16xf32>
        %broadcast_in_dim3A_350 = vector.shape_cast %xor3A_12 : vector<16xi32> to vector<16x1xi32>
        %gather3A_351 = vector.shape_cast %broadcast_in_dim3A_350 : vector<16x1xi32> to vector<16xi32>
        %gather3A_352 = tpu.dynamic_gather %add3A_349[%gather3A_351] in [0] : vector<16xf32>, vector<16xi32> -> vector<16xf32>
        %add3A_353 = arith.addf %add3A_349, %gather3A_352 : vector<16xf32>
        %broadcast_in_dim3A_354 = vector.shape_cast %xor3A_15 : vector<16xi32> to vector<16x1xi32>
        %gather3A_355 = vector.shape_cast %broadcast_in_dim3A_354 : vector<16x1xi32> to vector<16xi32>
        %gather3A_356 = tpu.dynamic_gather %add3A_353[%gather3A_355] in [0] : vector<16xf32>, vector<16xi32> -> vector<16xf32>
        %add3A_357 = arith.addf %add3A_353, %gather3A_356 : vector<16xf32>
        %broadcast_in_dim3A_358 = vector.shape_cast %xor3A_18 : vector<16xi32> to vector<16x1xi32>
        %gather3A_359 = vector.shape_cast %broadcast_in_dim3A_358 : vector<16x1xi32> to vector<16xi32>
        %gather3A_360 = tpu.dynamic_gather %add3A_357[%gather3A_359] in [0] : vector<16xf32>, vector<16xi32> -> vector<16xf32>
        %add3A_361 = arith.addf %add3A_357, %gather3A_360 : vector<16xf32>
        %broadcast_in_dim3A_362 = vector.broadcast %add3A_345 : i32 to vector<16xi32>
        tpu.vector_store_idx %arg35[%broadcast_in_dim3A_362], %add3A_361 masked %eq3A_7 : memref<1536xf32, #tpu.memory_space<vmem>>[vector<16xi32>], vector<16xf32>, vector<16xi1>
        %broadcast_in_dim3A_363 = arith.constant 0.000000e+00 : f32
        %broadcast_in_dim3A_364 = vector.broadcast %broadcast_in_dim3A_363 : f32 to vector<16xf32>
        %scan3A_365 = arith.constant 0 : i32
        %scan3A_366 = arith.constant 50 : i32
        %scan3A_367 = arith.addi %scan3A_365, %scan3A_366 : i32
        %scan3A_368 = arith.constant 10 : i32
        %scan3A_369 = scf.for %scan3A_1105 = %scan3A_365 to %scan3A_367 step %scan3A_368 iter_args(%scan3A_1106 = %broadcast_in_dim3A_364) -> (vector<16xf32>)  : i32 {
          %mul3A_1107 = arith.constant 50 : i32
          %mul3A_1108 = arith.muli %scan3A_218, %mul3A_1107 : i32
          %add3A_1109 = arith.addi %mul3A_1108, %scan3A_1105 : i32
          %get3A_1110 = arith.index_cast %add3A_1109 : i32 to index
          %get3A_1111 = arith.constant 0 : index
          %get3A_1112 = tpu.vector_load %arg23[%get3A_1110, %get3A_1111] {strides = array<i32>} : memref<400x64xf32, #tpu.memory_space<vmem>>, vector<16xf32>,
          %mul3A_1113 = arith.mulf %get3A_1112, %get3A_220 : vector<16xf32>
          %mul3A_1114 = arith.constant 50 : i32
          %mul3A_1115 = arith.muli %scan3A_218, %mul3A_1114 : i32
          %add3A_1116 = arith.addi %mul3A_1115, %scan3A_1105 : i32
          %get3A_1117 = arith.index_cast %add3A_1116 : i32 to index
          %get3A_1118 = arith.constant 16 : index
          %get3A_1119 = tpu.vector_load %arg23[%get3A_1117, %get3A_1118] {strides = array<i32>} : memref<400x64xf32, #tpu.memory_space<vmem>>, vector<16xf32>,
          %mul3A_1120 = arith.mulf %get3A_1119, %get3A_223 : vector<16xf32>
          %add3A_1121 = arith.addf %mul3A_1113, %mul3A_1120 : vector<16xf32>
          %mul3A_1122 = arith.constant 50 : i32
          %mul3A_1123 = arith.muli %scan3A_218, %mul3A_1122 : i32
          %add3A_1124 = arith.addi %mul3A_1123, %scan3A_1105 : i32
          %get3A_1125 = arith.index_cast %add3A_1124 : i32 to index
          %get3A_1126 = arith.constant 32 : index
          %get3A_1127 = tpu.vector_load %arg23[%get3A_1125, %get3A_1126] {strides = array<i32>} : memref<400x64xf32, #tpu.memory_space<vmem>>, vector<16xf32>,
          %mul3A_1128 = arith.mulf %get3A_1127, %get3A_226 : vector<16xf32>
          %mul3A_1129 = arith.constant 50 : i32
          %mul3A_1130 = arith.muli %scan3A_218, %mul3A_1129 : i32
          %add3A_1131 = arith.addi %mul3A_1130, %scan3A_1105 : i32
          %get3A_1132 = arith.index_cast %add3A_1131 : i32 to index
          %get3A_1133 = arith.constant 48 : index
          %get3A_1134 = tpu.vector_load %arg23[%get3A_1132, %get3A_1133] {strides = array<i32>} : memref<400x64xf32, #tpu.memory_space<vmem>>, vector<16xf32>,
          %mul3A_1135 = arith.mulf %get3A_1134, %get3A_229 : vector<16xf32>
          %add3A_1136 = arith.addf %mul3A_1128, %mul3A_1135 : vector<16xf32>
          %add3A_1137 = arith.addf %add3A_1121, %add3A_1136 : vector<16xf32>
          %mul3A_1138 = arith.constant 16 : i32
          %mul3A_1139 = arith.muli %scan3A_1105, %mul3A_1138 : i32
          %swap3A = arith.index_cast %mul3A_1139 : i32 to index
          %swap3A_1140 = tpu.vector_load %arg30[%swap3A] {strides = array<i32>} : memref<800xf32, #tpu.memory_space<vmem>>, vector<16xf32>,
          tpu.vector_store %arg30[%swap3A], %add3A_1137 {strides = array<i32>} : memref<800xf32, #tpu.memory_space<vmem>>, vector<16xf32>,
          %add3A_1141 = arith.addf %scan3A_1106, %add3A_1137 : vector<16xf32>
          %scan3A_1142 = arith.constant 1 : i32
          %scan3A_1143 = arith.addi %scan3A_1105, %scan3A_1142 : i32
          %mul3A_1144 = arith.constant 50 : i32
          %mul3A_1145 = arith.muli %scan3A_218, %mul3A_1144 : i32
          %add3A_1146 = arith.addi %mul3A_1145, %scan3A_1143 : i32
          %get3A_1147 = arith.index_cast %add3A_1146 : i32 to index
          %get3A_1148 = arith.constant 0 : index
          %get3A_1149 = tpu.vector_load %arg23[%get3A_1147, %get3A_1148] {strides = array<i32>} : memref<400x64xf32, #tpu.memory_space<vmem>>, vector<16xf32>,
          %mul3A_1150 = arith.mulf %get3A_1149, %get3A_220 : vector<16xf32>
          %mul3A_1151 = arith.constant 50 : i32
          %mul3A_1152 = arith.muli %scan3A_218, %mul3A_1151 : i32
          %add3A_1153 = arith.addi %mul3A_1152, %scan3A_1143 : i32
          %get3A_1154 = arith.index_cast %add3A_1153 : i32 to index
          %get3A_1155 = arith.constant 16 : index
          %get3A_1156 = tpu.vector_load %arg23[%get3A_1154, %get3A_1155] {strides = array<i32>} : memref<400x64xf32, #tpu.memory_space<vmem>>, vector<16xf32>,
          %mul3A_1157 = arith.mulf %get3A_1156, %get3A_223 : vector<16xf32>
          %add3A_1158 = arith.addf %mul3A_1150, %mul3A_1157 : vector<16xf32>
          %mul3A_1159 = arith.constant 50 : i32
          %mul3A_1160 = arith.muli %scan3A_218, %mul3A_1159 : i32
          %add3A_1161 = arith.addi %mul3A_1160, %scan3A_1143 : i32
          %get3A_1162 = arith.index_cast %add3A_1161 : i32 to index
          %get3A_1163 = arith.constant 32 : index
          %get3A_1164 = tpu.vector_load %arg23[%get3A_1162, %get3A_1163] {strides = array<i32>} : memref<400x64xf32, #tpu.memory_space<vmem>>, vector<16xf32>,
          %mul3A_1165 = arith.mulf %get3A_1164, %get3A_226 : vector<16xf32>
          %mul3A_1166 = arith.constant 50 : i32
          %mul3A_1167 = arith.muli %scan3A_218, %mul3A_1166 : i32
          %add3A_1168 = arith.addi %mul3A_1167, %scan3A_1143 : i32
          %get3A_1169 = arith.index_cast %add3A_1168 : i32 to index
          %get3A_1170 = arith.constant 48 : index
          %get3A_1171 = tpu.vector_load %arg23[%get3A_1169, %get3A_1170] {strides = array<i32>} : memref<400x64xf32, #tpu.memory_space<vmem>>, vector<16xf32>,
          %mul3A_1172 = arith.mulf %get3A_1171, %get3A_229 : vector<16xf32>
          %add3A_1173 = arith.addf %mul3A_1165, %mul3A_1172 : vector<16xf32>
          %add3A_1174 = arith.addf %add3A_1158, %add3A_1173 : vector<16xf32>
          %mul3A_1175 = arith.constant 16 : i32
          %mul3A_1176 = arith.muli %scan3A_1143, %mul3A_1175 : i32
          %swap3A_1177 = arith.index_cast %mul3A_1176 : i32 to index
          %swap3A_1178 = tpu.vector_load %arg30[%swap3A_1177] {strides = array<i32>} : memref<800xf32, #tpu.memory_space<vmem>>, vector<16xf32>,
          tpu.vector_store %arg30[%swap3A_1177], %add3A_1174 {strides = array<i32>} : memref<800xf32, #tpu.memory_space<vmem>>, vector<16xf32>,
          %add3A_1179 = arith.addf %add3A_1141, %add3A_1174 : vector<16xf32>
          %scan3A_1180 = arith.constant 2 : i32
          %scan3A_1181 = arith.addi %scan3A_1105, %scan3A_1180 : i32
          %mul3A_1182 = arith.constant 50 : i32
          %mul3A_1183 = arith.muli %scan3A_218, %mul3A_1182 : i32
          %add3A_1184 = arith.addi %mul3A_1183, %scan3A_1181 : i32
          %get3A_1185 = arith.index_cast %add3A_1184 : i32 to index
          %get3A_1186 = arith.constant 0 : index
          %get3A_1187 = tpu.vector_load %arg23[%get3A_1185, %get3A_1186] {strides = array<i32>} : memref<400x64xf32, #tpu.memory_space<vmem>>, vector<16xf32>,
          %mul3A_1188 = arith.mulf %get3A_1187, %get3A_220 : vector<16xf32>
          %mul3A_1189 = arith.constant 50 : i32
          %mul3A_1190 = arith.muli %scan3A_218, %mul3A_1189 : i32
          %add3A_1191 = arith.addi %mul3A_1190, %scan3A_1181 : i32
          %get3A_1192 = arith.index_cast %add3A_1191 : i32 to index
          %get3A_1193 = arith.constant 16 : index
          %get3A_1194 = tpu.vector_load %arg23[%get3A_1192, %get3A_1193] {strides = array<i32>} : memref<400x64xf32, #tpu.memory_space<vmem>>, vector<16xf32>,
          %mul3A_1195 = arith.mulf %get3A_1194, %get3A_223 : vector<16xf32>
          %add3A_1196 = arith.addf %mul3A_1188, %mul3A_1195 : vector<16xf32>
          %mul3A_1197 = arith.constant 50 : i32
          %mul3A_1198 = arith.muli %scan3A_218, %mul3A_1197 : i32
          %add3A_1199 = arith.addi %mul3A_1198, %scan3A_1181 : i32
          %get3A_1200 = arith.index_cast %add3A_1199 : i32 to index
          %get3A_1201 = arith.constant 32 : index
          %get3A_1202 = tpu.vector_load %arg23[%get3A_1200, %get3A_1201] {strides = array<i32>} : memref<400x64xf32, #tpu.memory_space<vmem>>, vector<16xf32>,
          %mul3A_1203 = arith.mulf %get3A_1202, %get3A_226 : vector<16xf32>
          %mul3A_1204 = arith.constant 50 : i32
          %mul3A_1205 = arith.muli %scan3A_218, %mul3A_1204 : i32
          %add3A_1206 = arith.addi %mul3A_1205, %scan3A_1181 : i32
          %get3A_1207 = arith.index_cast %add3A_1206 : i32 to index
          %get3A_1208 = arith.constant 48 : index
          %get3A_1209 = tpu.vector_load %arg23[%get3A_1207, %get3A_1208] {strides = array<i32>} : memref<400x64xf32, #tpu.memory_space<vmem>>, vector<16xf32>,
          %mul3A_1210 = arith.mulf %get3A_1209, %get3A_229 : vector<16xf32>
          %add3A_1211 = arith.addf %mul3A_1203, %mul3A_1210 : vector<16xf32>
          %add3A_1212 = arith.addf %add3A_1196, %add3A_1211 : vector<16xf32>
          %mul3A_1213 = arith.constant 16 : i32
          %mul3A_1214 = arith.muli %scan3A_1181, %mul3A_1213 : i32
          %swap3A_1215 = arith.index_cast %mul3A_1214 : i32 to index
          %swap3A_1216 = tpu.vector_load %arg30[%swap3A_1215] {strides = array<i32>} : memref<800xf32, #tpu.memory_space<vmem>>, vector<16xf32>,
          tpu.vector_store %arg30[%swap3A_1215], %add3A_1212 {strides = array<i32>} : memref<800xf32, #tpu.memory_space<vmem>>, vector<16xf32>,
          %add3A_1217 = arith.addf %add3A_1179, %add3A_1212 : vector<16xf32>
          %scan3A_1218 = arith.constant 3 : i32
          %scan3A_1219 = arith.addi %scan3A_1105, %scan3A_1218 : i32
          %mul3A_1220 = arith.constant 50 : i32
          %mul3A_1221 = arith.muli %scan3A_218, %mul3A_1220 : i32
          %add3A_1222 = arith.addi %mul3A_1221, %scan3A_1219 : i32
          %get3A_1223 = arith.index_cast %add3A_1222 : i32 to index
          %get3A_1224 = arith.constant 0 : index
          %get3A_1225 = tpu.vector_load %arg23[%get3A_1223, %get3A_1224] {strides = array<i32>} : memref<400x64xf32, #tpu.memory_space<vmem>>, vector<16xf32>,
          %mul3A_1226 = arith.mulf %get3A_1225, %get3A_220 : vector<16xf32>
          %mul3A_1227 = arith.constant 50 : i32
          %mul3A_1228 = arith.muli %scan3A_218, %mul3A_1227 : i32
          %add3A_1229 = arith.addi %mul3A_1228, %scan3A_1219 : i32
          %get3A_1230 = arith.index_cast %add3A_1229 : i32 to index
          %get3A_1231 = arith.constant 16 : index
          %get3A_1232 = tpu.vector_load %arg23[%get3A_1230, %get3A_1231] {strides = array<i32>} : memref<400x64xf32, #tpu.memory_space<vmem>>, vector<16xf32>,
          %mul3A_1233 = arith.mulf %get3A_1232, %get3A_223 : vector<16xf32>
          %add3A_1234 = arith.addf %mul3A_1226, %mul3A_1233 : vector<16xf32>
          %mul3A_1235 = arith.constant 50 : i32
          %mul3A_1236 = arith.muli %scan3A_218, %mul3A_1235 : i32
          %add3A_1237 = arith.addi %mul3A_1236, %scan3A_1219 : i32
          %get3A_1238 = arith.index_cast %add3A_1237 : i32 to index
          %get3A_1239 = arith.constant 32 : index
          %get3A_1240 = tpu.vector_load %arg23[%get3A_1238, %get3A_1239] {strides = array<i32>} : memref<400x64xf32, #tpu.memory_space<vmem>>, vector<16xf32>,
          %mul3A_1241 = arith.mulf %get3A_1240, %get3A_226 : vector<16xf32>
          %mul3A_1242 = arith.constant 50 : i32
          %mul3A_1243 = arith.muli %scan3A_218, %mul3A_1242 : i32
          %add3A_1244 = arith.addi %mul3A_1243, %scan3A_1219 : i32
          %get3A_1245 = arith.index_cast %add3A_1244 : i32 to index
          %get3A_1246 = arith.constant 48 : index
          %get3A_1247 = tpu.vector_load %arg23[%get3A_1245, %get3A_1246] {strides = array<i32>} : memref<400x64xf32, #tpu.memory_space<vmem>>, vector<16xf32>,
          %mul3A_1248 = arith.mulf %get3A_1247, %get3A_229 : vector<16xf32>
          %add3A_1249 = arith.addf %mul3A_1241, %mul3A_1248 : vector<16xf32>
          %add3A_1250 = arith.addf %add3A_1234, %add3A_1249 : vector<16xf32>
          %mul3A_1251 = arith.constant 16 : i32
          %mul3A_1252 = arith.muli %scan3A_1219, %mul3A_1251 : i32
          %swap3A_1253 = arith.index_cast %mul3A_1252 : i32 to index
          %swap3A_1254 = tpu.vector_load %arg30[%swap3A_1253] {strides = array<i32>} : memref<800xf32, #tpu.memory_space<vmem>>, vector<16xf32>,
          tpu.vector_store %arg30[%swap3A_1253], %add3A_1250 {strides = array<i32>} : memref<800xf32, #tpu.memory_space<vmem>>, vector<16xf32>,
          %add3A_1255 = arith.addf %add3A_1217, %add3A_1250 : vector<16xf32>
          %scan3A_1256 = arith.constant 4 : i32
          %scan3A_1257 = arith.addi %scan3A_1105, %scan3A_1256 : i32
          %mul3A_1258 = arith.constant 50 : i32
          %mul3A_1259 = arith.muli %scan3A_218, %mul3A_1258 : i32
          %add3A_1260 = arith.addi %mul3A_1259, %scan3A_1257 : i32
          %get3A_1261 = arith.index_cast %add3A_1260 : i32 to index
          %get3A_1262 = arith.constant 0 : index
          %get3A_1263 = tpu.vector_load %arg23[%get3A_1261, %get3A_1262] {strides = array<i32>} : memref<400x64xf32, #tpu.memory_space<vmem>>, vector<16xf32>,
          %mul3A_1264 = arith.mulf %get3A_1263, %get3A_220 : vector<16xf32>
          %mul3A_1265 = arith.constant 50 : i32
          %mul3A_1266 = arith.muli %scan3A_218, %mul3A_1265 : i32
          %add3A_1267 = arith.addi %mul3A_1266, %scan3A_1257 : i32
          %get3A_1268 = arith.index_cast %add3A_1267 : i32 to index
          %get3A_1269 = arith.constant 16 : index
          %get3A_1270 = tpu.vector_load %arg23[%get3A_1268, %get3A_1269] {strides = array<i32>} : memref<400x64xf32, #tpu.memory_space<vmem>>, vector<16xf32>,
          %mul3A_1271 = arith.mulf %get3A_1270, %get3A_223 : vector<16xf32>
          %add3A_1272 = arith.addf %mul3A_1264, %mul3A_1271 : vector<16xf32>
          %mul3A_1273 = arith.constant 50 : i32
          %mul3A_1274 = arith.muli %scan3A_218, %mul3A_1273 : i32
          %add3A_1275 = arith.addi %mul3A_1274, %scan3A_1257 : i32
          %get3A_1276 = arith.index_cast %add3A_1275 : i32 to index
          %get3A_1277 = arith.constant 32 : index
          %get3A_1278 = tpu.vector_load %arg23[%get3A_1276, %get3A_1277] {strides = array<i32>} : memref<400x64xf32, #tpu.memory_space<vmem>>, vector<16xf32>,
          %mul3A_1279 = arith.mulf %get3A_1278, %get3A_226 : vector<16xf32>
          %mul3A_1280 = arith.constant 50 : i32
          %mul3A_1281 = arith.muli %scan3A_218, %mul3A_1280 : i32
          %add3A_1282 = arith.addi %mul3A_1281, %scan3A_1257 : i32
          %get3A_1283 = arith.index_cast %add3A_1282 : i32 to index
          %get3A_1284 = arith.constant 48 : index
          %get3A_1285 = tpu.vector_load %arg23[%get3A_1283, %get3A_1284] {strides = array<i32>} : memref<400x64xf32, #tpu.memory_space<vmem>>, vector<16xf32>,
          %mul3A_1286 = arith.mulf %get3A_1285, %get3A_229 : vector<16xf32>
          %add3A_1287 = arith.addf %mul3A_1279, %mul3A_1286 : vector<16xf32>
          %add3A_1288 = arith.addf %add3A_1272, %add3A_1287 : vector<16xf32>
          %mul3A_1289 = arith.constant 16 : i32
          %mul3A_1290 = arith.muli %scan3A_1257, %mul3A_1289 : i32
          %swap3A_1291 = arith.index_cast %mul3A_1290 : i32 to index
          %swap3A_1292 = tpu.vector_load %arg30[%swap3A_1291] {strides = array<i32>} : memref<800xf32, #tpu.memory_space<vmem>>, vector<16xf32>,
          tpu.vector_store %arg30[%swap3A_1291], %add3A_1288 {strides = array<i32>} : memref<800xf32, #tpu.memory_space<vmem>>, vector<16xf32>,
          %add3A_1293 = arith.addf %add3A_1255, %add3A_1288 : vector<16xf32>
          %scan3A_1294 = arith.constant 5 : i32
          %scan3A_1295 = arith.addi %scan3A_1105, %scan3A_1294 : i32
          %mul3A_1296 = arith.constant 50 : i32
          %mul3A_1297 = arith.muli %scan3A_218, %mul3A_1296 : i32
          %add3A_1298 = arith.addi %mul3A_1297, %scan3A_1295 : i32
          %get3A_1299 = arith.index_cast %add3A_1298 : i32 to index
          %get3A_1300 = arith.constant 0 : index
          %get3A_1301 = tpu.vector_load %arg23[%get3A_1299, %get3A_1300] {strides = array<i32>} : memref<400x64xf32, #tpu.memory_space<vmem>>, vector<16xf32>,
          %mul3A_1302 = arith.mulf %get3A_1301, %get3A_220 : vector<16xf32>
          %mul3A_1303 = arith.constant 50 : i32
          %mul3A_1304 = arith.muli %scan3A_218, %mul3A_1303 : i32
          %add3A_1305 = arith.addi %mul3A_1304, %scan3A_1295 : i32
          %get3A_1306 = arith.index_cast %add3A_1305 : i32 to index
          %get3A_1307 = arith.constant 16 : index
          %get3A_1308 = tpu.vector_load %arg23[%get3A_1306, %get3A_1307] {strides = array<i32>} : memref<400x64xf32, #tpu.memory_space<vmem>>, vector<16xf32>,
          %mul3A_1309 = arith.mulf %get3A_1308, %get3A_223 : vector<16xf32>
          %add3A_1310 = arith.addf %mul3A_1302, %mul3A_1309 : vector<16xf32>
          %mul3A_1311 = arith.constant 50 : i32
          %mul3A_1312 = arith.muli %scan3A_218, %mul3A_1311 : i32
          %add3A_1313 = arith.addi %mul3A_1312, %scan3A_1295 : i32
          %get3A_1314 = arith.index_cast %add3A_1313 : i32 to index
          %get3A_1315 = arith.constant 32 : index
          %get3A_1316 = tpu.vector_load %arg23[%get3A_1314, %get3A_1315] {strides = array<i32>} : memref<400x64xf32, #tpu.memory_space<vmem>>, vector<16xf32>,
          %mul3A_1317 = arith.mulf %get3A_1316, %get3A_226 : vector<16xf32>
          %mul3A_1318 = arith.constant 50 : i32
          %mul3A_1319 = arith.muli %scan3A_218, %mul3A_1318 : i32
          %add3A_1320 = arith.addi %mul3A_1319, %scan3A_1295 : i32
          %get3A_1321 = arith.index_cast %add3A_1320 : i32 to index
          %get3A_1322 = arith.constant 48 : index
          %get3A_1323 = tpu.vector_load %arg23[%get3A_1321, %get3A_1322] {strides = array<i32>} : memref<400x64xf32, #tpu.memory_space<vmem>>, vector<16xf32>,
          %mul3A_1324 = arith.mulf %get3A_1323, %get3A_229 : vector<16xf32>
          %add3A_1325 = arith.addf %mul3A_1317, %mul3A_1324 : vector<16xf32>
          %add3A_1326 = arith.addf %add3A_1310, %add3A_1325 : vector<16xf32>
          %mul3A_1327 = arith.constant 16 : i32
          %mul3A_1328 = arith.muli %scan3A_1295, %mul3A_1327 : i32
          %swap3A_1329 = arith.index_cast %mul3A_1328 : i32 to index
          %swap3A_1330 = tpu.vector_load %arg30[%swap3A_1329] {strides = array<i32>} : memref<800xf32, #tpu.memory_space<vmem>>, vector<16xf32>,
          tpu.vector_store %arg30[%swap3A_1329], %add3A_1326 {strides = array<i32>} : memref<800xf32, #tpu.memory_space<vmem>>, vector<16xf32>,
          %add3A_1331 = arith.addf %add3A_1293, %add3A_1326 : vector<16xf32>
          %scan3A_1332 = arith.constant 6 : i32
          %scan3A_1333 = arith.addi %scan3A_1105, %scan3A_1332 : i32
          %mul3A_1334 = arith.constant 50 : i32
          %mul3A_1335 = arith.muli %scan3A_218, %mul3A_1334 : i32
          %add3A_1336 = arith.addi %mul3A_1335, %scan3A_1333 : i32
          %get3A_1337 = arith.index_cast %add3A_1336 : i32 to index
          %get3A_1338 = arith.constant 0 : index
          %get3A_1339 = tpu.vector_load %arg23[%get3A_1337, %get3A_1338] {strides = array<i32>} : memref<400x64xf32, #tpu.memory_space<vmem>>, vector<16xf32>,
          %mul3A_1340 = arith.mulf %get3A_1339, %get3A_220 : vector<16xf32>
          %mul3A_1341 = arith.constant 50 : i32
          %mul3A_1342 = arith.muli %scan3A_218, %mul3A_1341 : i32
          %add3A_1343 = arith.addi %mul3A_1342, %scan3A_1333 : i32
          %get3A_1344 = arith.index_cast %add3A_1343 : i32 to index
          %get3A_1345 = arith.constant 16 : index
          %get3A_1346 = tpu.vector_load %arg23[%get3A_1344, %get3A_1345] {strides = array<i32>} : memref<400x64xf32, #tpu.memory_space<vmem>>, vector<16xf32>,
          %mul3A_1347 = arith.mulf %get3A_1346, %get3A_223 : vector<16xf32>
          %add3A_1348 = arith.addf %mul3A_1340, %mul3A_1347 : vector<16xf32>
          %mul3A_1349 = arith.constant 50 : i32
          %mul3A_1350 = arith.muli %scan3A_218, %mul3A_1349 : i32
          %add3A_1351 = arith.addi %mul3A_1350, %scan3A_1333 : i32
          %get3A_1352 = arith.index_cast %add3A_1351 : i32 to index
          %get3A_1353 = arith.constant 32 : index
          %get3A_1354 = tpu.vector_load %arg23[%get3A_1352, %get3A_1353] {strides = array<i32>} : memref<400x64xf32, #tpu.memory_space<vmem>>, vector<16xf32>,
          %mul3A_1355 = arith.mulf %get3A_1354, %get3A_226 : vector<16xf32>
          %mul3A_1356 = arith.constant 50 : i32
          %mul3A_1357 = arith.muli %scan3A_218, %mul3A_1356 : i32
          %add3A_1358 = arith.addi %mul3A_1357, %scan3A_1333 : i32
          %get3A_1359 = arith.index_cast %add3A_1358 : i32 to index
          %get3A_1360 = arith.constant 48 : index
          %get3A_1361 = tpu.vector_load %arg23[%get3A_1359, %get3A_1360] {strides = array<i32>} : memref<400x64xf32, #tpu.memory_space<vmem>>, vector<16xf32>,
          %mul3A_1362 = arith.mulf %get3A_1361, %get3A_229 : vector<16xf32>
          %add3A_1363 = arith.addf %mul3A_1355, %mul3A_1362 : vector<16xf32>
          %add3A_1364 = arith.addf %add3A_1348, %add3A_1363 : vector<16xf32>
          %mul3A_1365 = arith.constant 16 : i32
          %mul3A_1366 = arith.muli %scan3A_1333, %mul3A_1365 : i32
          %swap3A_1367 = arith.index_cast %mul3A_1366 : i32 to index
          %swap3A_1368 = tpu.vector_load %arg30[%swap3A_1367] {strides = array<i32>} : memref<800xf32, #tpu.memory_space<vmem>>, vector<16xf32>,
          tpu.vector_store %arg30[%swap3A_1367], %add3A_1364 {strides = array<i32>} : memref<800xf32, #tpu.memory_space<vmem>>, vector<16xf32>,
          %add3A_1369 = arith.addf %add3A_1331, %add3A_1364 : vector<16xf32>
          %scan3A_1370 = arith.constant 7 : i32
          %scan3A_1371 = arith.addi %scan3A_1105, %scan3A_1370 : i32
          %mul3A_1372 = arith.constant 50 : i32
          %mul3A_1373 = arith.muli %scan3A_218, %mul3A_1372 : i32
          %add3A_1374 = arith.addi %mul3A_1373, %scan3A_1371 : i32
          %get3A_1375 = arith.index_cast %add3A_1374 : i32 to index
          %get3A_1376 = arith.constant 0 : index
          %get3A_1377 = tpu.vector_load %arg23[%get3A_1375, %get3A_1376] {strides = array<i32>} : memref<400x64xf32, #tpu.memory_space<vmem>>, vector<16xf32>,
          %mul3A_1378 = arith.mulf %get3A_1377, %get3A_220 : vector<16xf32>
          %mul3A_1379 = arith.constant 50 : i32
          %mul3A_1380 = arith.muli %scan3A_218, %mul3A_1379 : i32
          %add3A_1381 = arith.addi %mul3A_1380, %scan3A_1371 : i32
          %get3A_1382 = arith.index_cast %add3A_1381 : i32 to index
          %get3A_1383 = arith.constant 16 : index
          %get3A_1384 = tpu.vector_load %arg23[%get3A_1382, %get3A_1383] {strides = array<i32>} : memref<400x64xf32, #tpu.memory_space<vmem>>, vector<16xf32>,
          %mul3A_1385 = arith.mulf %get3A_1384, %get3A_223 : vector<16xf32>
          %add3A_1386 = arith.addf %mul3A_1378, %mul3A_1385 : vector<16xf32>
          %mul3A_1387 = arith.constant 50 : i32
          %mul3A_1388 = arith.muli %scan3A_218, %mul3A_1387 : i32
          %add3A_1389 = arith.addi %mul3A_1388, %scan3A_1371 : i32
          %get3A_1390 = arith.index_cast %add3A_1389 : i32 to index
          %get3A_1391 = arith.constant 32 : index
          %get3A_1392 = tpu.vector_load %arg23[%get3A_1390, %get3A_1391] {strides = array<i32>} : memref<400x64xf32, #tpu.memory_space<vmem>>, vector<16xf32>,
          %mul3A_1393 = arith.mulf %get3A_1392, %get3A_226 : vector<16xf32>
          %mul3A_1394 = arith.constant 50 : i32
          %mul3A_1395 = arith.muli %scan3A_218, %mul3A_1394 : i32
          %add3A_1396 = arith.addi %mul3A_1395, %scan3A_1371 : i32
          %get3A_1397 = arith.index_cast %add3A_1396 : i32 to index
          %get3A_1398 = arith.constant 48 : index
          %get3A_1399 = tpu.vector_load %arg23[%get3A_1397, %get3A_1398] {strides = array<i32>} : memref<400x64xf32, #tpu.memory_space<vmem>>, vector<16xf32>,
          %mul3A_1400 = arith.mulf %get3A_1399, %get3A_229 : vector<16xf32>
          %add3A_1401 = arith.addf %mul3A_1393, %mul3A_1400 : vector<16xf32>
          %add3A_1402 = arith.addf %add3A_1386, %add3A_1401 : vector<16xf32>
          %mul3A_1403 = arith.constant 16 : i32
          %mul3A_1404 = arith.muli %scan3A_1371, %mul3A_1403 : i32
          %swap3A_1405 = arith.index_cast %mul3A_1404 : i32 to index
          %swap3A_1406 = tpu.vector_load %arg30[%swap3A_1405] {strides = array<i32>} : memref<800xf32, #tpu.memory_space<vmem>>, vector<16xf32>,
          tpu.vector_store %arg30[%swap3A_1405], %add3A_1402 {strides = array<i32>} : memref<800xf32, #tpu.memory_space<vmem>>, vector<16xf32>,
          %add3A_1407 = arith.addf %add3A_1369, %add3A_1402 : vector<16xf32>
          %scan3A_1408 = arith.constant 8 : i32
          %scan3A_1409 = arith.addi %scan3A_1105, %scan3A_1408 : i32
          %mul3A_1410 = arith.constant 50 : i32
          %mul3A_1411 = arith.muli %scan3A_218, %mul3A_1410 : i32
          %add3A_1412 = arith.addi %mul3A_1411, %scan3A_1409 : i32
          %get3A_1413 = arith.index_cast %add3A_1412 : i32 to index
          %get3A_1414 = arith.constant 0 : index
          %get3A_1415 = tpu.vector_load %arg23[%get3A_1413, %get3A_1414] {strides = array<i32>} : memref<400x64xf32, #tpu.memory_space<vmem>>, vector<16xf32>,
          %mul3A_1416 = arith.mulf %get3A_1415, %get3A_220 : vector<16xf32>
          %mul3A_1417 = arith.constant 50 : i32
          %mul3A_1418 = arith.muli %scan3A_218, %mul3A_1417 : i32
          %add3A_1419 = arith.addi %mul3A_1418, %scan3A_1409 : i32
          %get3A_1420 = arith.index_cast %add3A_1419 : i32 to index
          %get3A_1421 = arith.constant 16 : index
          %get3A_1422 = tpu.vector_load %arg23[%get3A_1420, %get3A_1421] {strides = array<i32>} : memref<400x64xf32, #tpu.memory_space<vmem>>, vector<16xf32>,
          %mul3A_1423 = arith.mulf %get3A_1422, %get3A_223 : vector<16xf32>
          %add3A_1424 = arith.addf %mul3A_1416, %mul3A_1423 : vector<16xf32>
          %mul3A_1425 = arith.constant 50 : i32
          %mul3A_1426 = arith.muli %scan3A_218, %mul3A_1425 : i32
          %add3A_1427 = arith.addi %mul3A_1426, %scan3A_1409 : i32
          %get3A_1428 = arith.index_cast %add3A_1427 : i32 to index
          %get3A_1429 = arith.constant 32 : index
          %get3A_1430 = tpu.vector_load %arg23[%get3A_1428, %get3A_1429] {strides = array<i32>} : memref<400x64xf32, #tpu.memory_space<vmem>>, vector<16xf32>,
          %mul3A_1431 = arith.mulf %get3A_1430, %get3A_226 : vector<16xf32>
          %mul3A_1432 = arith.constant 50 : i32
          %mul3A_1433 = arith.muli %scan3A_218, %mul3A_1432 : i32
          %add3A_1434 = arith.addi %mul3A_1433, %scan3A_1409 : i32
          %get3A_1435 = arith.index_cast %add3A_1434 : i32 to index
          %get3A_1436 = arith.constant 48 : index
          %get3A_1437 = tpu.vector_load %arg23[%get3A_1435, %get3A_1436] {strides = array<i32>} : memref<400x64xf32, #tpu.memory_space<vmem>>, vector<16xf32>,
          %mul3A_1438 = arith.mulf %get3A_1437, %get3A_229 : vector<16xf32>
          %add3A_1439 = arith.addf %mul3A_1431, %mul3A_1438 : vector<16xf32>
          %add3A_1440 = arith.addf %add3A_1424, %add3A_1439 : vector<16xf32>
          %mul3A_1441 = arith.constant 16 : i32
          %mul3A_1442 = arith.muli %scan3A_1409, %mul3A_1441 : i32
          %swap3A_1443 = arith.index_cast %mul3A_1442 : i32 to index
          %swap3A_1444 = tpu.vector_load %arg30[%swap3A_1443] {strides = array<i32>} : memref<800xf32, #tpu.memory_space<vmem>>, vector<16xf32>,
          tpu.vector_store %arg30[%swap3A_1443], %add3A_1440 {strides = array<i32>} : memref<800xf32, #tpu.memory_space<vmem>>, vector<16xf32>,
          %add3A_1445 = arith.addf %add3A_1407, %add3A_1440 : vector<16xf32>
          %scan3A_1446 = arith.constant 9 : i32
          %scan3A_1447 = arith.addi %scan3A_1105, %scan3A_1446 : i32
          %mul3A_1448 = arith.constant 50 : i32
          %mul3A_1449 = arith.muli %scan3A_218, %mul3A_1448 : i32
          %add3A_1450 = arith.addi %mul3A_1449, %scan3A_1447 : i32
          %get3A_1451 = arith.index_cast %add3A_1450 : i32 to index
          %get3A_1452 = arith.constant 0 : index
          %get3A_1453 = tpu.vector_load %arg23[%get3A_1451, %get3A_1452] {strides = array<i32>} : memref<400x64xf32, #tpu.memory_space<vmem>>, vector<16xf32>,
          %mul3A_1454 = arith.mulf %get3A_1453, %get3A_220 : vector<16xf32>
          %mul3A_1455 = arith.constant 50 : i32
          %mul3A_1456 = arith.muli %scan3A_218, %mul3A_1455 : i32
          %add3A_1457 = arith.addi %mul3A_1456, %scan3A_1447 : i32
          %get3A_1458 = arith.index_cast %add3A_1457 : i32 to index
          %get3A_1459 = arith.constant 16 : index
          %get3A_1460 = tpu.vector_load %arg23[%get3A_1458, %get3A_1459] {strides = array<i32>} : memref<400x64xf32, #tpu.memory_space<vmem>>, vector<16xf32>,
          %mul3A_1461 = arith.mulf %get3A_1460, %get3A_223 : vector<16xf32>
          %add3A_1462 = arith.addf %mul3A_1454, %mul3A_1461 : vector<16xf32>
          %mul3A_1463 = arith.constant 50 : i32
          %mul3A_1464 = arith.muli %scan3A_218, %mul3A_1463 : i32
          %add3A_1465 = arith.addi %mul3A_1464, %scan3A_1447 : i32
          %get3A_1466 = arith.index_cast %add3A_1465 : i32 to index
          %get3A_1467 = arith.constant 32 : index
          %get3A_1468 = tpu.vector_load %arg23[%get3A_1466, %get3A_1467] {strides = array<i32>} : memref<400x64xf32, #tpu.memory_space<vmem>>, vector<16xf32>,
          %mul3A_1469 = arith.mulf %get3A_1468, %get3A_226 : vector<16xf32>
          %mul3A_1470 = arith.constant 50 : i32
          %mul3A_1471 = arith.muli %scan3A_218, %mul3A_1470 : i32
          %add3A_1472 = arith.addi %mul3A_1471, %scan3A_1447 : i32
          %get3A_1473 = arith.index_cast %add3A_1472 : i32 to index
          %get3A_1474 = arith.constant 48 : index
          %get3A_1475 = tpu.vector_load %arg23[%get3A_1473, %get3A_1474] {strides = array<i32>} : memref<400x64xf32, #tpu.memory_space<vmem>>, vector<16xf32>,
          %mul3A_1476 = arith.mulf %get3A_1475, %get3A_229 : vector<16xf32>
          %add3A_1477 = arith.addf %mul3A_1469, %mul3A_1476 : vector<16xf32>
          %add3A_1478 = arith.addf %add3A_1462, %add3A_1477 : vector<16xf32>
          %mul3A_1479 = arith.constant 16 : i32
          %mul3A_1480 = arith.muli %scan3A_1447, %mul3A_1479 : i32
          %swap3A_1481 = arith.index_cast %mul3A_1480 : i32 to index
          %swap3A_1482 = tpu.vector_load %arg30[%swap3A_1481] {strides = array<i32>} : memref<800xf32, #tpu.memory_space<vmem>>, vector<16xf32>,
          tpu.vector_store %arg30[%swap3A_1481], %add3A_1478 {strides = array<i32>} : memref<800xf32, #tpu.memory_space<vmem>>, vector<16xf32>,
          %add3A_1483 = arith.addf %add3A_1445, %add3A_1478 : vector<16xf32>
          scf.yield %add3A_1483 : vector<16xf32>
        }
        %scan3A_370 = arith.constant 50 : i32
        %add3A_371 = arith.constant 0 : i32
        %add3A_372 = vector.broadcast %add3A_371 : i32 to vector<16xi32>
        %add3A_373 = arith.addi %mul3A_5, %add3A_372 : vector<16xi32>
        %gather3A_374 = tpu.vector_load_idx %arg30[%add3A_373] : memref<800xf32, #tpu.memory_space<vmem>>[vector<16xi32>], vector<16xf32>,
        %add3A_375 = arith.constant 1 : i32
        %add3A_376 = vector.broadcast %add3A_375 : i32 to vector<16xi32>
        %add3A_377 = arith.addi %mul3A_5, %add3A_376 : vector<16xi32>
        %gather3A_378 = tpu.vector_load_idx %arg30[%add3A_377] : memref<800xf32, #tpu.memory_space<vmem>>[vector<16xi32>], vector<16xf32>,
        %add3A_379 = arith.constant 2 : i32
        %add3A_380 = vector.broadcast %add3A_379 : i32 to vector<16xi32>
        %add3A_381 = arith.addi %mul3A_5, %add3A_380 : vector<16xi32>
        %gather3A_382 = tpu.vector_load_idx %arg30[%add3A_381] : memref<800xf32, #tpu.memory_space<vmem>>[vector<16xi32>], vector<16xf32>,
        %add3A_383 = arith.constant 3 : i32
        %add3A_384 = vector.broadcast %add3A_383 : i32 to vector<16xi32>
        %add3A_385 = arith.addi %mul3A_5, %add3A_384 : vector<16xi32>
        %gather3A_386 = tpu.vector_load_idx %arg30[%add3A_385] : memref<800xf32, #tpu.memory_space<vmem>>[vector<16xi32>], vector<16xf32>,
        %add3A_387 = arith.constant 4 : i32
        %add3A_388 = vector.broadcast %add3A_387 : i32 to vector<16xi32>
        %add3A_389 = arith.addi %mul3A_5, %add3A_388 : vector<16xi32>
        %gather3A_390 = tpu.vector_load_idx %arg30[%add3A_389] : memref<800xf32, #tpu.memory_space<vmem>>[vector<16xi32>], vector<16xf32>,
        %add3A_391 = arith.constant 5 : i32
        %add3A_392 = vector.broadcast %add3A_391 : i32 to vector<16xi32>
        %add3A_393 = arith.addi %mul3A_5, %add3A_392 : vector<16xi32>
        %gather3A_394 = tpu.vector_load_idx %arg30[%add3A_393] : memref<800xf32, #tpu.memory_space<vmem>>[vector<16xi32>], vector<16xf32>,
        %add3A_395 = arith.constant 6 : i32
        %add3A_396 = vector.broadcast %add3A_395 : i32 to vector<16xi32>
        %add3A_397 = arith.addi %mul3A_5, %add3A_396 : vector<16xi32>
        %gather3A_398 = tpu.vector_load_idx %arg30[%add3A_397] : memref<800xf32, #tpu.memory_space<vmem>>[vector<16xi32>], vector<16xf32>,
        %add3A_399 = arith.constant 7 : i32
        %add3A_400 = vector.broadcast %add3A_399 : i32 to vector<16xi32>
        %add3A_401 = arith.addi %mul3A_5, %add3A_400 : vector<16xi32>
        %gather3A_402 = tpu.vector_load_idx %arg30[%add3A_401] : memref<800xf32, #tpu.memory_space<vmem>>[vector<16xi32>], vector<16xf32>,
        %add3A_403 = arith.constant 8 : i32
        %add3A_404 = vector.broadcast %add3A_403 : i32 to vector<16xi32>
        %add3A_405 = arith.addi %mul3A_5, %add3A_404 : vector<16xi32>
        %gather3A_406 = tpu.vector_load_idx %arg30[%add3A_405] : memref<800xf32, #tpu.memory_space<vmem>>[vector<16xi32>], vector<16xf32>,
        %add3A_407 = arith.constant 9 : i32
        %add3A_408 = vector.broadcast %add3A_407 : i32 to vector<16xi32>
        %add3A_409 = arith.addi %mul3A_5, %add3A_408 : vector<16xi32>
        %gather3A_410 = tpu.vector_load_idx %arg30[%add3A_409] : memref<800xf32, #tpu.memory_space<vmem>>[vector<16xi32>], vector<16xf32>,
        %add3A_411 = arith.constant 10 : i32
        %add3A_412 = vector.broadcast %add3A_411 : i32 to vector<16xi32>
        %add3A_413 = arith.addi %mul3A_5, %add3A_412 : vector<16xi32>
        %gather3A_414 = tpu.vector_load_idx %arg30[%add3A_413] : memref<800xf32, #tpu.memory_space<vmem>>[vector<16xi32>], vector<16xf32>,
        %add3A_415 = arith.constant 11 : i32
        %add3A_416 = vector.broadcast %add3A_415 : i32 to vector<16xi32>
        %add3A_417 = arith.addi %mul3A_5, %add3A_416 : vector<16xi32>
        %gather3A_418 = tpu.vector_load_idx %arg30[%add3A_417] : memref<800xf32, #tpu.memory_space<vmem>>[vector<16xi32>], vector<16xf32>,
        %add3A_419 = arith.constant 12 : i32
        %add3A_420 = vector.broadcast %add3A_419 : i32 to vector<16xi32>
        %add3A_421 = arith.addi %mul3A_5, %add3A_420 : vector<16xi32>
        %gather3A_422 = tpu.vector_load_idx %arg30[%add3A_421] : memref<800xf32, #tpu.memory_space<vmem>>[vector<16xi32>], vector<16xf32>,
        %add3A_423 = arith.constant 13 : i32
        %add3A_424 = vector.broadcast %add3A_423 : i32 to vector<16xi32>
        %add3A_425 = arith.addi %mul3A_5, %add3A_424 : vector<16xi32>
        %gather3A_426 = tpu.vector_load_idx %arg30[%add3A_425] : memref<800xf32, #tpu.memory_space<vmem>>[vector<16xi32>], vector<16xf32>,
        %add3A_427 = arith.constant 14 : i32
        %add3A_428 = vector.broadcast %add3A_427 : i32 to vector<16xi32>
        %add3A_429 = arith.addi %mul3A_5, %add3A_428 : vector<16xi32>
        %gather3A_430 = tpu.vector_load_idx %arg30[%add3A_429] : memref<800xf32, #tpu.memory_space<vmem>>[vector<16xi32>], vector<16xf32>,
        %add3A_431 = arith.constant 15 : i32
        %add3A_432 = vector.broadcast %add3A_431 : i32 to vector<16xi32>
        %add3A_433 = arith.addi %mul3A_5, %add3A_432 : vector<16xi32>
        %gather3A_434 = tpu.vector_load_idx %arg30[%add3A_433] : memref<800xf32, #tpu.memory_space<vmem>>[vector<16xi32>], vector<16xf32>,
        %add3A_435 = arith.addf %gather3A_374, %gather3A_378 : vector<16xf32>
        %add3A_436 = arith.addf %gather3A_382, %gather3A_386 : vector<16xf32>
        %add3A_437 = arith.addf %gather3A_390, %gather3A_394 : vector<16xf32>
        %add3A_438 = arith.addf %gather3A_398, %gather3A_402 : vector<16xf32>
        %add3A_439 = arith.addf %gather3A_406, %gather3A_410 : vector<16xf32>
        %add3A_440 = arith.addf %gather3A_414, %gather3A_418 : vector<16xf32>
        %add3A_441 = arith.addf %gather3A_422, %gather3A_426 : vector<16xf32>
        %add3A_442 = arith.addf %gather3A_430, %gather3A_434 : vector<16xf32>
        %add3A_443 = arith.addf %add3A_435, %add3A_436 : vector<16xf32>
        %add3A_444 = arith.addf %add3A_437, %add3A_438 : vector<16xf32>
        %add3A_445 = arith.addf %add3A_439, %add3A_440 : vector<16xf32>
        %add3A_446 = arith.addf %add3A_441, %add3A_442 : vector<16xf32>
        %add3A_447 = arith.addf %add3A_443, %add3A_444 : vector<16xf32>
        %add3A_448 = arith.addf %add3A_445, %add3A_446 : vector<16xf32>
        %add3A_449 = arith.addf %add3A_447, %add3A_448 : vector<16xf32>
        %mul3A_450 = arith.constant 50 : i32
        %mul3A_451 = arith.muli %scan3A_218, %mul3A_450 : i32
        %add3A_452 = arith.constant 0 : i32
        %add3A_453 = arith.addi %mul3A_451, %add3A_452 : i32
        %broadcast_in_dim3A_454 = vector.broadcast %add3A_453 : i32 to vector<16xi32>
        %add3A_455 = arith.addi %broadcast_in_dim3A_454, %iota3A : vector<16xi32>
        tpu.vector_store_idx %arg27[%add3A_455], %add3A_449 : memref<400xf32, #tpu.memory_space<vmem>>[vector<16xi32>], vector<16xf32>,
        %add3A_456 = arith.constant 256 : i32
        %add3A_457 = vector.broadcast %add3A_456 : i32 to vector<16xi32>
        %add3A_458 = arith.addi %mul3A_5, %add3A_457 : vector<16xi32>
        %gather3A_459 = tpu.vector_load_idx %arg30[%add3A_458] : memref<800xf32, #tpu.memory_space<vmem>>[vector<16xi32>], vector<16xf32>,
        %add3A_460 = arith.constant 257 : i32
        %add3A_461 = vector.broadcast %add3A_460 : i32 to vector<16xi32>
        %add3A_462 = arith.addi %mul3A_5, %add3A_461 : vector<16xi32>
        %gather3A_463 = tpu.vector_load_idx %arg30[%add3A_462] : memref<800xf32, #tpu.memory_space<vmem>>[vector<16xi32>], vector<16xf32>,
        %add3A_464 = arith.constant 258 : i32
        %add3A_465 = vector.broadcast %add3A_464 : i32 to vector<16xi32>
        %add3A_466 = arith.addi %mul3A_5, %add3A_465 : vector<16xi32>
        %gather3A_467 = tpu.vector_load_idx %arg30[%add3A_466] : memref<800xf32, #tpu.memory_space<vmem>>[vector<16xi32>], vector<16xf32>,
        %add3A_468 = arith.constant 259 : i32
        %add3A_469 = vector.broadcast %add3A_468 : i32 to vector<16xi32>
        %add3A_470 = arith.addi %mul3A_5, %add3A_469 : vector<16xi32>
        %gather3A_471 = tpu.vector_load_idx %arg30[%add3A_470] : memref<800xf32, #tpu.memory_space<vmem>>[vector<16xi32>], vector<16xf32>,
        %add3A_472 = arith.constant 260 : i32
        %add3A_473 = vector.broadcast %add3A_472 : i32 to vector<16xi32>
        %add3A_474 = arith.addi %mul3A_5, %add3A_473 : vector<16xi32>
        %gather3A_475 = tpu.vector_load_idx %arg30[%add3A_474] : memref<800xf32, #tpu.memory_space<vmem>>[vector<16xi32>], vector<16xf32>,
        %add3A_476 = arith.constant 261 : i32
        %add3A_477 = vector.broadcast %add3A_476 : i32 to vector<16xi32>
        %add3A_478 = arith.addi %mul3A_5, %add3A_477 : vector<16xi32>
        %gather3A_479 = tpu.vector_load_idx %arg30[%add3A_478] : memref<800xf32, #tpu.memory_space<vmem>>[vector<16xi32>], vector<16xf32>,
        %add3A_480 = arith.constant 262 : i32
        %add3A_481 = vector.broadcast %add3A_480 : i32 to vector<16xi32>
        %add3A_482 = arith.addi %mul3A_5, %add3A_481 : vector<16xi32>
        %gather3A_483 = tpu.vector_load_idx %arg30[%add3A_482] : memref<800xf32, #tpu.memory_space<vmem>>[vector<16xi32>], vector<16xf32>,
        %add3A_484 = arith.constant 263 : i32
        %add3A_485 = vector.broadcast %add3A_484 : i32 to vector<16xi32>
        %add3A_486 = arith.addi %mul3A_5, %add3A_485 : vector<16xi32>
        %gather3A_487 = tpu.vector_load_idx %arg30[%add3A_486] : memref<800xf32, #tpu.memory_space<vmem>>[vector<16xi32>], vector<16xf32>,
        %add3A_488 = arith.constant 264 : i32
        %add3A_489 = vector.broadcast %add3A_488 : i32 to vector<16xi32>
        %add3A_490 = arith.addi %mul3A_5, %add3A_489 : vector<16xi32>
        %gather3A_491 = tpu.vector_load_idx %arg30[%add3A_490] : memref<800xf32, #tpu.memory_space<vmem>>[vector<16xi32>], vector<16xf32>,
        %add3A_492 = arith.constant 265 : i32
        %add3A_493 = vector.broadcast %add3A_492 : i32 to vector<16xi32>
        %add3A_494 = arith.addi %mul3A_5, %add3A_493 : vector<16xi32>
        %gather3A_495 = tpu.vector_load_idx %arg30[%add3A_494] : memref<800xf32, #tpu.memory_space<vmem>>[vector<16xi32>], vector<16xf32>,
        %add3A_496 = arith.constant 266 : i32
        %add3A_497 = vector.broadcast %add3A_496 : i32 to vector<16xi32>
        %add3A_498 = arith.addi %mul3A_5, %add3A_497 : vector<16xi32>
        %gather3A_499 = tpu.vector_load_idx %arg30[%add3A_498] : memref<800xf32, #tpu.memory_space<vmem>>[vector<16xi32>], vector<16xf32>,
        %add3A_500 = arith.constant 267 : i32
        %add3A_501 = vector.broadcast %add3A_500 : i32 to vector<16xi32>
        %add3A_502 = arith.addi %mul3A_5, %add3A_501 : vector<16xi32>
        %gather3A_503 = tpu.vector_load_idx %arg30[%add3A_502] : memref<800xf32, #tpu.memory_space<vmem>>[vector<16xi32>], vector<16xf32>,
        %add3A_504 = arith.constant 268 : i32
        %add3A_505 = vector.broadcast %add3A_504 : i32 to vector<16xi32>
        %add3A_506 = arith.addi %mul3A_5, %add3A_505 : vector<16xi32>
        %gather3A_507 = tpu.vector_load_idx %arg30[%add3A_506] : memref<800xf32, #tpu.memory_space<vmem>>[vector<16xi32>], vector<16xf32>,
        %add3A_508 = arith.constant 269 : i32
        %add3A_509 = vector.broadcast %add3A_508 : i32 to vector<16xi32>
        %add3A_510 = arith.addi %mul3A_5, %add3A_509 : vector<16xi32>
        %gather3A_511 = tpu.vector_load_idx %arg30[%add3A_510] : memref<800xf32, #tpu.memory_space<vmem>>[vector<16xi32>], vector<16xf32>,
        %add3A_512 = arith.constant 270 : i32
        %add3A_513 = vector.broadcast %add3A_512 : i32 to vector<16xi32>
        %add3A_514 = arith.addi %mul3A_5, %add3A_513 : vector<16xi32>
        %gather3A_515 = tpu.vector_load_idx %arg30[%add3A_514] : memref<800xf32, #tpu.memory_space<vmem>>[vector<16xi32>], vector<16xf32>,
        %add3A_516 = arith.constant 271 : i32
        %add3A_517 = vector.broadcast %add3A_516 : i32 to vector<16xi32>
        %add3A_518 = arith.addi %mul3A_5, %add3A_517 : vector<16xi32>
        %gather3A_519 = tpu.vector_load_idx %arg30[%add3A_518] : memref<800xf32, #tpu.memory_space<vmem>>[vector<16xi32>], vector<16xf32>,
        %add3A_520 = arith.addf %gather3A_459, %gather3A_463 : vector<16xf32>
        %add3A_521 = arith.addf %gather3A_467, %gather3A_471 : vector<16xf32>
        %add3A_522 = arith.addf %gather3A_475, %gather3A_479 : vector<16xf32>
        %add3A_523 = arith.addf %gather3A_483, %gather3A_487 : vector<16xf32>
        %add3A_524 = arith.addf %gather3A_491, %gather3A_495 : vector<16xf32>
        %add3A_525 = arith.addf %gather3A_499, %gather3A_503 : vector<16xf32>
        %add3A_526 = arith.addf %gather3A_507, %gather3A_511 : vector<16xf32>
        %add3A_527 = arith.addf %gather3A_515, %gather3A_519 : vector<16xf32>
        %add3A_528 = arith.addf %add3A_520, %add3A_521 : vector<16xf32>
        %add3A_529 = arith.addf %add3A_522, %add3A_523 : vector<16xf32>
        %add3A_530 = arith.addf %add3A_524, %add3A_525 : vector<16xf32>
        %add3A_531 = arith.addf %add3A_526, %add3A_527 : vector<16xf32>
        %add3A_532 = arith.addf %add3A_528, %add3A_529 : vector<16xf32>
        %add3A_533 = arith.addf %add3A_530, %add3A_531 : vector<16xf32>
        %add3A_534 = arith.addf %add3A_532, %add3A_533 : vector<16xf32>
        %mul3A_535 = arith.constant 50 : i32
        %mul3A_536 = arith.muli %scan3A_218, %mul3A_535 : i32
        %add3A_537 = arith.constant 16 : i32
        %add3A_538 = arith.addi %mul3A_536, %add3A_537 : i32
        %broadcast_in_dim3A_539 = vector.broadcast %add3A_538 : i32 to vector<16xi32>
        %add3A_540 = arith.addi %broadcast_in_dim3A_539, %iota3A : vector<16xi32>
        tpu.vector_store_idx %arg27[%add3A_540], %add3A_534 : memref<400xf32, #tpu.memory_space<vmem>>[vector<16xi32>], vector<16xf32>,
        %add3A_541 = arith.constant 512 : i32
        %add3A_542 = vector.broadcast %add3A_541 : i32 to vector<16xi32>
        %add3A_543 = arith.addi %mul3A_5, %add3A_542 : vector<16xi32>
        %gather3A_544 = tpu.vector_load_idx %arg30[%add3A_543] : memref<800xf32, #tpu.memory_space<vmem>>[vector<16xi32>], vector<16xf32>,
        %add3A_545 = arith.constant 513 : i32
        %add3A_546 = vector.broadcast %add3A_545 : i32 to vector<16xi32>
        %add3A_547 = arith.addi %mul3A_5, %add3A_546 : vector<16xi32>
        %gather3A_548 = tpu.vector_load_idx %arg30[%add3A_547] : memref<800xf32, #tpu.memory_space<vmem>>[vector<16xi32>], vector<16xf32>,
        %add3A_549 = arith.constant 514 : i32
        %add3A_550 = vector.broadcast %add3A_549 : i32 to vector<16xi32>
        %add3A_551 = arith.addi %mul3A_5, %add3A_550 : vector<16xi32>
        %gather3A_552 = tpu.vector_load_idx %arg30[%add3A_551] : memref<800xf32, #tpu.memory_space<vmem>>[vector<16xi32>], vector<16xf32>,
        %add3A_553 = arith.constant 515 : i32
        %add3A_554 = vector.broadcast %add3A_553 : i32 to vector<16xi32>
        %add3A_555 = arith.addi %mul3A_5, %add3A_554 : vector<16xi32>
        %gather3A_556 = tpu.vector_load_idx %arg30[%add3A_555] : memref<800xf32, #tpu.memory_space<vmem>>[vector<16xi32>], vector<16xf32>,
        %add3A_557 = arith.constant 516 : i32
        %add3A_558 = vector.broadcast %add3A_557 : i32 to vector<16xi32>
        %add3A_559 = arith.addi %mul3A_5, %add3A_558 : vector<16xi32>
        %gather3A_560 = tpu.vector_load_idx %arg30[%add3A_559] : memref<800xf32, #tpu.memory_space<vmem>>[vector<16xi32>], vector<16xf32>,
        %add3A_561 = arith.constant 517 : i32
        %add3A_562 = vector.broadcast %add3A_561 : i32 to vector<16xi32>
        %add3A_563 = arith.addi %mul3A_5, %add3A_562 : vector<16xi32>
        %gather3A_564 = tpu.vector_load_idx %arg30[%add3A_563] : memref<800xf32, #tpu.memory_space<vmem>>[vector<16xi32>], vector<16xf32>,
        %add3A_565 = arith.constant 518 : i32
        %add3A_566 = vector.broadcast %add3A_565 : i32 to vector<16xi32>
        %add3A_567 = arith.addi %mul3A_5, %add3A_566 : vector<16xi32>
        %gather3A_568 = tpu.vector_load_idx %arg30[%add3A_567] : memref<800xf32, #tpu.memory_space<vmem>>[vector<16xi32>], vector<16xf32>,
        %add3A_569 = arith.constant 519 : i32
        %add3A_570 = vector.broadcast %add3A_569 : i32 to vector<16xi32>
        %add3A_571 = arith.addi %mul3A_5, %add3A_570 : vector<16xi32>
        %gather3A_572 = tpu.vector_load_idx %arg30[%add3A_571] : memref<800xf32, #tpu.memory_space<vmem>>[vector<16xi32>], vector<16xf32>,
        %add3A_573 = arith.constant 520 : i32
        %add3A_574 = vector.broadcast %add3A_573 : i32 to vector<16xi32>
        %add3A_575 = arith.addi %mul3A_5, %add3A_574 : vector<16xi32>
        %gather3A_576 = tpu.vector_load_idx %arg30[%add3A_575] : memref<800xf32, #tpu.memory_space<vmem>>[vector<16xi32>], vector<16xf32>,
        %add3A_577 = arith.constant 521 : i32
        %add3A_578 = vector.broadcast %add3A_577 : i32 to vector<16xi32>
        %add3A_579 = arith.addi %mul3A_5, %add3A_578 : vector<16xi32>
        %gather3A_580 = tpu.vector_load_idx %arg30[%add3A_579] : memref<800xf32, #tpu.memory_space<vmem>>[vector<16xi32>], vector<16xf32>,
        %add3A_581 = arith.constant 522 : i32
        %add3A_582 = vector.broadcast %add3A_581 : i32 to vector<16xi32>
        %add3A_583 = arith.addi %mul3A_5, %add3A_582 : vector<16xi32>
        %gather3A_584 = tpu.vector_load_idx %arg30[%add3A_583] : memref<800xf32, #tpu.memory_space<vmem>>[vector<16xi32>], vector<16xf32>,
        %add3A_585 = arith.constant 523 : i32
        %add3A_586 = vector.broadcast %add3A_585 : i32 to vector<16xi32>
        %add3A_587 = arith.addi %mul3A_5, %add3A_586 : vector<16xi32>
        %gather3A_588 = tpu.vector_load_idx %arg30[%add3A_587] : memref<800xf32, #tpu.memory_space<vmem>>[vector<16xi32>], vector<16xf32>,
        %add3A_589 = arith.constant 524 : i32
        %add3A_590 = vector.broadcast %add3A_589 : i32 to vector<16xi32>
        %add3A_591 = arith.addi %mul3A_5, %add3A_590 : vector<16xi32>
        %gather3A_592 = tpu.vector_load_idx %arg30[%add3A_591] : memref<800xf32, #tpu.memory_space<vmem>>[vector<16xi32>], vector<16xf32>,
        %add3A_593 = arith.constant 525 : i32
        %add3A_594 = vector.broadcast %add3A_593 : i32 to vector<16xi32>
        %add3A_595 = arith.addi %mul3A_5, %add3A_594 : vector<16xi32>
        %gather3A_596 = tpu.vector_load_idx %arg30[%add3A_595] : memref<800xf32, #tpu.memory_space<vmem>>[vector<16xi32>], vector<16xf32>,
        %add3A_597 = arith.constant 526 : i32
        %add3A_598 = vector.broadcast %add3A_597 : i32 to vector<16xi32>
        %add3A_599 = arith.addi %mul3A_5, %add3A_598 : vector<16xi32>
        %gather3A_600 = tpu.vector_load_idx %arg30[%add3A_599] : memref<800xf32, #tpu.memory_space<vmem>>[vector<16xi32>], vector<16xf32>,
        %add3A_601 = arith.constant 527 : i32
        %add3A_602 = vector.broadcast %add3A_601 : i32 to vector<16xi32>
        %add3A_603 = arith.addi %mul3A_5, %add3A_602 : vector<16xi32>
        %gather3A_604 = tpu.vector_load_idx %arg30[%add3A_603] : memref<800xf32, #tpu.memory_space<vmem>>[vector<16xi32>], vector<16xf32>,
        %add3A_605 = arith.addf %gather3A_544, %gather3A_548 : vector<16xf32>
        %add3A_606 = arith.addf %gather3A_552, %gather3A_556 : vector<16xf32>
        %add3A_607 = arith.addf %gather3A_560, %gather3A_564 : vector<16xf32>
        %add3A_608 = arith.addf %gather3A_568, %gather3A_572 : vector<16xf32>
        %add3A_609 = arith.addf %gather3A_576, %gather3A_580 : vector<16xf32>
        %add3A_610 = arith.addf %gather3A_584, %gather3A_588 : vector<16xf32>
        %add3A_611 = arith.addf %gather3A_592, %gather3A_596 : vector<16xf32>
        %add3A_612 = arith.addf %gather3A_600, %gather3A_604 : vector<16xf32>
        %add3A_613 = arith.addf %add3A_605, %add3A_606 : vector<16xf32>
        %add3A_614 = arith.addf %add3A_607, %add3A_608 : vector<16xf32>
        %add3A_615 = arith.addf %add3A_609, %add3A_610 : vector<16xf32>
        %add3A_616 = arith.addf %add3A_611, %add3A_612 : vector<16xf32>
        %add3A_617 = arith.addf %add3A_613, %add3A_614 : vector<16xf32>
        %add3A_618 = arith.addf %add3A_615, %add3A_616 : vector<16xf32>
        %add3A_619 = arith.addf %add3A_617, %add3A_618 : vector<16xf32>
        %mul3A_620 = arith.constant 50 : i32
        %mul3A_621 = arith.muli %scan3A_218, %mul3A_620 : i32
        %add3A_622 = arith.constant 32 : i32
        %add3A_623 = arith.addi %mul3A_621, %add3A_622 : i32
        %broadcast_in_dim3A_624 = vector.broadcast %add3A_623 : i32 to vector<16xi32>
        %add3A_625 = arith.addi %broadcast_in_dim3A_624, %iota3A : vector<16xi32>
        tpu.vector_store_idx %arg27[%add3A_625], %add3A_619 : memref<400xf32, #tpu.memory_space<vmem>>[vector<16xi32>], vector<16xf32>,
        %add3A_626 = arith.constant 768 : i32
        %add3A_627 = vector.broadcast %add3A_626 : i32 to vector<16xi32>
        %add3A_628 = arith.addi %mul3A_5, %add3A_627 : vector<16xi32>
        %gather3A_629 = tpu.vector_load_idx %arg30[%add3A_628] : memref<800xf32, #tpu.memory_space<vmem>>[vector<16xi32>], vector<16xf32>,
        %add3A_630 = arith.constant 769 : i32
        %add3A_631 = vector.broadcast %add3A_630 : i32 to vector<16xi32>
        %add3A_632 = arith.addi %mul3A_5, %add3A_631 : vector<16xi32>
        %gather3A_633 = tpu.vector_load_idx %arg30[%add3A_632] : memref<800xf32, #tpu.memory_space<vmem>>[vector<16xi32>], vector<16xf32>,
        %add3A_634 = arith.constant 770 : i32
        %add3A_635 = vector.broadcast %add3A_634 : i32 to vector<16xi32>
        %add3A_636 = arith.addi %mul3A_5, %add3A_635 : vector<16xi32>
        %gather3A_637 = tpu.vector_load_idx %arg30[%add3A_636] : memref<800xf32, #tpu.memory_space<vmem>>[vector<16xi32>], vector<16xf32>,
        %add3A_638 = arith.constant 771 : i32
        %add3A_639 = vector.broadcast %add3A_638 : i32 to vector<16xi32>
        %add3A_640 = arith.addi %mul3A_5, %add3A_639 : vector<16xi32>
        %gather3A_641 = tpu.vector_load_idx %arg30[%add3A_640] : memref<800xf32, #tpu.memory_space<vmem>>[vector<16xi32>], vector<16xf32>,
        %add3A_642 = arith.constant 772 : i32
        %add3A_643 = vector.broadcast %add3A_642 : i32 to vector<16xi32>
        %add3A_644 = arith.addi %mul3A_5, %add3A_643 : vector<16xi32>
        %gather3A_645 = tpu.vector_load_idx %arg30[%add3A_644] : memref<800xf32, #tpu.memory_space<vmem>>[vector<16xi32>], vector<16xf32>,
        %add3A_646 = arith.constant 773 : i32
        %add3A_647 = vector.broadcast %add3A_646 : i32 to vector<16xi32>
        %add3A_648 = arith.addi %mul3A_5, %add3A_647 : vector<16xi32>
        %gather3A_649 = tpu.vector_load_idx %arg30[%add3A_648] : memref<800xf32, #tpu.memory_space<vmem>>[vector<16xi32>], vector<16xf32>,
        %add3A_650 = arith.constant 774 : i32
        %add3A_651 = vector.broadcast %add3A_650 : i32 to vector<16xi32>
        %add3A_652 = arith.addi %mul3A_5, %add3A_651 : vector<16xi32>
        %gather3A_653 = tpu.vector_load_idx %arg30[%add3A_652] : memref<800xf32, #tpu.memory_space<vmem>>[vector<16xi32>], vector<16xf32>,
        %add3A_654 = arith.constant 775 : i32
        %add3A_655 = vector.broadcast %add3A_654 : i32 to vector<16xi32>
        %add3A_656 = arith.addi %mul3A_5, %add3A_655 : vector<16xi32>
        %gather3A_657 = tpu.vector_load_idx %arg30[%add3A_656] : memref<800xf32, #tpu.memory_space<vmem>>[vector<16xi32>], vector<16xf32>,
        %add3A_658 = arith.constant 776 : i32
        %add3A_659 = vector.broadcast %add3A_658 : i32 to vector<16xi32>
        %add3A_660 = arith.addi %mul3A_5, %add3A_659 : vector<16xi32>
        %gather3A_661 = tpu.vector_load_idx %arg30[%add3A_660] : memref<800xf32, #tpu.memory_space<vmem>>[vector<16xi32>], vector<16xf32>,
        %add3A_662 = arith.constant 777 : i32
        %add3A_663 = vector.broadcast %add3A_662 : i32 to vector<16xi32>
        %add3A_664 = arith.addi %mul3A_5, %add3A_663 : vector<16xi32>
        %gather3A_665 = tpu.vector_load_idx %arg30[%add3A_664] : memref<800xf32, #tpu.memory_space<vmem>>[vector<16xi32>], vector<16xf32>,
        %add3A_666 = arith.constant 778 : i32
        %add3A_667 = vector.broadcast %add3A_666 : i32 to vector<16xi32>
        %add3A_668 = arith.addi %mul3A_5, %add3A_667 : vector<16xi32>
        %gather3A_669 = tpu.vector_load_idx %arg30[%add3A_668] : memref<800xf32, #tpu.memory_space<vmem>>[vector<16xi32>], vector<16xf32>,
        %add3A_670 = arith.constant 779 : i32
        %add3A_671 = vector.broadcast %add3A_670 : i32 to vector<16xi32>
        %add3A_672 = arith.addi %mul3A_5, %add3A_671 : vector<16xi32>
        %gather3A_673 = tpu.vector_load_idx %arg30[%add3A_672] : memref<800xf32, #tpu.memory_space<vmem>>[vector<16xi32>], vector<16xf32>,
        %add3A_674 = arith.constant 780 : i32
        %add3A_675 = vector.broadcast %add3A_674 : i32 to vector<16xi32>
        %add3A_676 = arith.addi %mul3A_5, %add3A_675 : vector<16xi32>
        %gather3A_677 = tpu.vector_load_idx %arg30[%add3A_676] : memref<800xf32, #tpu.memory_space<vmem>>[vector<16xi32>], vector<16xf32>,
        %add3A_678 = arith.constant 781 : i32
        %add3A_679 = vector.broadcast %add3A_678 : i32 to vector<16xi32>
        %add3A_680 = arith.addi %mul3A_5, %add3A_679 : vector<16xi32>
        %gather3A_681 = tpu.vector_load_idx %arg30[%add3A_680] : memref<800xf32, #tpu.memory_space<vmem>>[vector<16xi32>], vector<16xf32>,
        %add3A_682 = arith.constant 782 : i32
        %add3A_683 = vector.broadcast %add3A_682 : i32 to vector<16xi32>
        %add3A_684 = arith.addi %mul3A_5, %add3A_683 : vector<16xi32>
        %gather3A_685 = tpu.vector_load_idx %arg30[%add3A_684] : memref<800xf32, #tpu.memory_space<vmem>>[vector<16xi32>], vector<16xf32>,
        %add3A_686 = arith.constant 783 : i32
        %add3A_687 = vector.broadcast %add3A_686 : i32 to vector<16xi32>
        %add3A_688 = arith.addi %mul3A_5, %add3A_687 : vector<16xi32>
        %gather3A_689 = tpu.vector_load_idx %arg30[%add3A_688] : memref<800xf32, #tpu.memory_space<vmem>>[vector<16xi32>], vector<16xf32>,
        %add3A_690 = arith.addf %gather3A_629, %gather3A_633 : vector<16xf32>
        %add3A_691 = arith.addf %gather3A_637, %gather3A_641 : vector<16xf32>
        %add3A_692 = arith.addf %gather3A_645, %gather3A_649 : vector<16xf32>
        %add3A_693 = arith.addf %gather3A_653, %gather3A_657 : vector<16xf32>
        %add3A_694 = arith.addf %gather3A_661, %gather3A_665 : vector<16xf32>
        %add3A_695 = arith.addf %gather3A_669, %gather3A_673 : vector<16xf32>
        %add3A_696 = arith.addf %gather3A_677, %gather3A_681 : vector<16xf32>
        %add3A_697 = arith.addf %gather3A_685, %gather3A_689 : vector<16xf32>
        %add3A_698 = arith.addf %add3A_690, %add3A_691 : vector<16xf32>
        %add3A_699 = arith.addf %add3A_692, %add3A_693 : vector<16xf32>
        %add3A_700 = arith.addf %add3A_694, %add3A_695 : vector<16xf32>
        %add3A_701 = arith.addf %add3A_696, %add3A_697 : vector<16xf32>
        %add3A_702 = arith.addf %add3A_698, %add3A_699 : vector<16xf32>
        %add3A_703 = arith.addf %add3A_700, %add3A_701 : vector<16xf32>
        %add3A_704 = arith.addf %add3A_702, %add3A_703 : vector<16xf32>
        %mul3A_705 = arith.constant 50 : i32
        %mul3A_706 = arith.muli %scan3A_218, %mul3A_705 : i32
        %add3A_707 = arith.constant 48 : i32
        %add3A_708 = arith.addi %mul3A_706, %add3A_707 : i32
        %broadcast_in_dim3A_709 = vector.broadcast %add3A_708 : i32 to vector<16xi32>
        %add3A_710 = arith.addi %broadcast_in_dim3A_709, %iota3A : vector<16xi32>
        %lt3A_711 = arith.constant 2 : i32
        %lt3A_712 = vector.broadcast %lt3A_711 : i32 to vector<16xi32>
        %lt3A_713 = arith.cmpi slt, %iota3A, %lt3A_712 : vector<16xi32>
        tpu.vector_store_idx %arg27[%add3A_710], %add3A_704 masked %lt3A_713 : memref<400xf32, #tpu.memory_space<vmem>>[vector<16xi32>], vector<16xf32>, vector<16xi1>
        %broadcast_in_dim3A_714 = arith.constant 0.000000e+00 : f32
        %broadcast_in_dim3A_715 = vector.broadcast %broadcast_in_dim3A_714 : f32 to vector<16xf32>
        %scan3A_716 = arith.constant 0 : i32
        %scan3A_717 = arith.constant 50 : i32
        %scan3A_718 = arith.addi %scan3A_716, %scan3A_717 : i32
        %scan3A_719 = arith.constant 10 : i32
        %scan3A_720 = scf.for %scan3A_1105 = %scan3A_716 to %scan3A_718 step %scan3A_719 iter_args(%scan3A_1106 = %broadcast_in_dim3A_715) -> (vector<16xf32>)  : i32 {
          %mul3A_1107 = arith.constant 50 : i32
          %mul3A_1108 = arith.muli %scan3A_218, %mul3A_1107 : i32
          %add3A_1109 = arith.addi %mul3A_1108, %scan3A_1105 : i32
          %get3A_1110 = arith.index_cast %add3A_1109 : i32 to index
          %get3A_1111 = arith.constant 0 : index
          %get3A_1112 = tpu.vector_load %arg25[%get3A_1110, %get3A_1111] {strides = array<i32>} : memref<400x64xf32, #tpu.memory_space<vmem>>, vector<16xf32>,
          %mul3A_1113 = arith.mulf %get3A_1112, %get3A_220 : vector<16xf32>
          %mul3A_1114 = arith.constant 50 : i32
          %mul3A_1115 = arith.muli %scan3A_218, %mul3A_1114 : i32
          %add3A_1116 = arith.addi %mul3A_1115, %scan3A_1105 : i32
          %get3A_1117 = arith.index_cast %add3A_1116 : i32 to index
          %get3A_1118 = arith.constant 16 : index
          %get3A_1119 = tpu.vector_load %arg25[%get3A_1117, %get3A_1118] {strides = array<i32>} : memref<400x64xf32, #tpu.memory_space<vmem>>, vector<16xf32>,
          %mul3A_1120 = arith.mulf %get3A_1119, %get3A_223 : vector<16xf32>
          %add3A_1121 = arith.addf %mul3A_1113, %mul3A_1120 : vector<16xf32>
          %mul3A_1122 = arith.constant 50 : i32
          %mul3A_1123 = arith.muli %scan3A_218, %mul3A_1122 : i32
          %add3A_1124 = arith.addi %mul3A_1123, %scan3A_1105 : i32
          %get3A_1125 = arith.index_cast %add3A_1124 : i32 to index
          %get3A_1126 = arith.constant 32 : index
          %get3A_1127 = tpu.vector_load %arg25[%get3A_1125, %get3A_1126] {strides = array<i32>} : memref<400x64xf32, #tpu.memory_space<vmem>>, vector<16xf32>,
          %mul3A_1128 = arith.mulf %get3A_1127, %get3A_226 : vector<16xf32>
          %mul3A_1129 = arith.constant 50 : i32
          %mul3A_1130 = arith.muli %scan3A_218, %mul3A_1129 : i32
          %add3A_1131 = arith.addi %mul3A_1130, %scan3A_1105 : i32
          %get3A_1132 = arith.index_cast %add3A_1131 : i32 to index
          %get3A_1133 = arith.constant 48 : index
          %get3A_1134 = tpu.vector_load %arg25[%get3A_1132, %get3A_1133] {strides = array<i32>} : memref<400x64xf32, #tpu.memory_space<vmem>>, vector<16xf32>,
          %mul3A_1135 = arith.mulf %get3A_1134, %get3A_229 : vector<16xf32>
          %add3A_1136 = arith.addf %mul3A_1128, %mul3A_1135 : vector<16xf32>
          %add3A_1137 = arith.addf %add3A_1121, %add3A_1136 : vector<16xf32>
          %mul3A_1138 = arith.constant 16 : i32
          %mul3A_1139 = arith.muli %scan3A_1105, %mul3A_1138 : i32
          %swap3A = arith.index_cast %mul3A_1139 : i32 to index
          %swap3A_1140 = tpu.vector_load %arg31[%swap3A] {strides = array<i32>} : memref<800xf32, #tpu.memory_space<vmem>>, vector<16xf32>,
          tpu.vector_store %arg31[%swap3A], %add3A_1137 {strides = array<i32>} : memref<800xf32, #tpu.memory_space<vmem>>, vector<16xf32>,
          %add3A_1141 = arith.addf %scan3A_1106, %add3A_1137 : vector<16xf32>
          %scan3A_1142 = arith.constant 1 : i32
          %scan3A_1143 = arith.addi %scan3A_1105, %scan3A_1142 : i32
          %mul3A_1144 = arith.constant 50 : i32
          %mul3A_1145 = arith.muli %scan3A_218, %mul3A_1144 : i32
          %add3A_1146 = arith.addi %mul3A_1145, %scan3A_1143 : i32
          %get3A_1147 = arith.index_cast %add3A_1146 : i32 to index
          %get3A_1148 = arith.constant 0 : index
          %get3A_1149 = tpu.vector_load %arg25[%get3A_1147, %get3A_1148] {strides = array<i32>} : memref<400x64xf32, #tpu.memory_space<vmem>>, vector<16xf32>,
          %mul3A_1150 = arith.mulf %get3A_1149, %get3A_220 : vector<16xf32>
          %mul3A_1151 = arith.constant 50 : i32
          %mul3A_1152 = arith.muli %scan3A_218, %mul3A_1151 : i32
          %add3A_1153 = arith.addi %mul3A_1152, %scan3A_1143 : i32
          %get3A_1154 = arith.index_cast %add3A_1153 : i32 to index
          %get3A_1155 = arith.constant 16 : index
          %get3A_1156 = tpu.vector_load %arg25[%get3A_1154, %get3A_1155] {strides = array<i32>} : memref<400x64xf32, #tpu.memory_space<vmem>>, vector<16xf32>,
          %mul3A_1157 = arith.mulf %get3A_1156, %get3A_223 : vector<16xf32>
          %add3A_1158 = arith.addf %mul3A_1150, %mul3A_1157 : vector<16xf32>
          %mul3A_1159 = arith.constant 50 : i32
          %mul3A_1160 = arith.muli %scan3A_218, %mul3A_1159 : i32
          %add3A_1161 = arith.addi %mul3A_1160, %scan3A_1143 : i32
          %get3A_1162 = arith.index_cast %add3A_1161 : i32 to index
          %get3A_1163 = arith.constant 32 : index
          %get3A_1164 = tpu.vector_load %arg25[%get3A_1162, %get3A_1163] {strides = array<i32>} : memref<400x64xf32, #tpu.memory_space<vmem>>, vector<16xf32>,
          %mul3A_1165 = arith.mulf %get3A_1164, %get3A_226 : vector<16xf32>
          %mul3A_1166 = arith.constant 50 : i32
          %mul3A_1167 = arith.muli %scan3A_218, %mul3A_1166 : i32
          %add3A_1168 = arith.addi %mul3A_1167, %scan3A_1143 : i32
          %get3A_1169 = arith.index_cast %add3A_1168 : i32 to index
          %get3A_1170 = arith.constant 48 : index
          %get3A_1171 = tpu.vector_load %arg25[%get3A_1169, %get3A_1170] {strides = array<i32>} : memref<400x64xf32, #tpu.memory_space<vmem>>, vector<16xf32>,
          %mul3A_1172 = arith.mulf %get3A_1171, %get3A_229 : vector<16xf32>
          %add3A_1173 = arith.addf %mul3A_1165, %mul3A_1172 : vector<16xf32>
          %add3A_1174 = arith.addf %add3A_1158, %add3A_1173 : vector<16xf32>
          %mul3A_1175 = arith.constant 16 : i32
          %mul3A_1176 = arith.muli %scan3A_1143, %mul3A_1175 : i32
          %swap3A_1177 = arith.index_cast %mul3A_1176 : i32 to index
          %swap3A_1178 = tpu.vector_load %arg31[%swap3A_1177] {strides = array<i32>} : memref<800xf32, #tpu.memory_space<vmem>>, vector<16xf32>,
          tpu.vector_store %arg31[%swap3A_1177], %add3A_1174 {strides = array<i32>} : memref<800xf32, #tpu.memory_space<vmem>>, vector<16xf32>,
          %add3A_1179 = arith.addf %add3A_1141, %add3A_1174 : vector<16xf32>
          %scan3A_1180 = arith.constant 2 : i32
          %scan3A_1181 = arith.addi %scan3A_1105, %scan3A_1180 : i32
          %mul3A_1182 = arith.constant 50 : i32
          %mul3A_1183 = arith.muli %scan3A_218, %mul3A_1182 : i32
          %add3A_1184 = arith.addi %mul3A_1183, %scan3A_1181 : i32
          %get3A_1185 = arith.index_cast %add3A_1184 : i32 to index
          %get3A_1186 = arith.constant 0 : index
          %get3A_1187 = tpu.vector_load %arg25[%get3A_1185, %get3A_1186] {strides = array<i32>} : memref<400x64xf32, #tpu.memory_space<vmem>>, vector<16xf32>,
          %mul3A_1188 = arith.mulf %get3A_1187, %get3A_220 : vector<16xf32>
          %mul3A_1189 = arith.constant 50 : i32
          %mul3A_1190 = arith.muli %scan3A_218, %mul3A_1189 : i32
          %add3A_1191 = arith.addi %mul3A_1190, %scan3A_1181 : i32
          %get3A_1192 = arith.index_cast %add3A_1191 : i32 to index
          %get3A_1193 = arith.constant 16 : index
          %get3A_1194 = tpu.vector_load %arg25[%get3A_1192, %get3A_1193] {strides = array<i32>} : memref<400x64xf32, #tpu.memory_space<vmem>>, vector<16xf32>,
          %mul3A_1195 = arith.mulf %get3A_1194, %get3A_223 : vector<16xf32>
          %add3A_1196 = arith.addf %mul3A_1188, %mul3A_1195 : vector<16xf32>
          %mul3A_1197 = arith.constant 50 : i32
          %mul3A_1198 = arith.muli %scan3A_218, %mul3A_1197 : i32
          %add3A_1199 = arith.addi %mul3A_1198, %scan3A_1181 : i32
          %get3A_1200 = arith.index_cast %add3A_1199 : i32 to index
          %get3A_1201 = arith.constant 32 : index
          %get3A_1202 = tpu.vector_load %arg25[%get3A_1200, %get3A_1201] {strides = array<i32>} : memref<400x64xf32, #tpu.memory_space<vmem>>, vector<16xf32>,
          %mul3A_1203 = arith.mulf %get3A_1202, %get3A_226 : vector<16xf32>
          %mul3A_1204 = arith.constant 50 : i32
          %mul3A_1205 = arith.muli %scan3A_218, %mul3A_1204 : i32
          %add3A_1206 = arith.addi %mul3A_1205, %scan3A_1181 : i32
          %get3A_1207 = arith.index_cast %add3A_1206 : i32 to index
          %get3A_1208 = arith.constant 48 : index
          %get3A_1209 = tpu.vector_load %arg25[%get3A_1207, %get3A_1208] {strides = array<i32>} : memref<400x64xf32, #tpu.memory_space<vmem>>, vector<16xf32>,
          %mul3A_1210 = arith.mulf %get3A_1209, %get3A_229 : vector<16xf32>
          %add3A_1211 = arith.addf %mul3A_1203, %mul3A_1210 : vector<16xf32>
          %add3A_1212 = arith.addf %add3A_1196, %add3A_1211 : vector<16xf32>
          %mul3A_1213 = arith.constant 16 : i32
          %mul3A_1214 = arith.muli %scan3A_1181, %mul3A_1213 : i32
          %swap3A_1215 = arith.index_cast %mul3A_1214 : i32 to index
          %swap3A_1216 = tpu.vector_load %arg31[%swap3A_1215] {strides = array<i32>} : memref<800xf32, #tpu.memory_space<vmem>>, vector<16xf32>,
          tpu.vector_store %arg31[%swap3A_1215], %add3A_1212 {strides = array<i32>} : memref<800xf32, #tpu.memory_space<vmem>>, vector<16xf32>,
          %add3A_1217 = arith.addf %add3A_1179, %add3A_1212 : vector<16xf32>
          %scan3A_1218 = arith.constant 3 : i32
          %scan3A_1219 = arith.addi %scan3A_1105, %scan3A_1218 : i32
          %mul3A_1220 = arith.constant 50 : i32
          %mul3A_1221 = arith.muli %scan3A_218, %mul3A_1220 : i32
          %add3A_1222 = arith.addi %mul3A_1221, %scan3A_1219 : i32
          %get3A_1223 = arith.index_cast %add3A_1222 : i32 to index
          %get3A_1224 = arith.constant 0 : index
          %get3A_1225 = tpu.vector_load %arg25[%get3A_1223, %get3A_1224] {strides = array<i32>} : memref<400x64xf32, #tpu.memory_space<vmem>>, vector<16xf32>,
          %mul3A_1226 = arith.mulf %get3A_1225, %get3A_220 : vector<16xf32>
          %mul3A_1227 = arith.constant 50 : i32
          %mul3A_1228 = arith.muli %scan3A_218, %mul3A_1227 : i32
          %add3A_1229 = arith.addi %mul3A_1228, %scan3A_1219 : i32
          %get3A_1230 = arith.index_cast %add3A_1229 : i32 to index
          %get3A_1231 = arith.constant 16 : index
          %get3A_1232 = tpu.vector_load %arg25[%get3A_1230, %get3A_1231] {strides = array<i32>} : memref<400x64xf32, #tpu.memory_space<vmem>>, vector<16xf32>,
          %mul3A_1233 = arith.mulf %get3A_1232, %get3A_223 : vector<16xf32>
          %add3A_1234 = arith.addf %mul3A_1226, %mul3A_1233 : vector<16xf32>
          %mul3A_1235 = arith.constant 50 : i32
          %mul3A_1236 = arith.muli %scan3A_218, %mul3A_1235 : i32
          %add3A_1237 = arith.addi %mul3A_1236, %scan3A_1219 : i32
          %get3A_1238 = arith.index_cast %add3A_1237 : i32 to index
          %get3A_1239 = arith.constant 32 : index
          %get3A_1240 = tpu.vector_load %arg25[%get3A_1238, %get3A_1239] {strides = array<i32>} : memref<400x64xf32, #tpu.memory_space<vmem>>, vector<16xf32>,
          %mul3A_1241 = arith.mulf %get3A_1240, %get3A_226 : vector<16xf32>
          %mul3A_1242 = arith.constant 50 : i32
          %mul3A_1243 = arith.muli %scan3A_218, %mul3A_1242 : i32
          %add3A_1244 = arith.addi %mul3A_1243, %scan3A_1219 : i32
          %get3A_1245 = arith.index_cast %add3A_1244 : i32 to index
          %get3A_1246 = arith.constant 48 : index
          %get3A_1247 = tpu.vector_load %arg25[%get3A_1245, %get3A_1246] {strides = array<i32>} : memref<400x64xf32, #tpu.memory_space<vmem>>, vector<16xf32>,
          %mul3A_1248 = arith.mulf %get3A_1247, %get3A_229 : vector<16xf32>
          %add3A_1249 = arith.addf %mul3A_1241, %mul3A_1248 : vector<16xf32>
          %add3A_1250 = arith.addf %add3A_1234, %add3A_1249 : vector<16xf32>
          %mul3A_1251 = arith.constant 16 : i32
          %mul3A_1252 = arith.muli %scan3A_1219, %mul3A_1251 : i32
          %swap3A_1253 = arith.index_cast %mul3A_1252 : i32 to index
          %swap3A_1254 = tpu.vector_load %arg31[%swap3A_1253] {strides = array<i32>} : memref<800xf32, #tpu.memory_space<vmem>>, vector<16xf32>,
          tpu.vector_store %arg31[%swap3A_1253], %add3A_1250 {strides = array<i32>} : memref<800xf32, #tpu.memory_space<vmem>>, vector<16xf32>,
          %add3A_1255 = arith.addf %add3A_1217, %add3A_1250 : vector<16xf32>
          %scan3A_1256 = arith.constant 4 : i32
          %scan3A_1257 = arith.addi %scan3A_1105, %scan3A_1256 : i32
          %mul3A_1258 = arith.constant 50 : i32
          %mul3A_1259 = arith.muli %scan3A_218, %mul3A_1258 : i32
          %add3A_1260 = arith.addi %mul3A_1259, %scan3A_1257 : i32
          %get3A_1261 = arith.index_cast %add3A_1260 : i32 to index
          %get3A_1262 = arith.constant 0 : index
          %get3A_1263 = tpu.vector_load %arg25[%get3A_1261, %get3A_1262] {strides = array<i32>} : memref<400x64xf32, #tpu.memory_space<vmem>>, vector<16xf32>,
          %mul3A_1264 = arith.mulf %get3A_1263, %get3A_220 : vector<16xf32>
          %mul3A_1265 = arith.constant 50 : i32
          %mul3A_1266 = arith.muli %scan3A_218, %mul3A_1265 : i32
          %add3A_1267 = arith.addi %mul3A_1266, %scan3A_1257 : i32
          %get3A_1268 = arith.index_cast %add3A_1267 : i32 to index
          %get3A_1269 = arith.constant 16 : index
          %get3A_1270 = tpu.vector_load %arg25[%get3A_1268, %get3A_1269] {strides = array<i32>} : memref<400x64xf32, #tpu.memory_space<vmem>>, vector<16xf32>,
          %mul3A_1271 = arith.mulf %get3A_1270, %get3A_223 : vector<16xf32>
          %add3A_1272 = arith.addf %mul3A_1264, %mul3A_1271 : vector<16xf32>
          %mul3A_1273 = arith.constant 50 : i32
          %mul3A_1274 = arith.muli %scan3A_218, %mul3A_1273 : i32
          %add3A_1275 = arith.addi %mul3A_1274, %scan3A_1257 : i32
          %get3A_1276 = arith.index_cast %add3A_1275 : i32 to index
          %get3A_1277 = arith.constant 32 : index
          %get3A_1278 = tpu.vector_load %arg25[%get3A_1276, %get3A_1277] {strides = array<i32>} : memref<400x64xf32, #tpu.memory_space<vmem>>, vector<16xf32>,
          %mul3A_1279 = arith.mulf %get3A_1278, %get3A_226 : vector<16xf32>
          %mul3A_1280 = arith.constant 50 : i32
          %mul3A_1281 = arith.muli %scan3A_218, %mul3A_1280 : i32
          %add3A_1282 = arith.addi %mul3A_1281, %scan3A_1257 : i32
          %get3A_1283 = arith.index_cast %add3A_1282 : i32 to index
          %get3A_1284 = arith.constant 48 : index
          %get3A_1285 = tpu.vector_load %arg25[%get3A_1283, %get3A_1284] {strides = array<i32>} : memref<400x64xf32, #tpu.memory_space<vmem>>, vector<16xf32>,
          %mul3A_1286 = arith.mulf %get3A_1285, %get3A_229 : vector<16xf32>
          %add3A_1287 = arith.addf %mul3A_1279, %mul3A_1286 : vector<16xf32>
          %add3A_1288 = arith.addf %add3A_1272, %add3A_1287 : vector<16xf32>
          %mul3A_1289 = arith.constant 16 : i32
          %mul3A_1290 = arith.muli %scan3A_1257, %mul3A_1289 : i32
          %swap3A_1291 = arith.index_cast %mul3A_1290 : i32 to index
          %swap3A_1292 = tpu.vector_load %arg31[%swap3A_1291] {strides = array<i32>} : memref<800xf32, #tpu.memory_space<vmem>>, vector<16xf32>,
          tpu.vector_store %arg31[%swap3A_1291], %add3A_1288 {strides = array<i32>} : memref<800xf32, #tpu.memory_space<vmem>>, vector<16xf32>,
          %add3A_1293 = arith.addf %add3A_1255, %add3A_1288 : vector<16xf32>
          %scan3A_1294 = arith.constant 5 : i32
          %scan3A_1295 = arith.addi %scan3A_1105, %scan3A_1294 : i32
          %mul3A_1296 = arith.constant 50 : i32
          %mul3A_1297 = arith.muli %scan3A_218, %mul3A_1296 : i32
          %add3A_1298 = arith.addi %mul3A_1297, %scan3A_1295 : i32
          %get3A_1299 = arith.index_cast %add3A_1298 : i32 to index
          %get3A_1300 = arith.constant 0 : index
          %get3A_1301 = tpu.vector_load %arg25[%get3A_1299, %get3A_1300] {strides = array<i32>} : memref<400x64xf32, #tpu.memory_space<vmem>>, vector<16xf32>,
          %mul3A_1302 = arith.mulf %get3A_1301, %get3A_220 : vector<16xf32>
          %mul3A_1303 = arith.constant 50 : i32
          %mul3A_1304 = arith.muli %scan3A_218, %mul3A_1303 : i32
          %add3A_1305 = arith.addi %mul3A_1304, %scan3A_1295 : i32
          %get3A_1306 = arith.index_cast %add3A_1305 : i32 to index
          %get3A_1307 = arith.constant 16 : index
          %get3A_1308 = tpu.vector_load %arg25[%get3A_1306, %get3A_1307] {strides = array<i32>} : memref<400x64xf32, #tpu.memory_space<vmem>>, vector<16xf32>,
          %mul3A_1309 = arith.mulf %get3A_1308, %get3A_223 : vector<16xf32>
          %add3A_1310 = arith.addf %mul3A_1302, %mul3A_1309 : vector<16xf32>
          %mul3A_1311 = arith.constant 50 : i32
          %mul3A_1312 = arith.muli %scan3A_218, %mul3A_1311 : i32
          %add3A_1313 = arith.addi %mul3A_1312, %scan3A_1295 : i32
          %get3A_1314 = arith.index_cast %add3A_1313 : i32 to index
          %get3A_1315 = arith.constant 32 : index
          %get3A_1316 = tpu.vector_load %arg25[%get3A_1314, %get3A_1315] {strides = array<i32>} : memref<400x64xf32, #tpu.memory_space<vmem>>, vector<16xf32>,
          %mul3A_1317 = arith.mulf %get3A_1316, %get3A_226 : vector<16xf32>
          %mul3A_1318 = arith.constant 50 : i32
          %mul3A_1319 = arith.muli %scan3A_218, %mul3A_1318 : i32
          %add3A_1320 = arith.addi %mul3A_1319, %scan3A_1295 : i32
          %get3A_1321 = arith.index_cast %add3A_1320 : i32 to index
          %get3A_1322 = arith.constant 48 : index
          %get3A_1323 = tpu.vector_load %arg25[%get3A_1321, %get3A_1322] {strides = array<i32>} : memref<400x64xf32, #tpu.memory_space<vmem>>, vector<16xf32>,
          %mul3A_1324 = arith.mulf %get3A_1323, %get3A_229 : vector<16xf32>
          %add3A_1325 = arith.addf %mul3A_1317, %mul3A_1324 : vector<16xf32>
          %add3A_1326 = arith.addf %add3A_1310, %add3A_1325 : vector<16xf32>
          %mul3A_1327 = arith.constant 16 : i32
          %mul3A_1328 = arith.muli %scan3A_1295, %mul3A_1327 : i32
          %swap3A_1329 = arith.index_cast %mul3A_1328 : i32 to index
          %swap3A_1330 = tpu.vector_load %arg31[%swap3A_1329] {strides = array<i32>} : memref<800xf32, #tpu.memory_space<vmem>>, vector<16xf32>,
          tpu.vector_store %arg31[%swap3A_1329], %add3A_1326 {strides = array<i32>} : memref<800xf32, #tpu.memory_space<vmem>>, vector<16xf32>,
          %add3A_1331 = arith.addf %add3A_1293, %add3A_1326 : vector<16xf32>
          %scan3A_1332 = arith.constant 6 : i32
          %scan3A_1333 = arith.addi %scan3A_1105, %scan3A_1332 : i32
          %mul3A_1334 = arith.constant 50 : i32
          %mul3A_1335 = arith.muli %scan3A_218, %mul3A_1334 : i32
          %add3A_1336 = arith.addi %mul3A_1335, %scan3A_1333 : i32
          %get3A_1337 = arith.index_cast %add3A_1336 : i32 to index
          %get3A_1338 = arith.constant 0 : index
          %get3A_1339 = tpu.vector_load %arg25[%get3A_1337, %get3A_1338] {strides = array<i32>} : memref<400x64xf32, #tpu.memory_space<vmem>>, vector<16xf32>,
          %mul3A_1340 = arith.mulf %get3A_1339, %get3A_220 : vector<16xf32>
          %mul3A_1341 = arith.constant 50 : i32
          %mul3A_1342 = arith.muli %scan3A_218, %mul3A_1341 : i32
          %add3A_1343 = arith.addi %mul3A_1342, %scan3A_1333 : i32
          %get3A_1344 = arith.index_cast %add3A_1343 : i32 to index
          %get3A_1345 = arith.constant 16 : index
          %get3A_1346 = tpu.vector_load %arg25[%get3A_1344, %get3A_1345] {strides = array<i32>} : memref<400x64xf32, #tpu.memory_space<vmem>>, vector<16xf32>,
          %mul3A_1347 = arith.mulf %get3A_1346, %get3A_223 : vector<16xf32>
          %add3A_1348 = arith.addf %mul3A_1340, %mul3A_1347 : vector<16xf32>
          %mul3A_1349 = arith.constant 50 : i32
          %mul3A_1350 = arith.muli %scan3A_218, %mul3A_1349 : i32
          %add3A_1351 = arith.addi %mul3A_1350, %scan3A_1333 : i32
          %get3A_1352 = arith.index_cast %add3A_1351 : i32 to index
          %get3A_1353 = arith.constant 32 : index
          %get3A_1354 = tpu.vector_load %arg25[%get3A_1352, %get3A_1353] {strides = array<i32>} : memref<400x64xf32, #tpu.memory_space<vmem>>, vector<16xf32>,
          %mul3A_1355 = arith.mulf %get3A_1354, %get3A_226 : vector<16xf32>
          %mul3A_1356 = arith.constant 50 : i32
          %mul3A_1357 = arith.muli %scan3A_218, %mul3A_1356 : i32
          %add3A_1358 = arith.addi %mul3A_1357, %scan3A_1333 : i32
          %get3A_1359 = arith.index_cast %add3A_1358 : i32 to index
          %get3A_1360 = arith.constant 48 : index
          %get3A_1361 = tpu.vector_load %arg25[%get3A_1359, %get3A_1360] {strides = array<i32>} : memref<400x64xf32, #tpu.memory_space<vmem>>, vector<16xf32>,
          %mul3A_1362 = arith.mulf %get3A_1361, %get3A_229 : vector<16xf32>
          %add3A_1363 = arith.addf %mul3A_1355, %mul3A_1362 : vector<16xf32>
          %add3A_1364 = arith.addf %add3A_1348, %add3A_1363 : vector<16xf32>
          %mul3A_1365 = arith.constant 16 : i32
          %mul3A_1366 = arith.muli %scan3A_1333, %mul3A_1365 : i32
          %swap3A_1367 = arith.index_cast %mul3A_1366 : i32 to index
          %swap3A_1368 = tpu.vector_load %arg31[%swap3A_1367] {strides = array<i32>} : memref<800xf32, #tpu.memory_space<vmem>>, vector<16xf32>,
          tpu.vector_store %arg31[%swap3A_1367], %add3A_1364 {strides = array<i32>} : memref<800xf32, #tpu.memory_space<vmem>>, vector<16xf32>,
          %add3A_1369 = arith.addf %add3A_1331, %add3A_1364 : vector<16xf32>
          %scan3A_1370 = arith.constant 7 : i32
          %scan3A_1371 = arith.addi %scan3A_1105, %scan3A_1370 : i32
          %mul3A_1372 = arith.constant 50 : i32
          %mul3A_1373 = arith.muli %scan3A_218, %mul3A_1372 : i32
          %add3A_1374 = arith.addi %mul3A_1373, %scan3A_1371 : i32
          %get3A_1375 = arith.index_cast %add3A_1374 : i32 to index
          %get3A_1376 = arith.constant 0 : index
          %get3A_1377 = tpu.vector_load %arg25[%get3A_1375, %get3A_1376] {strides = array<i32>} : memref<400x64xf32, #tpu.memory_space<vmem>>, vector<16xf32>,
          %mul3A_1378 = arith.mulf %get3A_1377, %get3A_220 : vector<16xf32>
          %mul3A_1379 = arith.constant 50 : i32
          %mul3A_1380 = arith.muli %scan3A_218, %mul3A_1379 : i32
          %add3A_1381 = arith.addi %mul3A_1380, %scan3A_1371 : i32
          %get3A_1382 = arith.index_cast %add3A_1381 : i32 to index
          %get3A_1383 = arith.constant 16 : index
          %get3A_1384 = tpu.vector_load %arg25[%get3A_1382, %get3A_1383] {strides = array<i32>} : memref<400x64xf32, #tpu.memory_space<vmem>>, vector<16xf32>,
          %mul3A_1385 = arith.mulf %get3A_1384, %get3A_223 : vector<16xf32>
          %add3A_1386 = arith.addf %mul3A_1378, %mul3A_1385 : vector<16xf32>
          %mul3A_1387 = arith.constant 50 : i32
          %mul3A_1388 = arith.muli %scan3A_218, %mul3A_1387 : i32
          %add3A_1389 = arith.addi %mul3A_1388, %scan3A_1371 : i32
          %get3A_1390 = arith.index_cast %add3A_1389 : i32 to index
          %get3A_1391 = arith.constant 32 : index
          %get3A_1392 = tpu.vector_load %arg25[%get3A_1390, %get3A_1391] {strides = array<i32>} : memref<400x64xf32, #tpu.memory_space<vmem>>, vector<16xf32>,
          %mul3A_1393 = arith.mulf %get3A_1392, %get3A_226 : vector<16xf32>
          %mul3A_1394 = arith.constant 50 : i32
          %mul3A_1395 = arith.muli %scan3A_218, %mul3A_1394 : i32
          %add3A_1396 = arith.addi %mul3A_1395, %scan3A_1371 : i32
          %get3A_1397 = arith.index_cast %add3A_1396 : i32 to index
          %get3A_1398 = arith.constant 48 : index
          %get3A_1399 = tpu.vector_load %arg25[%get3A_1397, %get3A_1398] {strides = array<i32>} : memref<400x64xf32, #tpu.memory_space<vmem>>, vector<16xf32>,
          %mul3A_1400 = arith.mulf %get3A_1399, %get3A_229 : vector<16xf32>
          %add3A_1401 = arith.addf %mul3A_1393, %mul3A_1400 : vector<16xf32>
          %add3A_1402 = arith.addf %add3A_1386, %add3A_1401 : vector<16xf32>
          %mul3A_1403 = arith.constant 16 : i32
          %mul3A_1404 = arith.muli %scan3A_1371, %mul3A_1403 : i32
          %swap3A_1405 = arith.index_cast %mul3A_1404 : i32 to index
          %swap3A_1406 = tpu.vector_load %arg31[%swap3A_1405] {strides = array<i32>} : memref<800xf32, #tpu.memory_space<vmem>>, vector<16xf32>,
          tpu.vector_store %arg31[%swap3A_1405], %add3A_1402 {strides = array<i32>} : memref<800xf32, #tpu.memory_space<vmem>>, vector<16xf32>,
          %add3A_1407 = arith.addf %add3A_1369, %add3A_1402 : vector<16xf32>
          %scan3A_1408 = arith.constant 8 : i32
          %scan3A_1409 = arith.addi %scan3A_1105, %scan3A_1408 : i32
          %mul3A_1410 = arith.constant 50 : i32
          %mul3A_1411 = arith.muli %scan3A_218, %mul3A_1410 : i32
          %add3A_1412 = arith.addi %mul3A_1411, %scan3A_1409 : i32
          %get3A_1413 = arith.index_cast %add3A_1412 : i32 to index
          %get3A_1414 = arith.constant 0 : index
          %get3A_1415 = tpu.vector_load %arg25[%get3A_1413, %get3A_1414] {strides = array<i32>} : memref<400x64xf32, #tpu.memory_space<vmem>>, vector<16xf32>,
          %mul3A_1416 = arith.mulf %get3A_1415, %get3A_220 : vector<16xf32>
          %mul3A_1417 = arith.constant 50 : i32
          %mul3A_1418 = arith.muli %scan3A_218, %mul3A_1417 : i32
          %add3A_1419 = arith.addi %mul3A_1418, %scan3A_1409 : i32
          %get3A_1420 = arith.index_cast %add3A_1419 : i32 to index
          %get3A_1421 = arith.constant 16 : index
          %get3A_1422 = tpu.vector_load %arg25[%get3A_1420, %get3A_1421] {strides = array<i32>} : memref<400x64xf32, #tpu.memory_space<vmem>>, vector<16xf32>,
          %mul3A_1423 = arith.mulf %get3A_1422, %get3A_223 : vector<16xf32>
          %add3A_1424 = arith.addf %mul3A_1416, %mul3A_1423 : vector<16xf32>
          %mul3A_1425 = arith.constant 50 : i32
          %mul3A_1426 = arith.muli %scan3A_218, %mul3A_1425 : i32
          %add3A_1427 = arith.addi %mul3A_1426, %scan3A_1409 : i32
          %get3A_1428 = arith.index_cast %add3A_1427 : i32 to index
          %get3A_1429 = arith.constant 32 : index
          %get3A_1430 = tpu.vector_load %arg25[%get3A_1428, %get3A_1429] {strides = array<i32>} : memref<400x64xf32, #tpu.memory_space<vmem>>, vector<16xf32>,
          %mul3A_1431 = arith.mulf %get3A_1430, %get3A_226 : vector<16xf32>
          %mul3A_1432 = arith.constant 50 : i32
          %mul3A_1433 = arith.muli %scan3A_218, %mul3A_1432 : i32
          %add3A_1434 = arith.addi %mul3A_1433, %scan3A_1409 : i32
          %get3A_1435 = arith.index_cast %add3A_1434 : i32 to index
          %get3A_1436 = arith.constant 48 : index
          %get3A_1437 = tpu.vector_load %arg25[%get3A_1435, %get3A_1436] {strides = array<i32>} : memref<400x64xf32, #tpu.memory_space<vmem>>, vector<16xf32>,
          %mul3A_1438 = arith.mulf %get3A_1437, %get3A_229 : vector<16xf32>
          %add3A_1439 = arith.addf %mul3A_1431, %mul3A_1438 : vector<16xf32>
          %add3A_1440 = arith.addf %add3A_1424, %add3A_1439 : vector<16xf32>
          %mul3A_1441 = arith.constant 16 : i32
          %mul3A_1442 = arith.muli %scan3A_1409, %mul3A_1441 : i32
          %swap3A_1443 = arith.index_cast %mul3A_1442 : i32 to index
          %swap3A_1444 = tpu.vector_load %arg31[%swap3A_1443] {strides = array<i32>} : memref<800xf32, #tpu.memory_space<vmem>>, vector<16xf32>,
          tpu.vector_store %arg31[%swap3A_1443], %add3A_1440 {strides = array<i32>} : memref<800xf32, #tpu.memory_space<vmem>>, vector<16xf32>,
          %add3A_1445 = arith.addf %add3A_1407, %add3A_1440 : vector<16xf32>
          %scan3A_1446 = arith.constant 9 : i32
          %scan3A_1447 = arith.addi %scan3A_1105, %scan3A_1446 : i32
          %mul3A_1448 = arith.constant 50 : i32
          %mul3A_1449 = arith.muli %scan3A_218, %mul3A_1448 : i32
          %add3A_1450 = arith.addi %mul3A_1449, %scan3A_1447 : i32
          %get3A_1451 = arith.index_cast %add3A_1450 : i32 to index
          %get3A_1452 = arith.constant 0 : index
          %get3A_1453 = tpu.vector_load %arg25[%get3A_1451, %get3A_1452] {strides = array<i32>} : memref<400x64xf32, #tpu.memory_space<vmem>>, vector<16xf32>,
          %mul3A_1454 = arith.mulf %get3A_1453, %get3A_220 : vector<16xf32>
          %mul3A_1455 = arith.constant 50 : i32
          %mul3A_1456 = arith.muli %scan3A_218, %mul3A_1455 : i32
          %add3A_1457 = arith.addi %mul3A_1456, %scan3A_1447 : i32
          %get3A_1458 = arith.index_cast %add3A_1457 : i32 to index
          %get3A_1459 = arith.constant 16 : index
          %get3A_1460 = tpu.vector_load %arg25[%get3A_1458, %get3A_1459] {strides = array<i32>} : memref<400x64xf32, #tpu.memory_space<vmem>>, vector<16xf32>,
          %mul3A_1461 = arith.mulf %get3A_1460, %get3A_223 : vector<16xf32>
          %add3A_1462 = arith.addf %mul3A_1454, %mul3A_1461 : vector<16xf32>
          %mul3A_1463 = arith.constant 50 : i32
          %mul3A_1464 = arith.muli %scan3A_218, %mul3A_1463 : i32
          %add3A_1465 = arith.addi %mul3A_1464, %scan3A_1447 : i32
          %get3A_1466 = arith.index_cast %add3A_1465 : i32 to index
          %get3A_1467 = arith.constant 32 : index
          %get3A_1468 = tpu.vector_load %arg25[%get3A_1466, %get3A_1467] {strides = array<i32>} : memref<400x64xf32, #tpu.memory_space<vmem>>, vector<16xf32>,
          %mul3A_1469 = arith.mulf %get3A_1468, %get3A_226 : vector<16xf32>
          %mul3A_1470 = arith.constant 50 : i32
          %mul3A_1471 = arith.muli %scan3A_218, %mul3A_1470 : i32
          %add3A_1472 = arith.addi %mul3A_1471, %scan3A_1447 : i32
          %get3A_1473 = arith.index_cast %add3A_1472 : i32 to index
          %get3A_1474 = arith.constant 48 : index
          %get3A_1475 = tpu.vector_load %arg25[%get3A_1473, %get3A_1474] {strides = array<i32>} : memref<400x64xf32, #tpu.memory_space<vmem>>, vector<16xf32>,
          %mul3A_1476 = arith.mulf %get3A_1475, %get3A_229 : vector<16xf32>
          %add3A_1477 = arith.addf %mul3A_1469, %mul3A_1476 : vector<16xf32>
          %add3A_1478 = arith.addf %add3A_1462, %add3A_1477 : vector<16xf32>
          %mul3A_1479 = arith.constant 16 : i32
          %mul3A_1480 = arith.muli %scan3A_1447, %mul3A_1479 : i32
          %swap3A_1481 = arith.index_cast %mul3A_1480 : i32 to index
          %swap3A_1482 = tpu.vector_load %arg31[%swap3A_1481] {strides = array<i32>} : memref<800xf32, #tpu.memory_space<vmem>>, vector<16xf32>,
          tpu.vector_store %arg31[%swap3A_1481], %add3A_1478 {strides = array<i32>} : memref<800xf32, #tpu.memory_space<vmem>>, vector<16xf32>,
          %add3A_1483 = arith.addf %add3A_1445, %add3A_1478 : vector<16xf32>
          scf.yield %add3A_1483 : vector<16xf32>
        }
        %scan3A_721 = arith.constant 50 : i32
        %add3A_722 = arith.constant 0 : i32
        %add3A_723 = vector.broadcast %add3A_722 : i32 to vector<16xi32>
        %add3A_724 = arith.addi %mul3A_5, %add3A_723 : vector<16xi32>
        %gather3A_725 = tpu.vector_load_idx %arg31[%add3A_724] : memref<800xf32, #tpu.memory_space<vmem>>[vector<16xi32>], vector<16xf32>,
        %add3A_726 = arith.constant 1 : i32
        %add3A_727 = vector.broadcast %add3A_726 : i32 to vector<16xi32>
        %add3A_728 = arith.addi %mul3A_5, %add3A_727 : vector<16xi32>
        %gather3A_729 = tpu.vector_load_idx %arg31[%add3A_728] : memref<800xf32, #tpu.memory_space<vmem>>[vector<16xi32>], vector<16xf32>,
        %add3A_730 = arith.constant 2 : i32
        %add3A_731 = vector.broadcast %add3A_730 : i32 to vector<16xi32>
        %add3A_732 = arith.addi %mul3A_5, %add3A_731 : vector<16xi32>
        %gather3A_733 = tpu.vector_load_idx %arg31[%add3A_732] : memref<800xf32, #tpu.memory_space<vmem>>[vector<16xi32>], vector<16xf32>,
        %add3A_734 = arith.constant 3 : i32
        %add3A_735 = vector.broadcast %add3A_734 : i32 to vector<16xi32>
        %add3A_736 = arith.addi %mul3A_5, %add3A_735 : vector<16xi32>
        %gather3A_737 = tpu.vector_load_idx %arg31[%add3A_736] : memref<800xf32, #tpu.memory_space<vmem>>[vector<16xi32>], vector<16xf32>,
        %add3A_738 = arith.constant 4 : i32
        %add3A_739 = vector.broadcast %add3A_738 : i32 to vector<16xi32>
        %add3A_740 = arith.addi %mul3A_5, %add3A_739 : vector<16xi32>
        %gather3A_741 = tpu.vector_load_idx %arg31[%add3A_740] : memref<800xf32, #tpu.memory_space<vmem>>[vector<16xi32>], vector<16xf32>,
        %add3A_742 = arith.constant 5 : i32
        %add3A_743 = vector.broadcast %add3A_742 : i32 to vector<16xi32>
        %add3A_744 = arith.addi %mul3A_5, %add3A_743 : vector<16xi32>
        %gather3A_745 = tpu.vector_load_idx %arg31[%add3A_744] : memref<800xf32, #tpu.memory_space<vmem>>[vector<16xi32>], vector<16xf32>,
        %add3A_746 = arith.constant 6 : i32
        %add3A_747 = vector.broadcast %add3A_746 : i32 to vector<16xi32>
        %add3A_748 = arith.addi %mul3A_5, %add3A_747 : vector<16xi32>
        %gather3A_749 = tpu.vector_load_idx %arg31[%add3A_748] : memref<800xf32, #tpu.memory_space<vmem>>[vector<16xi32>], vector<16xf32>,
        %add3A_750 = arith.constant 7 : i32
        %add3A_751 = vector.broadcast %add3A_750 : i32 to vector<16xi32>
        %add3A_752 = arith.addi %mul3A_5, %add3A_751 : vector<16xi32>
        %gather3A_753 = tpu.vector_load_idx %arg31[%add3A_752] : memref<800xf32, #tpu.memory_space<vmem>>[vector<16xi32>], vector<16xf32>,
        %add3A_754 = arith.constant 8 : i32
        %add3A_755 = vector.broadcast %add3A_754 : i32 to vector<16xi32>
        %add3A_756 = arith.addi %mul3A_5, %add3A_755 : vector<16xi32>
        %gather3A_757 = tpu.vector_load_idx %arg31[%add3A_756] : memref<800xf32, #tpu.memory_space<vmem>>[vector<16xi32>], vector<16xf32>,
        %add3A_758 = arith.constant 9 : i32
        %add3A_759 = vector.broadcast %add3A_758 : i32 to vector<16xi32>
        %add3A_760 = arith.addi %mul3A_5, %add3A_759 : vector<16xi32>
        %gather3A_761 = tpu.vector_load_idx %arg31[%add3A_760] : memref<800xf32, #tpu.memory_space<vmem>>[vector<16xi32>], vector<16xf32>,
        %add3A_762 = arith.constant 10 : i32
        %add3A_763 = vector.broadcast %add3A_762 : i32 to vector<16xi32>
        %add3A_764 = arith.addi %mul3A_5, %add3A_763 : vector<16xi32>
        %gather3A_765 = tpu.vector_load_idx %arg31[%add3A_764] : memref<800xf32, #tpu.memory_space<vmem>>[vector<16xi32>], vector<16xf32>,
        %add3A_766 = arith.constant 11 : i32
        %add3A_767 = vector.broadcast %add3A_766 : i32 to vector<16xi32>
        %add3A_768 = arith.addi %mul3A_5, %add3A_767 : vector<16xi32>
        %gather3A_769 = tpu.vector_load_idx %arg31[%add3A_768] : memref<800xf32, #tpu.memory_space<vmem>>[vector<16xi32>], vector<16xf32>,
        %add3A_770 = arith.constant 12 : i32
        %add3A_771 = vector.broadcast %add3A_770 : i32 to vector<16xi32>
        %add3A_772 = arith.addi %mul3A_5, %add3A_771 : vector<16xi32>
        %gather3A_773 = tpu.vector_load_idx %arg31[%add3A_772] : memref<800xf32, #tpu.memory_space<vmem>>[vector<16xi32>], vector<16xf32>,
        %add3A_774 = arith.constant 13 : i32
        %add3A_775 = vector.broadcast %add3A_774 : i32 to vector<16xi32>
        %add3A_776 = arith.addi %mul3A_5, %add3A_775 : vector<16xi32>
        %gather3A_777 = tpu.vector_load_idx %arg31[%add3A_776] : memref<800xf32, #tpu.memory_space<vmem>>[vector<16xi32>], vector<16xf32>,
        %add3A_778 = arith.constant 14 : i32
        %add3A_779 = vector.broadcast %add3A_778 : i32 to vector<16xi32>
        %add3A_780 = arith.addi %mul3A_5, %add3A_779 : vector<16xi32>
        %gather3A_781 = tpu.vector_load_idx %arg31[%add3A_780] : memref<800xf32, #tpu.memory_space<vmem>>[vector<16xi32>], vector<16xf32>,
        %add3A_782 = arith.constant 15 : i32
        %add3A_783 = vector.broadcast %add3A_782 : i32 to vector<16xi32>
        %add3A_784 = arith.addi %mul3A_5, %add3A_783 : vector<16xi32>
        %gather3A_785 = tpu.vector_load_idx %arg31[%add3A_784] : memref<800xf32, #tpu.memory_space<vmem>>[vector<16xi32>], vector<16xf32>,
        %add3A_786 = arith.addf %gather3A_725, %gather3A_729 : vector<16xf32>
        %add3A_787 = arith.addf %gather3A_733, %gather3A_737 : vector<16xf32>
        %add3A_788 = arith.addf %gather3A_741, %gather3A_745 : vector<16xf32>
        %add3A_789 = arith.addf %gather3A_749, %gather3A_753 : vector<16xf32>
        %add3A_790 = arith.addf %gather3A_757, %gather3A_761 : vector<16xf32>
        %add3A_791 = arith.addf %gather3A_765, %gather3A_769 : vector<16xf32>
        %add3A_792 = arith.addf %gather3A_773, %gather3A_777 : vector<16xf32>
        %add3A_793 = arith.addf %gather3A_781, %gather3A_785 : vector<16xf32>
        %add3A_794 = arith.addf %add3A_786, %add3A_787 : vector<16xf32>
        %add3A_795 = arith.addf %add3A_788, %add3A_789 : vector<16xf32>
        %add3A_796 = arith.addf %add3A_790, %add3A_791 : vector<16xf32>
        %add3A_797 = arith.addf %add3A_792, %add3A_793 : vector<16xf32>
        %add3A_798 = arith.addf %add3A_794, %add3A_795 : vector<16xf32>
        %add3A_799 = arith.addf %add3A_796, %add3A_797 : vector<16xf32>
        %add3A_800 = arith.addf %add3A_798, %add3A_799 : vector<16xf32>
        %mul3A_801 = arith.constant 50 : i32
        %mul3A_802 = arith.muli %scan3A_218, %mul3A_801 : i32
        %add3A_803 = arith.constant 0 : i32
        %add3A_804 = arith.addi %mul3A_802, %add3A_803 : i32
        %broadcast_in_dim3A_805 = vector.broadcast %add3A_804 : i32 to vector<16xi32>
        %add3A_806 = arith.addi %broadcast_in_dim3A_805, %iota3A : vector<16xi32>
        tpu.vector_store_idx %arg29[%add3A_806], %add3A_800 : memref<400xf32, #tpu.memory_space<vmem>>[vector<16xi32>], vector<16xf32>,
        %add3A_807 = arith.constant 256 : i32
        %add3A_808 = vector.broadcast %add3A_807 : i32 to vector<16xi32>
        %add3A_809 = arith.addi %mul3A_5, %add3A_808 : vector<16xi32>
        %gather3A_810 = tpu.vector_load_idx %arg31[%add3A_809] : memref<800xf32, #tpu.memory_space<vmem>>[vector<16xi32>], vector<16xf32>,
        %add3A_811 = arith.constant 257 : i32
        %add3A_812 = vector.broadcast %add3A_811 : i32 to vector<16xi32>
        %add3A_813 = arith.addi %mul3A_5, %add3A_812 : vector<16xi32>
        %gather3A_814 = tpu.vector_load_idx %arg31[%add3A_813] : memref<800xf32, #tpu.memory_space<vmem>>[vector<16xi32>], vector<16xf32>,
        %add3A_815 = arith.constant 258 : i32
        %add3A_816 = vector.broadcast %add3A_815 : i32 to vector<16xi32>
        %add3A_817 = arith.addi %mul3A_5, %add3A_816 : vector<16xi32>
        %gather3A_818 = tpu.vector_load_idx %arg31[%add3A_817] : memref<800xf32, #tpu.memory_space<vmem>>[vector<16xi32>], vector<16xf32>,
        %add3A_819 = arith.constant 259 : i32
        %add3A_820 = vector.broadcast %add3A_819 : i32 to vector<16xi32>
        %add3A_821 = arith.addi %mul3A_5, %add3A_820 : vector<16xi32>
        %gather3A_822 = tpu.vector_load_idx %arg31[%add3A_821] : memref<800xf32, #tpu.memory_space<vmem>>[vector<16xi32>], vector<16xf32>,
        %add3A_823 = arith.constant 260 : i32
        %add3A_824 = vector.broadcast %add3A_823 : i32 to vector<16xi32>
        %add3A_825 = arith.addi %mul3A_5, %add3A_824 : vector<16xi32>
        %gather3A_826 = tpu.vector_load_idx %arg31[%add3A_825] : memref<800xf32, #tpu.memory_space<vmem>>[vector<16xi32>], vector<16xf32>,
        %add3A_827 = arith.constant 261 : i32
        %add3A_828 = vector.broadcast %add3A_827 : i32 to vector<16xi32>
        %add3A_829 = arith.addi %mul3A_5, %add3A_828 : vector<16xi32>
        %gather3A_830 = tpu.vector_load_idx %arg31[%add3A_829] : memref<800xf32, #tpu.memory_space<vmem>>[vector<16xi32>], vector<16xf32>,
        %add3A_831 = arith.constant 262 : i32
        %add3A_832 = vector.broadcast %add3A_831 : i32 to vector<16xi32>
        %add3A_833 = arith.addi %mul3A_5, %add3A_832 : vector<16xi32>
        %gather3A_834 = tpu.vector_load_idx %arg31[%add3A_833] : memref<800xf32, #tpu.memory_space<vmem>>[vector<16xi32>], vector<16xf32>,
        %add3A_835 = arith.constant 263 : i32
        %add3A_836 = vector.broadcast %add3A_835 : i32 to vector<16xi32>
        %add3A_837 = arith.addi %mul3A_5, %add3A_836 : vector<16xi32>
        %gather3A_838 = tpu.vector_load_idx %arg31[%add3A_837] : memref<800xf32, #tpu.memory_space<vmem>>[vector<16xi32>], vector<16xf32>,
        %add3A_839 = arith.constant 264 : i32
        %add3A_840 = vector.broadcast %add3A_839 : i32 to vector<16xi32>
        %add3A_841 = arith.addi %mul3A_5, %add3A_840 : vector<16xi32>
        %gather3A_842 = tpu.vector_load_idx %arg31[%add3A_841] : memref<800xf32, #tpu.memory_space<vmem>>[vector<16xi32>], vector<16xf32>,
        %add3A_843 = arith.constant 265 : i32
        %add3A_844 = vector.broadcast %add3A_843 : i32 to vector<16xi32>
        %add3A_845 = arith.addi %mul3A_5, %add3A_844 : vector<16xi32>
        %gather3A_846 = tpu.vector_load_idx %arg31[%add3A_845] : memref<800xf32, #tpu.memory_space<vmem>>[vector<16xi32>], vector<16xf32>,
        %add3A_847 = arith.constant 266 : i32
        %add3A_848 = vector.broadcast %add3A_847 : i32 to vector<16xi32>
        %add3A_849 = arith.addi %mul3A_5, %add3A_848 : vector<16xi32>
        %gather3A_850 = tpu.vector_load_idx %arg31[%add3A_849] : memref<800xf32, #tpu.memory_space<vmem>>[vector<16xi32>], vector<16xf32>,
        %add3A_851 = arith.constant 267 : i32
        %add3A_852 = vector.broadcast %add3A_851 : i32 to vector<16xi32>
        %add3A_853 = arith.addi %mul3A_5, %add3A_852 : vector<16xi32>
        %gather3A_854 = tpu.vector_load_idx %arg31[%add3A_853] : memref<800xf32, #tpu.memory_space<vmem>>[vector<16xi32>], vector<16xf32>,
        %add3A_855 = arith.constant 268 : i32
        %add3A_856 = vector.broadcast %add3A_855 : i32 to vector<16xi32>
        %add3A_857 = arith.addi %mul3A_5, %add3A_856 : vector<16xi32>
        %gather3A_858 = tpu.vector_load_idx %arg31[%add3A_857] : memref<800xf32, #tpu.memory_space<vmem>>[vector<16xi32>], vector<16xf32>,
        %add3A_859 = arith.constant 269 : i32
        %add3A_860 = vector.broadcast %add3A_859 : i32 to vector<16xi32>
        %add3A_861 = arith.addi %mul3A_5, %add3A_860 : vector<16xi32>
        %gather3A_862 = tpu.vector_load_idx %arg31[%add3A_861] : memref<800xf32, #tpu.memory_space<vmem>>[vector<16xi32>], vector<16xf32>,
        %add3A_863 = arith.constant 270 : i32
        %add3A_864 = vector.broadcast %add3A_863 : i32 to vector<16xi32>
        %add3A_865 = arith.addi %mul3A_5, %add3A_864 : vector<16xi32>
        %gather3A_866 = tpu.vector_load_idx %arg31[%add3A_865] : memref<800xf32, #tpu.memory_space<vmem>>[vector<16xi32>], vector<16xf32>,
        %add3A_867 = arith.constant 271 : i32
        %add3A_868 = vector.broadcast %add3A_867 : i32 to vector<16xi32>
        %add3A_869 = arith.addi %mul3A_5, %add3A_868 : vector<16xi32>
        %gather3A_870 = tpu.vector_load_idx %arg31[%add3A_869] : memref<800xf32, #tpu.memory_space<vmem>>[vector<16xi32>], vector<16xf32>,
        %add3A_871 = arith.addf %gather3A_810, %gather3A_814 : vector<16xf32>
        %add3A_872 = arith.addf %gather3A_818, %gather3A_822 : vector<16xf32>
        %add3A_873 = arith.addf %gather3A_826, %gather3A_830 : vector<16xf32>
        %add3A_874 = arith.addf %gather3A_834, %gather3A_838 : vector<16xf32>
        %add3A_875 = arith.addf %gather3A_842, %gather3A_846 : vector<16xf32>
        %add3A_876 = arith.addf %gather3A_850, %gather3A_854 : vector<16xf32>
        %add3A_877 = arith.addf %gather3A_858, %gather3A_862 : vector<16xf32>
        %add3A_878 = arith.addf %gather3A_866, %gather3A_870 : vector<16xf32>
        %add3A_879 = arith.addf %add3A_871, %add3A_872 : vector<16xf32>
        %add3A_880 = arith.addf %add3A_873, %add3A_874 : vector<16xf32>
        %add3A_881 = arith.addf %add3A_875, %add3A_876 : vector<16xf32>
        %add3A_882 = arith.addf %add3A_877, %add3A_878 : vector<16xf32>
        %add3A_883 = arith.addf %add3A_879, %add3A_880 : vector<16xf32>
        %add3A_884 = arith.addf %add3A_881, %add3A_882 : vector<16xf32>
        %add3A_885 = arith.addf %add3A_883, %add3A_884 : vector<16xf32>
        %mul3A_886 = arith.constant 50 : i32
        %mul3A_887 = arith.muli %scan3A_218, %mul3A_886 : i32
        %add3A_888 = arith.constant 16 : i32
        %add3A_889 = arith.addi %mul3A_887, %add3A_888 : i32
        %broadcast_in_dim3A_890 = vector.broadcast %add3A_889 : i32 to vector<16xi32>
        %add3A_891 = arith.addi %broadcast_in_dim3A_890, %iota3A : vector<16xi32>
        tpu.vector_store_idx %arg29[%add3A_891], %add3A_885 : memref<400xf32, #tpu.memory_space<vmem>>[vector<16xi32>], vector<16xf32>,
        %add3A_892 = arith.constant 512 : i32
        %add3A_893 = vector.broadcast %add3A_892 : i32 to vector<16xi32>
        %add3A_894 = arith.addi %mul3A_5, %add3A_893 : vector<16xi32>
        %gather3A_895 = tpu.vector_load_idx %arg31[%add3A_894] : memref<800xf32, #tpu.memory_space<vmem>>[vector<16xi32>], vector<16xf32>,
        %add3A_896 = arith.constant 513 : i32
        %add3A_897 = vector.broadcast %add3A_896 : i32 to vector<16xi32>
        %add3A_898 = arith.addi %mul3A_5, %add3A_897 : vector<16xi32>
        %gather3A_899 = tpu.vector_load_idx %arg31[%add3A_898] : memref<800xf32, #tpu.memory_space<vmem>>[vector<16xi32>], vector<16xf32>,
        %add3A_900 = arith.constant 514 : i32
        %add3A_901 = vector.broadcast %add3A_900 : i32 to vector<16xi32>
        %add3A_902 = arith.addi %mul3A_5, %add3A_901 : vector<16xi32>
        %gather3A_903 = tpu.vector_load_idx %arg31[%add3A_902] : memref<800xf32, #tpu.memory_space<vmem>>[vector<16xi32>], vector<16xf32>,
        %add3A_904 = arith.constant 515 : i32
        %add3A_905 = vector.broadcast %add3A_904 : i32 to vector<16xi32>
        %add3A_906 = arith.addi %mul3A_5, %add3A_905 : vector<16xi32>
        %gather3A_907 = tpu.vector_load_idx %arg31[%add3A_906] : memref<800xf32, #tpu.memory_space<vmem>>[vector<16xi32>], vector<16xf32>,
        %add3A_908 = arith.constant 516 : i32
        %add3A_909 = vector.broadcast %add3A_908 : i32 to vector<16xi32>
        %add3A_910 = arith.addi %mul3A_5, %add3A_909 : vector<16xi32>
        %gather3A_911 = tpu.vector_load_idx %arg31[%add3A_910] : memref<800xf32, #tpu.memory_space<vmem>>[vector<16xi32>], vector<16xf32>,
        %add3A_912 = arith.constant 517 : i32
        %add3A_913 = vector.broadcast %add3A_912 : i32 to vector<16xi32>
        %add3A_914 = arith.addi %mul3A_5, %add3A_913 : vector<16xi32>
        %gather3A_915 = tpu.vector_load_idx %arg31[%add3A_914] : memref<800xf32, #tpu.memory_space<vmem>>[vector<16xi32>], vector<16xf32>,
        %add3A_916 = arith.constant 518 : i32
        %add3A_917 = vector.broadcast %add3A_916 : i32 to vector<16xi32>
        %add3A_918 = arith.addi %mul3A_5, %add3A_917 : vector<16xi32>
        %gather3A_919 = tpu.vector_load_idx %arg31[%add3A_918] : memref<800xf32, #tpu.memory_space<vmem>>[vector<16xi32>], vector<16xf32>,
        %add3A_920 = arith.constant 519 : i32
        %add3A_921 = vector.broadcast %add3A_920 : i32 to vector<16xi32>
        %add3A_922 = arith.addi %mul3A_5, %add3A_921 : vector<16xi32>
        %gather3A_923 = tpu.vector_load_idx %arg31[%add3A_922] : memref<800xf32, #tpu.memory_space<vmem>>[vector<16xi32>], vector<16xf32>,
        %add3A_924 = arith.constant 520 : i32
        %add3A_925 = vector.broadcast %add3A_924 : i32 to vector<16xi32>
        %add3A_926 = arith.addi %mul3A_5, %add3A_925 : vector<16xi32>
        %gather3A_927 = tpu.vector_load_idx %arg31[%add3A_926] : memref<800xf32, #tpu.memory_space<vmem>>[vector<16xi32>], vector<16xf32>,
        %add3A_928 = arith.constant 521 : i32
        %add3A_929 = vector.broadcast %add3A_928 : i32 to vector<16xi32>
        %add3A_930 = arith.addi %mul3A_5, %add3A_929 : vector<16xi32>
        %gather3A_931 = tpu.vector_load_idx %arg31[%add3A_930] : memref<800xf32, #tpu.memory_space<vmem>>[vector<16xi32>], vector<16xf32>,
        %add3A_932 = arith.constant 522 : i32
        %add3A_933 = vector.broadcast %add3A_932 : i32 to vector<16xi32>
        %add3A_934 = arith.addi %mul3A_5, %add3A_933 : vector<16xi32>
        %gather3A_935 = tpu.vector_load_idx %arg31[%add3A_934] : memref<800xf32, #tpu.memory_space<vmem>>[vector<16xi32>], vector<16xf32>,
        %add3A_936 = arith.constant 523 : i32
        %add3A_937 = vector.broadcast %add3A_936 : i32 to vector<16xi32>
        %add3A_938 = arith.addi %mul3A_5, %add3A_937 : vector<16xi32>
        %gather3A_939 = tpu.vector_load_idx %arg31[%add3A_938] : memref<800xf32, #tpu.memory_space<vmem>>[vector<16xi32>], vector<16xf32>,
        %add3A_940 = arith.constant 524 : i32
        %add3A_941 = vector.broadcast %add3A_940 : i32 to vector<16xi32>
        %add3A_942 = arith.addi %mul3A_5, %add3A_941 : vector<16xi32>
        %gather3A_943 = tpu.vector_load_idx %arg31[%add3A_942] : memref<800xf32, #tpu.memory_space<vmem>>[vector<16xi32>], vector<16xf32>,
        %add3A_944 = arith.constant 525 : i32
        %add3A_945 = vector.broadcast %add3A_944 : i32 to vector<16xi32>
        %add3A_946 = arith.addi %mul3A_5, %add3A_945 : vector<16xi32>
        %gather3A_947 = tpu.vector_load_idx %arg31[%add3A_946] : memref<800xf32, #tpu.memory_space<vmem>>[vector<16xi32>], vector<16xf32>,
        %add3A_948 = arith.constant 526 : i32
        %add3A_949 = vector.broadcast %add3A_948 : i32 to vector<16xi32>
        %add3A_950 = arith.addi %mul3A_5, %add3A_949 : vector<16xi32>
        %gather3A_951 = tpu.vector_load_idx %arg31[%add3A_950] : memref<800xf32, #tpu.memory_space<vmem>>[vector<16xi32>], vector<16xf32>,
        %add3A_952 = arith.constant 527 : i32
        %add3A_953 = vector.broadcast %add3A_952 : i32 to vector<16xi32>
        %add3A_954 = arith.addi %mul3A_5, %add3A_953 : vector<16xi32>
        %gather3A_955 = tpu.vector_load_idx %arg31[%add3A_954] : memref<800xf32, #tpu.memory_space<vmem>>[vector<16xi32>], vector<16xf32>,
        %add3A_956 = arith.addf %gather3A_895, %gather3A_899 : vector<16xf32>
        %add3A_957 = arith.addf %gather3A_903, %gather3A_907 : vector<16xf32>
        %add3A_958 = arith.addf %gather3A_911, %gather3A_915 : vector<16xf32>
        %add3A_959 = arith.addf %gather3A_919, %gather3A_923 : vector<16xf32>
        %add3A_960 = arith.addf %gather3A_927, %gather3A_931 : vector<16xf32>
        %add3A_961 = arith.addf %gather3A_935, %gather3A_939 : vector<16xf32>
        %add3A_962 = arith.addf %gather3A_943, %gather3A_947 : vector<16xf32>
        %add3A_963 = arith.addf %gather3A_951, %gather3A_955 : vector<16xf32>
        %add3A_964 = arith.addf %add3A_956, %add3A_957 : vector<16xf32>
        %add3A_965 = arith.addf %add3A_958, %add3A_959 : vector<16xf32>
        %add3A_966 = arith.addf %add3A_960, %add3A_961 : vector<16xf32>
        %add3A_967 = arith.addf %add3A_962, %add3A_963 : vector<16xf32>
        %add3A_968 = arith.addf %add3A_964, %add3A_965 : vector<16xf32>
        %add3A_969 = arith.addf %add3A_966, %add3A_967 : vector<16xf32>
        %add3A_970 = arith.addf %add3A_968, %add3A_969 : vector<16xf32>
        %mul3A_971 = arith.constant 50 : i32
        %mul3A_972 = arith.muli %scan3A_218, %mul3A_971 : i32
        %add3A_973 = arith.constant 32 : i32
        %add3A_974 = arith.addi %mul3A_972, %add3A_973 : i32
        %broadcast_in_dim3A_975 = vector.broadcast %add3A_974 : i32 to vector<16xi32>
        %add3A_976 = arith.addi %broadcast_in_dim3A_975, %iota3A : vector<16xi32>
        tpu.vector_store_idx %arg29[%add3A_976], %add3A_970 : memref<400xf32, #tpu.memory_space<vmem>>[vector<16xi32>], vector<16xf32>,
        %add3A_977 = arith.constant 768 : i32
        %add3A_978 = vector.broadcast %add3A_977 : i32 to vector<16xi32>
        %add3A_979 = arith.addi %mul3A_5, %add3A_978 : vector<16xi32>
        %gather3A_980 = tpu.vector_load_idx %arg31[%add3A_979] : memref<800xf32, #tpu.memory_space<vmem>>[vector<16xi32>], vector<16xf32>,
        %add3A_981 = arith.constant 769 : i32
        %add3A_982 = vector.broadcast %add3A_981 : i32 to vector<16xi32>
        %add3A_983 = arith.addi %mul3A_5, %add3A_982 : vector<16xi32>
        %gather3A_984 = tpu.vector_load_idx %arg31[%add3A_983] : memref<800xf32, #tpu.memory_space<vmem>>[vector<16xi32>], vector<16xf32>,
        %add3A_985 = arith.constant 770 : i32
        %add3A_986 = vector.broadcast %add3A_985 : i32 to vector<16xi32>
        %add3A_987 = arith.addi %mul3A_5, %add3A_986 : vector<16xi32>
        %gather3A_988 = tpu.vector_load_idx %arg31[%add3A_987] : memref<800xf32, #tpu.memory_space<vmem>>[vector<16xi32>], vector<16xf32>,
        %add3A_989 = arith.constant 771 : i32
        %add3A_990 = vector.broadcast %add3A_989 : i32 to vector<16xi32>
        %add3A_991 = arith.addi %mul3A_5, %add3A_990 : vector<16xi32>
        %gather3A_992 = tpu.vector_load_idx %arg31[%add3A_991] : memref<800xf32, #tpu.memory_space<vmem>>[vector<16xi32>], vector<16xf32>,
        %add3A_993 = arith.constant 772 : i32
        %add3A_994 = vector.broadcast %add3A_993 : i32 to vector<16xi32>
        %add3A_995 = arith.addi %mul3A_5, %add3A_994 : vector<16xi32>
        %gather3A_996 = tpu.vector_load_idx %arg31[%add3A_995] : memref<800xf32, #tpu.memory_space<vmem>>[vector<16xi32>], vector<16xf32>,
        %add3A_997 = arith.constant 773 : i32
        %add3A_998 = vector.broadcast %add3A_997 : i32 to vector<16xi32>
        %add3A_999 = arith.addi %mul3A_5, %add3A_998 : vector<16xi32>
        %gather3A_1000 = tpu.vector_load_idx %arg31[%add3A_999] : memref<800xf32, #tpu.memory_space<vmem>>[vector<16xi32>], vector<16xf32>,
        %add3A_1001 = arith.constant 774 : i32
        %add3A_1002 = vector.broadcast %add3A_1001 : i32 to vector<16xi32>
        %add3A_1003 = arith.addi %mul3A_5, %add3A_1002 : vector<16xi32>
        %gather3A_1004 = tpu.vector_load_idx %arg31[%add3A_1003] : memref<800xf32, #tpu.memory_space<vmem>>[vector<16xi32>], vector<16xf32>,
        %add3A_1005 = arith.constant 775 : i32
        %add3A_1006 = vector.broadcast %add3A_1005 : i32 to vector<16xi32>
        %add3A_1007 = arith.addi %mul3A_5, %add3A_1006 : vector<16xi32>
        %gather3A_1008 = tpu.vector_load_idx %arg31[%add3A_1007] : memref<800xf32, #tpu.memory_space<vmem>>[vector<16xi32>], vector<16xf32>,
        %add3A_1009 = arith.constant 776 : i32
        %add3A_1010 = vector.broadcast %add3A_1009 : i32 to vector<16xi32>
        %add3A_1011 = arith.addi %mul3A_5, %add3A_1010 : vector<16xi32>
        %gather3A_1012 = tpu.vector_load_idx %arg31[%add3A_1011] : memref<800xf32, #tpu.memory_space<vmem>>[vector<16xi32>], vector<16xf32>,
        %add3A_1013 = arith.constant 777 : i32
        %add3A_1014 = vector.broadcast %add3A_1013 : i32 to vector<16xi32>
        %add3A_1015 = arith.addi %mul3A_5, %add3A_1014 : vector<16xi32>
        %gather3A_1016 = tpu.vector_load_idx %arg31[%add3A_1015] : memref<800xf32, #tpu.memory_space<vmem>>[vector<16xi32>], vector<16xf32>,
        %add3A_1017 = arith.constant 778 : i32
        %add3A_1018 = vector.broadcast %add3A_1017 : i32 to vector<16xi32>
        %add3A_1019 = arith.addi %mul3A_5, %add3A_1018 : vector<16xi32>
        %gather3A_1020 = tpu.vector_load_idx %arg31[%add3A_1019] : memref<800xf32, #tpu.memory_space<vmem>>[vector<16xi32>], vector<16xf32>,
        %add3A_1021 = arith.constant 779 : i32
        %add3A_1022 = vector.broadcast %add3A_1021 : i32 to vector<16xi32>
        %add3A_1023 = arith.addi %mul3A_5, %add3A_1022 : vector<16xi32>
        %gather3A_1024 = tpu.vector_load_idx %arg31[%add3A_1023] : memref<800xf32, #tpu.memory_space<vmem>>[vector<16xi32>], vector<16xf32>,
        %add3A_1025 = arith.constant 780 : i32
        %add3A_1026 = vector.broadcast %add3A_1025 : i32 to vector<16xi32>
        %add3A_1027 = arith.addi %mul3A_5, %add3A_1026 : vector<16xi32>
        %gather3A_1028 = tpu.vector_load_idx %arg31[%add3A_1027] : memref<800xf32, #tpu.memory_space<vmem>>[vector<16xi32>], vector<16xf32>,
        %add3A_1029 = arith.constant 781 : i32
        %add3A_1030 = vector.broadcast %add3A_1029 : i32 to vector<16xi32>
        %add3A_1031 = arith.addi %mul3A_5, %add3A_1030 : vector<16xi32>
        %gather3A_1032 = tpu.vector_load_idx %arg31[%add3A_1031] : memref<800xf32, #tpu.memory_space<vmem>>[vector<16xi32>], vector<16xf32>,
        %add3A_1033 = arith.constant 782 : i32
        %add3A_1034 = vector.broadcast %add3A_1033 : i32 to vector<16xi32>
        %add3A_1035 = arith.addi %mul3A_5, %add3A_1034 : vector<16xi32>
        %gather3A_1036 = tpu.vector_load_idx %arg31[%add3A_1035] : memref<800xf32, #tpu.memory_space<vmem>>[vector<16xi32>], vector<16xf32>,
        %add3A_1037 = arith.constant 783 : i32
        %add3A_1038 = vector.broadcast %add3A_1037 : i32 to vector<16xi32>
        %add3A_1039 = arith.addi %mul3A_5, %add3A_1038 : vector<16xi32>
        %gather3A_1040 = tpu.vector_load_idx %arg31[%add3A_1039] : memref<800xf32, #tpu.memory_space<vmem>>[vector<16xi32>], vector<16xf32>,
        %add3A_1041 = arith.addf %gather3A_980, %gather3A_984 : vector<16xf32>
        %add3A_1042 = arith.addf %gather3A_988, %gather3A_992 : vector<16xf32>
        %add3A_1043 = arith.addf %gather3A_996, %gather3A_1000 : vector<16xf32>
        %add3A_1044 = arith.addf %gather3A_1004, %gather3A_1008 : vector<16xf32>
        %add3A_1045 = arith.addf %gather3A_1012, %gather3A_1016 : vector<16xf32>
        %add3A_1046 = arith.addf %gather3A_1020, %gather3A_1024 : vector<16xf32>
        %add3A_1047 = arith.addf %gather3A_1028, %gather3A_1032 : vector<16xf32>
        %add3A_1048 = arith.addf %gather3A_1036, %gather3A_1040 : vector<16xf32>
        %add3A_1049 = arith.addf %add3A_1041, %add3A_1042 : vector<16xf32>
        %add3A_1050 = arith.addf %add3A_1043, %add3A_1044 : vector<16xf32>
        %add3A_1051 = arith.addf %add3A_1045, %add3A_1046 : vector<16xf32>
        %add3A_1052 = arith.addf %add3A_1047, %add3A_1048 : vector<16xf32>
        %add3A_1053 = arith.addf %add3A_1049, %add3A_1050 : vector<16xf32>
        %add3A_1054 = arith.addf %add3A_1051, %add3A_1052 : vector<16xf32>
        %add3A_1055 = arith.addf %add3A_1053, %add3A_1054 : vector<16xf32>
        %mul3A_1056 = arith.constant 50 : i32
        %mul3A_1057 = arith.muli %scan3A_218, %mul3A_1056 : i32
        %add3A_1058 = arith.constant 48 : i32
        %add3A_1059 = arith.addi %mul3A_1057, %add3A_1058 : i32
        %broadcast_in_dim3A_1060 = vector.broadcast %add3A_1059 : i32 to vector<16xi32>
        %add3A_1061 = arith.addi %broadcast_in_dim3A_1060, %iota3A : vector<16xi32>
        %lt3A_1062 = arith.constant 2 : i32
        %lt3A_1063 = vector.broadcast %lt3A_1062 : i32 to vector<16xi32>
        %lt3A_1064 = arith.cmpi slt, %iota3A, %lt3A_1063 : vector<16xi32>
        tpu.vector_store_idx %arg29[%add3A_1061], %add3A_1055 masked %lt3A_1064 : memref<400xf32, #tpu.memory_space<vmem>>[vector<16xi32>], vector<16xf32>, vector<16xi1>
        %mul3A_1065 = arith.constant 8 : i32
        %mul3A_1066 = arith.muli %add3A_170, %mul3A_1065 : i32
        %add3A_1067 = arith.addi %mul3A_1066, %scan3A_218 : i32
        %broadcast_in_dim3A_1068 = vector.shape_cast %xor3A_9 : vector<16xi32> to vector<16x1xi32>
        %gather3A_1069 = vector.shape_cast %broadcast_in_dim3A_1068 : vector<16x1xi32> to vector<16xi32>
        %gather3A_1070 = tpu.dynamic_gather %scan3A_369[%gather3A_1069] in [0] : vector<16xf32>, vector<16xi32> -> vector<16xf32>
        %add3A_1071 = arith.addf %scan3A_369, %gather3A_1070 : vector<16xf32>
        %broadcast_in_dim3A_1072 = vector.shape_cast %xor3A_12 : vector<16xi32> to vector<16x1xi32>
        %gather3A_1073 = vector.shape_cast %broadcast_in_dim3A_1072 : vector<16x1xi32> to vector<16xi32>
        %gather3A_1074 = tpu.dynamic_gather %add3A_1071[%gather3A_1073] in [0] : vector<16xf32>, vector<16xi32> -> vector<16xf32>
        %add3A_1075 = arith.addf %add3A_1071, %gather3A_1074 : vector<16xf32>
        %broadcast_in_dim3A_1076 = vector.shape_cast %xor3A_15 : vector<16xi32> to vector<16x1xi32>
        %gather3A_1077 = vector.shape_cast %broadcast_in_dim3A_1076 : vector<16x1xi32> to vector<16xi32>
        %gather3A_1078 = tpu.dynamic_gather %add3A_1075[%gather3A_1077] in [0] : vector<16xf32>, vector<16xi32> -> vector<16xf32>
        %add3A_1079 = arith.addf %add3A_1075, %gather3A_1078 : vector<16xf32>
        %broadcast_in_dim3A_1080 = vector.shape_cast %xor3A_18 : vector<16xi32> to vector<16x1xi32>
        %gather3A_1081 = vector.shape_cast %broadcast_in_dim3A_1080 : vector<16x1xi32> to vector<16xi32>
        %gather3A_1082 = tpu.dynamic_gather %add3A_1079[%gather3A_1081] in [0] : vector<16xf32>, vector<16xi32> -> vector<16xf32>
        %add3A_1083 = arith.addf %add3A_1079, %gather3A_1082 : vector<16xf32>
        %broadcast_in_dim3A_1084 = vector.broadcast %add3A_1067 : i32 to vector<16xi32>
        tpu.vector_store_idx %arg33[%broadcast_in_dim3A_1084], %add3A_1083 masked %eq3A_7 : memref<512xf32, #tpu.memory_space<vmem>>[vector<16xi32>], vector<16xf32>, vector<16xi1>
        %mul3A_1085 = arith.constant 8 : i32
        %mul3A_1086 = arith.muli %add3A_170, %mul3A_1085 : i32
        %add3A_1087 = arith.addi %mul3A_1086, %scan3A_218 : i32
        %broadcast_in_dim3A_1088 = vector.shape_cast %xor3A_9 : vector<16xi32> to vector<16x1xi32>
        %gather3A_1089 = vector.shape_cast %broadcast_in_dim3A_1088 : vector<16x1xi32> to vector<16xi32>
        %gather3A_1090 = tpu.dynamic_gather %scan3A_720[%gather3A_1089] in [0] : vector<16xf32>, vector<16xi32> -> vector<16xf32>
        %add3A_1091 = arith.addf %scan3A_720, %gather3A_1090 : vector<16xf32>
        %broadcast_in_dim3A_1092 = vector.shape_cast %xor3A_12 : vector<16xi32> to vector<16x1xi32>
        %gather3A_1093 = vector.shape_cast %broadcast_in_dim3A_1092 : vector<16x1xi32> to vector<16xi32>
        %gather3A_1094 = tpu.dynamic_gather %add3A_1091[%gather3A_1093] in [0] : vector<16xf32>, vector<16xi32> -> vector<16xf32>
        %add3A_1095 = arith.addf %add3A_1091, %gather3A_1094 : vector<16xf32>
        %broadcast_in_dim3A_1096 = vector.shape_cast %xor3A_15 : vector<16xi32> to vector<16x1xi32>
        %gather3A_1097 = vector.shape_cast %broadcast_in_dim3A_1096 : vector<16x1xi32> to vector<16xi32>
        %gather3A_1098 = tpu.dynamic_gather %add3A_1095[%gather3A_1097] in [0] : vector<16xf32>, vector<16xi32> -> vector<16xf32>
        %add3A_1099 = arith.addf %add3A_1095, %gather3A_1098 : vector<16xf32>
        %broadcast_in_dim3A_1100 = vector.shape_cast %xor3A_18 : vector<16xi32> to vector<16x1xi32>
        %gather3A_1101 = vector.shape_cast %broadcast_in_dim3A_1100 : vector<16x1xi32> to vector<16xi32>
        %gather3A_1102 = tpu.dynamic_gather %add3A_1099[%gather3A_1101] in [0] : vector<16xf32>, vector<16xi32> -> vector<16xf32>
        %add3A_1103 = arith.addf %add3A_1099, %gather3A_1102 : vector<16xf32>
        %broadcast_in_dim3A_1104 = vector.broadcast %add3A_1087 : i32 to vector<16xi32>
        tpu.vector_store_idx %arg34[%broadcast_in_dim3A_1104], %add3A_1103 masked %eq3A_7 : memref<512xf32, #tpu.memory_space<vmem>>[vector<16xi32>], vector<16xf32>, vector<16xi1>
      }
      %scan3A_209 = arith.constant 8 : i32
      %mul3A_210 = arith.constant 50 : i32
      %mul3A_211 = arith.muli %add3A_198, %mul3A_210 : i32
      %dma_start3A_212 = tpu.memref_slice %arg12[%mul3A_211] : memref<819200xf32, #tpu.memory_space<hbm>> -> memref<400xf32, #tpu.memory_space<hbm>>
      %dma_start3A_213 = tpu.memref_slice %arg12[%mul3A_211] : memref<819200xf32, #tpu.memory_space<hbm>> -> memref<400xf32, #tpu.memory_space<hbm>>
      tpu.enqueue_dma source(%arg27 : memref<400xf32, #tpu.memory_space<vmem>>) target(%dma_start3A_213 : memref<400xf32, #tpu.memory_space<hbm>>) target_semaphore(%arg43 : memref<!tpu.dma_semaphore, #tpu.memory_space<semaphore_mem>>)
      %mul3A_214 = arith.constant 50 : i32
      %mul3A_215 = arith.muli %add3A_198, %mul3A_214 : i32
      %dma_start3A_216 = tpu.memref_slice %arg13[%mul3A_215] : memref<819200xf32, #tpu.memory_space<hbm>> -> memref<400xf32, #tpu.memory_space<hbm>>
      %dma_start3A_217 = tpu.memref_slice %arg13[%mul3A_215] : memref<819200xf32, #tpu.memory_space<hbm>> -> memref<400xf32, #tpu.memory_space<hbm>>
      tpu.enqueue_dma source(%arg29 : memref<400xf32, #tpu.memory_space<vmem>>) target(%dma_start3A_217 : memref<400xf32, #tpu.memory_space<hbm>>) target_semaphore(%arg43 : memref<!tpu.dma_semaphore, #tpu.memory_space<semaphore_mem>>)
    }
    %scan3A_95 = arith.constant 32 : i32
    %dma_wait3A = arith.constant 0 : i32
    %dma_wait3A_96 = tpu.memref_slice %arg12[%dma_wait3A] : memref<819200xf32, #tpu.memory_space<hbm>> -> memref<400xf32, #tpu.memory_space<hbm>>
    %dma_wait3A_97 = arith.constant 0 : i32
    %dma_wait3A_98 = tpu.memref_slice %arg12[%dma_wait3A_97] : memref<819200xf32, #tpu.memory_space<hbm>> -> memref<400xf32, #tpu.memory_space<hbm>>
    tpu.wait_dma2 semaphore(%arg42 : memref<!tpu.dma_semaphore, #tpu.memory_space<semaphore_mem>>) src(%dma_wait3A_98 : memref<400xf32, #tpu.memory_space<hbm>>) dst(%arg26 : memref<400xf32, #tpu.memory_space<vmem>>)
    %dma_wait3A_99 = arith.constant 0 : i32
    %dma_wait3A_100 = tpu.memref_slice %arg13[%dma_wait3A_99] : memref<819200xf32, #tpu.memory_space<hbm>> -> memref<400xf32, #tpu.memory_space<hbm>>
    %dma_wait3A_101 = arith.constant 0 : i32
    %dma_wait3A_102 = tpu.memref_slice %arg13[%dma_wait3A_101] : memref<819200xf32, #tpu.memory_space<hbm>> -> memref<400xf32, #tpu.memory_space<hbm>>
    tpu.wait_dma2 semaphore(%arg42 : memref<!tpu.dma_semaphore, #tpu.memory_space<semaphore_mem>>) src(%dma_wait3A_102 : memref<400xf32, #tpu.memory_space<hbm>>) dst(%arg28 : memref<400xf32, #tpu.memory_space<vmem>>)
    %dma_wait3A_103 = arith.constant 0 : i32
    %dma_wait3A_104 = tpu.memref_slice %arg12[%dma_wait3A_103] : memref<819200xf32, #tpu.memory_space<hbm>> -> memref<400xf32, #tpu.memory_space<hbm>>
    %dma_wait3A_105 = arith.constant 0 : i32
    %dma_wait3A_106 = tpu.memref_slice %arg12[%dma_wait3A_105] : memref<819200xf32, #tpu.memory_space<hbm>> -> memref<400xf32, #tpu.memory_space<hbm>>
    tpu.wait_dma2 semaphore(%arg43 : memref<!tpu.dma_semaphore, #tpu.memory_space<semaphore_mem>>) src(%dma_wait3A_106 : memref<400xf32, #tpu.memory_space<hbm>>) dst(%arg27 : memref<400xf32, #tpu.memory_space<vmem>>)
    %dma_wait3A_107 = arith.constant 0 : i32
    %dma_wait3A_108 = tpu.memref_slice %arg13[%dma_wait3A_107] : memref<819200xf32, #tpu.memory_space<hbm>> -> memref<400xf32, #tpu.memory_space<hbm>>
    %dma_wait3A_109 = arith.constant 0 : i32
    %dma_wait3A_110 = tpu.memref_slice %arg13[%dma_wait3A_109] : memref<819200xf32, #tpu.memory_space<hbm>> -> memref<400xf32, #tpu.memory_space<hbm>>
    tpu.wait_dma2 semaphore(%arg43 : memref<!tpu.dma_semaphore, #tpu.memory_space<semaphore_mem>>) src(%dma_wait3A_110 : memref<400xf32, #tpu.memory_space<hbm>>) dst(%arg29 : memref<400xf32, #tpu.memory_space<vmem>>)
    %scan3A_111 = arith.constant 0 : i32
    %scan3A_112 = arith.constant 0 : i32
    %scan3A_113 = arith.constant 32 : i32
    %scan3A_114 = arith.addi %scan3A_112, %scan3A_113 : i32
    %scan3A_115 = arith.constant 4 : i32
    scf.for %scan3A_119 = %scan3A_112 to %scan3A_114 step %scan3A_115  : i32 {
      %mul3A_120 = arith.constant 16 : i32
      %mul3A_121 = arith.muli %scan3A_119, %mul3A_120 : i32
      %mul3A_122 = arith.constant 16 : i32
      %mul3A_123 = arith.muli %scan3A_119, %mul3A_122 : i32
      %add3A_124 = arith.constant 0 : i32
      %add3A_125 = arith.addi %add3A_124, %mul3A_123 : i32
      %get3A = arith.index_cast %add3A_125 : i32 to index
      %get3A_126 = tpu.vector_load %arg35[%get3A] {strides = array<i32>} : memref<1536xf32, #tpu.memory_space<vmem>>, vector<16xf32>,
      %ge3A = arith.constant 0.000000e+00 : f32
      %ge3A_127 = vector.broadcast %ge3A : f32 to vector<16xf32>
      %ge3A_128 = arith.cmpf oge, %get3A_126, %ge3A_127 : vector<16xf32>
      %mul3A_129 = arith.constant 2.000000e-01 : f32
      %mul3A_130 = vector.broadcast %mul3A_129 : f32 to vector<16xf32>
      %mul3A_131 = arith.mulf %mul3A_130, %get3A_126 : vector<16xf32>
      %select_n3A = arith.select %ge3A_128, %get3A_126, %mul3A_131 : vector<16xi1>, vector<16xf32>
      %mul3A_132 = arith.constant 16 : i32
      %mul3A_133 = arith.muli %scan3A_119, %mul3A_132 : i32
      %add3A_134 = arith.constant 512 : i32
      %add3A_135 = arith.addi %add3A_134, %mul3A_133 : i32
      %get3A_136 = arith.index_cast %add3A_135 : i32 to index
      %get3A_137 = tpu.vector_load %arg35[%get3A_136] {strides = array<i32>} : memref<1536xf32, #tpu.memory_space<vmem>>, vector<16xf32>,
      %ge3A_138 = arith.constant 0.000000e+00 : f32
      %ge3A_139 = vector.broadcast %ge3A_138 : f32 to vector<16xf32>
      %ge3A_140 = arith.cmpf oge, %get3A_137, %ge3A_139 : vector<16xf32>
      %mul3A_141 = arith.constant 2.000000e-01 : f32
      %mul3A_142 = vector.broadcast %mul3A_141 : f32 to vector<16xf32>
      %mul3A_143 = arith.mulf %mul3A_142, %get3A_137 : vector<16xf32>
      %select_n3A_144 = arith.select %ge3A_140, %get3A_137, %mul3A_143 : vector<16xi1>, vector<16xf32>
      %mul3A_145 = arith.constant 16 : i32
      %mul3A_146 = arith.muli %scan3A_119, %mul3A_145 : i32
      %add3A_147 = arith.constant 1024 : i32
      %add3A_148 = arith.addi %add3A_147, %mul3A_146 : i32
      %get3A_149 = arith.index_cast %add3A_148 : i32 to index
      %get3A_150 = tpu.vector_load %arg35[%get3A_149] {strides = array<i32>} : memref<1536xf32, #tpu.memory_space<vmem>>, vector<16xf32>,
      %ge3A_151 = arith.constant 0.000000e+00 : f32
      %ge3A_152 = vector.broadcast %ge3A_151 : f32 to vector<16xf32>
      %ge3A_153 = arith.cmpf oge, %get3A_150, %ge3A_152 : vector<16xf32>
      %mul3A_154 = arith.constant 2.000000e-01 : f32
      %mul3A_155 = vector.broadcast %mul3A_154 : f32 to vector<16xf32>
      %mul3A_156 = arith.mulf %mul3A_155, %get3A_150 : vector<16xf32>
      %select_n3A_157 = arith.select %ge3A_153, %get3A_150, %mul3A_156 : vector<16xi1>, vector<16xf32>
      %max3A = arith.maximumf %select_n3A, %select_n3A_144 : vector<16xf32>
      %max3A_158 = arith.maximumf %max3A, %select_n3A_157 : vector<16xf32>
      %sub3A = arith.subf %select_n3A, %max3A_158 : vector<16xf32>
      %exp3A = math.exp %sub3A : vector<16xf32>
      %sub3A_159 = arith.subf %select_n3A_144, %max3A_158 : vector<16xf32>
      %exp3A_160 = math.exp %sub3A_159 : vector<16xf32>
      %sub3A_161 = arith.subf %select_n3A_157, %max3A_158 : vector<16xf32>
      %exp3A_162 = math.exp %sub3A_161 : vector<16xf32>
      %add3A_163 = arith.addf %exp3A, %exp3A_160 : vector<16xf32>
      %add3A_164 = arith.addf %add3A_163, %exp3A_162 : vector<16xf32>
      %div3A = arith.constant 1.000000e+00 : f32
      %div3A_165 = vector.broadcast %div3A : f32 to vector<16xf32>
      %div3A_166 = arith.divf %div3A_165, %add3A_164 : vector<16xf32>
      %mul3A_167 = arith.mulf %exp3A, %div3A_166 : vector<16xf32>
      %mul3A_168 = arith.mulf %exp3A_160, %div3A_166 : vector<16xf32>
      %mul3A_169 = arith.mulf %exp3A_162, %div3A_166 : vector<16xf32>
      %get3A_170 = arith.index_cast %mul3A_121 : i32 to index
      %get3A_171 = tpu.vector_load %arg33[%get3A_170] {strides = array<i32>} : memref<512xf32, #tpu.memory_space<vmem>>, vector<16xf32>,
      %mul3A_172 = arith.constant 2.000000e-02 : f32
      %mul3A_173 = vector.broadcast %mul3A_172 : f32 to vector<16xf32>
      %mul3A_174 = arith.mulf %get3A_171, %mul3A_173 : vector<16xf32>
      %get3A_175 = arith.index_cast %mul3A_121 : i32 to index
      %get3A_176 = tpu.vector_load %arg34[%get3A_175] {strides = array<i32>} : memref<512xf32, #tpu.memory_space<vmem>>, vector<16xf32>,
      %mul3A_177 = arith.constant 2.000000e-02 : f32
      %mul3A_178 = vector.broadcast %mul3A_177 : f32 to vector<16xf32>
      %mul3A_179 = arith.mulf %get3A_176, %mul3A_178 : vector<16xf32>
      %mul3A_180 = arith.mulf %mul3A_174, %mul3A_167 : vector<16xf32>
      %mul3A_181 = arith.mulf %mul3A_179, %mul3A_168 : vector<16xf32>
      %add3A_182 = arith.addf %mul3A_180, %mul3A_181 : vector<16xf32>
      %add3A_183 = arith.addf %mul3A_167, %mul3A_168 : vector<16xf32>
      %div3A_184 = arith.divf %add3A_182, %add3A_183 : vector<16xf32>
      %swap3A = arith.index_cast %mul3A_121 : i32 to index
      %swap3A_185 = tpu.vector_load %arg36[%swap3A] {strides = array<i32>} : memref<512xf32, #tpu.memory_space<vmem>>, vector<16xf32>,
      tpu.vector_store %arg36[%swap3A], %div3A_184 {strides = array<i32>} : memref<512xf32, #tpu.memory_space<vmem>>, vector<16xf32>,
      %swap3A_186 = arith.index_cast %mul3A_121 : i32 to index
      %swap3A_187 = tpu.vector_load %arg37[%swap3A_186] {strides = array<i32>} : memref<512xf32, #tpu.memory_space<vmem>>, vector<16xf32>,
      tpu.vector_store %arg37[%swap3A_186], %mul3A_174 {strides = array<i32>} : memref<512xf32, #tpu.memory_space<vmem>>, vector<16xf32>,
      %swap3A_188 = arith.index_cast %mul3A_121 : i32 to index
      %swap3A_189 = tpu.vector_load %arg38[%swap3A_188] {strides = array<i32>} : memref<512xf32, #tpu.memory_space<vmem>>, vector<16xf32>,
      tpu.vector_store %arg38[%swap3A_188], %mul3A_179 {strides = array<i32>} : memref<512xf32, #tpu.memory_space<vmem>>, vector<16xf32>,
      %mul3A_190 = arith.constant 16 : i32
      %mul3A_191 = arith.muli %scan3A_119, %mul3A_190 : i32
      %add3A_192 = vector.broadcast %mul3A_191 : i32 to vector<16xi32>
      %add3A_193 = arith.addi %iota3A, %add3A_192 : vector<16xi32>
      %mul3A_194 = arith.constant 3 : i32
      %mul3A_195 = vector.broadcast %mul3A_194 : i32 to vector<16xi32>
      %mul3A_196 = arith.muli %add3A_193, %mul3A_195 : vector<16xi32>
      %add3A_197 = arith.constant 0 : i32
      %add3A_198 = vector.broadcast %add3A_197 : i32 to vector<16xi32>
      %add3A_199 = arith.addi %mul3A_196, %add3A_198 : vector<16xi32>
      tpu.vector_store_idx %arg39[%add3A_199], %mul3A_167 : memref<1536xf32, #tpu.memory_space<vmem>>[vector<16xi32>], vector<16xf32>,
      %add3A_200 = arith.constant 1 : i32
      %add3A_201 = vector.broadcast %add3A_200 : i32 to vector<16xi32>
      %add3A_202 = arith.addi %mul3A_196, %add3A_201 : vector<16xi32>
      tpu.vector_store_idx %arg39[%add3A_202], %mul3A_168 : memref<1536xf32, #tpu.memory_space<vmem>>[vector<16xi32>], vector<16xf32>,
      %add3A_203 = arith.constant 2 : i32
      %add3A_204 = vector.broadcast %add3A_203 : i32 to vector<16xi32>
      %add3A_205 = arith.addi %mul3A_196, %add3A_204 : vector<16xi32>
      tpu.vector_store_idx %arg39[%add3A_205], %mul3A_169 : memref<1536xf32, #tpu.memory_space<vmem>>[vector<16xi32>], vector<16xf32>,
      %scan3A_206 = arith.constant 1 : i32
      %scan3A_207 = arith.addi %scan3A_119, %scan3A_206 : i32
      %mul3A_208 = arith.constant 16 : i32
      %mul3A_209 = arith.muli %scan3A_207, %mul3A_208 : i32
      %mul3A_210 = arith.constant 16 : i32
      %mul3A_211 = arith.muli %scan3A_207, %mul3A_210 : i32
      %add3A_212 = arith.constant 0 : i32
      %add3A_213 = arith.addi %add3A_212, %mul3A_211 : i32
      %get3A_214 = arith.index_cast %add3A_213 : i32 to index
      %get3A_215 = tpu.vector_load %arg35[%get3A_214] {strides = array<i32>} : memref<1536xf32, #tpu.memory_space<vmem>>, vector<16xf32>,
      %ge3A_216 = arith.constant 0.000000e+00 : f32
      %ge3A_217 = vector.broadcast %ge3A_216 : f32 to vector<16xf32>
      %ge3A_218 = arith.cmpf oge, %get3A_215, %ge3A_217 : vector<16xf32>
      %mul3A_219 = arith.constant 2.000000e-01 : f32
      %mul3A_220 = vector.broadcast %mul3A_219 : f32 to vector<16xf32>
      %mul3A_221 = arith.mulf %mul3A_220, %get3A_215 : vector<16xf32>
      %select_n3A_222 = arith.select %ge3A_218, %get3A_215, %mul3A_221 : vector<16xi1>, vector<16xf32>
      %mul3A_223 = arith.constant 16 : i32
      %mul3A_224 = arith.muli %scan3A_207, %mul3A_223 : i32
      %add3A_225 = arith.constant 512 : i32
      %add3A_226 = arith.addi %add3A_225, %mul3A_224 : i32
      %get3A_227 = arith.index_cast %add3A_226 : i32 to index
      %get3A_228 = tpu.vector_load %arg35[%get3A_227] {strides = array<i32>} : memref<1536xf32, #tpu.memory_space<vmem>>, vector<16xf32>,
      %ge3A_229 = arith.constant 0.000000e+00 : f32
      %ge3A_230 = vector.broadcast %ge3A_229 : f32 to vector<16xf32>
      %ge3A_231 = arith.cmpf oge, %get3A_228, %ge3A_230 : vector<16xf32>
      %mul3A_232 = arith.constant 2.000000e-01 : f32
      %mul3A_233 = vector.broadcast %mul3A_232 : f32 to vector<16xf32>
      %mul3A_234 = arith.mulf %mul3A_233, %get3A_228 : vector<16xf32>
      %select_n3A_235 = arith.select %ge3A_231, %get3A_228, %mul3A_234 : vector<16xi1>, vector<16xf32>
      %mul3A_236 = arith.constant 16 : i32
      %mul3A_237 = arith.muli %scan3A_207, %mul3A_236 : i32
      %add3A_238 = arith.constant 1024 : i32
      %add3A_239 = arith.addi %add3A_238, %mul3A_237 : i32
      %get3A_240 = arith.index_cast %add3A_239 : i32 to index
      %get3A_241 = tpu.vector_load %arg35[%get3A_240] {strides = array<i32>} : memref<1536xf32, #tpu.memory_space<vmem>>, vector<16xf32>,
      %ge3A_242 = arith.constant 0.000000e+00 : f32
      %ge3A_243 = vector.broadcast %ge3A_242 : f32 to vector<16xf32>
      %ge3A_244 = arith.cmpf oge, %get3A_241, %ge3A_243 : vector<16xf32>
      %mul3A_245 = arith.constant 2.000000e-01 : f32
      %mul3A_246 = vector.broadcast %mul3A_245 : f32 to vector<16xf32>
      %mul3A_247 = arith.mulf %mul3A_246, %get3A_241 : vector<16xf32>
      %select_n3A_248 = arith.select %ge3A_244, %get3A_241, %mul3A_247 : vector<16xi1>, vector<16xf32>
      %max3A_249 = arith.maximumf %select_n3A_222, %select_n3A_235 : vector<16xf32>
      %max3A_250 = arith.maximumf %max3A_249, %select_n3A_248 : vector<16xf32>
      %sub3A_251 = arith.subf %select_n3A_222, %max3A_250 : vector<16xf32>
      %exp3A_252 = math.exp %sub3A_251 : vector<16xf32>
      %sub3A_253 = arith.subf %select_n3A_235, %max3A_250 : vector<16xf32>
      %exp3A_254 = math.exp %sub3A_253 : vector<16xf32>
      %sub3A_255 = arith.subf %select_n3A_248, %max3A_250 : vector<16xf32>
      %exp3A_256 = math.exp %sub3A_255 : vector<16xf32>
      %add3A_257 = arith.addf %exp3A_252, %exp3A_254 : vector<16xf32>
      %add3A_258 = arith.addf %add3A_257, %exp3A_256 : vector<16xf32>
      %div3A_259 = arith.constant 1.000000e+00 : f32
      %div3A_260 = vector.broadcast %div3A_259 : f32 to vector<16xf32>
      %div3A_261 = arith.divf %div3A_260, %add3A_258 : vector<16xf32>
      %mul3A_262 = arith.mulf %exp3A_252, %div3A_261 : vector<16xf32>
      %mul3A_263 = arith.mulf %exp3A_254, %div3A_261 : vector<16xf32>
      %mul3A_264 = arith.mulf %exp3A_256, %div3A_261 : vector<16xf32>
      %get3A_265 = arith.index_cast %mul3A_209 : i32 to index
      %get3A_266 = tpu.vector_load %arg33[%get3A_265] {strides = array<i32>} : memref<512xf32, #tpu.memory_space<vmem>>, vector<16xf32>,
      %mul3A_267 = arith.constant 2.000000e-02 : f32
      %mul3A_268 = vector.broadcast %mul3A_267 : f32 to vector<16xf32>
      %mul3A_269 = arith.mulf %get3A_266, %mul3A_268 : vector<16xf32>
      %get3A_270 = arith.index_cast %mul3A_209 : i32 to index
      %get3A_271 = tpu.vector_load %arg34[%get3A_270] {strides = array<i32>} : memref<512xf32, #tpu.memory_space<vmem>>, vector<16xf32>,
      %mul3A_272 = arith.constant 2.000000e-02 : f32
      %mul3A_273 = vector.broadcast %mul3A_272 : f32 to vector<16xf32>
      %mul3A_274 = arith.mulf %get3A_271, %mul3A_273 : vector<16xf32>
      %mul3A_275 = arith.mulf %mul3A_269, %mul3A_262 : vector<16xf32>
      %mul3A_276 = arith.mulf %mul3A_274, %mul3A_263 : vector<16xf32>
      %add3A_277 = arith.addf %mul3A_275, %mul3A_276 : vector<16xf32>
      %add3A_278 = arith.addf %mul3A_262, %mul3A_263 : vector<16xf32>
      %div3A_279 = arith.divf %add3A_277, %add3A_278 : vector<16xf32>
      %swap3A_280 = arith.index_cast %mul3A_209 : i32 to index
      %swap3A_281 = tpu.vector_load %arg36[%swap3A_280] {strides = array<i32>} : memref<512xf32, #tpu.memory_space<vmem>>, vector<16xf32>,
      tpu.vector_store %arg36[%swap3A_280], %div3A_279 {strides = array<i32>} : memref<512xf32, #tpu.memory_space<vmem>>, vector<16xf32>,
      %swap3A_282 = arith.index_cast %mul3A_209 : i32 to index
      %swap3A_283 = tpu.vector_load %arg37[%swap3A_282] {strides = array<i32>} : memref<512xf32, #tpu.memory_space<vmem>>, vector<16xf32>,
      tpu.vector_store %arg37[%swap3A_282], %mul3A_269 {strides = array<i32>} : memref<512xf32, #tpu.memory_space<vmem>>, vector<16xf32>,
      %swap3A_284 = arith.index_cast %mul3A_209 : i32 to index
      %swap3A_285 = tpu.vector_load %arg38[%swap3A_284] {strides = array<i32>} : memref<512xf32, #tpu.memory_space<vmem>>, vector<16xf32>,
      tpu.vector_store %arg38[%swap3A_284], %mul3A_274 {strides = array<i32>} : memref<512xf32, #tpu.memory_space<vmem>>, vector<16xf32>,
      %mul3A_286 = arith.constant 16 : i32
      %mul3A_287 = arith.muli %scan3A_207, %mul3A_286 : i32
      %add3A_288 = vector.broadcast %mul3A_287 : i32 to vector<16xi32>
      %add3A_289 = arith.addi %iota3A, %add3A_288 : vector<16xi32>
      %mul3A_290 = arith.constant 3 : i32
      %mul3A_291 = vector.broadcast %mul3A_290 : i32 to vector<16xi32>
      %mul3A_292 = arith.muli %add3A_289, %mul3A_291 : vector<16xi32>
      %add3A_293 = arith.constant 0 : i32
      %add3A_294 = vector.broadcast %add3A_293 : i32 to vector<16xi32>
      %add3A_295 = arith.addi %mul3A_292, %add3A_294 : vector<16xi32>
      tpu.vector_store_idx %arg39[%add3A_295], %mul3A_262 : memref<1536xf32, #tpu.memory_space<vmem>>[vector<16xi32>], vector<16xf32>,
      %add3A_296 = arith.constant 1 : i32
      %add3A_297 = vector.broadcast %add3A_296 : i32 to vector<16xi32>
      %add3A_298 = arith.addi %mul3A_292, %add3A_297 : vector<16xi32>
      tpu.vector_store_idx %arg39[%add3A_298], %mul3A_263 : memref<1536xf32, #tpu.memory_space<vmem>>[vector<16xi32>], vector<16xf32>,
      %add3A_299 = arith.constant 2 : i32
      %add3A_300 = vector.broadcast %add3A_299 : i32 to vector<16xi32>
      %add3A_301 = arith.addi %mul3A_292, %add3A_300 : vector<16xi32>
      tpu.vector_store_idx %arg39[%add3A_301], %mul3A_264 : memref<1536xf32, #tpu.memory_space<vmem>>[vector<16xi32>], vector<16xf32>,
      %scan3A_302 = arith.constant 2 : i32
      %scan3A_303 = arith.addi %scan3A_119, %scan3A_302 : i32
      %mul3A_304 = arith.constant 16 : i32
      %mul3A_305 = arith.muli %scan3A_303, %mul3A_304 : i32
      %mul3A_306 = arith.constant 16 : i32
      %mul3A_307 = arith.muli %scan3A_303, %mul3A_306 : i32
      %add3A_308 = arith.constant 0 : i32
      %add3A_309 = arith.addi %add3A_308, %mul3A_307 : i32
      %get3A_310 = arith.index_cast %add3A_309 : i32 to index
      %get3A_311 = tpu.vector_load %arg35[%get3A_310] {strides = array<i32>} : memref<1536xf32, #tpu.memory_space<vmem>>, vector<16xf32>,
      %ge3A_312 = arith.constant 0.000000e+00 : f32
      %ge3A_313 = vector.broadcast %ge3A_312 : f32 to vector<16xf32>
      %ge3A_314 = arith.cmpf oge, %get3A_311, %ge3A_313 : vector<16xf32>
      %mul3A_315 = arith.constant 2.000000e-01 : f32
      %mul3A_316 = vector.broadcast %mul3A_315 : f32 to vector<16xf32>
      %mul3A_317 = arith.mulf %mul3A_316, %get3A_311 : vector<16xf32>
      %select_n3A_318 = arith.select %ge3A_314, %get3A_311, %mul3A_317 : vector<16xi1>, vector<16xf32>
      %mul3A_319 = arith.constant 16 : i32
      %mul3A_320 = arith.muli %scan3A_303, %mul3A_319 : i32
      %add3A_321 = arith.constant 512 : i32
      %add3A_322 = arith.addi %add3A_321, %mul3A_320 : i32
      %get3A_323 = arith.index_cast %add3A_322 : i32 to index
      %get3A_324 = tpu.vector_load %arg35[%get3A_323] {strides = array<i32>} : memref<1536xf32, #tpu.memory_space<vmem>>, vector<16xf32>,
      %ge3A_325 = arith.constant 0.000000e+00 : f32
      %ge3A_326 = vector.broadcast %ge3A_325 : f32 to vector<16xf32>
      %ge3A_327 = arith.cmpf oge, %get3A_324, %ge3A_326 : vector<16xf32>
      %mul3A_328 = arith.constant 2.000000e-01 : f32
      %mul3A_329 = vector.broadcast %mul3A_328 : f32 to vector<16xf32>
      %mul3A_330 = arith.mulf %mul3A_329, %get3A_324 : vector<16xf32>
      %select_n3A_331 = arith.select %ge3A_327, %get3A_324, %mul3A_330 : vector<16xi1>, vector<16xf32>
      %mul3A_332 = arith.constant 16 : i32
      %mul3A_333 = arith.muli %scan3A_303, %mul3A_332 : i32
      %add3A_334 = arith.constant 1024 : i32
      %add3A_335 = arith.addi %add3A_334, %mul3A_333 : i32
      %get3A_336 = arith.index_cast %add3A_335 : i32 to index
      %get3A_337 = tpu.vector_load %arg35[%get3A_336] {strides = array<i32>} : memref<1536xf32, #tpu.memory_space<vmem>>, vector<16xf32>,
      %ge3A_338 = arith.constant 0.000000e+00 : f32
      %ge3A_339 = vector.broadcast %ge3A_338 : f32 to vector<16xf32>
      %ge3A_340 = arith.cmpf oge, %get3A_337, %ge3A_339 : vector<16xf32>
      %mul3A_341 = arith.constant 2.000000e-01 : f32
      %mul3A_342 = vector.broadcast %mul3A_341 : f32 to vector<16xf32>
      %mul3A_343 = arith.mulf %mul3A_342, %get3A_337 : vector<16xf32>
      %select_n3A_344 = arith.select %ge3A_340, %get3A_337, %mul3A_343 : vector<16xi1>, vector<16xf32>
      %max3A_345 = arith.maximumf %select_n3A_318, %select_n3A_331 : vector<16xf32>
      %max3A_346 = arith.maximumf %max3A_345, %select_n3A_344 : vector<16xf32>
      %sub3A_347 = arith.subf %select_n3A_318, %max3A_346 : vector<16xf32>
      %exp3A_348 = math.exp %sub3A_347 : vector<16xf32>
      %sub3A_349 = arith.subf %select_n3A_331, %max3A_346 : vector<16xf32>
      %exp3A_350 = math.exp %sub3A_349 : vector<16xf32>
      %sub3A_351 = arith.subf %select_n3A_344, %max3A_346 : vector<16xf32>
      %exp3A_352 = math.exp %sub3A_351 : vector<16xf32>
      %add3A_353 = arith.addf %exp3A_348, %exp3A_350 : vector<16xf32>
      %add3A_354 = arith.addf %add3A_353, %exp3A_352 : vector<16xf32>
      %div3A_355 = arith.constant 1.000000e+00 : f32
      %div3A_356 = vector.broadcast %div3A_355 : f32 to vector<16xf32>
      %div3A_357 = arith.divf %div3A_356, %add3A_354 : vector<16xf32>
      %mul3A_358 = arith.mulf %exp3A_348, %div3A_357 : vector<16xf32>
      %mul3A_359 = arith.mulf %exp3A_350, %div3A_357 : vector<16xf32>
      %mul3A_360 = arith.mulf %exp3A_352, %div3A_357 : vector<16xf32>
      %get3A_361 = arith.index_cast %mul3A_305 : i32 to index
      %get3A_362 = tpu.vector_load %arg33[%get3A_361] {strides = array<i32>} : memref<512xf32, #tpu.memory_space<vmem>>, vector<16xf32>,
      %mul3A_363 = arith.constant 2.000000e-02 : f32
      %mul3A_364 = vector.broadcast %mul3A_363 : f32 to vector<16xf32>
      %mul3A_365 = arith.mulf %get3A_362, %mul3A_364 : vector<16xf32>
      %get3A_366 = arith.index_cast %mul3A_305 : i32 to index
      %get3A_367 = tpu.vector_load %arg34[%get3A_366] {strides = array<i32>} : memref<512xf32, #tpu.memory_space<vmem>>, vector<16xf32>,
      %mul3A_368 = arith.constant 2.000000e-02 : f32
      %mul3A_369 = vector.broadcast %mul3A_368 : f32 to vector<16xf32>
      %mul3A_370 = arith.mulf %get3A_367, %mul3A_369 : vector<16xf32>
      %mul3A_371 = arith.mulf %mul3A_365, %mul3A_358 : vector<16xf32>
      %mul3A_372 = arith.mulf %mul3A_370, %mul3A_359 : vector<16xf32>
      %add3A_373 = arith.addf %mul3A_371, %mul3A_372 : vector<16xf32>
      %add3A_374 = arith.addf %mul3A_358, %mul3A_359 : vector<16xf32>
      %div3A_375 = arith.divf %add3A_373, %add3A_374 : vector<16xf32>
      %swap3A_376 = arith.index_cast %mul3A_305 : i32 to index
      %swap3A_377 = tpu.vector_load %arg36[%swap3A_376] {strides = array<i32>} : memref<512xf32, #tpu.memory_space<vmem>>, vector<16xf32>,
      tpu.vector_store %arg36[%swap3A_376], %div3A_375 {strides = array<i32>} : memref<512xf32, #tpu.memory_space<vmem>>, vector<16xf32>,
      %swap3A_378 = arith.index_cast %mul3A_305 : i32 to index
      %swap3A_379 = tpu.vector_load %arg37[%swap3A_378] {strides = array<i32>} : memref<512xf32, #tpu.memory_space<vmem>>, vector<16xf32>,
      tpu.vector_store %arg37[%swap3A_378], %mul3A_365 {strides = array<i32>} : memref<512xf32, #tpu.memory_space<vmem>>, vector<16xf32>,
      %swap3A_380 = arith.index_cast %mul3A_305 : i32 to index
      %swap3A_381 = tpu.vector_load %arg38[%swap3A_380] {strides = array<i32>} : memref<512xf32, #tpu.memory_space<vmem>>, vector<16xf32>,
      tpu.vector_store %arg38[%swap3A_380], %mul3A_370 {strides = array<i32>} : memref<512xf32, #tpu.memory_space<vmem>>, vector<16xf32>,
      %mul3A_382 = arith.constant 16 : i32
      %mul3A_383 = arith.muli %scan3A_303, %mul3A_382 : i32
      %add3A_384 = vector.broadcast %mul3A_383 : i32 to vector<16xi32>
      %add3A_385 = arith.addi %iota3A, %add3A_384 : vector<16xi32>
      %mul3A_386 = arith.constant 3 : i32
      %mul3A_387 = vector.broadcast %mul3A_386 : i32 to vector<16xi32>
      %mul3A_388 = arith.muli %add3A_385, %mul3A_387 : vector<16xi32>
      %add3A_389 = arith.constant 0 : i32
      %add3A_390 = vector.broadcast %add3A_389 : i32 to vector<16xi32>
      %add3A_391 = arith.addi %mul3A_388, %add3A_390 : vector<16xi32>
      tpu.vector_store_idx %arg39[%add3A_391], %mul3A_358 : memref<1536xf32, #tpu.memory_space<vmem>>[vector<16xi32>], vector<16xf32>,
      %add3A_392 = arith.constant 1 : i32
      %add3A_393 = vector.broadcast %add3A_392 : i32 to vector<16xi32>
      %add3A_394 = arith.addi %mul3A_388, %add3A_393 : vector<16xi32>
      tpu.vector_store_idx %arg39[%add3A_394], %mul3A_359 : memref<1536xf32, #tpu.memory_space<vmem>>[vector<16xi32>], vector<16xf32>,
      %add3A_395 = arith.constant 2 : i32
      %add3A_396 = vector.broadcast %add3A_395 : i32 to vector<16xi32>
      %add3A_397 = arith.addi %mul3A_388, %add3A_396 : vector<16xi32>
      tpu.vector_store_idx %arg39[%add3A_397], %mul3A_360 : memref<1536xf32, #tpu.memory_space<vmem>>[vector<16xi32>], vector<16xf32>,
      %scan3A_398 = arith.constant 3 : i32
      %scan3A_399 = arith.addi %scan3A_119, %scan3A_398 : i32
      %mul3A_400 = arith.constant 16 : i32
      %mul3A_401 = arith.muli %scan3A_399, %mul3A_400 : i32
      %mul3A_402 = arith.constant 16 : i32
      %mul3A_403 = arith.muli %scan3A_399, %mul3A_402 : i32
      %add3A_404 = arith.constant 0 : i32
      %add3A_405 = arith.addi %add3A_404, %mul3A_403 : i32
      %get3A_406 = arith.index_cast %add3A_405 : i32 to index
      %get3A_407 = tpu.vector_load %arg35[%get3A_406] {strides = array<i32>} : memref<1536xf32, #tpu.memory_space<vmem>>, vector<16xf32>,
      %ge3A_408 = arith.constant 0.000000e+00 : f32
      %ge3A_409 = vector.broadcast %ge3A_408 : f32 to vector<16xf32>
      %ge3A_410 = arith.cmpf oge, %get3A_407, %ge3A_409 : vector<16xf32>
      %mul3A_411 = arith.constant 2.000000e-01 : f32
      %mul3A_412 = vector.broadcast %mul3A_411 : f32 to vector<16xf32>
      %mul3A_413 = arith.mulf %mul3A_412, %get3A_407 : vector<16xf32>
      %select_n3A_414 = arith.select %ge3A_410, %get3A_407, %mul3A_413 : vector<16xi1>, vector<16xf32>
      %mul3A_415 = arith.constant 16 : i32
      %mul3A_416 = arith.muli %scan3A_399, %mul3A_415 : i32
      %add3A_417 = arith.constant 512 : i32
      %add3A_418 = arith.addi %add3A_417, %mul3A_416 : i32
      %get3A_419 = arith.index_cast %add3A_418 : i32 to index
      %get3A_420 = tpu.vector_load %arg35[%get3A_419] {strides = array<i32>} : memref<1536xf32, #tpu.memory_space<vmem>>, vector<16xf32>,
      %ge3A_421 = arith.constant 0.000000e+00 : f32
      %ge3A_422 = vector.broadcast %ge3A_421 : f32 to vector<16xf32>
      %ge3A_423 = arith.cmpf oge, %get3A_420, %ge3A_422 : vector<16xf32>
      %mul3A_424 = arith.constant 2.000000e-01 : f32
      %mul3A_425 = vector.broadcast %mul3A_424 : f32 to vector<16xf32>
      %mul3A_426 = arith.mulf %mul3A_425, %get3A_420 : vector<16xf32>
      %select_n3A_427 = arith.select %ge3A_423, %get3A_420, %mul3A_426 : vector<16xi1>, vector<16xf32>
      %mul3A_428 = arith.constant 16 : i32
      %mul3A_429 = arith.muli %scan3A_399, %mul3A_428 : i32
      %add3A_430 = arith.constant 1024 : i32
      %add3A_431 = arith.addi %add3A_430, %mul3A_429 : i32
      %get3A_432 = arith.index_cast %add3A_431 : i32 to index
      %get3A_433 = tpu.vector_load %arg35[%get3A_432] {strides = array<i32>} : memref<1536xf32, #tpu.memory_space<vmem>>, vector<16xf32>,
      %ge3A_434 = arith.constant 0.000000e+00 : f32
      %ge3A_435 = vector.broadcast %ge3A_434 : f32 to vector<16xf32>
      %ge3A_436 = arith.cmpf oge, %get3A_433, %ge3A_435 : vector<16xf32>
      %mul3A_437 = arith.constant 2.000000e-01 : f32
      %mul3A_438 = vector.broadcast %mul3A_437 : f32 to vector<16xf32>
      %mul3A_439 = arith.mulf %mul3A_438, %get3A_433 : vector<16xf32>
      %select_n3A_440 = arith.select %ge3A_436, %get3A_433, %mul3A_439 : vector<16xi1>, vector<16xf32>
      %max3A_441 = arith.maximumf %select_n3A_414, %select_n3A_427 : vector<16xf32>
      %max3A_442 = arith.maximumf %max3A_441, %select_n3A_440 : vector<16xf32>
      %sub3A_443 = arith.subf %select_n3A_414, %max3A_442 : vector<16xf32>
      %exp3A_444 = math.exp %sub3A_443 : vector<16xf32>
      %sub3A_445 = arith.subf %select_n3A_427, %max3A_442 : vector<16xf32>
      %exp3A_446 = math.exp %sub3A_445 : vector<16xf32>
      %sub3A_447 = arith.subf %select_n3A_440, %max3A_442 : vector<16xf32>
      %exp3A_448 = math.exp %sub3A_447 : vector<16xf32>
      %add3A_449 = arith.addf %exp3A_444, %exp3A_446 : vector<16xf32>
      %add3A_450 = arith.addf %add3A_449, %exp3A_448 : vector<16xf32>
      %div3A_451 = arith.constant 1.000000e+00 : f32
      %div3A_452 = vector.broadcast %div3A_451 : f32 to vector<16xf32>
      %div3A_453 = arith.divf %div3A_452, %add3A_450 : vector<16xf32>
      %mul3A_454 = arith.mulf %exp3A_444, %div3A_453 : vector<16xf32>
      %mul3A_455 = arith.mulf %exp3A_446, %div3A_453 : vector<16xf32>
      %mul3A_456 = arith.mulf %exp3A_448, %div3A_453 : vector<16xf32>
      %get3A_457 = arith.index_cast %mul3A_401 : i32 to index
      %get3A_458 = tpu.vector_load %arg33[%get3A_457] {strides = array<i32>} : memref<512xf32, #tpu.memory_space<vmem>>, vector<16xf32>,
      %mul3A_459 = arith.constant 2.000000e-02 : f32
      %mul3A_460 = vector.broadcast %mul3A_459 : f32 to vector<16xf32>
      %mul3A_461 = arith.mulf %get3A_458, %mul3A_460 : vector<16xf32>
      %get3A_462 = arith.index_cast %mul3A_401 : i32 to index
      %get3A_463 = tpu.vector_load %arg34[%get3A_462] {strides = array<i32>} : memref<512xf32, #tpu.memory_space<vmem>>, vector<16xf32>,
      %mul3A_464 = arith.constant 2.000000e-02 : f32
      %mul3A_465 = vector.broadcast %mul3A_464 : f32 to vector<16xf32>
      %mul3A_466 = arith.mulf %get3A_463, %mul3A_465 : vector<16xf32>
      %mul3A_467 = arith.mulf %mul3A_461, %mul3A_454 : vector<16xf32>
      %mul3A_468 = arith.mulf %mul3A_466, %mul3A_455 : vector<16xf32>
      %add3A_469 = arith.addf %mul3A_467, %mul3A_468 : vector<16xf32>
      %add3A_470 = arith.addf %mul3A_454, %mul3A_455 : vector<16xf32>
      %div3A_471 = arith.divf %add3A_469, %add3A_470 : vector<16xf32>
      %swap3A_472 = arith.index_cast %mul3A_401 : i32 to index
      %swap3A_473 = tpu.vector_load %arg36[%swap3A_472] {strides = array<i32>} : memref<512xf32, #tpu.memory_space<vmem>>, vector<16xf32>,
      tpu.vector_store %arg36[%swap3A_472], %div3A_471 {strides = array<i32>} : memref<512xf32, #tpu.memory_space<vmem>>, vector<16xf32>,
      %swap3A_474 = arith.index_cast %mul3A_401 : i32 to index
      %swap3A_475 = tpu.vector_load %arg37[%swap3A_474] {strides = array<i32>} : memref<512xf32, #tpu.memory_space<vmem>>, vector<16xf32>,
      tpu.vector_store %arg37[%swap3A_474], %mul3A_461 {strides = array<i32>} : memref<512xf32, #tpu.memory_space<vmem>>, vector<16xf32>,
      %swap3A_476 = arith.index_cast %mul3A_401 : i32 to index
      %swap3A_477 = tpu.vector_load %arg38[%swap3A_476] {strides = array<i32>} : memref<512xf32, #tpu.memory_space<vmem>>, vector<16xf32>,
      tpu.vector_store %arg38[%swap3A_476], %mul3A_466 {strides = array<i32>} : memref<512xf32, #tpu.memory_space<vmem>>, vector<16xf32>,
      %mul3A_478 = arith.constant 16 : i32
      %mul3A_479 = arith.muli %scan3A_399, %mul3A_478 : i32
      %add3A_480 = vector.broadcast %mul3A_479 : i32 to vector<16xi32>
      %add3A_481 = arith.addi %iota3A, %add3A_480 : vector<16xi32>
      %mul3A_482 = arith.constant 3 : i32
      %mul3A_483 = vector.broadcast %mul3A_482 : i32 to vector<16xi32>
      %mul3A_484 = arith.muli %add3A_481, %mul3A_483 : vector<16xi32>
      %add3A_485 = arith.constant 0 : i32
      %add3A_486 = vector.broadcast %add3A_485 : i32 to vector<16xi32>
      %add3A_487 = arith.addi %mul3A_484, %add3A_486 : vector<16xi32>
      tpu.vector_store_idx %arg39[%add3A_487], %mul3A_454 : memref<1536xf32, #tpu.memory_space<vmem>>[vector<16xi32>], vector<16xf32>,
      %add3A_488 = arith.constant 1 : i32
      %add3A_489 = vector.broadcast %add3A_488 : i32 to vector<16xi32>
      %add3A_490 = arith.addi %mul3A_484, %add3A_489 : vector<16xi32>
      tpu.vector_store_idx %arg39[%add3A_490], %mul3A_455 : memref<1536xf32, #tpu.memory_space<vmem>>[vector<16xi32>], vector<16xf32>,
      %add3A_491 = arith.constant 2 : i32
      %add3A_492 = vector.broadcast %add3A_491 : i32 to vector<16xi32>
      %add3A_493 = arith.addi %mul3A_484, %add3A_492 : vector<16xi32>
      tpu.vector_store_idx %arg39[%add3A_493], %mul3A_456 : memref<1536xf32, #tpu.memory_space<vmem>>[vector<16xi32>], vector<16xf32>,
    }
    %scan3A_116 = arith.constant 32 : i32
    "tpu.region"() ({
      %run_scoped3A = tpu.sem_alloc : memref<!tpu.dma_semaphore, #tpu.memory_space<semaphore_mem>>
      %dma_start3A_119 = tpu.memref_slice %arg8[%mul3A_2] : memref<16384xf32, #tpu.memory_space<hbm>> -> memref<512xf32, #tpu.memory_space<hbm>>
      %dma_start3A_120 = tpu.memref_slice %arg8[%mul3A_2] : memref<16384xf32, #tpu.memory_space<hbm>> -> memref<512xf32, #tpu.memory_space<hbm>>
      tpu.enqueue_dma source(%arg36 : memref<512xf32, #tpu.memory_space<vmem>>) target(%dma_start3A_120 : memref<512xf32, #tpu.memory_space<hbm>>) target_semaphore(%run_scoped3A : memref<!tpu.dma_semaphore, #tpu.memory_space<semaphore_mem>>)
      %dma_wait3A_121 = tpu.memref_slice %arg8[%mul3A_2] : memref<16384xf32, #tpu.memory_space<hbm>> -> memref<512xf32, #tpu.memory_space<hbm>>
      %dma_wait3A_122 = tpu.memref_slice %arg8[%mul3A_2] : memref<16384xf32, #tpu.memory_space<hbm>> -> memref<512xf32, #tpu.memory_space<hbm>>
      tpu.wait_dma2 semaphore(%run_scoped3A : memref<!tpu.dma_semaphore, #tpu.memory_space<semaphore_mem>>) src(%arg36 : memref<512xf32, #tpu.memory_space<vmem>>) dst(%dma_wait3A_122 : memref<512xf32, #tpu.memory_space<hbm>>)
      tpu.yield
    }) : () -> ()
    %mul3A_117 = arith.constant 3 : i32
    %mul3A_118 = arith.muli %mul3A_2, %mul3A_117 : i32
    "tpu.region"() ({
      %run_scoped3A = tpu.sem_alloc : memref<!tpu.dma_semaphore, #tpu.memory_space<semaphore_mem>>
      %dma_start3A_119 = tpu.memref_slice %arg9[%mul3A_118] : memref<49152xf32, #tpu.memory_space<hbm>> -> memref<1536xf32, #tpu.memory_space<hbm>>
      %dma_start3A_120 = tpu.memref_slice %arg9[%mul3A_118] : memref<49152xf32, #tpu.memory_space<hbm>> -> memref<1536xf32, #tpu.memory_space<hbm>>
      tpu.enqueue_dma source(%arg39 : memref<1536xf32, #tpu.memory_space<vmem>>) target(%dma_start3A_120 : memref<1536xf32, #tpu.memory_space<hbm>>) target_semaphore(%run_scoped3A : memref<!tpu.dma_semaphore, #tpu.memory_space<semaphore_mem>>)
      %dma_wait3A_121 = tpu.memref_slice %arg9[%mul3A_118] : memref<49152xf32, #tpu.memory_space<hbm>> -> memref<1536xf32, #tpu.memory_space<hbm>>
      %dma_wait3A_122 = tpu.memref_slice %arg9[%mul3A_118] : memref<49152xf32, #tpu.memory_space<hbm>> -> memref<1536xf32, #tpu.memory_space<hbm>>
      tpu.wait_dma2 semaphore(%run_scoped3A : memref<!tpu.dma_semaphore, #tpu.memory_space<semaphore_mem>>) src(%arg39 : memref<1536xf32, #tpu.memory_space<vmem>>) dst(%dma_wait3A_122 : memref<1536xf32, #tpu.memory_space<hbm>>)
      tpu.yield
    }) : () -> ()
    "tpu.region"() ({
      %run_scoped3A = tpu.sem_alloc : memref<!tpu.dma_semaphore, #tpu.memory_space<semaphore_mem>>
      %dma_start3A_119 = tpu.memref_slice %arg10[%mul3A_2] : memref<16384xf32, #tpu.memory_space<hbm>> -> memref<512xf32, #tpu.memory_space<hbm>>
      %dma_start3A_120 = tpu.memref_slice %arg10[%mul3A_2] : memref<16384xf32, #tpu.memory_space<hbm>> -> memref<512xf32, #tpu.memory_space<hbm>>
      tpu.enqueue_dma source(%arg37 : memref<512xf32, #tpu.memory_space<vmem>>) target(%dma_start3A_120 : memref<512xf32, #tpu.memory_space<hbm>>) target_semaphore(%run_scoped3A : memref<!tpu.dma_semaphore, #tpu.memory_space<semaphore_mem>>)
      %dma_wait3A_121 = tpu.memref_slice %arg10[%mul3A_2] : memref<16384xf32, #tpu.memory_space<hbm>> -> memref<512xf32, #tpu.memory_space<hbm>>
      %dma_wait3A_122 = tpu.memref_slice %arg10[%mul3A_2] : memref<16384xf32, #tpu.memory_space<hbm>> -> memref<512xf32, #tpu.memory_space<hbm>>
      tpu.wait_dma2 semaphore(%run_scoped3A : memref<!tpu.dma_semaphore, #tpu.memory_space<semaphore_mem>>) src(%arg37 : memref<512xf32, #tpu.memory_space<vmem>>) dst(%dma_wait3A_122 : memref<512xf32, #tpu.memory_space<hbm>>)
      tpu.yield
    }) : () -> ()
    "tpu.region"() ({
      %run_scoped3A = tpu.sem_alloc : memref<!tpu.dma_semaphore, #tpu.memory_space<semaphore_mem>>
      %dma_start3A_119 = tpu.memref_slice %arg11[%mul3A_2] : memref<16384xf32, #tpu.memory_space<hbm>> -> memref<512xf32, #tpu.memory_space<hbm>>
      %dma_start3A_120 = tpu.memref_slice %arg11[%mul3A_2] : memref<16384xf32, #tpu.memory_space<hbm>> -> memref<512xf32, #tpu.memory_space<hbm>>
      tpu.enqueue_dma source(%arg38 : memref<512xf32, #tpu.memory_space<vmem>>) target(%dma_start3A_120 : memref<512xf32, #tpu.memory_space<hbm>>) target_semaphore(%run_scoped3A : memref<!tpu.dma_semaphore, #tpu.memory_space<semaphore_mem>>)
      %dma_wait3A_121 = tpu.memref_slice %arg11[%mul3A_2] : memref<16384xf32, #tpu.memory_space<hbm>> -> memref<512xf32, #tpu.memory_space<hbm>>
      %dma_wait3A_122 = tpu.memref_slice %arg11[%mul3A_2] : memref<16384xf32, #tpu.memory_space<hbm>> -> memref<512xf32, #tpu.memory_space<hbm>>
      tpu.wait_dma2 semaphore(%run_scoped3A : memref<!tpu.dma_semaphore, #tpu.memory_space<semaphore_mem>>) src(%arg38 : memref<512xf32, #tpu.memory_space<vmem>>) dst(%dma_wait3A_122 : memref<512xf32, #tpu.memory_space<hbm>>)
      tpu.yield
    }) : () -> ()
    return
  }
}

</mosaic_0001>

<sc_bundles>
// kernel: _run.3.cloned.1.call-start
scs
__scs_entry_jumppad:
0x0: {  	(pc) =	sbr.rel $0x88, $3  }
0x1: {  	(tag) =	ssettag $0x0;
	lr =	simm.s32 $0x1  }
0x2: {  	[smem:$0x3F9B] =	sst lr;
	_ =	strace $0xD0000000  }
0x3: {  	_ = 	snop  }
0x4: {  	_ = 	snop  }
0x5: {  	_ = 	snop  }
0x6: {  	_ = 	snop  }
0x7: {  	_ = 	snop  }
__scs_overlays_trampoline_lowered:
0x8: {  	[smem:$0x3FAA] =	sst s0  }
0x9: {  	[smem:$0x3FAB] =	sst s1  }
0xa: {  	[smem:$0x3FAC] =	sst s2  }
0xb: {  	[smem:$0x3FAD] =	sst s3  }
0xc: {  	[smem:$0x3FAE] =	sst s4  }
0xd: {  	[smem:$0x3FAF] =	sst s5  }
0xe: {  	[smem:$0x3FB0] =	sst s6  }
0xf: {  	[smem:$0x3FB1] =	sst s7  }
0x10: {  	[smem:$0x3FB2] =	sst s8  }
0x11: {  	[smem:$0x3FB3] =	sst s9;
	s0 =	simm.s32 @!p0 $0x0  }
0x12: {  	s1 =	sld [smem:$0x3F99];
	s0 =	simm.s32 @p0 $0x1  }
0x13: {  	[smem:$0x3FB4] =	sst s0;
	s0 =	simm.s32 @!p1 $0x0  }
0x14: {  	s2 =	sld [smem:$0x3F98];
	s0 =	simm.s32 @p1 $0x1  }
0x15: {  	[smem:$0x3FB5] =	sst s0;
	s0 =	simm.s32 @!p2 $0x0  }
0x16: {  	s3 =	sld [smem:$0x3FDB];
	s0 =	simm.s32 @p2 $0x1  }
0x17: {  	s4 =	simm.s32 $0x1BF5;
	[smem:$0x3FB7] =	sst s0  }
0x18: {  	s0 =	sld [smem:$0x3F9A];
	_ =	swait.ge [sflag:s4], $0x0  }
0x19: {  	s7 =	sld [smem:$0x3F9B]  }
0x1a: {  	s8 =	sadd.s32 $0xFFFFE003, lr  }
0x1b: {  	s9 =	sadd.s32 $0xFFFFFEF7, lr;
	s5 =	simm.s32 $0xFFFFFFFF;
	p2 =	slt.u32 s8, $0xFFFFF086  }
0x1c: {  	p1 =	slt.u32 s9, $0xF7A;
	s5 =	simm.s32 @!p2 $0x0  }
0x1d: {  	s5 =	simm.s32 @p1 $0x1;
	p0 =	seq.s32 s7, s2  }
0x1e: {  	s7 =	smul.u32 @!p0 $0xF7A, s2;
	p2 =	seq.s32 @!p0 s5, $0x0  }
0x1f: {  	s9 =	smul.u32 $0xF7A, s1;
	s8 =	simm.s32 @!p0 $0x1BF5;
	p2 =	por !p2, p0  }
0x20: {  	[sflag:s8] =	ssyncset.s32 @!p0 $0xFFFFF086;
	s6 =	sadd.s32 @!p0 s3, s7;
	s7 =	simm.s32 @!p0 $0x108  }
0x21: {  	s3 =	sadd.s32 s3, s9;
	s6 =	sadd.s32 @!p0 $0x88, s6;
	s7 =	simm.s32 @p2 $0x1082  }
0x22: {  	[simem:s7], [sflag:s8] =	dma.local @!p0 [hbm:s6], $0xF7A  }
0x23: {  	s9 =	sor.u32 $0xD0000000, s2;
	s6 =	simm.s32 $0x108;
	_ =	swait.ge @!p0 [sflag:s8], $0x0  }
0x24: {  	s3 =	sadd.s32 $0x88, s3;
	s6 =	simm.s32 @!p1 $0x1082;
	[sflag:s4] =	ssyncset.s32 $0xFFFFF086  }
0x25: {  	[simem:s6], [sflag:s4] =	dma.local [hbm:s3], $0xF7A  }
0x26: {  	[smem:$0x3F9B] =	sst s1;
	(tag) =	ssettag s2;
	_ =	strace s9  }
0x27: {  	s1 =	sld [smem:$0x3FAB]  }
0x28: {  	s2 =	sld [smem:$0x3FAC]  }
0x29: {  	s4 =	sld [smem:$0x3FAE]  }
0x2a: {  	p0 =	seq.s32 s5, $0x0;
	s5 =	sld [smem:$0x3FAF]  }
0x2b: {  	s6 =	sld [smem:$0x3FB0]  }
0x2c: {  	s7 =	sld [smem:$0x3FB1]  }
0x2d: {  	s3 =	simm.s32 $0x108;
	s8 =	sld [smem:$0x3FB2]  }
0x2e: {  	s3 =	simm.s32 @!p0 $0x1082;
	s9 =	sld [smem:$0x3FB3]  }
0x2f: {  	lr =	sadd.s32 s0, s3;
	s0 =	sld [smem:$0x3FAA]  }
0x30: {  	s3 =	sld [smem:$0x3FAD]  }
0x31: {  	[smem:$0x3FB6] =	sst s10  }
0x32: {  	s10 =	sld [smem:$0x3FB4];
	_ =	sdelay $0x3  }
0x33: {  	p0 =	seq.s32 s10, $0x1;
	s10 =	sld [smem:$0x3FB6];
	_ =	sdelay $0x3  }
0x34: {  	[smem:$0x3FB6] =	sst s10  }
0x35: {  	s10 =	sld [smem:$0x3FB5];
	_ =	sdelay $0x3  }
0x36: {  	p1 =	seq.s32 s10, $0x1;
	s10 =	sld [smem:$0x3FB6];
	_ =	sdelay $0x3  }
0x37: {  	[smem:$0x3FB6] =	sst s10  }
0x38: {  	s10 =	sld [smem:$0x3FB7]  }
0x39: {  	_ = 	snop;
	(pc) =	sbr.ind lr, $3  }
0x3a: {  	_ = 	snop  }
0x3b: {  	_ = 	snop  }
0x3c: {  	p2 =	seq.s32 s10, $0x1;
	s10 =	sld [smem:$0x3FB6]  }
0x3d: {  	_ =	shalt  }
0x3e: {  	_ =	shalt  }
0x3f: {  	_ =	shalt  }
0x40: {  	_ =	shalt  }
0x41: {  	_ =	shalt  }
0x42: {  	_ =	shalt  }
0x43: {  	_ =	shalt  }
0x44: {  	_ =	shalt  }
0x45: {  	_ =	shalt  }
0x46: {  	_ =	shalt  }
0x47: {  	_ =	shalt  }
0x48: {  	_ =	shalt  }
0x49: {  	_ =	shalt  }
0x4a: {  	_ =	shalt  }
0x4b: {  	_ =	shalt  }
0x4c: {  	_ =	shalt  }
0x4d: {  	_ =	shalt  }
0x4e: {  	_ =	shalt  }
0x4f: {  	_ =	shalt  }
0x50: {  	_ =	shalt  }
0x51: {  	_ =	shalt  }
0x52: {  	_ =	shalt  }
0x53: {  	_ =	shalt  }
0x54: {  	_ =	shalt  }
0x55: {  	_ =	shalt  }
0x56: {  	_ =	shalt  }
0x57: {  	_ =	shalt  }
0x58: {  	_ =	shalt  }
0x59: {  	_ =	shalt  }
0x5a: {  	_ =	shalt  }
0x5b: {  	_ =	shalt  }
0x5c: {  	_ =	shalt  }
0x5d: {  	_ =	shalt  }
0x5e: {  	_ =	shalt  }
0x5f: {  	_ =	shalt  }
0x60: {  	_ =	shalt  }
0x61: {  	_ =	shalt  }
0x62: {  	_ =	shalt  }
0x63: {  	_ =	shalt  }
0x64: {  	_ =	shalt  }
0x65: {  	_ =	shalt  }
0x66: {  	_ =	shalt  }
0x67: {  	_ =	shalt  }
0x68: {  	_ =	shalt  }
0x69: {  	_ =	shalt  }
0x6a: {  	_ =	shalt  }
0x6b: {  	_ =	shalt  }
0x6c: {  	_ =	shalt  }
0x6d: {  	_ =	shalt  }
0x6e: {  	_ =	shalt  }
0x6f: {  	_ =	shalt  }
0x70: {  	_ =	shalt  }
0x71: {  	_ =	shalt  }
0x72: {  	_ =	shalt  }
0x73: {  	_ =	shalt  }
0x74: {  	_ =	shalt  }
0x75: {  	_ =	shalt  }
0x76: {  	_ =	shalt  }
0x77: {  	_ =	shalt  }
0x78: {  	_ =	shalt  }
0x79: {  	_ =	shalt  }
0x7a: {  	_ =	shalt  }
0x7b: {  	_ =	shalt  }
0x7c: {  	_ =	shalt  }
0x7d: {  	_ =	shalt  }
0x7e: {  	_ =	shalt  }
0x7f: {  	_ =	shalt  }
0x80: {  	_ =	shalt  }
0x81: {  	_ =	shalt  }
0x82: {  	_ =	shalt  }
0x83: {  	_ =	shalt  }
0x84: {  	_ =	shalt  }
0x85: {  	_ =	shalt  }
0x86: {  	_ =	shalt  }
0x87: {  	_ =	shalt  }
.Lfunc_end0:
.L_simem_size_0:
called_computation_lowered:
.L_overlay_start_0:
0x88: {  	s2 =	sld [smem:$0x3FD9]  }
0x89: {  	s3 =	sld [smem:$0x3FFE];
	_ =	sdelay $0x1  }
0x8a: {  	s1 =	srdreg.scid  }
0x8b: {  	s0 =	sand.u32 $0x1, s1  }
0x8c: {  	s30 =	sshll.u32 s0, $0xA;
	s2 =	sadd.s32 s3, s2  }
0x8d: {  	s2 =	sadd.s32 s2, s30  }
0x8e: {  	[smem:$0x3FC2] =	sst s2  }
0x8f: {  	_ = 	snop  }
0x90: {  	s2 =	sld [smem:$0x3FD0]  }
0x91: {  	s31 =	sld [smem:$0x3FC9]  }
0x92: {  	s4 =	sld [smem:$0x3FC8]  }
0x93: {  	s6 =	simm.s32 $0xA;
	s7 =	simm.s32 $0x10;
	s5 =	sld [smem:$0x3FC7]  }
0x94: {  	[smem:s7], [sflag:s6] =	dma.local [hbm:s2], $0x1  }
0x95: {  	_ =	swait.eq [sflag:s6], $0x1  }
0x96: {  	s16 =	sld [smem:$0x10]  }
0x97: {  	s17 =	sld [smem:$0x11]  }
0x98: {  	s8 =	sld [smem:$0x12]  }
0x99: {  	s9 =	sld [smem:$0x13];
	[sflag:s6] =	ssyncset.done $0x0  }
0x9a: {  	s10 =	sld [smem:$0x14];
	[sflag:s6] =	ssyncadd.s32 $0xFFFFFFFF  }
0x9b: {  	s18 =	sld [smem:$0x15];
	(tm) =	ssettm $0x1  }
0x9c: {  	s11 =	sld [smem:$0x3FFB];
	_ =	sdelay $0x3  }
0x9d: {  	_ =	strace s11  }
0x9e: {  	s11 =	sld [smem:$0x3FFC];
	_ =	sdelay $0x3  }
0x9f: {  	_ =	strace s11  }
0xa0: {  	s11 =	sld [smem:$0x3FFD];
	_ =	sdelay $0x3  }
0xa1: {  	_ =	strace s11  }
0xa2: {  	_ =	strace $0x8FFFFFFF  }
0xa3: {  	s19 =	sld [smem:$0x3FDB];
	_ =	sdelay $0x1  }
0xa4: {  	s12 =	simm.s32 $_scs_section_size  }
0xa5: {  	s13 =	simm.s32 $_size__tile_overlayer_lowered;
	s14 =	simm.s32 $_tile_overlayer_lowered  }
0xa6: {  	s22 =	simm.s32 $0x1BFF;
	s21 =	sshll.u32 s14, $0x1;
	s11 =	sadd.s32 s12, s19  }
0xa7: {  	s15 =	simm.s32 $0x0;
	s20 =	sshll.u32 s13, $0x1;
	s13 =	sadd.s32 s21, s11  }
0xa8: {  	[timem:s15], [sflag:s22] =	dma.local [hbm:s13], s20  }
0xa9: {  	_ =	swait.ge [sflag:s22], s20  }
0xaa: {  	s12 =	ssub.s32 $0x0, s20;
	[sflag:s22] =	ssyncset.done $0x0  }
0xab: {  	[sflag:s22] =	ssyncadd.s32 s12;
	_ =	sdelay $0x1  }
0xac: {  	s23 =	simm.s32 $0x1B8B  }
0xad: {  	_ =	swait.ge [sflag:s23], $0x1  }
0xae: {  	[sflag:s23] =	ssyncset.done $0x0  }
0xaf: {  	s25 =	simm.s32 $0x1B8E;
	s24 =	sld [smem:$0x3FFE];
	[sflag:s23] =	ssyncadd.s32 $0xFFFFFFFF  }
0xb0: {  	s26 =	simm.s32 $execute0_lowered;
	[smem:$0x3FD2] =	sst s25  }
0xb1: {  	s13 =	sshll.u32 s26, $0x1;
	_ =	strace $0x80000046;
	[dreg:$0x1] =	wrdreg $0xFFFFFFFF  }
0xb2: {  	s28 =	simm.s32 $_size_execute0_lowered;
	s11 =	sadd.s32 s11, s13;
	[dreg:$0x0] =	wrdreg $0x0  }
0xb3: {  	s13 =	sshll.u32 s28, $0x1;
	[dreg:$0x2] =	wrdreg s11  }
0xb4: {  	[dreg:$0x3] =	wrdreg s13  }
0xb5: {  	[dreg:$0x4] =	wrdreg $0xC0  }
0xb6: {  	_ =	task [dreg:s15], $0x5FFFF  }
0xb7: {  	[dreg:$0x1] =	wrdreg $0xFFFFFFFF  }
0xb8: {  	[dreg:$0x0] =	wrdreg $0x60  }
0xb9: {  	[dreg:$0x2] =	wrdreg s31  }
0xba: {  	[dreg:$0x3] =	wrdreg s4  }
0xbb: {  	[dreg:$0x4] =	wrdreg s5  }
0xbc: {  	[dreg:$0x5] =	wrdreg s24  }
0xbd: {  	[dreg:$0x6] =	wrdreg s16  }
0xbe: {  	[dreg:$0x7] =	wrdreg s17  }
0xbf: {  	[dreg:$0x8] =	wrdreg s8  }
0xc0: {  	[dreg:$0x9] =	wrdreg s9  }
0xc1: {  	[dreg:$0xa] =	wrdreg s10  }
0xc2: {  	[dreg:$0xb] =	wrdreg s18  }
0xc3: {  	[dreg:$0xc] =	wrdreg $0x9  }
0xc4: {  	_ =	task.clear_ibuf [dreg:s15], $0xDFFFF;
	_ =	strace $0x90000046  }
0xc5: {  	s29 =	simm.s32 $0x9;
	_ =	strace $0x80000048  }
0xc6: {  	_ =	swait.ge [sflag:s29], $0x1  }
0xc7: {  	[sflag:s29] =	ssyncadd.s32 $0xFFFFFFFF  }
0xc8: {  	_ =	strace $0x90000048  }
0xc9: {  	_ =	sfence  }
0xca: {  	s30 =	sld [smem:$0x0];
	_ =	sdelay $0x2  }
0xcb: {  	s31 =	sshll.u32 s1, $0xD;
	s1 =	sshrl.u32 s1, $0x2  }
0xcc: {  	s3 =	sand.u32 $0x4000, s31;
	s1 =	sadd.s32 s1, s30  }
0xcd: {  	s0 =	sor.u32 s3, s0;
	s1 =	sshll.u32 s1, $0x11  }
0xce: {  	s0 =	sor.u32 s1, s0  }
0xcf: {  	s0 =	sadd.s32 $0x8F2B, s0  }
0xd0: {  	[sflag:s0] =	ssyncadd.remote.s32 $0x1  }
0xd1: {  	_ =	sfence.sel $0xFFFF  }
0xd2: {  	[dreg:$0x0] =	wrdreg $0xFFFFFFFF;
	(pc) =	sbr.abs _section_cstart, $3  }
0xd3: {  	[dreg:$0x1] =	wrdreg $0xFFFFFFFF  }
0xd4: {  	_ =	task.clear_ibuf [dreg:s15], $0x2FFFF;
	_ =	strace $0x9FFFFFFF  }
0xd5: {  	(tm) =	ssettm $0x7FFFFFFF  }
tec
execute0_lowered:
.L_overlay_start_1:
0x0: {  	(tag) =	ssettag $0x1  }
0x1: {  	v0 =	vimm.s32 $0xFEDCBA98  }
0x2: {  	v1 =	vimm.s32 $0x76543210;
	v2 =	vimm.s32 $0xBA98FEDC;
	v3 =	vimm.s32 $0x32107654  }
0x3: {  	v4 =	vimm.s32 $0xDCFE98BA;
	v5 =	vimm.s32 $0x54761032;
	v6 =	vimm.s32 $0xEFCDAB89  }
0x4: {  	s30 =	rddreg [dreg:$0x0];
	v7 =	vimm.s32 $0x67452301;
	v2 =	vunpack.c.l.s4.s8 v2;
	v3 =	vunpack.c.l.s4.s8 v3  }
0x5: {  	s31 =	rddreg [dreg:$0x1];
	v0 =	vunpack.c.l.s4.s8 v0;
	v1 =	vunpack.c.l.s4.s8 v1;
	v4 =	vunpack.c.l.s4.s8 v4  }
0x6: {  	s8 =	rddreg [dreg:$0x2];
	v5 =	vunpack.c.l.s4.s8 v5;
	v2 =	vunpack.c.0.s8.s32 v2;
	v3 =	vunpack.c.0.s8.s32 v3  }
0x7: {  	s0 =	rddreg [dreg:$0x3];
	v6 =	vunpack.c.l.s4.s8 v6;
	v7 =	vunpack.c.l.s4.s8 v7;
	v0 =	vunpack.c.0.s8.s32 v0  }
0x8: {  	s1 =	rddreg [dreg:$0x4];
	v4 =	vunpack.c.0.s8.s32 v4;
	v3 =	vcombine.low v3, v2;
	v2 =	vlaneseq.u32  }
0x9: {  	s2 =	rddreg [dreg:$0x5];
	v5 =	vunpack.c.0.s8.s32 v5;
	v1 =	vunpack.c.0.s8.s32 v1;
	v2 =	vmul.u32 $0x10, v2  }
0xa: {  	s3 =	rddreg [dreg:$0x6];
	s7 =	simm.s32 $0x0;
	v6 =	vunpack.c.0.s8.s32 v6;
	v7 =	vunpack.c.0.s8.s32 v7;
	v0 =	vand.u32 $0xF, v0  }
0xb: {  	[smem:$0x7FF] =	sst s7;
	v1 =	vcombine.low v0, v1;
	v0 =	vor.u32 $0x3, v2  }
0xc: {  	s4 =	rddreg [dreg:$0x7];
	_ =	strace $0x80000047;
	v4 =	vcombine.low v5, v4;
	v5 =	vcombine.low v7, v6;
	v6 =	vor.u32 $0x107, v2;
	[tilespmem:$0x1FE20] =	vst v0  }
0xd: {  	v45 =	vor.u32 $0x1, v2;
	[tilespmem:$0x1FF50] =	vst v6  }
0xe: {  	v46 =	vor.u32 $0x2, v2;
	[tilespmem:$0x1FFC0] =	vst v45  }
0xf: {  	v43 =	vor.u32 $0x100, v2;
	[tilespmem:$0x1FFD0] =	vst v46  }
0x10: {  	v0 =	vor.u32 $0x4, v2;
	[tilespmem:$0x1FFE0] =	vst v43  }
0x11: {  	v6 =	vor.u32 $0x108, v2;
	[tilespmem:$0x1FE30] =	vst v0  }
0x12: {  	v0 =	vor.u32 $0x5, v2;
	[tilespmem:$0x1FF60] =	vst v6  }
0x13: {  	v6 =	vor.u32 $0x109, v2;
	[tilespmem:$0x1FE40] =	vst v0  }
0x14: {  	v0 =	vor.u32 $0x6, v2;
	[tilespmem:$0x1FF70] =	vst v6  }
0x15: {  	[tilespmem:$0x1FE50] =	vst v0;
	v0 =	vor.u32 $0x7, v2  }
0x16: {  	[tilespmem:$0x1FE60] =	vst v0;
	v0 =	vor.u32 $0x8, v2  }
0x17: {  	[tilespmem:$0x1FE70] =	vst v0;
	v0 =	vor.u32 $0x9, v2  }
0x18: {  	[tilespmem:$0x1FE80] =	vst v0;
	v0 =	vor.u32 $0xA, v2  }
0x19: {  	s5 =	srdreg.scid;
	s9 =	stileid.u32;
	[tilespmem:$0x1FE90] =	vst v0;
	v0 =	vor.u32 $0xB, v2  }
0x1a: {  	s29 =	simm.s32 $0x19A50;
	s13 =	simm.s32 $0x2;
	s14 =	simm.s32 $0x19BE0;
	[tilespmem:$0x1FEA0] =	vst v0;
	v0 =	vor.u32 $0xC, v2  }
0x1b: {  	s16 =	simm.s32 $0x19F00;
	s17 =	simm.s32 $0x1B790;
	s5 =	sand.u32 $0x1, s5;
	[tilespmem:$0x1FEB0] =	vst v0;
	v0 =	vor.u32 $0xD, v2  }
0x1c: {  	s6 =	sadd.s32 $0x24C600, s0;
	s10 =	sshll.u32 s9, $0x1;
	s9 =	sadd.s32 $0x189000, s0;
	[tilespmem:$0x1FEC0] =	vst v0;
	v0 =	vor.u32 $0xE, v2  }
0x1d: {  	s0 =	sadd.s32 $0x2600, s0;
	[dreg:$0xb] =	wrdreg s6;
	s19 =	ssub.s32 $0x2, s5;
	[tilespmem:$0x1FED0] =	vst v0;
	v0 =	vor.u32 $0xF, v2  }
0x1e: {  	s5 =	sor.u32 s5, s10;
	[dreg:$0xc] =	wrdreg s0;
	s11 =	sshrl.u32 s19, $0x1;
	[tilespmem:$0x1FEE0] =	vst v0;
	v0 =	vor.u32 $0x101, v2  }
0x1f: {  	s21 =	smul.u32 $0xC80, s5;
	s22 =	sshll.u32 s5, $0x9;
	s10 =	sshll.u32 s5, $0x6;
	[tilespmem:$0x1FEF0] =	vst v0;
	v0 =	vor.u32 $0x102, v2  }
0x20: {  	s5 =	smul.u32 $0xC0, s5;
	s12 =	sadd.s32 s30, s10;
	[dreg:$0xd] =	wrdreg s22;
	[tilespmem:$0x1FF00] =	vst v0;
	v0 =	vor.u32 $0x103, v2  }
0x21: {  	s20 =	ssub.s32 s19, s11;
	s24 =	sor.u32 $0x10, s22;
	[dreg:$0xe] =	wrdreg s12;
	[tilespmem:$0x1FF10] =	vst v0;
	v0 =	vor.u32 $0x104, v2  }
0x22: {  	s1 =	sadd.s32 s1, s10;
	s26 =	sadd.s32 s3, s10;
	[dreg:$0x11] =	wrdreg s24;
	[tilespmem:$0x1FF20] =	vst v0;
	v0 =	vor.u32 $0x105, v2  }
0x23: {  	s28 =	sadd.s32 s4, s10;
	s22 =	simm.s32 $0x5;
	[dreg:$0x12] =	wrdreg s1;
	[tilespmem:$0x1FF30] =	vst v0;
	v0 =	vor.u32 $0x106, v2  }
0x24: {  	s10 =	simm.s32 $0x1A790;
	s23 =	sadd.s32 s31, s21;
	[dreg:$0x14] =	wrdreg s26;
	v6 =	vor.u32 $0x10A, v2;
	[tilespmem:$0x1FF40] =	vst v0;
	v0 =	vimm.s32 $0xDAFC9EB8  }
0x25: {  	s6 =	sadd.s32 s8, s21;
	s25 =	sadd.s32 s2, s5;
	[dreg:$0x15] =	wrdreg s28;
	[tilespmem:$0x1FF80] =	vst v6;
	v6 =	vor.u32 $0x10B, v2;
	v0 =	vunpack.c.l.s4.s8 v0  }
0x26: {  	s0 =	smax.u32 s20, $0x1;
	s20 =	simm.s32 $0x1AB90;
	[dreg:$0xf] =	wrdreg s23;
	[tilespmem:$0x1FF90] =	vst v6;
	v6 =	vor.u32 $0x10C, v2  }
0x27: {  	s26 =	simm.s32 $0x1A090;
	s24 =	simm.s32 $0x19D70;
	[dreg:$0x10] =	wrdreg s6;
	[tilespmem:$0x1FFA0] =	vst v6;
	v6 =	vor.u32 $0x10D, v2;
	v19 =	vunpack.c.0.s8.s32 v0  }
0x28: {  	vm0 =	vcmask $0x3F3C;
	s12 =	simm.s32 $0x1A990;
	s1 =	simm.s32 $0x0;
	[dreg:$0x13] =	wrdreg s25;
	[tilespmem:$0x1FFB0] =	vst v6  }
0x29: {  	[dreg:$0x16] =	wrdreg s0;
	s6 =	simm.s32 $0x1;
	s23 =	simm.s32 $0x1A3B0;
	v3 =	vand.u32 $0xF, v3;
	v4 =	vand.u32 $0xF, v4;
	v5 =	vand.u32 $0xF, v5;
	[tilespmem:$0x1FFF0] =	vst v19  }
.LBB2_1:
0x2a: {  	[dreg:$0x17] =	wrdreg s1  }
0x2b: {  	s0 =	rddreg [dreg:$0xc];
	s3 =	simm.s32 $0x1A6D0  }
0x2c: {  	[tilespmem:s3], [sflag:$0x5] =	stream.linear.gather [hbm4b:s0+s7], $0xC0, $0x38;
	[tilespmem:$0x1BD90] =	vst v63  }
0x2d: {  	_ =	swait.ge [sflag:s22], $0xC0  }
0x2e: {  	[sflag:s22] =	ssyncset.done $0x0  }
0x2f: {  	s4 =	rddreg [dreg:$0xe];
	[sflag:s22] =	ssyncadd.s32 $0xFFFFFF40  }
0x30: {  	[tilespmem:s7], [sflag:$0x5] =	stream.linear.gather [hbm4b:s4+s7], $0x8, $0x38;
	[tilespmem:$0x1BD90] =	vst v63  }
0x31: {  	_ =	swait.ge [sflag:s22], $0x8  }
0x32: {  	[sflag:s22] =	ssyncset.done $0x0  }
0x33: {  	s8 =	simm.s32 $0x10;
	s5 =	rddreg [dreg:$0xf];
	[sflag:s22] =	ssyncadd.s32 $0xFFFFFFF8  }
0x34: {  	[tilespmem:s8], [sflag:$0x5] =	stream.linear.gather [hbm4b:s5+s7], $0x190, $0x38;
	[tilespmem:$0x1BD90] =	vst v63  }
0x35: {  	_ =	swait.ge [sflag:s22], $0x190  }
0x36: {  	[sflag:s22] =	ssyncset.done $0x0  }
0x37: {  	s2 =	simm.s32 $0x330;
	s11 =	rddreg [dreg:$0x10];
	[sflag:s22] =	ssyncadd.s32 $0xFFFFFE70  }
0x38: {  	[tilespmem:s2], [sflag:$0x5] =	stream.linear.gather [hbm4b:s11+s7], $0x190, $0x38;
	[tilespmem:$0x1BD90] =	vst v63  }
0x39: {  	_ =	swait.ge [sflag:s22], $0x190  }
0x3a: {  	s3 =	simm.s32 $0x8;
	[sflag:s22] =	ssyncset.done $0x0  }
0x3b: {  	s4 =	simm.s32 $0x650;
	s15 =	rddreg [dreg:$0xb];
	[sflag:s22] =	ssyncadd.s32 $0xFFFFFE70  }
0x3c: {  	[tilespmem:s4], [sflag:$0x1] =	stream.indirect.gather [hbm4b:s15+s3], $0x40, s7, s3, $0xb8;
	[tilespmem:$0x1BD90] =	vst v63  }
0x3d: {  	s18 =	simm.s32 $0x68;
	s19 =	simm.s32 $0xA50  }
0x3e: {  	[tilespmem:s19], [sflag:$0x1] =	stream.indirect.gather [hbm4b:s9+s18], $0x40, s8, s18, $0xb8;
	[tilespmem:$0x1BD90] =	vst v63  }
0x3f: {  	s21 =	simm.s32 $0xD250  }
0x40: {  	[tilespmem:s21], [sflag:$0x1] =	stream.indirect.gather [hbm4b:s9+s18], $0x40, s2, s18, $0xb8;
	[tilespmem:$0x1BD90] =	vst v63  }
0x41: {  	s25 =	simm.s32 $0x78;
	s28 =	simm.s32 $0x2450  }
0x42: {  	[tilespmem:s28], [sflag:$0x1] =	stream.indirect.gather [hbm4b:s9+s18], $0x40, s25, s18, $0xb8;
	[tilespmem:$0x1BD90] =	vst v63  }
0x43: {  	s3 =	simm.s32 $0x398;
	s4 =	simm.s32 $0xEC50  }
0x44: {  	[tilespmem:s4], [sflag:$0x1] =	stream.indirect.gather [hbm4b:s9+s18], $0x40, s3, s18, $0xb8;
	[tilespmem:$0x1BD90] =	vst v63  }
0x45: {  	s5 =	simm.s32 $0xE0;
	s8 =	simm.s32 $0x3E50  }
0x46: {  	[tilespmem:s8], [sflag:$0x1] =	stream.indirect.gather [hbm4b:s9+s18], $0x40, s5, s18, $0xb8;
	[tilespmem:$0x1BD90] =	vst v63  }
0x47: {  	s11 =	simm.s32 $0x400;
	s15 =	simm.s32 $0x10650  }
0x48: {  	[tilespmem:s15], [sflag:$0x1] =	stream.indirect.gather [hbm4b:s9+s18], $0x40, s11, s18, $0xb8;
	[tilespmem:$0x1BD90] =	vst v63  }
0x49: {  	s19 =	simm.s32 $0x148;
	s21 =	simm.s32 $0x5850;
	s18 =	simm.s32 $0x58  }
0x4a: {  	[tilespmem:s21], [sflag:$0x1] =	stream.indirect.gather [hbm4b:s9+s18], $0x40, s19, s18, $0xb8;
	[tilespmem:$0x1BD90] =	vst v63  }
0x4b: {  	s25 =	simm.s32 $0x468;
	s28 =	simm.s32 $0x12050  }
0x4c: {  	[tilespmem:s28], [sflag:$0x1] =	stream.indirect.gather [hbm4b:s9+s18], $0x40, s25, s18, $0xb8;
	[tilespmem:$0x1BD90] =	vst v63  }
0x4d: {  	s18 =	simm.s32 $0x0  }
.LBB2_2:
0x4e: {  	s0 =	sshll.u32 s18, $0x4  }
0x4f: {  	s3 =	rddreg [dreg:$0xd];
	s19 =	sor.u32 $0x8, s0  }
0x50: {  	s1 =	sor.u32 s3, s19  }
0x51: {  	s2 =	sshrl.u32 s1, $0x3  }
0x52: {  	s4 =	simm.s32 $0x8;
	s1 =	smul.u32 $0x32, s1;
	s2 =	sadd.s32 s30, s2  }
0x53: {  	[tilespmem:s4], [sflag:$0x5] =	stream.linear.gather [hbm4b:s2+s7], $0x8, $0x38;
	[tilespmem:$0x1BD90] =	vst v63  }
0x54: {  	_ =	swait.ge [sflag:s22], $0x8  }
0x55: {  	s21 =	sshrl.u32 s1, $0x3;
	[sflag:s22] =	ssyncset.done $0x0  }
0x56: {  	s15 =	simm.s32 $0x1A0;
	s1 =	sadd.s32 s31, s21;
	[sflag:s22] =	ssyncadd.s32 $0xFFFFFFF8  }
0x57: {  	[tilespmem:s15], [sflag:$0x5] =	stream.linear.gather [hbm4b:s1+s7], $0x190, $0x38;
	[tilespmem:$0x1BD90] =	vst v63  }
0x58: {  	_ =	swait.ge [sflag:s22], $0x190  }
0x59: {  	[sflag:s22] =	ssyncset.done $0x0  }
0x5a: {  	[sflag:s22] =	ssyncadd.s32 $0xFFFFFE70  }
0x5b: {  	s25 =	rddreg [dreg:$0x2]  }
0x5c: {  	s5 =	simm.s32 $0x4C0;
	s1 =	sadd.s32 s25, s21  }
0x5d: {  	[tilespmem:s5], [sflag:$0x5] =	stream.linear.gather [hbm4b:s1+s7], $0x190, $0x38;
	[tilespmem:$0x1BD90] =	vst v63  }
0x5e: {  	_ =	swait.ge [sflag:s22], $0x190  }
0x5f: {  	s8 =	smov.u32 s30;
	[sflag:s22] =	ssyncset.done $0x0  }
0x60: {  	s11 =	simm.s32 $0x850;
	s30 =	rddreg [dreg:$0xb];
	[sflag:s22] =	ssyncadd.s32 $0xFFFFFE70  }
0x61: {  	[tilespmem:s11], [sflag:$0x2] =	stream.indirect.gather [hbm4b:s30+s4], $0x40, s4, s4, $0xb8;
	[tilespmem:$0x1BD90] =	vst v63  }
0x62: {  	s28 =	smov.u32 s31;
	s31 =	simm.s32 $0x6E50;
	s1 =	simm.s32 $0x68  }
0x63: {  	[tilespmem:s31], [sflag:$0x2] =	stream.indirect.gather [hbm4b:s9+s1], $0x40, s15, s1, $0xb8;
	[tilespmem:$0x1BD90] =	vst v63  }
0x64: {  	s4 =	simm.s32 $0x13650  }
0x65: {  	[tilespmem:s4], [sflag:$0x2] =	stream.indirect.gather [hbm4b:s9+s1], $0x40, s5, s1, $0xb8;
	[tilespmem:$0x1BD90] =	vst v63  }
0x66: {  	s11 =	simm.s32 $0x8850;
	s5 =	simm.s32 $0x208  }
0x67: {  	[tilespmem:s11], [sflag:$0x2] =	stream.indirect.gather [hbm4b:s9+s1], $0x40, s5, s1, $0xb8;
	[tilespmem:$0x1BD90] =	vst v63  }
0x68: {  	s25 =	simm.s32 $0x15050;
	s15 =	simm.s32 $0x528  }
0x69: {  	[tilespmem:s25], [sflag:$0x2] =	stream.indirect.gather [hbm4b:s9+s1], $0x40, s15, s1, $0xb8;
	[tilespmem:$0x1BD90] =	vst v63  }
0x6a: {  	s30 =	simm.s32 $0x270;
	s31 =	simm.s32 $0xA250  }
0x6b: {  	[tilespmem:s31], [sflag:$0x2] =	stream.indirect.gather [hbm4b:s9+s1], $0x40, s30, s1, $0xb8;
	[tilespmem:$0x1BD90] =	vst v63  }
0x6c: {  	s4 =	simm.s32 $0x590;
	s5 =	simm.s32 $0x16A50  }
0x6d: {  	[tilespmem:s5], [sflag:$0x2] =	stream.indirect.gather [hbm4b:s9+s1], $0x40, s4, s1, $0xb8;
	[tilespmem:$0x1BD90] =	vst v63  }
0x6e: {  	s11 =	simm.s32 $0x58;
	s15 =	simm.s32 $0x2D8;
	s25 =	simm.s32 $0xBC50  }
0x6f: {  	[tilespmem:s25], [sflag:$0x2] =	stream.indirect.gather [hbm4b:s9+s11], $0x40, s15, s11, $0xb8;
	[tilespmem:$0x1BD90] =	vst v63  }
0x70: {  	s30 =	simm.s32 $0x5F8;
	s31 =	simm.s32 $0x18450  }
0x71: {  	[tilespmem:s31], [sflag:$0x2] =	stream.indirect.gather [hbm4b:s9+s11], $0x40, s30, s11, $0xb8;
	[tilespmem:$0x1BD90] =	vst v63  }
0x72: {  	_ =	swait.ge [sflag:s6], $0x200  }
0x73: {  	[sflag:s6] =	ssyncset.done $0x0  }
0x74: {  	[sflag:s6] =	ssyncadd.s32 $0xFFFFFE00  }
0x75: {  	_ =	swait.ge [sflag:s6], $0x6400  }
0x76: {  	[sflag:s6] =	ssyncset.done $0x0  }
0x77: {  	[sflag:s6] =	ssyncadd.s32 $0xFFFF9C00  }
0x78: {  	_ =	swait.ge [sflag:s6], $0x6400  }
0x79: {  	p0 =	seq.s32 s18, $0x0;
	[sflag:s6] =	ssyncset.done $0x0  }
0x7a: {  	s2 =	simm.s32 @!p0 $0x3;
	[sflag:s6] =	ssyncadd.s32 $0xFFFF9C00  }
0x7b: {  	_ =	swait.ge @!p0 [sflag:s2], $0x190  }
0x7c: {  	[sflag:s2] =	ssyncset.done @!p0 $0x0  }
0x7d: {  	[sflag:s2] =	ssyncadd.s32 @!p0 $0xFFFFFE70  }
0x7e: {  	_ =	swait.ge @!p0 [sflag:s2], $0x190  }
0x7f: {  	s1 =	sadd.s32 s3, s0;
	s5 =	simm.s32 $0xD390;
	[sflag:s2] =	ssyncset.done @!p0 $0x0  }
0x80: {  	s11 =	simm.s32 $0xB90;
	[sflag:s2] =	ssyncadd.s32 @!p0 $0xFFFFFE70;
	s2 =	simm.s32 $0x0  }
.LBB2_3:
0x81: {  	s3 =	sshll.u32 s2, $0x6;
	v0 =	vld [tilespmem:$0x1A6D0]  }
0x82: {  	v6 =	vld [tilespmem:$0x1A6E0];
	s3 =	sand.u32 $0x3FFFFFC0, s3  }
0x83: {  	v11 =	vld [tilespmem:s3+$0x650]  }
0x84: {  	v12 =	vld [tilespmem:s3+$0x660]  }
0x85: {  	v7 =	vld [tilespmem:$0x1A6F0]  }
0x86: {  	v13 =	vld [tilespmem:s3+$0x670]  }
0x87: {  	v8 =	vld [tilespmem:$0x1A700]  }
0x88: {  	v14 =	vld [tilespmem:s3+$0x680]  }
0x89: {  	v0 =	vmul.f32 v0, v11;
	v6 =	vmul.f32 v6, v12;
	_ =	sdelay $0x1  }
0x8a: {  	v0 =	vadd.f32 v6, v0;
	v6 =	vmul.f32 v7, v13;
	_ =	sdelay $0x1  }
0x8b: {  	v0 =	vadd.f32 v6, v0;
	v6 =	vmul.f32 v8, v14;
	_ =	sdelay $0x1  }
0x8c: {  	v0 =	vadd.f32 v6, v0;
	_ =	sdelay $0x1  }
0x8d: {  	v6 =	vperm.xlane v0, v1;
	_ =	sdelay $0x1  }
0x8e: {  	v0 =	vadd.f32 v0, v6;
	_ =	sdelay $0x1  }
0x8f: {  	v6 =	vperm.xlane v0, v3;
	_ =	sdelay $0x1  }
0x90: {  	v0 =	vadd.f32 v0, v6;
	_ =	sdelay $0x1  }
0x91: {  	v6 =	vperm.xlane v0, v4;
	_ =	sdelay $0x1  }
0x92: {  	s25 =	sor.u32 s0, s2;
	v0 =	vadd.f32 v0, v6  }
0x93: {  	v10 =	vmov s25  }
0x94: {  	v6 =	vperm.xlane v0, v5;
	_ =	sdelay $0x1  }
0x95: {  	v0 =	vadd.f32 v0, v6;
	_ =	sdelay $0x1  }
0x96: {  	[tilespmem:v10+s20+$0x0] =	vst.idx.msk vm0, v0  }
0x97: {  	v0 =	vld [tilespmem:$0x1A710]  }
0x98: {  	v6 =	vld [tilespmem:$0x1A720];
	_ =	sdelay $0x1  }
0x99: {  	v7 =	vld [tilespmem:$0x1A730];
	_ =	sdelay $0x1  }
0x9a: {  	v8 =	vld [tilespmem:$0x1A740]  }
0x9b: {  	v0 =	vmul.f32 v0, v11;
	v6 =	vmul.f32 v6, v12;
	_ =	sdelay $0x1  }
0x9c: {  	v0 =	vadd.f32 v6, v0;
	v6 =	vmul.f32 v7, v13;
	_ =	sdelay $0x1  }
0x9d: {  	v0 =	vadd.f32 v6, v0;
	v6 =	vmul.f32 v8, v14;
	_ =	sdelay $0x1  }
0x9e: {  	v0 =	vadd.f32 v6, v0;
	_ =	sdelay $0x1  }
0x9f: {  	v6 =	vperm.xlane v0, v1;
	_ =	sdelay $0x1  }
0xa0: {  	v0 =	vadd.f32 v0, v6;
	_ =	sdelay $0x1  }
0xa1: {  	v6 =	vperm.xlane v0, v3;
	_ =	sdelay $0x1  }
0xa2: {  	v0 =	vadd.f32 v0, v6;
	_ =	sdelay $0x1  }
0xa3: {  	v6 =	vperm.xlane v0, v4;
	_ =	sdelay $0x1  }
0xa4: {  	s4 =	sor.u32 $0x200, s25;
	v0 =	vadd.f32 v0, v6  }
0xa5: {  	v6 =	vmov s4  }
0xa6: {  	v7 =	vperm.xlane v0, v5;
	_ =	sdelay $0x1  }
0xa7: {  	v0 =	vadd.f32 v0, v7;
	_ =	sdelay $0x1  }
0xa8: {  	[tilespmem:v6+s20+$0x0] =	vst.idx.msk vm0, v0  }
0xa9: {  	v0 =	vld [tilespmem:$0x1A750]  }
0xaa: {  	v6 =	vld [tilespmem:$0x1A760];
	_ =	sdelay $0x1  }
0xab: {  	v7 =	vld [tilespmem:$0x1A770];
	_ =	sdelay $0x1  }
0xac: {  	v8 =	vld [tilespmem:$0x1A780]  }
0xad: {  	v0 =	vmul.f32 v0, v11;
	v6 =	vmul.f32 v6, v12;
	_ =	sdelay $0x1  }
0xae: {  	v0 =	vadd.f32 v6, v0;
	v6 =	vmul.f32 v7, v13;
	_ =	sdelay $0x1  }
0xaf: {  	v0 =	vadd.f32 v6, v0;
	v6 =	vmul.f32 v8, v14;
	_ =	sdelay $0x1  }
0xb0: {  	v0 =	vadd.f32 v6, v0;
	_ =	sdelay $0x1  }
0xb1: {  	v6 =	vperm.xlane v0, v1;
	_ =	sdelay $0x1  }
0xb2: {  	v0 =	vadd.f32 v0, v6;
	_ =	sdelay $0x1  }
0xb3: {  	v6 =	vperm.xlane v0, v3;
	_ =	sdelay $0x1  }
0xb4: {  	v0 =	vadd.f32 v0, v6;
	_ =	sdelay $0x1  }
0xb5: {  	v6 =	vperm.xlane v0, v4;
	_ =	sdelay $0x1  }
0xb6: {  	s3 =	sor.u32 $0x400, s25;
	v0 =	vadd.f32 v0, v6  }
0xb7: {  	v6 =	vmov s3  }
0xb8: {  	v7 =	vperm.xlane v0, v5;
	_ =	sdelay $0x1  }
0xb9: {  	v0 =	vadd.f32 v0, v7;
	_ =	sdelay $0x1  }
0xba: {  	[tilespmem:v6+s20+$0x0] =	vst.idx.msk vm0, v0  }
0xbb: {  	v0 =	vld [tilespmem:s11+$0xFFFFFEC0]  }
0xbc: {  	v6 =	vld [tilespmem:s11+$0xFFFFFEF0]  }
0xbd: {  	v7 =	vld [tilespmem:s11+$0xFFFFFEE0]  }
0xbe: {  	v8 =	vld [tilespmem:s11+$0xFFFFFED0];
	_ =	sdelay $0x3  }
0xbf: {  	v0 =	vmul.f32 v0, v11;
	v7 =	vmul.f32 v7, v13  }
0xc0: {  	v8 =	vmul.f32 v8, v12;
	v6 =	vmul.f32 v6, v14;
	_ =	sdelay $0x1  }
0xc1: {  	v0 =	vadd.f32 v8, v0;
	v6 =	vadd.f32 v6, v7;
	_ =	sdelay $0x1  }
0xc2: {  	v17 =	vadd.f32 v6, v0  }
0xc3: {  	s30 =	simm.s32 $0x1A0E0  }
0xc4: {  	[tilespmem:s30+$0xFFFFFFB0] =	vst v17  }
0xc5: {  	v0 =	vld [tilespmem:s11+$0xFFFFFF30]  }
0xc6: {  	v6 =	vld [tilespmem:s11+$0xFFFFFF00]  }
0xc7: {  	v7 =	vld [tilespmem:s11+$0xFFFFFF20]  }
0xc8: {  	v8 =	vld [tilespmem:s11+$0xFFFFFF10];
	_ =	sdelay $0x3  }
0xc9: {  	v0 =	vmul.f32 v0, v14;
	v6 =	vmul.f32 v6, v11  }
0xca: {  	v7 =	vmul.f32 v7, v13;
	v8 =	vmul.f32 v8, v12;
	_ =	sdelay $0x1  }
0xcb: {  	v0 =	vadd.f32 v0, v7;
	v6 =	vadd.f32 v8, v6;
	_ =	sdelay $0x1  }
0xcc: {  	v20 =	vadd.f32 v0, v6;
	_ =	sdelay $0x1  }
0xcd: {  	[tilespmem:s30+$0xFFFFFFC0] =	vst v20  }
0xce: {  	v0 =	vld [tilespmem:s11+$0xFFFFFF40]  }
0xcf: {  	v6 =	vld [tilespmem:s11+$0xFFFFFF60]  }
0xd0: {  	v7 =	vld [tilespmem:s11+$0xFFFFFF50]  }
0xd1: {  	v8 =	vld [tilespmem:s11+$0xFFFFFF70];
	_ =	sdelay $0x3  }
0xd2: {  	v0 =	vmul.f32 v0, v11;
	v7 =	vmul.f32 v7, v12  }
0xd3: {  	v6 =	vmul.f32 v6, v13;
	v8 =	vmul.f32 v8, v14;
	_ =	sdelay $0x1  }
0xd4: {  	v0 =	vadd.f32 v7, v0;
	v6 =	vadd.f32 v8, v6;
	_ =	sdelay $0x1  }
0xd5: {  	v22 =	vadd.f32 v6, v0;
	_ =	sdelay $0x1  }
0xd6: {  	[tilespmem:s30+$0xFFFFFFD0] =	vst v22  }
0xd7: {  	v0 =	vld [tilespmem:s11+$0xFFFFFFA0]  }
0xd8: {  	v6 =	vld [tilespmem:s11+$0xFFFFFF90]  }
0xd9: {  	v7 =	vld [tilespmem:s11+$0xFFFFFF80]  }
0xda: {  	v8 =	vld [tilespmem:s11+$0xFFFFFFB0];
	_ =	sdelay $0x3  }
0xdb: {  	v6 =	vmul.f32 v6, v12;
	v7 =	vmul.f32 v7, v11  }
0xdc: {  	v0 =	vmul.f32 v0, v13;
	v8 =	vmul.f32 v8, v14;
	_ =	sdelay $0x1  }
0xdd: {  	v6 =	vadd.f32 v6, v7;
	v0 =	vadd.f32 v8, v0;
	_ =	sdelay $0x1  }
0xde: {  	v23 =	vadd.f32 v0, v6;
	_ =	sdelay $0x1  }
0xdf: {  	[tilespmem:s30+$0xFFFFFFE0] =	vst v23  }
0xe0: {  	v0 =	vld [tilespmem:s11+$0xFFFFFFE0]  }
0xe1: {  	v6 =	vld [tilespmem:s11+$0xFFFFFFD0]  }
0xe2: {  	v7 =	vld [tilespmem:s11+$0xFFFFFFC0]  }
0xe3: {  	v8 =	vld [tilespmem:s11+$0xFFFFFFF0];
	_ =	sdelay $0x3  }
0xe4: {  	v6 =	vmul.f32 v6, v12;
	v7 =	vmul.f32 v7, v11  }
0xe5: {  	v0 =	vmul.f32 v0, v13;
	v8 =	vmul.f32 v8, v14;
	_ =	sdelay $0x1  }
0xe6: {  	v6 =	vadd.f32 v6, v7;
	v0 =	vadd.f32 v8, v0;
	_ =	sdelay $0x1  }
0xe7: {  	v24 =	vadd.f32 v0, v6;
	_ =	sdelay $0x1  }
0xe8: {  	[tilespmem:s30+$0xFFFFFFF0] =	vst v24  }
0xe9: {  	v0 =	vld [tilespmem:s11+$0x20]  }
0xea: {  	v6 =	vld [tilespmem:s11+$0x0]  }
0xeb: {  	v7 =	vld [tilespmem:s11+$0x10]  }
0xec: {  	v8 =	vld [tilespmem:s11+$0x30];
	_ =	sdelay $0x3  }
0xed: {  	v6 =	vmul.f32 v6, v11;
	v0 =	vmul.f32 v0, v13  }
0xee: {  	v7 =	vmul.f32 v7, v12;
	v8 =	vmul.f32 v8, v14;
	_ =	sdelay $0x1  }
0xef: {  	v6 =	vadd.f32 v7, v6;
	v0 =	vadd.f32 v8, v0;
	_ =	sdelay $0x1  }
0xf0: {  	v26 =	vadd.f32 v0, v6;
	_ =	sdelay $0x1  }
0xf1: {  	[tilespmem:s30+$0x0] =	vst v26  }
0xf2: {  	v0 =	vld [tilespmem:s11+$0x70]  }
0xf3: {  	v6 =	vld [tilespmem:s11+$0x50]  }
0xf4: {  	v7 =	vld [tilespmem:s11+$0x60]  }
0xf5: {  	v8 =	vld [tilespmem:s11+$0x40];
	_ =	sdelay $0x3  }
0xf6: {  	v6 =	vmul.f32 v6, v12;
	v7 =	vmul.f32 v7, v13  }
0xf7: {  	v0 =	vmul.f32 v0, v14;
	v8 =	vmul.f32 v8, v11;
	_ =	sdelay $0x1  }
0xf8: {  	v0 =	vadd.f32 v0, v7;
	v6 =	vadd.f32 v6, v8;
	_ =	sdelay $0x1  }
0xf9: {  	v28 =	vadd.f32 v0, v6;
	_ =	sdelay $0x1  }
0xfa: {  	[tilespmem:s30+$0x10] =	vst v28  }
0xfb: {  	v0 =	vld [tilespmem:s11+$0x80]  }
0xfc: {  	v6 =	vld [tilespmem:s11+$0x90]  }
0xfd: {  	v7 =	vld [tilespmem:s11+$0xA0]  }
0xfe: {  	v8 =	vld [tilespmem:s11+$0xB0];
	_ =	sdelay $0x3  }
0xff: {  	v0 =	vmul.f32 v0, v11;
	v6 =	vmul.f32 v6, v12  }
0x100: {  	v7 =	vmul.f32 v7, v13;
	v8 =	vmul.f32 v8, v14;
	_ =	sdelay $0x1  }
0x101: {  	v0 =	vadd.f32 v6, v0;
	v6 =	vadd.f32 v8, v7;
	_ =	sdelay $0x1  }
0x102: {  	v30 =	vadd.f32 v6, v0;
	_ =	sdelay $0x1  }
0x103: {  	[tilespmem:s30+$0x20] =	vst v30  }
0x104: {  	s15 =	smul.u32 $0x32, s2;
	s31 =	simm.s32 $0x1A0E0;
	v0 =	vld [tilespmem:s11+$0xC0]  }
0x105: {  	v21 =	vimm.f32 $0.0e+00;
	s25 =	smov.u32 s11;
	s4 =	smov.u32 s11;
	s3 =	simm.s32 $0x0;
	v6 =	vld [tilespmem:s11+$0xF0]  }
.LBB2_4:
0x106: {  	s3 =	sadd.s32 $0xA, s3;
	v7 =	vld [tilespmem:s4+$0xE0];
	s30 =	sadd.s32 $0xA0, s30;
	s25 =	sadd.s32 $0x280, s25  }
0x107: {  	p1 =	slt.u32 s3, $0x28;
	v8 =	vld [tilespmem:s4+$0xD0];
	_ =	sdelay $0x2  }
0x108: {  	v6 =	vmul.f32 v6, v14  }
0x109: {  	v0 =	vmul.f32 v0, v11  }
0x10a: {  	v7 =	vmul.f32 v7, v13;
	v8 =	vmul.f32 v8, v12  }
0x10b: {  	v9 =	vadd.f32 v17, v21  }
0x10c: {  	v6 =	vadd.f32 v6, v7;
	v0 =	vadd.f32 v8, v0;
	_ =	sdelay $0x1  }
0x10d: {  	v7 =	vadd.f32 v20, v9;
	v0 =	vadd.f32 v6, v0;
	_ =	sdelay $0x1  }
0x10e: {  	v6 =	vadd.f32 v22, v7;
	[tilespmem:s31+$0x30] =	vst v0  }
0x10f: {  	v7 =	vld [tilespmem:s4+$0x100]  }
0x110: {  	v6 =	vadd.f32 v23, v6;
	v8 =	vld [tilespmem:s4+$0x110]  }
0x111: {  	v9 =	vld [tilespmem:s4+$0x130]  }
0x112: {  	v6 =	vadd.f32 v24, v6;
	v15 =	vld [tilespmem:s4+$0x120];
	s4 =	smov.u32 s25;
	_ =	sdelay $0x1  }
0x113: {  	v6 =	vadd.f32 v26, v6  }
0x114: {  	v7 =	vmul.f32 v7, v11;
	v8 =	vmul.f32 v8, v12  }
0x115: {  	v6 =	vadd.f32 v28, v6;
	v9 =	vmul.f32 v9, v14  }
0x116: {  	v7 =	vadd.f32 v8, v7;
	v8 =	vmul.f32 v15, v13  }
0x117: {  	v6 =	vadd.f32 v30, v6  }
0x118: {  	v8 =	vadd.f32 v9, v8  }
0x119: {  	v0 =	vadd.f32 v0, v6  }
0x11a: {  	v6 =	vadd.f32 v8, v7;
	_ =	sdelay $0x1  }
0x11b: {  	[tilespmem:s31+$0x40] =	vst v6;
	v21 =	vadd.f32 v6, v0;
	s31 =	smov.u32 s30  }
0x11c: {  	v0 =	vld [tilespmem:s25+$0xFFFFFEC0]  }
0x11d: {  	v6 =	vld [tilespmem:s25+$0xFFFFFEF0]  }
0x11e: {  	v7 =	vld [tilespmem:s25+$0xFFFFFEE0]  }
0x11f: {  	v8 =	vld [tilespmem:s25+$0xFFFFFED0];
	_ =	sdelay $0x3  }
0x120: {  	v0 =	vmul.f32 v0, v11;
	v7 =	vmul.f32 v7, v13  }
0x121: {  	v6 =	vmul.f32 v6, v14;
	v8 =	vmul.f32 v8, v12;
	_ =	sdelay $0x1  }
0x122: {  	v6 =	vadd.f32 v6, v7;
	v0 =	vadd.f32 v8, v0;
	_ =	sdelay $0x1  }
0x123: {  	v17 =	vadd.f32 v6, v0;
	_ =	sdelay $0x1  }
0x124: {  	[tilespmem:s30+$0xFFFFFFB0] =	vst v17  }
0x125: {  	v0 =	vld [tilespmem:s25+$0xFFFFFF30]  }
0x126: {  	v6 =	vld [tilespmem:s25+$0xFFFFFF00]  }
0x127: {  	v7 =	vld [tilespmem:s25+$0xFFFFFF20]  }
0x128: {  	v8 =	vld [tilespmem:s25+$0xFFFFFF10];
	_ =	sdelay $0x1  }
0x129: {  	v0 =	vmul.f32 v0, v14  }
0x12a: {  	v6 =	vmul.f32 v6, v11  }
0x12b: {  	v7 =	vmul.f32 v7, v13  }
0x12c: {  	v8 =	vmul.f32 v8, v12  }
0x12d: {  	v0 =	vadd.f32 v0, v7  }
0x12e: {  	v6 =	vadd.f32 v8, v6;
	_ =	sdelay $0x1  }
0x12f: {  	v20 =	vadd.f32 v0, v6;
	_ =	sdelay $0x1  }
0x130: {  	[tilespmem:s30+$0xFFFFFFC0] =	vst v20  }
0x131: {  	v0 =	vld [tilespmem:s25+$0xFFFFFF40]  }
0x132: {  	v6 =	vld [tilespmem:s25+$0xFFFFFF60]  }
0x133: {  	v7 =	vld [tilespmem:s25+$0xFFFFFF50]  }
0x134: {  	v8 =	vld [tilespmem:s25+$0xFFFFFF70];
	_ =	sdelay $0x2  }
0x135: {  	v0 =	vmul.f32 v0, v11  }
0x136: {  	v6 =	vmul.f32 v6, v13;
	v7 =	vmul.f32 v7, v12  }
0x137: {  	v8 =	vmul.f32 v8, v14  }
0x138: {  	v0 =	vadd.f32 v7, v0  }
0x139: {  	v6 =	vadd.f32 v8, v6;
	_ =	sdelay $0x1  }
0x13a: {  	v22 =	vadd.f32 v6, v0;
	_ =	sdelay $0x1  }
0x13b: {  	[tilespmem:s30+$0xFFFFFFD0] =	vst v22  }
0x13c: {  	v0 =	vld [tilespmem:s25+$0xFFFFFFA0]  }
0x13d: {  	v6 =	vld [tilespmem:s25+$0xFFFFFF90]  }
0x13e: {  	v7 =	vld [tilespmem:s25+$0xFFFFFF80]  }
0x13f: {  	v8 =	vld [tilespmem:s25+$0xFFFFFFB0];
	_ =	sdelay $0x2  }
0x140: {  	v6 =	vmul.f32 v6, v12  }
0x141: {  	v0 =	vmul.f32 v0, v13;
	v7 =	vmul.f32 v7, v11  }
0x142: {  	v8 =	vmul.f32 v8, v14  }
0x143: {  	v6 =	vadd.f32 v6, v7  }
0x144: {  	v0 =	vadd.f32 v8, v0;
	_ =	sdelay $0x1  }
0x145: {  	v23 =	vadd.f32 v0, v6;
	_ =	sdelay $0x1  }
0x146: {  	[tilespmem:s30+$0xFFFFFFE0] =	vst v23  }
0x147: {  	v0 =	vld [tilespmem:s25+$0xFFFFFFE0]  }
0x148: {  	v6 =	vld [tilespmem:s25+$0xFFFFFFD0]  }
0x149: {  	v7 =	vld [tilespmem:s25+$0xFFFFFFC0]  }
0x14a: {  	v8 =	vld [tilespmem:s25+$0xFFFFFFF0];
	_ =	sdelay $0x2  }
0x14b: {  	v6 =	vmul.f32 v6, v12  }
0x14c: {  	v0 =	vmul.f32 v0, v13;
	v7 =	vmul.f32 v7, v11  }
0x14d: {  	v8 =	vmul.f32 v8, v14  }
0x14e: {  	v6 =	vadd.f32 v6, v7  }
0x14f: {  	v0 =	vadd.f32 v8, v0;
	_ =	sdelay $0x1  }
0x150: {  	v24 =	vadd.f32 v0, v6;
	_ =	sdelay $0x1  }
0x151: {  	[tilespmem:s30+$0xFFFFFFF0] =	vst v24  }
0x152: {  	v0 =	vld [tilespmem:s25+$0x20]  }
0x153: {  	v6 =	vld [tilespmem:s25+$0x0]  }
0x154: {  	v7 =	vld [tilespmem:s25+$0x10]  }
0x155: {  	v8 =	vld [tilespmem:s25+$0x30];
	_ =	sdelay $0x3  }
0x156: {  	v0 =	vmul.f32 v0, v13;
	v6 =	vmul.f32 v6, v11  }
0x157: {  	v7 =	vmul.f32 v7, v12;
	v8 =	vmul.f32 v8, v14;
	_ =	sdelay $0x1  }
0x158: {  	v6 =	vadd.f32 v7, v6;
	v0 =	vadd.f32 v8, v0;
	_ =	sdelay $0x1  }
0x159: {  	v26 =	vadd.f32 v0, v6;
	_ =	sdelay $0x1  }
0x15a: {  	[tilespmem:s30+$0x0] =	vst v26  }
0x15b: {  	v0 =	vld [tilespmem:s25+$0x70]  }
0x15c: {  	v6 =	vld [tilespmem:s25+$0x50]  }
0x15d: {  	v7 =	vld [tilespmem:s25+$0x60]  }
0x15e: {  	v8 =	vld [tilespmem:s25+$0x40];
	_ =	sdelay $0x2  }
0x15f: {  	v6 =	vmul.f32 v6, v12  }
0x160: {  	v0 =	vmul.f32 v0, v14;
	v7 =	vmul.f32 v7, v13  }
0x161: {  	v8 =	vmul.f32 v8, v11  }
0x162: {  	v0 =	vadd.f32 v0, v7  }
0x163: {  	v6 =	vadd.f32 v6, v8;
	_ =	sdelay $0x1  }
0x164: {  	v28 =	vadd.f32 v0, v6;
	_ =	sdelay $0x1  }
0x165: {  	[tilespmem:s30+$0x10] =	vst v28  }
0x166: {  	v0 =	vld [tilespmem:s25+$0x80]  }
0x167: {  	v6 =	vld [tilespmem:s25+$0x90]  }
0x168: {  	v7 =	vld [tilespmem:s25+$0xA0]  }
0x169: {  	v8 =	vld [tilespmem:s25+$0xB0];
	_ =	sdelay $0x1  }
0x16a: {  	v0 =	vmul.f32 v0, v11  }
0x16b: {  	v6 =	vmul.f32 v6, v12  }
0x16c: {  	v7 =	vmul.f32 v7, v13  }
0x16d: {  	v0 =	vadd.f32 v6, v0;
	v6 =	vmul.f32 v8, v14;
	_ =	sdelay $0x1  }
0x16e: {  	v6 =	vadd.f32 v6, v7;
	_ =	sdelay $0x1  }
.Ltmp0:
0x16f: {  	v30 =	vadd.f32 v6, v0;
	(pc) =	sbr.rel @p1 .LBB2_4-.Ltmp0, $4  }
0x170: {  	_ = 	snop  }
0x171: {  	[tilespmem:s30+$0x20] =	vst v30  }
0x172: {  	v0 =	vld [tilespmem:s25+$0xC0]  }
0x173: {  	v6 =	vld [tilespmem:s25+$0xF0]  }
0x174: {  	v7 =	vld [tilespmem:s4+$0xE0]  }
0x175: {  	v8 =	vld [tilespmem:s4+$0xD0];
	_ =	sdelay $0x3  }
0x176: {  	v0 =	vmul.f32 v0, v11;
	v6 =	vmul.f32 v6, v14  }
0x177: {  	v8 =	vmul.f32 v8, v12;
	v7 =	vmul.f32 v7, v13;
	_ =	sdelay $0x1  }
0x178: {  	v0 =	vadd.f32 v8, v0;
	v6 =	vadd.f32 v6, v7;
	_ =	sdelay $0x1  }
0x179: {  	v33 =	vadd.f32 v6, v0  }
0x17a: {  	v9 =	vld [tilespmem:$0x1FE30]  }
0x17b: {  	v15 =	vld [tilespmem:$0x1FE40];
	[tilespmem:s31+$0x30] =	vst v33  }
0x17c: {  	v0 =	vld [tilespmem:s4+$0x100]  }
0x17d: {  	v6 =	vld [tilespmem:s4+$0x110]  }
0x17e: {  	v7 =	vld [tilespmem:s4+$0x130]  }
0x17f: {  	v8 =	vld [tilespmem:s4+$0x120]  }
0x180: {  	v16 =	vld [tilespmem:$0x1FE50]  }
0x181: {  	v18 =	vld [tilespmem:$0x1FE60]  }
0x182: {  	v19 =	vld [tilespmem:$0x1FE70]  }
0x183: {  	v25 =	vld [tilespmem:$0x1FE80];
	v0 =	vmul.f32 v0, v11;
	v6 =	vmul.f32 v6, v12  }
0x184: {  	v27 =	vld [tilespmem:$0x1FE90];
	v7 =	vmul.f32 v7, v14;
	v8 =	vmul.f32 v8, v13  }
0x185: {  	v29 =	vld [tilespmem:$0x1FEA0]  }
0x186: {  	v31 =	vld [tilespmem:$0x1FEB0];
	v0 =	vadd.f32 v6, v0;
	v6 =	vadd.f32 v7, v8  }
0x187: {  	v32 =	vld [tilespmem:$0x1FEC0]  }
0x188: {  	v34 =	vld [tilespmem:$0x1FED0];
	v36 =	vadd.f32 v6, v0  }
0x189: {  	v35 =	vld [tilespmem:$0x1FEE0]  }
0x18a: {  	v8 =	vld [tilespmem:$0x1FE20];
	[tilespmem:s31+$0x40] =	vst v36  }
0x18b: {  	v0 =	vld.idx.msk [tilespmem:v2+s26+$0x0], $0xffff  }
0x18c: {  	v6 =	vld.idx.msk [tilespmem:v45+s26+$0x0], $0xffff  }
0x18d: {  	v7 =	vld.idx.msk [tilespmem:v46+s26+$0x0], $0xffff  }
0x18e: {  	v9 =	vld.idx.msk [tilespmem:v9+s26+$0x0], $0xffff  }
0x18f: {  	v15 =	vld.idx.msk [tilespmem:v15+s26+$0x0], $0xffff  }
0x190: {  	v16 =	vld.idx.msk [tilespmem:v16+s26+$0x0], $0xffff  }
0x191: {  	v18 =	vld.idx.msk [tilespmem:v18+s26+$0x0], $0xffff  }
0x192: {  	v19 =	vld.idx.msk [tilespmem:v19+s26+$0x0], $0xffff  }
0x193: {  	v25 =	vld.idx.msk [tilespmem:v25+s26+$0x0], $0xffff  }
0x194: {  	v27 =	vld.idx.msk [tilespmem:v27+s26+$0x0], $0xffff  }
0x195: {  	v29 =	vld.idx.msk [tilespmem:v29+s26+$0x0], $0xffff  }
0x196: {  	v31 =	vld.idx.msk [tilespmem:v31+s26+$0x0], $0xffff  }
0x197: {  	v8 =	vld.idx.msk [tilespmem:v8+s26+$0x0], $0xffff  }
0x198: {  	v32 =	vld.idx.msk [tilespmem:v32+s26+$0x0], $0xffff  }
0x199: {  	v34 =	vld.idx.msk [tilespmem:v34+s26+$0x0], $0xffff  }
0x19a: {  	v35 =	vld.idx.msk [tilespmem:v35+s26+$0x0], $0xffff  }
0x19b: {  	v62 =	vld [tilespmem:$0x1FFA0]  }
0x19c: {  	v63 =	vld [tilespmem:$0x1FFB0];
	v0 =	vadd.f32 v6, v0;
	v6 =	vadd.f32 v8, v7  }
0x19d: {  	v7 =	vadd.f32 v15, v9;
	v9 =	vadd.f32 v25, v19;
	v19 =	vld [tilespmem:$0x1FF50]  }
0x19e: {  	v8 =	vadd.f32 v18, v16;
	v15 =	vadd.f32 v29, v27;
	v25 =	vld [tilespmem:$0x1FF60]  }
0x19f: {  	v16 =	vadd.f32 v32, v31;
	v18 =	vadd.f32 v35, v34;
	v27 =	vld [tilespmem:$0x1FF70]  }
0x1a0: {  	v29 =	vld [tilespmem:$0x1FF80];
	v0 =	vadd.f32 v6, v0;
	v6 =	vadd.f32 v8, v7  }
0x1a1: {  	v46 =	vlaneseq.u32;
	v31 =	vld [tilespmem:$0x1FF90];
	v7 =	vadd.f32 v15, v9;
	v8 =	vadd.f32 v18, v16  }
0x1a2: {  	v15 =	vadd.s32 s15, v46;
	v9 =	vld [tilespmem:$0x1FF20]  }
0x1a3: {  	v16 =	vld [tilespmem:$0x1FF30];
	v0 =	vadd.f32 v6, v0;
	v6 =	vadd.f32 v8, v7  }
0x1a4: {  	v18 =	vld [tilespmem:$0x1FF40]  }
0x1a5: {  	v7 =	vld [tilespmem:$0x1FF00];
	v0 =	vadd.f32 v6, v0  }
0x1a6: {  	v8 =	vld [tilespmem:$0x1FF10]  }
0x1a7: {  	v6 =	vld [tilespmem:$0x1FEF0];
	[tilespmem:v15+s29+$0x0] =	vst.idx.msk $0xffff, v0  }
0x1a8: {  	v0 =	vld.idx.msk [tilespmem:v43+s26+$0x0], $0xffff  }
0x1a9: {  	v19 =	vld.idx.msk [tilespmem:v19+s26+$0x0], $0xffff  }
0x1aa: {  	v25 =	vld.idx.msk [tilespmem:v25+s26+$0x0], $0xffff  }
0x1ab: {  	v27 =	vld.idx.msk [tilespmem:v27+s26+$0x0], $0xffff  }
0x1ac: {  	v29 =	vld.idx.msk [tilespmem:v29+s26+$0x0], $0xffff  }
0x1ad: {  	v31 =	vld.idx.msk [tilespmem:v31+s26+$0x0], $0xffff  }
0x1ae: {  	v32 =	vld.idx.msk [tilespmem:v62+s26+$0x0], $0xffff  }
0x1af: {  	v34 =	vld.idx.msk [tilespmem:v63+s26+$0x0], $0xffff  }
0x1b0: {  	v9 =	vld.idx.msk [tilespmem:v9+s26+$0x0], $0xffff  }
0x1b1: {  	v61 =	vor.u32 $0x10E, v2;
	v16 =	vld.idx.msk [tilespmem:v16+s26+$0x0], $0xffff  }
0x1b2: {  	v37 =	vor.u32 $0x10F, v2;
	v7 =	vld.idx.msk [tilespmem:v7+s26+$0x0], $0xffff  }
0x1b3: {  	v8 =	vld.idx.msk [tilespmem:v8+s26+$0x0], $0xffff  }
0x1b4: {  	v6 =	vld.idx.msk [tilespmem:v6+s26+$0x0], $0xffff  }
0x1b5: {  	v18 =	vld.idx.msk [tilespmem:v18+s26+$0x0], $0xffff  }
0x1b6: {  	v35 =	vld.idx.msk [tilespmem:v61+s26+$0x0], $0xffff  }
0x1b7: {  	v38 =	vld.idx.msk [tilespmem:v37+s26+$0x0], $0xffff;
	_ =	sdelay $0x1  }
0x1b8: {  	v0 =	vadd.f32 v6, v0;
	v6 =	vadd.f32 v8, v7  }
0x1b9: {  	v7 =	vadd.f32 v16, v9;
	v8 =	vadd.f32 v19, v18  }
0x1ba: {  	v9 =	vadd.f32 v27, v25;
	v16 =	vadd.f32 v31, v29  }
0x1bb: {  	v18 =	vadd.f32 v34, v32;
	v19 =	vadd.f32 v38, v35  }
0x1bc: {  	v0 =	vadd.f32 v6, v0;
	v6 =	vadd.f32 v8, v7  }
0x1bd: {  	s3 =	sadd.s32 $0x10, s15;
	v7 =	vadd.f32 v16, v9;
	v8 =	vadd.f32 v19, v18  }
0x1be: {  	v16 =	vadd.s32 s3, v46  }
0x1bf: {  	v0 =	vadd.f32 v6, v0;
	v6 =	vadd.f32 v8, v7;
	v7 =	vor.u32 $0x200, v2  }
0x1c0: {  	v8 =	vor.u32 $0x201, v2  }
0x1c1: {  	v9 =	vor.u32 $0x202, v2;
	v0 =	vadd.f32 v6, v0  }
0x1c2: {  	v18 =	vor.u32 $0x203, v2  }
0x1c3: {  	v19 =	vor.u32 $0x204, v2;
	[tilespmem:v16+s29+$0x0] =	vst.idx.msk $0xffff, v0  }
0x1c4: {  	v25 =	vor.u32 $0x205, v2;
	v0 =	vld.idx.msk [tilespmem:v7+s26+$0x0], $0xffff  }
0x1c5: {  	v27 =	vor.u32 $0x206, v2;
	v6 =	vld.idx.msk [tilespmem:v8+s26+$0x0], $0xffff  }
0x1c6: {  	v29 =	vor.u32 $0x207, v2;
	[tilespmem:$0x1FD90] =	vst v7;
	v7 =	vld.idx.msk [tilespmem:v9+s26+$0x0], $0xffff  }
0x1c7: {  	v31 =	vor.u32 $0x208, v2;
	[tilespmem:$0x1FDA0] =	vst v8;
	v8 =	vld.idx.msk [tilespmem:v18+s26+$0x0], $0xffff  }
0x1c8: {  	v47 =	vor.u32 $0x209, v2;
	[tilespmem:$0x1FDB0] =	vst v9;
	v9 =	vld.idx.msk [tilespmem:v19+s26+$0x0], $0xffff  }
0x1c9: {  	v48 =	vor.u32 $0x20A, v2;
	[tilespmem:$0x1FDC0] =	vst v18;
	v18 =	vld.idx.msk [tilespmem:v25+s26+$0x0], $0xffff  }
0x1ca: {  	v49 =	vor.u32 $0x20B, v2;
	[tilespmem:$0x1FDD0] =	vst v19;
	v19 =	vld.idx.msk [tilespmem:v27+s26+$0x0], $0xffff  }
0x1cb: {  	v50 =	vor.u32 $0x20C, v2;
	[tilespmem:$0x1FDE0] =	vst v25;
	v25 =	vld.idx.msk [tilespmem:v29+s26+$0x0], $0xffff  }
0x1cc: {  	v51 =	vor.u32 $0x20D, v2;
	[tilespmem:$0x1FDF0] =	vst v27;
	v27 =	vld.idx.msk [tilespmem:v31+s26+$0x0], $0xffff  }
0x1cd: {  	v52 =	vor.u32 $0x20E, v2;
	[tilespmem:$0x1FE00] =	vst v29;
	v29 =	vld.idx.msk [tilespmem:v47+s26+$0x0], $0xffff  }
0x1ce: {  	v53 =	vor.u32 $0x20F, v2;
	[tilespmem:$0x1FE10] =	vst v31;
	v31 =	vld.idx.msk [tilespmem:v48+s26+$0x0], $0xffff  }
0x1cf: {  	v38 =	vld.idx.msk [tilespmem:v49+s26+$0x0], $0xffff  }
0x1d0: {  	v39 =	vld.idx.msk [tilespmem:v50+s26+$0x0], $0xffff  }
0x1d1: {  	v40 =	vld.idx.msk [tilespmem:v51+s26+$0x0], $0xffff  }
0x1d2: {  	v54 =	vld.idx.msk [tilespmem:v52+s26+$0x0], $0xffff  }
0x1d3: {  	v55 =	vld.idx.msk [tilespmem:v53+s26+$0x0], $0xffff;
	_ =	sdelay $0x1  }
0x1d4: {  	v0 =	vadd.f32 v6, v0;
	v6 =	vadd.f32 v8, v7  }
0x1d5: {  	v7 =	vadd.f32 v18, v9;
	v8 =	vadd.f32 v25, v19  }
0x1d6: {  	v9 =	vadd.f32 v29, v27;
	v18 =	vadd.f32 v38, v31  }
0x1d7: {  	v19 =	vadd.f32 v40, v39;
	v25 =	vadd.f32 v55, v54  }
0x1d8: {  	v0 =	vadd.f32 v6, v0;
	v6 =	vadd.f32 v8, v7  }
0x1d9: {  	s25 =	sadd.s32 $0x20, s15;
	v7 =	vadd.f32 v18, v9;
	v8 =	vadd.f32 v25, v19  }
0x1da: {  	v19 =	vadd.s32 s25, v46  }
0x1db: {  	v54 =	vor.u32 $0x300, v2;
	v0 =	vadd.f32 v6, v0;
	v6 =	vadd.f32 v8, v7  }
0x1dc: {  	v55 =	vor.u32 $0x301, v2  }
0x1dd: {  	v56 =	vor.u32 $0x302, v2;
	v0 =	vadd.f32 v6, v0  }
0x1de: {  	v57 =	vor.u32 $0x303, v2  }
0x1df: {  	v58 =	vor.u32 $0x304, v2;
	[tilespmem:v19+s29+$0x0] =	vst.idx.msk $0xffff, v0  }
0x1e0: {  	v59 =	vor.u32 $0x305, v2;
	v18 =	vld.idx.msk [tilespmem:v54+s26+$0x0], $0xffff  }
0x1e1: {  	v60 =	vor.u32 $0x306, v2;
	v25 =	vld.idx.msk [tilespmem:v55+s26+$0x0], $0xffff  }
0x1e2: {  	[tilespmem:$0x1FD70] =	vst v61;
	v61 =	vor.u32 $0x307, v2;
	v27 =	vld.idx.msk [tilespmem:v56+s26+$0x0], $0xffff  }
0x1e3: {  	v62 =	vor.u32 $0x308, v2;
	v29 =	vld.idx.msk [tilespmem:v57+s26+$0x0], $0xffff  }
0x1e4: {  	v63 =	vor.u32 $0x309, v2;
	v31 =	vld.idx.msk [tilespmem:v58+s26+$0x0], $0xffff  }
0x1e5: {  	v35 =	vor.u32 $0x30A, v2;
	v32 =	vld.idx.msk [tilespmem:v59+s26+$0x0], $0xffff  }
0x1e6: {  	v7 =	vor.u32 $0x30D, v2;
	v34 =	vld.idx.msk [tilespmem:v60+s26+$0x0], $0xffff  }
0x1e7: {  	[tilespmem:$0x1FD80] =	vst v37;
	v8 =	vor.u32 $0x30E, v2;
	v37 =	vld.idx.msk [tilespmem:v61+s26+$0x0], $0xffff  }
0x1e8: {  	v9 =	vor.u32 $0x30F, v2;
	v38 =	vld.idx.msk [tilespmem:v62+s26+$0x0], $0xffff  }
0x1e9: {  	v6 =	vor.u32 $0x30C, v2;
	v39 =	vld.idx.msk [tilespmem:v63+s26+$0x0], $0xffff  }
0x1ea: {  	v0 =	vor.u32 $0x30B, v2;
	v40 =	vld.idx.msk [tilespmem:v35+s26+$0x0], $0xffff  }
0x1eb: {  	v43 =	vld.idx.msk [tilespmem:v7+s26+$0x0], $0xffff  }
0x1ec: {  	v44 =	vld.idx.msk [tilespmem:v8+s26+$0x0], $0xffff  }
0x1ed: {  	v45 =	vld.idx.msk [tilespmem:v9+s26+$0x0], $0xffff  }
0x1ee: {  	v42 =	vld.idx.msk [tilespmem:v6+s26+$0x0], $0xffff  }
0x1ef: {  	v41 =	vld.idx.msk [tilespmem:v0+s26+$0x0], $0xffff;
	_ =	sdelay $0x1  }
0x1f0: {  	v18 =	vadd.f32 v25, v18;
	v25 =	vadd.f32 v29, v27  }
0x1f1: {  	v27 =	vadd.f32 v32, v31;
	v29 =	vadd.f32 v37, v34  }
0x1f2: {  	v31 =	vadd.f32 v39, v38;
	v45 =	vadd.f32 v45, v44  }
0x1f3: {  	v43 =	vadd.f32 v43, v42;
	v41 =	vadd.f32 v41, v40  }
0x1f4: {  	v25 =	vadd.f32 v25, v18;
	v27 =	vadd.f32 v29, v27  }
0x1f5: {  	s31 =	sadd.s32 $0x30, s15;
	v29 =	vadd.f32 v41, v31;
	v31 =	vadd.f32 v45, v43  }
0x1f6: {  	v18 =	vadd.s32 s31, v46  }
0x1f7: {  	v25 =	vadd.f32 v27, v25;
	v27 =	vadd.f32 v31, v29;
	_ =	sdelay $0x1  }
0x1f8: {  	v25 =	vadd.f32 v27, v25;
	_ =	sdelay $0x1  }
0x1f9: {  	[tilespmem:v18+s29+$0x0] =	vst.idx.msk $0x3, v25  }
0x1fa: {  	v25 =	vld [tilespmem:s5+$0xFFFFFEC0]  }
0x1fb: {  	v27 =	vld [tilespmem:s5+$0xFFFFFEF0]  }
0x1fc: {  	v29 =	vld [tilespmem:s5+$0xFFFFFEE0]  }
0x1fd: {  	v31 =	vld [tilespmem:s5+$0xFFFFFED0];
	_ =	sdelay $0x3  }
0x1fe: {  	v25 =	vmul.f32 v25, v11;
	v29 =	vmul.f32 v29, v13  }
0x1ff: {  	v31 =	vmul.f32 v31, v12;
	v27 =	vmul.f32 v27, v14;
	_ =	sdelay $0x1  }
0x200: {  	v25 =	vadd.f32 v31, v25;
	v27 =	vadd.f32 v27, v29;
	_ =	sdelay $0x1  }
0x201: {  	v25 =	vadd.f32 v27, v25  }
0x202: {  	s15 =	simm.s32 $0x1A400  }
0x203: {  	[tilespmem:s15+$0xFFFFFFB0] =	vst v25  }
0x204: {  	v27 =	vld [tilespmem:s5+$0xFFFFFF30]  }
0x205: {  	v29 =	vld [tilespmem:s5+$0xFFFFFF00]  }
0x206: {  	v31 =	vld [tilespmem:s5+$0xFFFFFF20]  }
0x207: {  	v39 =	vld [tilespmem:s5+$0xFFFFFF10];
	_ =	sdelay $0x3  }
0x208: {  	v27 =	vmul.f32 v27, v14;
	v29 =	vmul.f32 v29, v11  }
0x209: {  	v31 =	vmul.f32 v31, v13;
	v32 =	vmul.f32 v39, v12;
	_ =	sdelay $0x1  }
0x20a: {  	v27 =	vadd.f32 v27, v31;
	v29 =	vadd.f32 v32, v29;
	_ =	sdelay $0x1  }
0x20b: {  	v27 =	vadd.f32 v27, v29;
	_ =	sdelay $0x1  }
0x20c: {  	[tilespmem:s15+$0xFFFFFFC0] =	vst v27  }
0x20d: {  	v29 =	vld [tilespmem:s5+$0xFFFFFF40]  }
0x20e: {  	v31 =	vld [tilespmem:s5+$0xFFFFFF60]  }
0x20f: {  	v40 =	vld [tilespmem:s5+$0xFFFFFF50]  }
0x210: {  	v41 =	vld [tilespmem:s5+$0xFFFFFF70];
	_ =	sdelay $0x3  }
0x211: {  	v29 =	vmul.f32 v29, v11;
	v32 =	vmul.f32 v40, v12  }
0x212: {  	v31 =	vmul.f32 v31, v13;
	v34 =	vmul.f32 v41, v14;
	_ =	sdelay $0x1  }
0x213: {  	v29 =	vadd.f32 v32, v29;
	v31 =	vadd.f32 v34, v31;
	_ =	sdelay $0x1  }
0x214: {  	v29 =	vadd.f32 v31, v29;
	_ =	sdelay $0x1  }
0x215: {  	[tilespmem:s15+$0xFFFFFFD0] =	vst v29  }
0x216: {  	v31 =	vld [tilespmem:s5+$0xFFFFFFA0]  }
0x217: {  	v42 =	vld [tilespmem:s5+$0xFFFFFF90]  }
0x218: {  	v43 =	vld [tilespmem:s5+$0xFFFFFF80]  }
0x219: {  	v44 =	vld [tilespmem:s5+$0xFFFFFFB0];
	_ =	sdelay $0x3  }
0x21a: {  	v32 =	vmul.f32 v42, v12;
	v34 =	vmul.f32 v43, v11  }
0x21b: {  	v31 =	vmul.f32 v31, v13;
	v37 =	vmul.f32 v44, v14;
	_ =	sdelay $0x1  }
0x21c: {  	v32 =	vadd.f32 v32, v34;
	v31 =	vadd.f32 v37, v31;
	_ =	sdelay $0x1  }
0x21d: {  	v31 =	vadd.f32 v31, v32;
	_ =	sdelay $0x1  }
0x21e: {  	[tilespmem:s15+$0xFFFFFFE0] =	vst v31  }
0x21f: {  	v45 =	vld [tilespmem:s5+$0xFFFFFFE0]  }
0x220: {  	v46 =	vld [tilespmem:s5+$0xFFFFFFD0]  }
0x221: {  	v40 =	vld [tilespmem:s5+$0xFFFFFFC0]  }
0x222: {  	v41 =	vld [tilespmem:s5+$0xFFFFFFF0];
	_ =	sdelay $0x3  }
0x223: {  	v34 =	vmul.f32 v46, v12;
	v37 =	vmul.f32 v40, v11  }
0x224: {  	v32 =	vmul.f32 v45, v13;
	v38 =	vmul.f32 v41, v14;
	_ =	sdelay $0x1  }
0x225: {  	v34 =	vadd.f32 v34, v37;
	v32 =	vadd.f32 v38, v32;
	_ =	sdelay $0x1  }
0x226: {  	v32 =	vadd.f32 v32, v34;
	_ =	sdelay $0x1  }
0x227: {  	[tilespmem:s15+$0xFFFFFFF0] =	vst v32  }
0x228: {  	v42 =	vld [tilespmem:s5+$0x20]  }
0x229: {  	v43 =	vld [tilespmem:s5+$0x0]  }
0x22a: {  	v44 =	vld [tilespmem:s5+$0x10]  }
0x22b: {  	v45 =	vld [tilespmem:s5+$0x30];
	_ =	sdelay $0x3  }
0x22c: {  	v37 =	vmul.f32 v43, v11;
	v34 =	vmul.f32 v42, v13  }
0x22d: {  	v38 =	vmul.f32 v44, v12;
	v39 =	vmul.f32 v45, v14;
	_ =	sdelay $0x1  }
0x22e: {  	v37 =	vadd.f32 v38, v37;
	v34 =	vadd.f32 v39, v34;
	_ =	sdelay $0x1  }
0x22f: {  	v34 =	vadd.f32 v34, v37;
	_ =	sdelay $0x1  }
0x230: {  	[tilespmem:s15+$0x0] =	vst v34  }
0x231: {  	v37 =	vld [tilespmem:s5+$0x70]  }
0x232: {  	v46 =	vld [tilespmem:s5+$0x50]  }
0x233: {  	v44 =	vld [tilespmem:s5+$0x60]  }
0x234: {  	v45 =	vld [tilespmem:s5+$0x40];
	_ =	sdelay $0x3  }
0x235: {  	v38 =	vmul.f32 v46, v12;
	v39 =	vmul.f32 v44, v13  }
0x236: {  	v37 =	vmul.f32 v37, v14;
	v40 =	vmul.f32 v45, v11;
	_ =	sdelay $0x1  }
0x237: {  	v37 =	vadd.f32 v37, v39;
	v38 =	vadd.f32 v38, v40;
	_ =	sdelay $0x1  }
0x238: {  	v17 =	vadd.f32 v17, v21;
	v21 =	vadd.f32 v37, v38;
	_ =	sdelay $0x1  }
0x239: {  	v17 =	vadd.f32 v20, v17;
	[tilespmem:s15+$0x10] =	vst v21  }
0x23a: {  	v20 =	vld [tilespmem:s5+$0x80]  }
0x23b: {  	v17 =	vadd.f32 v22, v17;
	v22 =	vld [tilespmem:s5+$0x90]  }
0x23c: {  	v46 =	vld [tilespmem:s5+$0xA0]  }
0x23d: {  	v17 =	vadd.f32 v23, v17;
	v23 =	vld [tilespmem:s5+$0xB0];
	_ =	sdelay $0x1  }
0x23e: {  	v17 =	vadd.f32 v24, v17;
	_ =	sdelay $0x1  }
0x23f: {  	v17 =	vadd.f32 v26, v17;
	v20 =	vmul.f32 v20, v11;
	v22 =	vmul.f32 v22, v12  }
0x240: {  	v24 =	vmul.f32 v46, v13;
	v23 =	vmul.f32 v23, v14  }
0x241: {  	v17 =	vadd.f32 v28, v17  }
0x242: {  	v20 =	vadd.f32 v22, v20;
	v22 =	vadd.f32 v23, v24;
	_ =	sdelay $0x1  }
0x243: {  	v17 =	vadd.f32 v30, v17;
	v22 =	vadd.f32 v22, v20;
	_ =	sdelay $0x1  }
0x244: {  	v17 =	vadd.f32 v33, v17;
	[tilespmem:s15+$0x20] =	vst v22  }
0x245: {  	s30 =	simm.s32 $0x1A400;
	v23 =	vld [tilespmem:s5+$0xC0]  }
0x246: {  	s4 =	smov.u32 s5;
	v17 =	vadd.f32 v36, v17;
	s3 =	simm.s32 $0x0;
	s25 =	smov.u32 s5;
	v20 =	vimm.f32 $0.0e+00;
	v24 =	vld [tilespmem:s5+$0xF0]  }
.LBB2_6:
0x247: {  	s3 =	sadd.s32 $0xA, s3;
	v26 =	vld [tilespmem:s4+$0xE0];
	s15 =	sadd.s32 $0xA0, s15;
	s25 =	sadd.s32 $0x280, s25  }
0x248: {  	p1 =	slt.u32 s3, $0x28;
	v28 =	vld [tilespmem:s4+$0xD0];
	_ =	sdelay $0x2  }
0x249: {  	v24 =	vmul.f32 v24, v14  }
0x24a: {  	v23 =	vmul.f32 v23, v11  }
0x24b: {  	v26 =	vmul.f32 v26, v13;
	v28 =	vmul.f32 v28, v12  }
0x24c: {  	v20 =	vadd.f32 v25, v20  }
0x24d: {  	v24 =	vadd.f32 v24, v26;
	v23 =	vadd.f32 v28, v23;
	_ =	sdelay $0x1  }
0x24e: {  	v20 =	vadd.f32 v27, v20;
	v23 =	vadd.f32 v24, v23;
	_ =	sdelay $0x1  }
0x24f: {  	v20 =	vadd.f32 v29, v20;
	[tilespmem:s30+$0x30] =	vst v23  }
0x250: {  	v24 =	vld [tilespmem:s4+$0x100]  }
0x251: {  	v20 =	vadd.f32 v31, v20;
	v25 =	vld [tilespmem:s4+$0x110]  }
0x252: {  	v26 =	vld [tilespmem:s4+$0x130]  }
0x253: {  	v20 =	vadd.f32 v32, v20;
	v27 =	vld [tilespmem:s4+$0x120];
	s4 =	smov.u32 s25;
	_ =	sdelay $0x1  }
0x254: {  	v20 =	vadd.f32 v34, v20  }
0x255: {  	v24 =	vmul.f32 v24, v11;
	v25 =	vmul.f32 v25, v12  }
0x256: {  	v20 =	vadd.f32 v21, v20;
	v21 =	vmul.f32 v26, v14  }
0x257: {  	v24 =	vadd.f32 v25, v24;
	v25 =	vmul.f32 v27, v13  }
0x258: {  	v20 =	vadd.f32 v22, v20  }
0x259: {  	v21 =	vadd.f32 v21, v25  }
0x25a: {  	v20 =	vadd.f32 v23, v20  }
0x25b: {  	v21 =	vadd.f32 v21, v24;
	_ =	sdelay $0x1  }
0x25c: {  	[tilespmem:s30+$0x40] =	vst v21;
	v20 =	vadd.f32 v21, v20;
	s30 =	smov.u32 s15  }
0x25d: {  	v21 =	vld [tilespmem:s25+$0xFFFFFEC0]  }
0x25e: {  	v22 =	vld [tilespmem:s25+$0xFFFFFEF0]  }
0x25f: {  	v23 =	vld [tilespmem:s25+$0xFFFFFEE0]  }
0x260: {  	v24 =	vld [tilespmem:s25+$0xFFFFFED0];
	_ =	sdelay $0x3  }
0x261: {  	v21 =	vmul.f32 v21, v11;
	v23 =	vmul.f32 v23, v13  }
0x262: {  	v22 =	vmul.f32 v22, v14;
	v24 =	vmul.f32 v24, v12;
	_ =	sdelay $0x1  }
0x263: {  	v22 =	vadd.f32 v22, v23;
	v21 =	vadd.f32 v24, v21;
	_ =	sdelay $0x1  }
0x264: {  	v25 =	vadd.f32 v22, v21;
	_ =	sdelay $0x1  }
0x265: {  	[tilespmem:s15+$0xFFFFFFB0] =	vst v25  }
0x266: {  	v21 =	vld [tilespmem:s25+$0xFFFFFF30]  }
0x267: {  	v22 =	vld [tilespmem:s25+$0xFFFFFF00]  }
0x268: {  	v23 =	vld [tilespmem:s25+$0xFFFFFF20]  }
0x269: {  	v24 =	vld [tilespmem:s25+$0xFFFFFF10];
	_ =	sdelay $0x1  }
0x26a: {  	v21 =	vmul.f32 v21, v14  }
0x26b: {  	v22 =	vmul.f32 v22, v11  }
0x26c: {  	v23 =	vmul.f32 v23, v13  }
0x26d: {  	v24 =	vmul.f32 v24, v12  }
0x26e: {  	v21 =	vadd.f32 v21, v23  }
0x26f: {  	v22 =	vadd.f32 v24, v22;
	_ =	sdelay $0x1  }
0x270: {  	v27 =	vadd.f32 v21, v22;
	_ =	sdelay $0x1  }
0x271: {  	[tilespmem:s15+$0xFFFFFFC0] =	vst v27  }
0x272: {  	v21 =	vld [tilespmem:s25+$0xFFFFFF40]  }
0x273: {  	v22 =	vld [tilespmem:s25+$0xFFFFFF60]  }
0x274: {  	v23 =	vld [tilespmem:s25+$0xFFFFFF50]  }
0x275: {  	v24 =	vld [tilespmem:s25+$0xFFFFFF70];
	_ =	sdelay $0x2  }
0x276: {  	v21 =	vmul.f32 v21, v11  }
0x277: {  	v22 =	vmul.f32 v22, v13;
	v23 =	vmul.f32 v23, v12  }
0x278: {  	v24 =	vmul.f32 v24, v14  }
0x279: {  	v21 =	vadd.f32 v23, v21  }
0x27a: {  	v22 =	vadd.f32 v24, v22;
	_ =	sdelay $0x1  }
0x27b: {  	v29 =	vadd.f32 v22, v21;
	_ =	sdelay $0x1  }
0x27c: {  	[tilespmem:s15+$0xFFFFFFD0] =	vst v29  }
0x27d: {  	v21 =	vld [tilespmem:s25+$0xFFFFFFA0]  }
0x27e: {  	v22 =	vld [tilespmem:s25+$0xFFFFFF90]  }
0x27f: {  	v23 =	vld [tilespmem:s25+$0xFFFFFF80]  }
0x280: {  	v24 =	vld [tilespmem:s25+$0xFFFFFFB0];
	_ =	sdelay $0x2  }
0x281: {  	v22 =	vmul.f32 v22, v12  }
0x282: {  	v21 =	vmul.f32 v21, v13;
	v23 =	vmul.f32 v23, v11  }
0x283: {  	v24 =	vmul.f32 v24, v14  }
0x284: {  	v22 =	vadd.f32 v22, v23  }
0x285: {  	v21 =	vadd.f32 v24, v21;
	_ =	sdelay $0x1  }
0x286: {  	v31 =	vadd.f32 v21, v22;
	_ =	sdelay $0x1  }
0x287: {  	[tilespmem:s15+$0xFFFFFFE0] =	vst v31  }
0x288: {  	v21 =	vld [tilespmem:s25+$0xFFFFFFE0]  }
0x289: {  	v22 =	vld [tilespmem:s25+$0xFFFFFFD0]  }
0x28a: {  	v23 =	vld [tilespmem:s25+$0xFFFFFFC0]  }
0x28b: {  	v24 =	vld [tilespmem:s25+$0xFFFFFFF0];
	_ =	sdelay $0x2  }
0x28c: {  	v22 =	vmul.f32 v22, v12  }
0x28d: {  	v21 =	vmul.f32 v21, v13;
	v23 =	vmul.f32 v23, v11  }
0x28e: {  	v24 =	vmul.f32 v24, v14  }
0x28f: {  	v22 =	vadd.f32 v22, v23  }
0x290: {  	v21 =	vadd.f32 v24, v21;
	_ =	sdelay $0x1  }
0x291: {  	v32 =	vadd.f32 v21, v22;
	_ =	sdelay $0x1  }
0x292: {  	[tilespmem:s15+$0xFFFFFFF0] =	vst v32  }
0x293: {  	v21 =	vld [tilespmem:s25+$0x20]  }
0x294: {  	v22 =	vld [tilespmem:s25+$0x0]  }
0x295: {  	v23 =	vld [tilespmem:s25+$0x10]  }
0x296: {  	v24 =	vld [tilespmem:s25+$0x30];
	_ =	sdelay $0x3  }
0x297: {  	v21 =	vmul.f32 v21, v13;
	v22 =	vmul.f32 v22, v11  }
0x298: {  	v23 =	vmul.f32 v23, v12;
	v24 =	vmul.f32 v24, v14;
	_ =	sdelay $0x1  }
0x299: {  	v22 =	vadd.f32 v23, v22;
	v21 =	vadd.f32 v24, v21;
	_ =	sdelay $0x1  }
0x29a: {  	v34 =	vadd.f32 v21, v22;
	_ =	sdelay $0x1  }
0x29b: {  	[tilespmem:s15+$0x0] =	vst v34  }
0x29c: {  	v21 =	vld [tilespmem:s25+$0x70]  }
0x29d: {  	v22 =	vld [tilespmem:s25+$0x50]  }
0x29e: {  	v23 =	vld [tilespmem:s25+$0x60]  }
0x29f: {  	v24 =	vld [tilespmem:s25+$0x40];
	_ =	sdelay $0x2  }
0x2a0: {  	v22 =	vmul.f32 v22, v12  }
0x2a1: {  	v21 =	vmul.f32 v21, v14;
	v23 =	vmul.f32 v23, v13  }
0x2a2: {  	v24 =	vmul.f32 v24, v11  }
0x2a3: {  	v21 =	vadd.f32 v21, v23  }
0x2a4: {  	v22 =	vadd.f32 v22, v24;
	_ =	sdelay $0x1  }
0x2a5: {  	v21 =	vadd.f32 v21, v22;
	_ =	sdelay $0x1  }
0x2a6: {  	[tilespmem:s15+$0x10] =	vst v21  }
0x2a7: {  	v22 =	vld [tilespmem:s25+$0x80]  }
0x2a8: {  	v23 =	vld [tilespmem:s25+$0x90]  }
0x2a9: {  	v24 =	vld [tilespmem:s25+$0xA0]  }
0x2aa: {  	v26 =	vld [tilespmem:s25+$0xB0];
	_ =	sdelay $0x1  }
0x2ab: {  	v22 =	vmul.f32 v22, v11  }
0x2ac: {  	v23 =	vmul.f32 v23, v12  }
0x2ad: {  	v24 =	vmul.f32 v24, v13  }
0x2ae: {  	v22 =	vadd.f32 v23, v22;
	v23 =	vmul.f32 v26, v14;
	_ =	sdelay $0x1  }
0x2af: {  	v23 =	vadd.f32 v23, v24;
	_ =	sdelay $0x1  }
.Ltmp1:
0x2b0: {  	v22 =	vadd.f32 v23, v22;
	(pc) =	sbr.rel @p1 .LBB2_6-.Ltmp1, $4  }
0x2b1: {  	_ = 	snop  }
0x2b2: {  	[tilespmem:s15+$0x20] =	vst v22  }
0x2b3: {  	v23 =	vld [tilespmem:s25+$0xC0]  }
0x2b4: {  	v24 =	vld [tilespmem:s25+$0xF0]  }
0x2b5: {  	v26 =	vld [tilespmem:s4+$0xE0]  }
0x2b6: {  	v28 =	vld [tilespmem:s4+$0xD0];
	_ =	sdelay $0x3  }
0x2b7: {  	v23 =	vmul.f32 v23, v11;
	v24 =	vmul.f32 v24, v14  }
0x2b8: {  	v28 =	vmul.f32 v28, v12;
	v26 =	vmul.f32 v26, v13;
	_ =	sdelay $0x1  }
0x2b9: {  	v23 =	vadd.f32 v28, v23;
	v24 =	vadd.f32 v24, v26;
	_ =	sdelay $0x1  }
0x2ba: {  	v23 =	vadd.f32 v24, v23;
	_ =	sdelay $0x1  }
0x2bb: {  	[tilespmem:s30+$0x30] =	vst v23  }
0x2bc: {  	v45 =	vld [tilespmem:s4+$0x100]  }
0x2bd: {  	v46 =	vld [tilespmem:s4+$0x110]  }
0x2be: {  	v33 =	vld [tilespmem:s4+$0x130]  }
0x2bf: {  	v30 =	vld [tilespmem:s4+$0x120]  }
0x2c0: {  	v40 =	vld [tilespmem:$0x1FE20]  }
0x2c1: {  	v41 =	vld [tilespmem:$0x1FE30]  }
0x2c2: {  	v42 =	vld [tilespmem:$0x1FE40]  }
0x2c3: {  	v43 =	vld [tilespmem:$0x1FE50];
	v11 =	vmul.f32 v45, v11;
	v36 =	vmul.f32 v46, v12  }
0x2c4: {  	v37 =	vmul.f32 v33, v14;
	v38 =	vmul.f32 v30, v13;
	v45 =	vld [tilespmem:$0x1FFC0]  }
0x2c5: {  	v46 =	vld [tilespmem:$0x1FFD0]  }
0x2c6: {  	v33 =	vld [tilespmem:$0x1FE60];
	v11 =	vadd.f32 v36, v11;
	v39 =	vadd.f32 v37, v38  }
0x2c7: {  	v36 =	vld [tilespmem:$0x1FE70]  }
0x2c8: {  	v37 =	vld [tilespmem:$0x1FE80];
	v11 =	vadd.f32 v39, v11  }
0x2c9: {  	v38 =	vld [tilespmem:$0x1FE90]  }
0x2ca: {  	v39 =	vld [tilespmem:$0x1FEA0];
	[tilespmem:s30+$0x40] =	vst v11  }
0x2cb: {  	v12 =	vld.idx.msk [tilespmem:v2+s23+$0x0], $0xffff  }
0x2cc: {  	v24 =	vld.idx.msk [tilespmem:v40+s23+$0x0], $0xffff  }
0x2cd: {  	v26 =	vld.idx.msk [tilespmem:v41+s23+$0x0], $0xffff  }
0x2ce: {  	v28 =	vld.idx.msk [tilespmem:v42+s23+$0x0], $0xffff  }
0x2cf: {  	v30 =	vld.idx.msk [tilespmem:v43+s23+$0x0], $0xffff  }
0x2d0: {  	v40 =	vld [tilespmem:$0x1FEB0]  }
0x2d1: {  	v41 =	vld [tilespmem:$0x1FEC0]  }
0x2d2: {  	v42 =	vld [tilespmem:$0x1FED0]  }
0x2d3: {  	v43 =	vld [tilespmem:$0x1FEE0]  }
0x2d4: {  	v13 =	vld.idx.msk [tilespmem:v45+s23+$0x0], $0xffff  }
0x2d5: {  	v14 =	vld.idx.msk [tilespmem:v46+s23+$0x0], $0xffff  }
0x2d6: {  	v33 =	vld.idx.msk [tilespmem:v33+s23+$0x0], $0xffff  }
0x2d7: {  	v36 =	vld.idx.msk [tilespmem:v36+s23+$0x0], $0xffff  }
0x2d8: {  	v37 =	vld.idx.msk [tilespmem:v37+s23+$0x0], $0xffff  }
0x2d9: {  	v38 =	vld.idx.msk [tilespmem:v38+s23+$0x0], $0xffff  }
0x2da: {  	v39 =	vld.idx.msk [tilespmem:v39+s23+$0x0], $0xffff  }
0x2db: {  	v40 =	vld.idx.msk [tilespmem:v40+s23+$0x0], $0xffff  }
0x2dc: {  	v41 =	vld.idx.msk [tilespmem:v41+s23+$0x0], $0xffff  }
0x2dd: {  	v42 =	vld.idx.msk [tilespmem:v42+s23+$0x0], $0xffff  }
0x2de: {  	v43 =	vld.idx.msk [tilespmem:v43+s23+$0x0], $0xffff;
	_ =	sdelay $0x1  }
0x2df: {  	v12 =	vadd.f32 v13, v12;
	v13 =	vadd.f32 v24, v14  }
0x2e0: {  	v14 =	vadd.f32 v28, v26;
	v44 =	vadd.f32 v33, v30  }
0x2e1: {  	v33 =	vld [tilespmem:$0x1FEF0];
	v37 =	vadd.f32 v37, v36;
	v39 =	vadd.f32 v39, v38  }
0x2e2: {  	v36 =	vld [tilespmem:$0x1FF00];
	v41 =	vadd.f32 v41, v40;
	v42 =	vadd.f32 v43, v42  }
0x2e3: {  	v12 =	vadd.f32 v13, v12;
	v38 =	vld [tilespmem:$0x1FF20];
	v43 =	vadd.f32 v44, v14  }
0x2e4: {  	v44 =	vadd.f32 v39, v37;
	v37 =	vld [tilespmem:$0x1FF10];
	v28 =	vadd.f32 v42, v41  }
0x2e5: {  	v40 =	vld [tilespmem:$0x1FF40]  }
0x2e6: {  	v39 =	vld [tilespmem:$0x1FF30];
	v12 =	vadd.f32 v43, v12;
	v30 =	vadd.f32 v28, v44  }
0x2e7: {  	v42 =	vld [tilespmem:$0x1FF60]  }
0x2e8: {  	v43 =	vld [tilespmem:$0x1FFE0];
	v12 =	vadd.f32 v30, v12  }
0x2e9: {  	v44 =	vld [tilespmem:$0x1FF70]  }
0x2ea: {  	v41 =	vld [tilespmem:$0x1FF50];
	[tilespmem:v15+s24+$0x0] =	vst.idx.msk $0xffff, v12  }
0x2eb: {  	v13 =	vld.idx.msk [tilespmem:v33+s23+$0x0], $0xffff  }
0x2ec: {  	v14 =	vld.idx.msk [tilespmem:v36+s23+$0x0], $0xffff  }
0x2ed: {  	v28 =	vld.idx.msk [tilespmem:v40+s23+$0x0], $0xffff  }
0x2ee: {  	v40 =	vld [tilespmem:$0x1FF80]  }
0x2ef: {  	v33 =	vld.idx.msk [tilespmem:v42+s23+$0x0], $0xffff  }
0x2f0: {  	v42 =	vld [tilespmem:$0x1FFA0]  }
0x2f1: {  	v36 =	vld.idx.msk [tilespmem:v44+s23+$0x0], $0xffff  }
0x2f2: {  	v44 =	vld [tilespmem:$0x1FFB0]  }
0x2f3: {  	v15 =	vld.idx.msk [tilespmem:v37+s23+$0x0], $0xffff  }
0x2f4: {  	v26 =	vld.idx.msk [tilespmem:v39+s23+$0x0], $0xffff  }
0x2f5: {  	v30 =	vld.idx.msk [tilespmem:v41+s23+$0x0], $0xffff  }
0x2f6: {  	v41 =	vld [tilespmem:$0x1FF90]  }
0x2f7: {  	v37 =	vld.idx.msk [tilespmem:v40+s23+$0x0], $0xffff  }
0x2f8: {  	v39 =	vld.idx.msk [tilespmem:v42+s23+$0x0], $0xffff  }
0x2f9: {  	v42 =	vld [tilespmem:$0x1FD80]  }
0x2fa: {  	v40 =	vld.idx.msk [tilespmem:v44+s23+$0x0], $0xffff  }
0x2fb: {  	v44 =	vld [tilespmem:$0x1FD70];
	_ =	sdelay $0x3  }
0x2fc: {  	v24 =	vld.idx.msk [tilespmem:v38+s23+$0x0], $0xffff  }
0x2fd: {  	v12 =	vld.idx.msk [tilespmem:v43+s23+$0x0], $0xffff  }
0x2fe: {  	v38 =	vld.idx.msk [tilespmem:v41+s23+$0x0], $0xffff  }
0x2ff: {  	v42 =	vld.idx.msk [tilespmem:v42+s23+$0x0], $0xffff  }
0x300: {  	v41 =	vld.idx.msk [tilespmem:v44+s23+$0x0], $0xffff;
	_ =	sdelay $0x1  }
0x301: {  	v12 =	vadd.f32 v13, v12;
	v13 =	vadd.f32 v15, v14  }
0x302: {  	v14 =	vadd.f32 v26, v24;
	v36 =	vadd.f32 v36, v33  }
0x303: {  	v38 =	vadd.f32 v38, v37;
	v40 =	vadd.f32 v40, v39  }
0x304: {  	v33 =	vld [tilespmem:$0x1FDA0];
	v44 =	vadd.f32 v30, v28;
	v42 =	vadd.f32 v42, v41  }
0x305: {  	v12 =	vadd.f32 v13, v12;
	v24 =	vadd.f32 v38, v36;
	v30 =	vld [tilespmem:$0x1FD90]  }
0x306: {  	v37 =	vld [tilespmem:$0x1FDC0];
	v44 =	vadd.f32 v44, v14;
	v26 =	vadd.f32 v42, v40  }
0x307: {  	v36 =	vld [tilespmem:$0x1FDB0]  }
0x308: {  	v38 =	vld [tilespmem:$0x1FDD0];
	v12 =	vadd.f32 v44, v12;
	v28 =	vadd.f32 v26, v24  }
0x309: {  	v39 =	vld [tilespmem:$0x1FDE0]  }
0x30a: {  	v41 =	vld [tilespmem:$0x1FE00];
	v12 =	vadd.f32 v28, v12  }
0x30b: {  	v40 =	vld [tilespmem:$0x1FDF0]  }
0x30c: {  	v42 =	vld [tilespmem:$0x1FE10];
	[tilespmem:v16+s24+$0x0] =	vst.idx.msk $0xffff, v12  }
0x30d: {  	v12 =	vld.idx.msk [tilespmem:v30+s23+$0x0], $0xffff  }
0x30e: {  	v13 =	vld.idx.msk [tilespmem:v33+s23+$0x0], $0xffff  }
0x30f: {  	v14 =	vld.idx.msk [tilespmem:v36+s23+$0x0], $0xffff  }
0x310: {  	v15 =	vld.idx.msk [tilespmem:v37+s23+$0x0], $0xffff  }
0x311: {  	v16 =	vld.idx.msk [tilespmem:v38+s23+$0x0], $0xffff  }
0x312: {  	v24 =	vld.idx.msk [tilespmem:v39+s23+$0x0], $0xffff  }
0x313: {  	v28 =	vld.idx.msk [tilespmem:v41+s23+$0x0], $0xffff  }
0x314: {  	v33 =	vld.idx.msk [tilespmem:v47+s23+$0x0], $0xffff  }
0x315: {  	v36 =	vld.idx.msk [tilespmem:v48+s23+$0x0], $0xffff  }
0x316: {  	v37 =	vld.idx.msk [tilespmem:v49+s23+$0x0], $0xffff  }
0x317: {  	v38 =	vld.idx.msk [tilespmem:v50+s23+$0x0], $0xffff  }
0x318: {  	v39 =	vld.idx.msk [tilespmem:v51+s23+$0x0], $0xffff  }
0x319: {  	v44 =	vld.idx.msk [tilespmem:v53+s23+$0x0], $0xffff  }
0x31a: {  	v26 =	vld.idx.msk [tilespmem:v40+s23+$0x0], $0xffff  }
0x31b: {  	v30 =	vld.idx.msk [tilespmem:v42+s23+$0x0], $0xffff  }
0x31c: {  	v40 =	vld.idx.msk [tilespmem:v52+s23+$0x0], $0xffff;
	_ =	sdelay $0x1  }
0x31d: {  	v12 =	vadd.f32 v13, v12;
	v13 =	vadd.f32 v15, v14  }
0x31e: {  	v14 =	vadd.f32 v24, v16;
	v37 =	vadd.f32 v37, v36  }
0x31f: {  	v42 =	vadd.f32 v39, v38;
	v15 =	vadd.f32 v28, v26  }
0x320: {  	v16 =	vadd.f32 v33, v30;
	v44 =	vadd.f32 v44, v40  }
0x321: {  	v12 =	vadd.f32 v13, v12;
	v33 =	vadd.f32 v15, v14  }
0x322: {  	v36 =	vadd.f32 v37, v16;
	v37 =	vadd.f32 v44, v42  }
0x323: {  	v38 =	vadd.f32 v25, v20  }
0x324: {  	v12 =	vadd.f32 v33, v12;
	v39 =	vadd.f32 v37, v36  }
0x325: {  	v40 =	vadd.f32 v27, v38  }
0x326: {  	v12 =	vadd.f32 v39, v12  }
0x327: {  	v41 =	vadd.f32 v29, v40  }
0x328: {  	[tilespmem:v19+s24+$0x0] =	vst.idx.msk $0xffff, v12  }
0x329: {  	v42 =	vadd.f32 v31, v41;
	v13 =	vld.idx.msk [tilespmem:v54+s23+$0x0], $0xffff  }
0x32a: {  	v44 =	vld.idx.msk [tilespmem:v55+s23+$0x0], $0xffff  }
0x32b: {  	v12 =	vadd.f32 v32, v42;
	v15 =	vld.idx.msk [tilespmem:v56+s23+$0x0], $0xffff  }
0x32c: {  	v16 =	vld.idx.msk [tilespmem:v57+s23+$0x0], $0xffff  }
0x32d: {  	v19 =	vld.idx.msk [tilespmem:v58+s23+$0x0], $0xffff;
	v12 =	vadd.f32 v34, v12  }
0x32e: {  	v20 =	vld.idx.msk [tilespmem:v59+s23+$0x0], $0xffff  }
0x32f: {  	v33 =	vld.idx.msk [tilespmem:v61+s23+$0x0], $0xffff;
	v12 =	vadd.f32 v21, v12  }
0x330: {  	v36 =	vld.idx.msk [tilespmem:v35+s23+$0x0], $0xffff  }
0x331: {  	v37 =	vld.idx.msk [tilespmem:v0+s23+$0x0], $0xffff;
	v12 =	vadd.f32 v22, v12  }
0x332: {  	v38 =	vld.idx.msk [tilespmem:v6+s23+$0x0], $0xffff  }
0x333: {  	v39 =	vld.idx.msk [tilespmem:v7+s23+$0x0], $0xffff;
	v12 =	vadd.f32 v23, v12  }
0x334: {  	v41 =	vld.idx.msk [tilespmem:v8+s23+$0x0], $0xffff  }
0x335: {  	v21 =	vld.idx.msk [tilespmem:v60+s23+$0x0], $0xffff;
	v11 =	vadd.f32 v11, v12  }
0x336: {  	v40 =	vperm.xlane v17, v1;
	v28 =	vld.idx.msk [tilespmem:v9+s23+$0x0], $0xffff  }
0x337: {  	v34 =	vld.idx.msk [tilespmem:v63+s23+$0x0], $0xffff;
	v42 =	vperm.xlane v11, v1  }
0x338: {  	v22 =	vld.idx.msk [tilespmem:v62+s23+$0x0], $0xffff;
	v13 =	vadd.f32 v44, v13;
	v44 =	vadd.f32 v40, v17  }
0x339: {  	v15 =	vadd.f32 v16, v15;
	v11 =	vadd.f32 v42, v11  }
0x33a: {  	v31 =	vadd.f32 v20, v19;
	v32 =	vadd.f32 v33, v21;
	v33 =	vperm.xlane v44, v3  }
0x33b: {  	v36 =	vadd.f32 v37, v36;
	v17 =	vadd.f32 v28, v41;
	v37 =	vperm.xlane v11, v3  }
0x33c: {  	v12 =	vadd.f32 v39, v38;
	v14 =	vadd.f32 v33, v44  }
0x33d: {  	v34 =	vadd.f32 v34, v22;
	v11 =	vadd.f32 v37, v11  }
0x33e: {  	v13 =	vadd.f32 v15, v13;
	v38 =	vadd.f32 v32, v31;
	v39 =	vperm.xlane v14, v4  }
0x33f: {  	v12 =	vadd.f32 v17, v12;
	v40 =	vadd.f32 v36, v34;
	v41 =	vperm.xlane v11, v4  }
0x340: {  	v13 =	vadd.f32 v38, v13;
	v14 =	vadd.f32 v39, v14  }
0x341: {  	s2 =	sadd.s32 $0x1, s2;
	v12 =	vadd.f32 v12, v40;
	v11 =	vadd.f32 v41, v11  }
0x342: {  	p1 =	sne.s32 s2, $0x8;
	v42 =	vperm.xlane v14, v5  }
.Ltmp2:
0x343: {  	v12 =	vadd.f32 v12, v13;
	v44 =	vperm.xlane v11, v5;
	(pc) =	sbr.rel @p1 .LBB2_3-.Ltmp2, $4  }
0x344: {  	v14 =	vadd.f32 v42, v14  }
0x345: {  	[tilespmem:v18+s24+$0x0] =	vst.idx.msk $0x3, v12;
	v11 =	vadd.f32 v44, v11  }
0x346: {  	[tilespmem:v10+s10+$0x0] =	vst.idx.msk vm0, v14  }
0x347: {  	s11 =	sadd.s32 $0xC80, s11;
	s5 =	sadd.s32 $0xC80, s5;
	[tilespmem:v10+s12+$0x0] =	vst.idx.msk vm0, v11  }
0x348: {  	s1 =	smul.u32 $0x32, s1;
	_ =	sdelay $0x1  }
0x349: {  	s2 =	rddreg [dreg:$0x8];
	s1 =	sshrl.u32 s1, $0x3  }
0x34a: {  	s25 =	rddreg [dreg:$0x9];
	s2 =	sadd.s32 s2, s1  }
0x34b: {  	[hbm4b:s2+s7] =	stream.linear.scatter [tilespmem:s29], [sflag:$0x3], $0x190, $0x38;
	[tilespmem:$0x1BD90] =	vst v63  }
0x34c: {  	s1 =	sadd.s32 s25, s1  }
0x34d: {  	[hbm4b:s1+s7] =	stream.linear.scatter [tilespmem:s24], [sflag:$0x3], $0x190, $0x38;
	[tilespmem:$0x1BD90] =	vst v63  }
0x34e: {  	p1 =	seq.s32 s18, $0x1F;
	s1 =	rddreg [dreg:$0x11]  }
0x34f: {  	s0 =	sadd.s32 @!p1 s0, s1  }
0x350: {  	s1 =	sshrl.u32 @!p1 s0, $0x3  }
0x351: {  	s2 =	simm.s32 @!p1 $0x0;
	s1 =	sadd.s32 @!p1 s8, s1  }
0x352: {  	[tilespmem:s2], [sflag:$0x5] =	stream.linear.gather @!p1 [hbm4b:s1+s2], $0x8, $0x38;
	[tilespmem:$0x1BD90] =	vst v63  }
0x353: {  	s0 =	smul.u32 @!p1 $0x32, s0;
	s1 =	simm.s32 @!p1 $0x5  }
0x354: {  	_ =	swait.ge @!p1 [sflag:s1], $0x8  }
0x355: {  	s0 =	sshrl.u32 @!p1 s0, $0x3;
	[sflag:s1] =	ssyncset.done @!p1 $0x0  }
0x356: {  	s4 =	simm.s32 @!p1 $0x10;
	s3 =	sadd.s32 @!p1 s28, s0;
	[sflag:s1] =	ssyncadd.s32 @!p1 $0xFFFFFFF8  }
0x357: {  	[tilespmem:s4], [sflag:$0x5] =	stream.linear.gather @!p1 [hbm4b:s3+s2], $0x190, $0x38;
	[tilespmem:$0x1BD90] =	vst v63  }
0x358: {  	_ =	swait.ge @!p1 [sflag:s1], $0x190  }
0x359: {  	[sflag:s1] =	ssyncset.done @!p1 $0x0  }
0x35a: {  	[sflag:s1] =	ssyncadd.s32 @!p1 $0xFFFFFE70  }
0x35b: {  	s3 =	rddreg [dreg:$0x2]  }
0x35c: {  	s0 =	sadd.s32 @!p1 s3, s0;
	s3 =	simm.s32 @!p1 $0x330  }
0x35d: {  	[tilespmem:s3], [sflag:$0x5] =	stream.linear.gather @!p1 [hbm4b:s0+s2], $0x190, $0x38;
	[tilespmem:$0x1BD90] =	vst v63  }
0x35e: {  	_ =	swait.ge @!p1 [sflag:s1], $0x190  }
0x35f: {  	s0 =	simm.s32 @!p1 $0x8;
	[sflag:s1] =	ssyncset.done @!p1 $0x0  }
0x360: {  	s5 =	rddreg [dreg:$0xb];
	[sflag:s1] =	ssyncadd.s32 @!p1 $0xFFFFFE70;
	s1 =	simm.s32 @!p1 $0x650  }
0x361: {  	[tilespmem:s1], [sflag:$0x1] =	stream.indirect.gather @!p1 [hbm4b:s5+s0], $0x40, s2, s0, $0xb8;
	[tilespmem:$0x1BD90] =	vst v63  }
0x362: {  	s0 =	simm.s32 @!p1 $0x68;
	s1 =	simm.s32 @!p1 $0xA50  }
0x363: {  	[tilespmem:s1], [sflag:$0x1] =	stream.indirect.gather @!p1 [hbm4b:s9+s0], $0x40, s4, s0, $0xb8;
	[tilespmem:$0x1BD90] =	vst v63  }
0x364: {  	s1 =	simm.s32 @!p1 $0xD250  }
0x365: {  	[tilespmem:s1], [sflag:$0x1] =	stream.indirect.gather @!p1 [hbm4b:s9+s0], $0x40, s3, s0, $0xb8;
	[tilespmem:$0x1BD90] =	vst v63  }
0x366: {  	s2 =	simm.s32 @!p1 $0x2450;
	s1 =	simm.s32 @!p1 $0x78  }
0x367: {  	[tilespmem:s2], [sflag:$0x1] =	stream.indirect.gather @!p1 [hbm4b:s9+s0], $0x40, s1, s0, $0xb8;
	[tilespmem:$0x1BD90] =	vst v63  }
0x368: {  	s1 =	simm.s32 @!p1 $0x398;
	s2 =	simm.s32 @!p1 $0xEC50  }
0x369: {  	[tilespmem:s2], [sflag:$0x1] =	stream.indirect.gather @!p1 [hbm4b:s9+s0], $0x40, s1, s0, $0xb8;
	[tilespmem:$0x1BD90] =	vst v63  }
0x36a: {  	s1 =	simm.s32 @!p1 $0xE0;
	s2 =	simm.s32 @!p1 $0x3E50  }
0x36b: {  	[tilespmem:s2], [sflag:$0x1] =	stream.indirect.gather @!p1 [hbm4b:s9+s0], $0x40, s1, s0, $0xb8;
	[tilespmem:$0x1BD90] =	vst v63  }
0x36c: {  	s1 =	simm.s32 @!p1 $0x400;
	s2 =	simm.s32 @!p1 $0x10650  }
0x36d: {  	[tilespmem:s2], [sflag:$0x1] =	stream.indirect.gather @!p1 [hbm4b:s9+s0], $0x40, s1, s0, $0xb8;
	[tilespmem:$0x1BD90] =	vst v63  }
0x36e: {  	s0 =	simm.s32 @!p1 $0x58;
	s1 =	simm.s32 @!p1 $0x148;
	s2 =	simm.s32 @!p1 $0x5850  }
0x36f: {  	[tilespmem:s2], [sflag:$0x1] =	stream.indirect.gather @!p1 [hbm4b:s9+s0], $0x40, s1, s0, $0xb8;
	[tilespmem:$0x1BD90] =	vst v63  }
0x370: {  	s1 =	simm.s32 @!p1 $0x468;
	s2 =	simm.s32 @!p1 $0x12050  }
0x371: {  	[tilespmem:s2], [sflag:$0x1] =	stream.indirect.gather @!p1 [hbm4b:s9+s0], $0x40, s1, s0, $0xb8;
	[tilespmem:$0x1BD90] =	vst v63  }
0x372: {  	_ =	swait.ge [sflag:s13], $0x200  }
0x373: {  	[sflag:s13] =	ssyncset.done $0x0  }
0x374: {  	[sflag:s13] =	ssyncadd.s32 $0xFFFFFE00  }
0x375: {  	_ =	swait.ge [sflag:s13], $0x6400  }
0x376: {  	[sflag:s13] =	ssyncset.done $0x0  }
0x377: {  	[sflag:s13] =	ssyncadd.s32 $0xFFFF9C00  }
0x378: {  	_ =	swait.ge [sflag:s13], $0x6400  }
0x379: {  	[sflag:s13] =	ssyncset.done $0x0  }
0x37a: {  	s0 =	simm.s32 @!p0 $0x4;
	[sflag:s13] =	ssyncadd.s32 $0xFFFF9C00  }
0x37b: {  	_ =	swait.ge @!p0 [sflag:s0], $0x190  }
0x37c: {  	[sflag:s0] =	ssyncset.done @!p0 $0x0  }
0x37d: {  	[sflag:s0] =	ssyncadd.s32 @!p0 $0xFFFFFE70  }
0x37e: {  	s30 =	smov.u32 s8;
	_ =	swait.ge @!p0 [sflag:s0], $0x190  }
0x37f: {  	s31 =	smov.u32 s28;
	s1 =	simm.s32 $0x6F90;
	[sflag:s0] =	ssyncset.done @!p0 $0x0  }
0x380: {  	s2 =	simm.s32 $0x13790;
	[sflag:s0] =	ssyncadd.s32 @!p0 $0xFFFFFE70;
	s0 =	simm.s32 $0x0  }
.LBB2_9:
0x381: {  	s3 =	sshll.u32 s0, $0x6;
	v10 =	vld [tilespmem:$0x1A6D0]  }
0x382: {  	v15 =	vld [tilespmem:$0x1A6E0];
	s3 =	sand.u32 $0x3FFFFFC0, s3  }
0x383: {  	v11 =	vld [tilespmem:s3+$0x850]  }
0x384: {  	v12 =	vld [tilespmem:s3+$0x860]  }
0x385: {  	v16 =	vld [tilespmem:$0x1A6F0]  }
0x386: {  	v13 =	vld [tilespmem:s3+$0x870]  }
0x387: {  	v17 =	vld [tilespmem:$0x1A700]  }
0x388: {  	v14 =	vld [tilespmem:s3+$0x880]  }
0x389: {  	v10 =	vmul.f32 v10, v11;
	v15 =	vmul.f32 v15, v12;
	_ =	sdelay $0x1  }
0x38a: {  	v10 =	vadd.f32 v15, v10;
	v15 =	vmul.f32 v16, v13;
	_ =	sdelay $0x1  }
0x38b: {  	v10 =	vadd.f32 v15, v10;
	v15 =	vmul.f32 v17, v14;
	_ =	sdelay $0x1  }
0x38c: {  	v10 =	vadd.f32 v15, v10;
	_ =	sdelay $0x1  }
0x38d: {  	v15 =	vperm.xlane v10, v1;
	_ =	sdelay $0x1  }
0x38e: {  	v10 =	vadd.f32 v10, v15;
	_ =	sdelay $0x1  }
0x38f: {  	v15 =	vperm.xlane v10, v3;
	_ =	sdelay $0x1  }
0x390: {  	v10 =	vadd.f32 v10, v15;
	_ =	sdelay $0x1  }
0x391: {  	v15 =	vperm.xlane v10, v4;
	_ =	sdelay $0x1  }
0x392: {  	s28 =	sor.u32 s19, s0;
	v15 =	vadd.f32 v10, v15  }
0x393: {  	v10 =	vmov s28  }
0x394: {  	v16 =	vperm.xlane v15, v5;
	_ =	sdelay $0x1  }
0x395: {  	v15 =	vadd.f32 v15, v16;
	_ =	sdelay $0x1  }
0x396: {  	[tilespmem:v10+s20+$0x0] =	vst.idx.msk vm0, v15  }
0x397: {  	v15 =	vld [tilespmem:$0x1A710]  }
0x398: {  	v16 =	vld [tilespmem:$0x1A720];
	_ =	sdelay $0x1  }
0x399: {  	v17 =	vld [tilespmem:$0x1A730];
	_ =	sdelay $0x1  }
0x39a: {  	v18 =	vld [tilespmem:$0x1A740]  }
0x39b: {  	v15 =	vmul.f32 v15, v11;
	v16 =	vmul.f32 v16, v12;
	_ =	sdelay $0x1  }
0x39c: {  	v15 =	vadd.f32 v16, v15;
	v16 =	vmul.f32 v17, v13;
	_ =	sdelay $0x1  }
0x39d: {  	v15 =	vadd.f32 v16, v15;
	v16 =	vmul.f32 v18, v14;
	_ =	sdelay $0x1  }
0x39e: {  	v15 =	vadd.f32 v16, v15;
	_ =	sdelay $0x1  }
0x39f: {  	v16 =	vperm.xlane v15, v1;
	_ =	sdelay $0x1  }
0x3a0: {  	v15 =	vadd.f32 v15, v16;
	_ =	sdelay $0x1  }
0x3a1: {  	v16 =	vperm.xlane v15, v3;
	_ =	sdelay $0x1  }
0x3a2: {  	v15 =	vadd.f32 v15, v16;
	_ =	sdelay $0x1  }
0x3a3: {  	v16 =	vperm.xlane v15, v4;
	_ =	sdelay $0x1  }
0x3a4: {  	s4 =	sor.u32 $0x200, s28;
	v15 =	vadd.f32 v15, v16  }
0x3a5: {  	v16 =	vmov s4  }
0x3a6: {  	v17 =	vperm.xlane v15, v5;
	_ =	sdelay $0x1  }
0x3a7: {  	v15 =	vadd.f32 v15, v17;
	_ =	sdelay $0x1  }
0x3a8: {  	[tilespmem:v16+s20+$0x0] =	vst.idx.msk vm0, v15  }
0x3a9: {  	v15 =	vld [tilespmem:$0x1A750]  }
0x3aa: {  	v16 =	vld [tilespmem:$0x1A760];
	_ =	sdelay $0x1  }
0x3ab: {  	v17 =	vld [tilespmem:$0x1A770];
	_ =	sdelay $0x1  }
0x3ac: {  	v18 =	vld [tilespmem:$0x1A780]  }
0x3ad: {  	v15 =	vmul.f32 v15, v11;
	v16 =	vmul.f32 v16, v12;
	_ =	sdelay $0x1  }
0x3ae: {  	v15 =	vadd.f32 v16, v15;
	v16 =	vmul.f32 v17, v13;
	_ =	sdelay $0x1  }
0x3af: {  	v15 =	vadd.f32 v16, v15;
	v16 =	vmul.f32 v18, v14;
	_ =	sdelay $0x1  }
0x3b0: {  	v15 =	vadd.f32 v16, v15;
	_ =	sdelay $0x1  }
0x3b1: {  	v16 =	vperm.xlane v15, v1;
	_ =	sdelay $0x1  }
0x3b2: {  	v15 =	vadd.f32 v15, v16;
	_ =	sdelay $0x1  }
0x3b3: {  	v16 =	vperm.xlane v15, v3;
	_ =	sdelay $0x1  }
0x3b4: {  	v15 =	vadd.f32 v15, v16;
	_ =	sdelay $0x1  }
0x3b5: {  	v16 =	vperm.xlane v15, v4;
	_ =	sdelay $0x1  }
0x3b6: {  	s3 =	sor.u32 $0x400, s28;
	v15 =	vadd.f32 v15, v16  }
0x3b7: {  	v16 =	vmov s3  }
0x3b8: {  	v17 =	vperm.xlane v15, v5;
	_ =	sdelay $0x1  }
0x3b9: {  	v15 =	vadd.f32 v15, v17;
	_ =	sdelay $0x1  }
0x3ba: {  	[tilespmem:v16+s20+$0x0] =	vst.idx.msk vm0, v15  }
0x3bb: {  	v15 =	vld [tilespmem:s1+$0xFFFFFEC0]  }
0x3bc: {  	v16 =	vld [tilespmem:s1+$0xFFFFFEF0]  }
0x3bd: {  	v17 =	vld [tilespmem:s1+$0xFFFFFEE0]  }
0x3be: {  	v18 =	vld [tilespmem:s1+$0xFFFFFED0];
	_ =	sdelay $0x3  }
0x3bf: {  	v15 =	vmul.f32 v15, v11;
	v17 =	vmul.f32 v17, v13  }
0x3c0: {  	v18 =	vmul.f32 v18, v12;
	v16 =	vmul.f32 v16, v14;
	_ =	sdelay $0x1  }
0x3c1: {  	v15 =	vadd.f32 v18, v15;
	v16 =	vadd.f32 v16, v17;
	_ =	sdelay $0x1  }
0x3c2: {  	v19 =	vadd.f32 v16, v15  }
0x3c3: {  	s5 =	simm.s32 $0x1A0E0  }
0x3c4: {  	[tilespmem:s5+$0xFFFFFFB0] =	vst v19  }
0x3c5: {  	v15 =	vld [tilespmem:s1+$0xFFFFFF30]  }
0x3c6: {  	v16 =	vld [tilespmem:s1+$0xFFFFFF00]  }
0x3c7: {  	v17 =	vld [tilespmem:s1+$0xFFFFFF20]  }
0x3c8: {  	v18 =	vld [tilespmem:s1+$0xFFFFFF10];
	_ =	sdelay $0x3  }
0x3c9: {  	v15 =	vmul.f32 v15, v14;
	v16 =	vmul.f32 v16, v11  }
0x3ca: {  	v17 =	vmul.f32 v17, v13;
	v18 =	vmul.f32 v18, v12;
	_ =	sdelay $0x1  }
0x3cb: {  	v15 =	vadd.f32 v15, v17;
	v16 =	vadd.f32 v18, v16;
	_ =	sdelay $0x1  }
0x3cc: {  	v20 =	vadd.f32 v15, v16;
	_ =	sdelay $0x1  }
0x3cd: {  	[tilespmem:s5+$0xFFFFFFC0] =	vst v20  }
0x3ce: {  	v15 =	vld [tilespmem:s1+$0xFFFFFF40]  }
0x3cf: {  	v16 =	vld [tilespmem:s1+$0xFFFFFF60]  }
0x3d0: {  	v17 =	vld [tilespmem:s1+$0xFFFFFF50]  }
0x3d1: {  	v18 =	vld [tilespmem:s1+$0xFFFFFF70];
	_ =	sdelay $0x3  }
0x3d2: {  	v15 =	vmul.f32 v15, v11;
	v17 =	vmul.f32 v17, v12  }
0x3d3: {  	v16 =	vmul.f32 v16, v13;
	v18 =	vmul.f32 v18, v14;
	_ =	sdelay $0x1  }
0x3d4: {  	v15 =	vadd.f32 v17, v15;
	v16 =	vadd.f32 v18, v16;
	_ =	sdelay $0x1  }
0x3d5: {  	v22 =	vadd.f32 v16, v15;
	_ =	sdelay $0x1  }
0x3d6: {  	[tilespmem:s5+$0xFFFFFFD0] =	vst v22  }
0x3d7: {  	v15 =	vld [tilespmem:s1+$0xFFFFFFA0]  }
0x3d8: {  	v16 =	vld [tilespmem:s1+$0xFFFFFF90]  }
0x3d9: {  	v17 =	vld [tilespmem:s1+$0xFFFFFF80]  }
0x3da: {  	v18 =	vld [tilespmem:s1+$0xFFFFFFB0];
	_ =	sdelay $0x3  }
0x3db: {  	v16 =	vmul.f32 v16, v12;
	v17 =	vmul.f32 v17, v11  }
0x3dc: {  	v15 =	vmul.f32 v15, v13;
	v18 =	vmul.f32 v18, v14;
	_ =	sdelay $0x1  }
0x3dd: {  	v16 =	vadd.f32 v16, v17;
	v15 =	vadd.f32 v18, v15;
	_ =	sdelay $0x1  }
0x3de: {  	v23 =	vadd.f32 v15, v16;
	_ =	sdelay $0x1  }
0x3df: {  	[tilespmem:s5+$0xFFFFFFE0] =	vst v23  }
0x3e0: {  	v15 =	vld [tilespmem:s1+$0xFFFFFFE0]  }
0x3e1: {  	v16 =	vld [tilespmem:s1+$0xFFFFFFD0]  }
0x3e2: {  	v17 =	vld [tilespmem:s1+$0xFFFFFFC0]  }
0x3e3: {  	v18 =	vld [tilespmem:s1+$0xFFFFFFF0];
	_ =	sdelay $0x3  }
0x3e4: {  	v16 =	vmul.f32 v16, v12;
	v17 =	vmul.f32 v17, v11  }
0x3e5: {  	v15 =	vmul.f32 v15, v13;
	v18 =	vmul.f32 v18, v14;
	_ =	sdelay $0x1  }
0x3e6: {  	v16 =	vadd.f32 v16, v17;
	v15 =	vadd.f32 v18, v15;
	_ =	sdelay $0x1  }
0x3e7: {  	v25 =	vadd.f32 v15, v16;
	_ =	sdelay $0x1  }
0x3e8: {  	[tilespmem:s5+$0xFFFFFFF0] =	vst v25  }
0x3e9: {  	v15 =	vld [tilespmem:s1+$0x20]  }
0x3ea: {  	v16 =	vld [tilespmem:s1+$0x0]  }
0x3eb: {  	v17 =	vld [tilespmem:s1+$0x10]  }
0x3ec: {  	v18 =	vld [tilespmem:s1+$0x30];
	_ =	sdelay $0x3  }
0x3ed: {  	v16 =	vmul.f32 v16, v11;
	v15 =	vmul.f32 v15, v13  }
0x3ee: {  	v17 =	vmul.f32 v17, v12;
	v18 =	vmul.f32 v18, v14;
	_ =	sdelay $0x1  }
0x3ef: {  	v16 =	vadd.f32 v17, v16;
	v15 =	vadd.f32 v18, v15;
	_ =	sdelay $0x1  }
0x3f0: {  	v27 =	vadd.f32 v15, v16;
	_ =	sdelay $0x1  }
0x3f1: {  	[tilespmem:s5+$0x0] =	vst v27  }
0x3f2: {  	v15 =	vld [tilespmem:s1+$0x70]  }
0x3f3: {  	v16 =	vld [tilespmem:s1+$0x50]  }
0x3f4: {  	v17 =	vld [tilespmem:s1+$0x60]  }
0x3f5: {  	v18 =	vld [tilespmem:s1+$0x40];
	_ =	sdelay $0x3  }
0x3f6: {  	v16 =	vmul.f32 v16, v12;
	v17 =	vmul.f32 v17, v13  }
0x3f7: {  	v15 =	vmul.f32 v15, v14;
	v18 =	vmul.f32 v18, v11;
	_ =	sdelay $0x1  }
0x3f8: {  	v15 =	vadd.f32 v15, v17;
	v16 =	vadd.f32 v16, v18;
	_ =	sdelay $0x1  }
0x3f9: {  	v29 =	vadd.f32 v15, v16;
	_ =	sdelay $0x1  }
0x3fa: {  	[tilespmem:s5+$0x10] =	vst v29  }
0x3fb: {  	v15 =	vld [tilespmem:s1+$0x80]  }
0x3fc: {  	v16 =	vld [tilespmem:s1+$0x90]  }
0x3fd: {  	v17 =	vld [tilespmem:s1+$0xA0]  }
0x3fe: {  	v18 =	vld [tilespmem:s1+$0xB0];
	_ =	sdelay $0x3  }
0x3ff: {  	v15 =	vmul.f32 v15, v11;
	v16 =	vmul.f32 v16, v12  }
0x400: {  	v17 =	vmul.f32 v17, v13;
	v18 =	vmul.f32 v18, v14;
	_ =	sdelay $0x1  }
0x401: {  	v15 =	vadd.f32 v16, v15;
	v16 =	vadd.f32 v18, v17;
	_ =	sdelay $0x1  }
0x402: {  	v31 =	vadd.f32 v16, v15;
	_ =	sdelay $0x1  }
0x403: {  	[tilespmem:s5+$0x20] =	vst v31  }
0x404: {  	s25 =	smov.u32 s1;
	s11 =	smov.u32 s1;
	v15 =	vld [tilespmem:s1+$0xC0]  }
0x405: {  	v21 =	vimm.f32 $0.0e+00;
	s15 =	simm.s32 $0x1A0E0;
	s4 =	smul.u32 $0x32, s0;
	s3 =	simm.s32 $0x0;
	v16 =	vld [tilespmem:s1+$0xF0]  }
.LBB2_10:
0x406: {  	s3 =	sadd.s32 $0xA, s3;
	v17 =	vld [tilespmem:s25+$0xE0];
	s5 =	sadd.s32 $0xA0, s5;
	s11 =	sadd.s32 $0x280, s11  }
0x407: {  	p0 =	slt.u32 s3, $0x28;
	v18 =	vld [tilespmem:s25+$0xD0];
	_ =	sdelay $0x2  }
0x408: {  	v16 =	vmul.f32 v16, v14  }
0x409: {  	v15 =	vmul.f32 v15, v11  }
0x40a: {  	v17 =	vmul.f32 v17, v13;
	v18 =	vmul.f32 v18, v12  }
0x40b: {  	v19 =	vadd.f32 v19, v21  }
0x40c: {  	v16 =	vadd.f32 v16, v17;
	v15 =	vadd.f32 v18, v15;
	_ =	sdelay $0x1  }
0x40d: {  	v17 =	vadd.f32 v20, v19;
	v15 =	vadd.f32 v16, v15;
	_ =	sdelay $0x1  }
0x40e: {  	v16 =	vadd.f32 v22, v17;
	[tilespmem:s15+$0x30] =	vst v15  }
0x40f: {  	v17 =	vld [tilespmem:s25+$0x100]  }
0x410: {  	v16 =	vadd.f32 v23, v16;
	v18 =	vld [tilespmem:s25+$0x110]  }
0x411: {  	v19 =	vld [tilespmem:s25+$0x130]  }
0x412: {  	v16 =	vadd.f32 v25, v16;
	v20 =	vld [tilespmem:s25+$0x120];
	s25 =	smov.u32 s11;
	_ =	sdelay $0x1  }
0x413: {  	v16 =	vadd.f32 v27, v16  }
0x414: {  	v17 =	vmul.f32 v17, v11;
	v18 =	vmul.f32 v18, v12  }
0x415: {  	v16 =	vadd.f32 v29, v16;
	v19 =	vmul.f32 v19, v14  }
0x416: {  	v17 =	vadd.f32 v18, v17;
	v18 =	vmul.f32 v20, v13  }
0x417: {  	v16 =	vadd.f32 v31, v16  }
0x418: {  	v18 =	vadd.f32 v19, v18  }
0x419: {  	v15 =	vadd.f32 v15, v16  }
0x41a: {  	v16 =	vadd.f32 v18, v17;
	_ =	sdelay $0x1  }
0x41b: {  	[tilespmem:s15+$0x40] =	vst v16;
	v21 =	vadd.f32 v16, v15;
	s15 =	smov.u32 s5  }
0x41c: {  	v15 =	vld [tilespmem:s11+$0xFFFFFEC0]  }
0x41d: {  	v16 =	vld [tilespmem:s11+$0xFFFFFEF0]  }
0x41e: {  	v17 =	vld [tilespmem:s11+$0xFFFFFEE0]  }
0x41f: {  	v18 =	vld [tilespmem:s11+$0xFFFFFED0];
	_ =	sdelay $0x3  }
0x420: {  	v15 =	vmul.f32 v15, v11;
	v17 =	vmul.f32 v17, v13  }
0x421: {  	v16 =	vmul.f32 v16, v14;
	v18 =	vmul.f32 v18, v12;
	_ =	sdelay $0x1  }
0x422: {  	v16 =	vadd.f32 v16, v17;
	v15 =	vadd.f32 v18, v15;
	_ =	sdelay $0x1  }
0x423: {  	v19 =	vadd.f32 v16, v15;
	_ =	sdelay $0x1  }
0x424: {  	[tilespmem:s5+$0xFFFFFFB0] =	vst v19  }
0x425: {  	v15 =	vld [tilespmem:s11+$0xFFFFFF30]  }
0x426: {  	v16 =	vld [tilespmem:s11+$0xFFFFFF00]  }
0x427: {  	v17 =	vld [tilespmem:s11+$0xFFFFFF20]  }
0x428: {  	v18 =	vld [tilespmem:s11+$0xFFFFFF10];
	_ =	sdelay $0x1  }
0x429: {  	v15 =	vmul.f32 v15, v14  }
0x42a: {  	v16 =	vmul.f32 v16, v11  }
0x42b: {  	v17 =	vmul.f32 v17, v13  }
0x42c: {  	v18 =	vmul.f32 v18, v12  }
0x42d: {  	v15 =	vadd.f32 v15, v17  }
0x42e: {  	v16 =	vadd.f32 v18, v16;
	_ =	sdelay $0x1  }
0x42f: {  	v20 =	vadd.f32 v15, v16;
	_ =	sdelay $0x1  }
0x430: {  	[tilespmem:s5+$0xFFFFFFC0] =	vst v20  }
0x431: {  	v15 =	vld [tilespmem:s11+$0xFFFFFF40]  }
0x432: {  	v16 =	vld [tilespmem:s11+$0xFFFFFF60]  }
0x433: {  	v17 =	vld [tilespmem:s11+$0xFFFFFF50]  }
0x434: {  	v18 =	vld [tilespmem:s11+$0xFFFFFF70];
	_ =	sdelay $0x2  }
0x435: {  	v15 =	vmul.f32 v15, v11  }
0x436: {  	v16 =	vmul.f32 v16, v13;
	v17 =	vmul.f32 v17, v12  }
0x437: {  	v18 =	vmul.f32 v18, v14  }
0x438: {  	v15 =	vadd.f32 v17, v15  }
0x439: {  	v16 =	vadd.f32 v18, v16;
	_ =	sdelay $0x1  }
0x43a: {  	v22 =	vadd.f32 v16, v15;
	_ =	sdelay $0x1  }
0x43b: {  	[tilespmem:s5+$0xFFFFFFD0] =	vst v22  }
0x43c: {  	v15 =	vld [tilespmem:s11+$0xFFFFFFA0]  }
0x43d: {  	v16 =	vld [tilespmem:s11+$0xFFFFFF90]  }
0x43e: {  	v17 =	vld [tilespmem:s11+$0xFFFFFF80]  }
0x43f: {  	v18 =	vld [tilespmem:s11+$0xFFFFFFB0];
	_ =	sdelay $0x2  }
0x440: {  	v16 =	vmul.f32 v16, v12  }
0x441: {  	v15 =	vmul.f32 v15, v13;
	v17 =	vmul.f32 v17, v11  }
0x442: {  	v18 =	vmul.f32 v18, v14  }
0x443: {  	v16 =	vadd.f32 v16, v17  }
0x444: {  	v15 =	vadd.f32 v18, v15;
	_ =	sdelay $0x1  }
0x445: {  	v23 =	vadd.f32 v15, v16;
	_ =	sdelay $0x1  }
0x446: {  	[tilespmem:s5+$0xFFFFFFE0] =	vst v23  }
0x447: {  	v15 =	vld [tilespmem:s11+$0xFFFFFFE0]  }
0x448: {  	v16 =	vld [tilespmem:s11+$0xFFFFFFD0]  }
0x449: {  	v17 =	vld [tilespmem:s11+$0xFFFFFFC0]  }
0x44a: {  	v18 =	vld [tilespmem:s11+$0xFFFFFFF0];
	_ =	sdelay $0x2  }
0x44b: {  	v16 =	vmul.f32 v16, v12  }
0x44c: {  	v15 =	vmul.f32 v15, v13;
	v17 =	vmul.f32 v17, v11  }
0x44d: {  	v18 =	vmul.f32 v18, v14  }
0x44e: {  	v16 =	vadd.f32 v16, v17  }
0x44f: {  	v15 =	vadd.f32 v18, v15;
	_ =	sdelay $0x1  }
0x450: {  	v25 =	vadd.f32 v15, v16;
	_ =	sdelay $0x1  }
0x451: {  	[tilespmem:s5+$0xFFFFFFF0] =	vst v25  }
0x452: {  	v15 =	vld [tilespmem:s11+$0x20]  }
0x453: {  	v16 =	vld [tilespmem:s11+$0x0]  }
0x454: {  	v17 =	vld [tilespmem:s11+$0x10]  }
0x455: {  	v18 =	vld [tilespmem:s11+$0x30];
	_ =	sdelay $0x3  }
0x456: {  	v15 =	vmul.f32 v15, v13;
	v16 =	vmul.f32 v16, v11  }
0x457: {  	v17 =	vmul.f32 v17, v12;
	v18 =	vmul.f32 v18, v14;
	_ =	sdelay $0x1  }
0x458: {  	v16 =	vadd.f32 v17, v16;
	v15 =	vadd.f32 v18, v15;
	_ =	sdelay $0x1  }
0x459: {  	v27 =	vadd.f32 v15, v16;
	_ =	sdelay $0x1  }
0x45a: {  	[tilespmem:s5+$0x0] =	vst v27  }
0x45b: {  	v15 =	vld [tilespmem:s11+$0x70]  }
0x45c: {  	v16 =	vld [tilespmem:s11+$0x50]  }
0x45d: {  	v17 =	vld [tilespmem:s11+$0x60]  }
0x45e: {  	v18 =	vld [tilespmem:s11+$0x40];
	_ =	sdelay $0x2  }
0x45f: {  	v16 =	vmul.f32 v16, v12  }
0x460: {  	v15 =	vmul.f32 v15, v14;
	v17 =	vmul.f32 v17, v13  }
0x461: {  	v18 =	vmul.f32 v18, v11  }
0x462: {  	v15 =	vadd.f32 v15, v17  }
0x463: {  	v16 =	vadd.f32 v16, v18;
	_ =	sdelay $0x1  }
0x464: {  	v29 =	vadd.f32 v15, v16;
	_ =	sdelay $0x1  }
0x465: {  	[tilespmem:s5+$0x10] =	vst v29  }
0x466: {  	v15 =	vld [tilespmem:s11+$0x80]  }
0x467: {  	v16 =	vld [tilespmem:s11+$0x90]  }
0x468: {  	v17 =	vld [tilespmem:s11+$0xA0]  }
0x469: {  	v18 =	vld [tilespmem:s11+$0xB0];
	_ =	sdelay $0x1  }
0x46a: {  	v15 =	vmul.f32 v15, v11  }
0x46b: {  	v16 =	vmul.f32 v16, v12  }
0x46c: {  	v17 =	vmul.f32 v17, v13  }
0x46d: {  	v15 =	vadd.f32 v16, v15;
	v16 =	vmul.f32 v18, v14;
	_ =	sdelay $0x1  }
0x46e: {  	v16 =	vadd.f32 v16, v17;
	_ =	sdelay $0x1  }
.Ltmp3:
0x46f: {  	v31 =	vadd.f32 v16, v15;
	(pc) =	sbr.rel @p0 .LBB2_10-.Ltmp3, $4  }
0x470: {  	_ = 	snop  }
0x471: {  	[tilespmem:s5+$0x20] =	vst v31  }
0x472: {  	v15 =	vld [tilespmem:s11+$0xC0]  }
0x473: {  	v16 =	vld [tilespmem:s11+$0xF0]  }
0x474: {  	v17 =	vld [tilespmem:s25+$0xE0]  }
0x475: {  	v18 =	vld [tilespmem:s25+$0xD0];
	_ =	sdelay $0x3  }
0x476: {  	v15 =	vmul.f32 v15, v11;
	v16 =	vmul.f32 v16, v14  }
0x477: {  	v18 =	vmul.f32 v18, v12;
	v17 =	vmul.f32 v17, v13;
	_ =	sdelay $0x1  }
0x478: {  	v15 =	vadd.f32 v18, v15;
	v16 =	vadd.f32 v16, v17;
	_ =	sdelay $0x1  }
0x479: {  	v34 =	vadd.f32 v16, v15  }
0x47a: {  	v24 =	vld [tilespmem:$0x1FE30]  }
0x47b: {  	v26 =	vld [tilespmem:$0x1FE40];
	[tilespmem:s15+$0x30] =	vst v34  }
0x47c: {  	v15 =	vld [tilespmem:s25+$0x100]  }
0x47d: {  	v16 =	vld [tilespmem:s25+$0x110]  }
0x47e: {  	v17 =	vld [tilespmem:s25+$0x130]  }
0x47f: {  	v18 =	vld [tilespmem:s25+$0x120]  }
0x480: {  	v28 =	vld [tilespmem:$0x1FE50]  }
0x481: {  	v30 =	vld [tilespmem:$0x1FE60]  }
0x482: {  	v32 =	vld [tilespmem:$0x1FE70]  }
0x483: {  	v33 =	vld [tilespmem:$0x1FE80];
	v15 =	vmul.f32 v15, v11;
	v16 =	vmul.f32 v16, v12  }
0x484: {  	v37 =	vld [tilespmem:$0x1FE90];
	v17 =	vmul.f32 v17, v14;
	v18 =	vmul.f32 v18, v13  }
0x485: {  	v38 =	vld [tilespmem:$0x1FEA0]  }
0x486: {  	v39 =	vld [tilespmem:$0x1FEB0];
	v15 =	vadd.f32 v16, v15;
	v16 =	vadd.f32 v17, v18  }
0x487: {  	v40 =	vld [tilespmem:$0x1FEC0]  }
0x488: {  	v41 =	vld [tilespmem:$0x1FED0];
	v36 =	vadd.f32 v16, v15  }
0x489: {  	v42 =	vld [tilespmem:$0x1FEE0]  }
0x48a: {  	v18 =	vld [tilespmem:$0x1FE20];
	[tilespmem:s15+$0x40] =	vst v36  }
0x48b: {  	v15 =	vld.idx.msk [tilespmem:v2+s26+$0x0], $0xffff  }
0x48c: {  	v16 =	vld.idx.msk [tilespmem:v45+s26+$0x0], $0xffff  }
0x48d: {  	v17 =	vld.idx.msk [tilespmem:v46+s26+$0x0], $0xffff  }
0x48e: {  	v24 =	vld.idx.msk [tilespmem:v24+s26+$0x0], $0xffff  }
0x48f: {  	v26 =	vld.idx.msk [tilespmem:v26+s26+$0x0], $0xffff  }
0x490: {  	v28 =	vld.idx.msk [tilespmem:v28+s26+$0x0], $0xffff  }
0x491: {  	v30 =	vld.idx.msk [tilespmem:v30+s26+$0x0], $0xffff  }
0x492: {  	v32 =	vld.idx.msk [tilespmem:v32+s26+$0x0], $0xffff  }
0x493: {  	v33 =	vld.idx.msk [tilespmem:v33+s26+$0x0], $0xffff  }
0x494: {  	v37 =	vld.idx.msk [tilespmem:v37+s26+$0x0], $0xffff  }
0x495: {  	v38 =	vld.idx.msk [tilespmem:v38+s26+$0x0], $0xffff  }
0x496: {  	v39 =	vld.idx.msk [tilespmem:v39+s26+$0x0], $0xffff  }
0x497: {  	v18 =	vld.idx.msk [tilespmem:v18+s26+$0x0], $0xffff  }
0x498: {  	v40 =	vld.idx.msk [tilespmem:v40+s26+$0x0], $0xffff  }
0x499: {  	v41 =	vld.idx.msk [tilespmem:v41+s26+$0x0], $0xffff  }
0x49a: {  	v42 =	vld.idx.msk [tilespmem:v42+s26+$0x0], $0xffff;
	_ =	sdelay $0x1  }
0x49b: {  	v15 =	vadd.f32 v16, v15;
	v16 =	vadd.f32 v18, v17  }
0x49c: {  	v44 =	vld [tilespmem:$0x1FF90];
	v17 =	vadd.f32 v26, v24;
	v18 =	vadd.f32 v30, v28  }
0x49d: {  	v45 =	vld [tilespmem:$0x1FFA0];
	v24 =	vadd.f32 v33, v32;
	v26 =	vadd.f32 v38, v37  }
0x49e: {  	v28 =	vadd.f32 v40, v39;
	v30 =	vadd.f32 v42, v41;
	v40 =	vld [tilespmem:$0x1FF50]  }
0x49f: {  	v41 =	vld [tilespmem:$0x1FF60];
	v15 =	vadd.f32 v16, v15;
	v17 =	vadd.f32 v18, v17  }
0x4a0: {  	v46 =	vlaneseq.u32;
	v42 =	vld [tilespmem:$0x1FF70];
	v18 =	vadd.f32 v26, v24;
	v24 =	vadd.f32 v30, v28  }
0x4a1: {  	v16 =	vadd.s32 s4, v46;
	v26 =	vld [tilespmem:$0x1FF20]  }
0x4a2: {  	v28 =	vld [tilespmem:$0x1FF30];
	v15 =	vadd.f32 v17, v15;
	v17 =	vadd.f32 v24, v18  }
0x4a3: {  	v30 =	vld [tilespmem:$0x1FF40]  }
0x4a4: {  	v18 =	vld [tilespmem:$0x1FF00];
	v15 =	vadd.f32 v17, v15  }
0x4a5: {  	v24 =	vld [tilespmem:$0x1FF10]  }
0x4a6: {  	v17 =	vld [tilespmem:$0x1FEF0];
	[tilespmem:v16+s14+$0x0] =	vst.idx.msk $0xffff, v15  }
0x4a7: {  	v32 =	vld.idx.msk [tilespmem:v40+s26+$0x0], $0xffff  }
0x4a8: {  	v40 =	vld.idx.msk [tilespmem:v45+s26+$0x0], $0xffff  }
0x4a9: {  	v45 =	vld [tilespmem:$0x1FD70]  }
0x4aa: {  	v15 =	vld.idx.msk [tilespmem:v43+s26+$0x0], $0xffff  }
0x4ab: {  	v33 =	vld.idx.msk [tilespmem:v41+s26+$0x0], $0xffff  }
0x4ac: {  	v37 =	vld.idx.msk [tilespmem:v42+s26+$0x0], $0xffff  }
0x4ad: {  	v43 =	vld [tilespmem:$0x1FF80]  }
0x4ae: {  	v39 =	vld.idx.msk [tilespmem:v44+s26+$0x0], $0xffff  }
0x4af: {  	v44 =	vld [tilespmem:$0x1FFB0]  }
0x4b0: {  	v26 =	vld.idx.msk [tilespmem:v26+s26+$0x0], $0xffff  }
0x4b1: {  	v42 =	vld.idx.msk [tilespmem:v45+s26+$0x0], $0xffff  }
0x4b2: {  	v45 =	vld [tilespmem:$0x1FD80]  }
0x4b3: {  	v28 =	vld.idx.msk [tilespmem:v28+s26+$0x0], $0xffff  }
0x4b4: {  	v30 =	vld.idx.msk [tilespmem:v30+s26+$0x0], $0xffff  }
0x4b5: {  	v18 =	vld.idx.msk [tilespmem:v18+s26+$0x0], $0xffff  }
0x4b6: {  	v17 =	vld.idx.msk [tilespmem:v17+s26+$0x0], $0xffff  }
0x4b7: {  	v24 =	vld.idx.msk [tilespmem:v24+s26+$0x0], $0xffff  }
0x4b8: {  	v38 =	vld.idx.msk [tilespmem:v43+s26+$0x0], $0xffff  }
0x4b9: {  	v41 =	vld.idx.msk [tilespmem:v44+s26+$0x0], $0xffff  }
0x4ba: {  	v43 =	vld.idx.msk [tilespmem:v45+s26+$0x0], $0xffff  }
0x4bb: {  	v15 =	vadd.f32 v17, v15  }
0x4bc: {  	v17 =	vadd.f32 v24, v18;
	v18 =	vadd.f32 v28, v26  }
0x4bd: {  	v24 =	vadd.f32 v32, v30;
	v26 =	vadd.f32 v37, v33  }
0x4be: {  	v15 =	vadd.f32 v17, v15;
	v28 =	vadd.f32 v39, v38  }
0x4bf: {  	v44 =	vld [tilespmem:$0x1FE00];
	v30 =	vadd.f32 v41, v40;
	v42 =	vadd.f32 v43, v42  }
0x4c0: {  	v17 =	vadd.f32 v24, v18;
	v24 =	vadd.f32 v28, v26;
	v28 =	vld [tilespmem:$0x1FDD0]  }
0x4c1: {  	s3 =	sadd.s32 $0x10, s4;
	v43 =	vld [tilespmem:$0x1FDF0];
	v26 =	vadd.f32 v42, v30  }
0x4c2: {  	v18 =	vadd.s32 s3, v46;
	v45 =	vld [tilespmem:$0x1FE10]  }
0x4c3: {  	v15 =	vadd.f32 v17, v15;
	v30 =	vld [tilespmem:$0x1FDE0];
	v17 =	vadd.f32 v26, v24  }
0x4c4: {  	v24 =	vld [tilespmem:$0x1FDB0]  }
0x4c5: {  	v26 =	vld [tilespmem:$0x1FDC0];
	v15 =	vadd.f32 v17, v15  }
0x4c6: {  	v17 =	vld [tilespmem:$0x1FDA0]  }
0x4c7: {  	[tilespmem:v18+s14+$0x0] =	vst.idx.msk $0xffff, v15;
	v15 =	vld [tilespmem:$0x1FD90]  }
0x4c8: {  	v28 =	vld.idx.msk [tilespmem:v28+s26+$0x0], $0xffff  }
0x4c9: {  	v32 =	vld.idx.msk [tilespmem:v43+s26+$0x0], $0xffff  }
0x4ca: {  	v33 =	vld.idx.msk [tilespmem:v44+s26+$0x0], $0xffff  }
0x4cb: {  	v37 =	vld.idx.msk [tilespmem:v45+s26+$0x0], $0xffff  }
0x4cc: {  	v38 =	vld.idx.msk [tilespmem:v47+s26+$0x0], $0xffff  }
0x4cd: {  	v39 =	vld.idx.msk [tilespmem:v48+s26+$0x0], $0xffff  }
0x4ce: {  	v40 =	vld.idx.msk [tilespmem:v49+s26+$0x0], $0xffff  }
0x4cf: {  	v41 =	vld.idx.msk [tilespmem:v50+s26+$0x0], $0xffff  }
0x4d0: {  	v42 =	vld.idx.msk [tilespmem:v51+s26+$0x0], $0xffff  }
0x4d1: {  	v24 =	vld.idx.msk [tilespmem:v24+s26+$0x0], $0xffff  }
0x4d2: {  	v26 =	vld.idx.msk [tilespmem:v26+s26+$0x0], $0xffff  }
0x4d3: {  	v17 =	vld.idx.msk [tilespmem:v17+s26+$0x0], $0xffff  }
0x4d4: {  	v15 =	vld.idx.msk [tilespmem:v15+s26+$0x0], $0xffff  }
0x4d5: {  	v30 =	vld.idx.msk [tilespmem:v30+s26+$0x0], $0xffff  }
0x4d6: {  	v43 =	vld.idx.msk [tilespmem:v52+s26+$0x0], $0xffff  }
0x4d7: {  	v44 =	vld.idx.msk [tilespmem:v53+s26+$0x0], $0xffff;
	_ =	sdelay $0x1  }
0x4d8: {  	v15 =	vadd.f32 v17, v15;
	v17 =	vadd.f32 v26, v24  }
0x4d9: {  	v24 =	vadd.f32 v30, v28;
	v26 =	vadd.f32 v33, v32  }
0x4da: {  	v28 =	vadd.f32 v38, v37;
	v30 =	vadd.f32 v40, v39  }
0x4db: {  	v39 =	vadd.f32 v42, v41;
	v40 =	vadd.f32 v44, v43  }
0x4dc: {  	v15 =	vadd.f32 v17, v15;
	v24 =	vadd.f32 v26, v24  }
0x4dd: {  	s25 =	sadd.s32 $0x20, s4;
	v26 =	vadd.f32 v30, v28;
	v28 =	vadd.f32 v40, v39  }
0x4de: {  	v17 =	vadd.s32 s25, v46  }
0x4df: {  	v15 =	vadd.f32 v24, v15;
	v24 =	vadd.f32 v28, v26;
	_ =	sdelay $0x1  }
0x4e0: {  	v15 =	vadd.f32 v24, v15;
	_ =	sdelay $0x1  }
0x4e1: {  	[tilespmem:v17+s14+$0x0] =	vst.idx.msk $0xffff, v15  }
0x4e2: {  	v15 =	vld.idx.msk [tilespmem:v54+s26+$0x0], $0xffff  }
0x4e3: {  	v24 =	vld.idx.msk [tilespmem:v55+s26+$0x0], $0xffff  }
0x4e4: {  	v26 =	vld.idx.msk [tilespmem:v56+s26+$0x0], $0xffff  }
0x4e5: {  	v28 =	vld.idx.msk [tilespmem:v57+s26+$0x0], $0xffff  }
0x4e6: {  	v30 =	vld.idx.msk [tilespmem:v58+s26+$0x0], $0xffff  }
0x4e7: {  	v32 =	vld.idx.msk [tilespmem:v59+s26+$0x0], $0xffff  }
0x4e8: {  	v33 =	vld.idx.msk [tilespmem:v60+s26+$0x0], $0xffff  }
0x4e9: {  	v37 =	vld.idx.msk [tilespmem:v61+s26+$0x0], $0xffff  }
0x4ea: {  	v38 =	vld.idx.msk [tilespmem:v62+s26+$0x0], $0xffff  }
0x4eb: {  	v39 =	vld.idx.msk [tilespmem:v63+s26+$0x0], $0xffff  }
0x4ec: {  	v40 =	vld.idx.msk [tilespmem:v35+s26+$0x0], $0xffff  }
0x4ed: {  	v41 =	vld.idx.msk [tilespmem:v0+s26+$0x0], $0xffff  }
0x4ee: {  	v42 =	vld.idx.msk [tilespmem:v6+s26+$0x0], $0xffff  }
0x4ef: {  	v43 =	vld.idx.msk [tilespmem:v7+s26+$0x0], $0xffff  }
0x4f0: {  	v44 =	vld.idx.msk [tilespmem:v8+s26+$0x0], $0xffff  }
0x4f1: {  	v45 =	vld.idx.msk [tilespmem:v9+s26+$0x0], $0xffff;
	_ =	sdelay $0x1  }
0x4f2: {  	v15 =	vadd.f32 v24, v15;
	v24 =	vadd.f32 v28, v26  }
0x4f3: {  	v26 =	vadd.f32 v32, v30;
	v28 =	vadd.f32 v37, v33  }
0x4f4: {  	v30 =	vadd.f32 v39, v38;
	v41 =	vadd.f32 v41, v40  }
0x4f5: {  	v43 =	vadd.f32 v43, v42;
	v40 =	vadd.f32 v45, v44  }
0x4f6: {  	v24 =	vadd.f32 v24, v15;
	v26 =	vadd.f32 v28, v26  }
0x4f7: {  	s28 =	sadd.s32 $0x30, s4;
	v28 =	vadd.f32 v41, v30;
	v30 =	vadd.f32 v40, v43  }
0x4f8: {  	v15 =	vadd.s32 s28, v46  }
0x4f9: {  	v24 =	vadd.f32 v26, v24;
	v26 =	vadd.f32 v30, v28;
	_ =	sdelay $0x1  }
0x4fa: {  	v24 =	vadd.f32 v26, v24;
	_ =	sdelay $0x1  }
0x4fb: {  	[tilespmem:v15+s14+$0x0] =	vst.idx.msk $0x3, v24  }
0x4fc: {  	v24 =	vld [tilespmem:s2+$0xFFFFFEC0]  }
0x4fd: {  	v26 =	vld [tilespmem:s2+$0xFFFFFEF0]  }
0x4fe: {  	v28 =	vld [tilespmem:s2+$0xFFFFFEE0]  }
0x4ff: {  	v30 =	vld [tilespmem:s2+$0xFFFFFED0];
	_ =	sdelay $0x3  }
0x500: {  	v24 =	vmul.f32 v24, v11;
	v28 =	vmul.f32 v28, v13  }
0x501: {  	v30 =	vmul.f32 v30, v12;
	v26 =	vmul.f32 v26, v14;
	_ =	sdelay $0x1  }
0x502: {  	v24 =	vadd.f32 v30, v24;
	v26 =	vadd.f32 v26, v28;
	_ =	sdelay $0x1  }
0x503: {  	v24 =	vadd.f32 v26, v24  }
0x504: {  	s4 =	simm.s32 $0x1A400  }
0x505: {  	[tilespmem:s4+$0xFFFFFFB0] =	vst v24  }
0x506: {  	v26 =	vld [tilespmem:s2+$0xFFFFFF30]  }
0x507: {  	v28 =	vld [tilespmem:s2+$0xFFFFFF00]  }
0x508: {  	v30 =	vld [tilespmem:s2+$0xFFFFFF20]  }
0x509: {  	v41 =	vld [tilespmem:s2+$0xFFFFFF10];
	_ =	sdelay $0x3  }
0x50a: {  	v26 =	vmul.f32 v26, v14;
	v28 =	vmul.f32 v28, v11  }
0x50b: {  	v30 =	vmul.f32 v30, v13;
	v32 =	vmul.f32 v41, v12;
	_ =	sdelay $0x1  }
0x50c: {  	v26 =	vadd.f32 v26, v30;
	v28 =	vadd.f32 v32, v28;
	_ =	sdelay $0x1  }
0x50d: {  	v26 =	vadd.f32 v26, v28;
	_ =	sdelay $0x1  }
0x50e: {  	[tilespmem:s4+$0xFFFFFFC0] =	vst v26  }
0x50f: {  	v28 =	vld [tilespmem:s2+$0xFFFFFF40]  }
0x510: {  	v30 =	vld [tilespmem:s2+$0xFFFFFF60]  }
0x511: {  	v42 =	vld [tilespmem:s2+$0xFFFFFF50]  }
0x512: {  	v43 =	vld [tilespmem:s2+$0xFFFFFF70];
	_ =	sdelay $0x3  }
0x513: {  	v28 =	vmul.f32 v28, v11;
	v32 =	vmul.f32 v42, v12  }
0x514: {  	v30 =	vmul.f32 v30, v13;
	v33 =	vmul.f32 v43, v14;
	_ =	sdelay $0x1  }
0x515: {  	v28 =	vadd.f32 v32, v28;
	v30 =	vadd.f32 v33, v30;
	_ =	sdelay $0x1  }
0x516: {  	v28 =	vadd.f32 v30, v28;
	_ =	sdelay $0x1  }
0x517: {  	[tilespmem:s4+$0xFFFFFFD0] =	vst v28  }
0x518: {  	v30 =	vld [tilespmem:s2+$0xFFFFFFA0]  }
0x519: {  	v45 =	vld [tilespmem:s2+$0xFFFFFF90]  }
0x51a: {  	v46 =	vld [tilespmem:s2+$0xFFFFFF80]  }
0x51b: {  	v40 =	vld [tilespmem:s2+$0xFFFFFFB0];
	_ =	sdelay $0x3  }
0x51c: {  	v32 =	vmul.f32 v45, v12;
	v33 =	vmul.f32 v46, v11  }
0x51d: {  	v30 =	vmul.f32 v30, v13;
	v37 =	vmul.f32 v40, v14;
	_ =	sdelay $0x1  }
0x51e: {  	v32 =	vadd.f32 v32, v33;
	v30 =	vadd.f32 v37, v30;
	_ =	sdelay $0x1  }
0x51f: {  	v30 =	vadd.f32 v30, v32;
	_ =	sdelay $0x1  }
0x520: {  	[tilespmem:s4+$0xFFFFFFE0] =	vst v30  }
0x521: {  	v41 =	vld [tilespmem:s2+$0xFFFFFFE0]  }
0x522: {  	v42 =	vld [tilespmem:s2+$0xFFFFFFD0]  }
0x523: {  	v43 =	vld [tilespmem:s2+$0xFFFFFFC0]  }
0x524: {  	v45 =	vld [tilespmem:s2+$0xFFFFFFF0];
	_ =	sdelay $0x3  }
0x525: {  	v33 =	vmul.f32 v42, v12;
	v37 =	vmul.f32 v43, v11  }
0x526: {  	v32 =	vmul.f32 v41, v13;
	v38 =	vmul.f32 v45, v14;
	_ =	sdelay $0x1  }
0x527: {  	v33 =	vadd.f32 v33, v37;
	v32 =	vadd.f32 v38, v32;
	_ =	sdelay $0x1  }
0x528: {  	v32 =	vadd.f32 v32, v33;
	_ =	sdelay $0x1  }
0x529: {  	[tilespmem:s4+$0xFFFFFFF0] =	vst v32  }
0x52a: {  	v46 =	vld [tilespmem:s2+$0x20]  }
0x52b: {  	v42 =	vld [tilespmem:s2+$0x0]  }
0x52c: {  	v43 =	vld [tilespmem:s2+$0x10]  }
0x52d: {  	v45 =	vld [tilespmem:s2+$0x30];
	_ =	sdelay $0x3  }
0x52e: {  	v37 =	vmul.f32 v42, v11;
	v33 =	vmul.f32 v46, v13  }
0x52f: {  	v38 =	vmul.f32 v43, v12;
	v39 =	vmul.f32 v45, v14;
	_ =	sdelay $0x1  }
0x530: {  	v37 =	vadd.f32 v38, v37;
	v33 =	vadd.f32 v39, v33;
	_ =	sdelay $0x1  }
0x531: {  	v33 =	vadd.f32 v33, v37;
	_ =	sdelay $0x1  }
0x532: {  	[tilespmem:s4+$0x0] =	vst v33  }
0x533: {  	v37 =	vld [tilespmem:s2+$0x70]  }
0x534: {  	v38 =	vld [tilespmem:s2+$0x50]  }
0x535: {  	v46 =	vld [tilespmem:s2+$0x60]  }
0x536: {  	v45 =	vld [tilespmem:s2+$0x40];
	_ =	sdelay $0x3  }
0x537: {  	v38 =	vmul.f32 v38, v12;
	v39 =	vmul.f32 v46, v13  }
0x538: {  	v37 =	vmul.f32 v37, v14;
	v40 =	vmul.f32 v45, v11;
	_ =	sdelay $0x1  }
0x539: {  	v37 =	vadd.f32 v37, v39;
	v38 =	vadd.f32 v38, v40;
	_ =	sdelay $0x1  }
0x53a: {  	v19 =	vadd.f32 v19, v21;
	v21 =	vadd.f32 v37, v38;
	_ =	sdelay $0x1  }
0x53b: {  	v19 =	vadd.f32 v20, v19;
	[tilespmem:s4+$0x10] =	vst v21  }
0x53c: {  	v20 =	vld [tilespmem:s2+$0x80]  }
0x53d: {  	v19 =	vadd.f32 v22, v19;
	v22 =	vld [tilespmem:s2+$0x90]  }
0x53e: {  	v46 =	vld [tilespmem:s2+$0xA0]  }
0x53f: {  	v19 =	vadd.f32 v23, v19;
	v23 =	vld [tilespmem:s2+$0xB0];
	_ =	sdelay $0x1  }
0x540: {  	v19 =	vadd.f32 v25, v19;
	_ =	sdelay $0x1  }
0x541: {  	v19 =	vadd.f32 v27, v19;
	v20 =	vmul.f32 v20, v11;
	v22 =	vmul.f32 v22, v12  }
0x542: {  	v25 =	vmul.f32 v46, v13;
	v23 =	vmul.f32 v23, v14  }
0x543: {  	v19 =	vadd.f32 v29, v19  }
0x544: {  	v20 =	vadd.f32 v22, v20;
	v22 =	vadd.f32 v23, v25;
	_ =	sdelay $0x1  }
0x545: {  	v19 =	vadd.f32 v31, v19;
	v22 =	vadd.f32 v22, v20;
	_ =	sdelay $0x1  }
0x546: {  	v19 =	vadd.f32 v34, v19;
	[tilespmem:s4+$0x20] =	vst v22  }
0x547: {  	s11 =	smov.u32 s2;
	v23 =	vld [tilespmem:s2+$0xC0]  }
0x548: {  	s5 =	simm.s32 $0x1A400;
	v19 =	vadd.f32 v36, v19;
	s15 =	smov.u32 s2;
	s3 =	simm.s32 $0x0;
	v44 =	vlaneseq.u32;
	v20 =	vimm.f32 $0.0e+00;
	v25 =	vld [tilespmem:s2+$0xF0]  }
.LBB2_12:
0x549: {  	s3 =	sadd.s32 $0xA, s3;
	v27 =	vld [tilespmem:s15+$0xE0];
	s4 =	sadd.s32 $0xA0, s4;
	s11 =	sadd.s32 $0x280, s11  }
0x54a: {  	p0 =	slt.u32 s3, $0x28;
	v29 =	vld [tilespmem:s15+$0xD0];
	_ =	sdelay $0x2  }
0x54b: {  	v25 =	vmul.f32 v25, v14  }
0x54c: {  	v23 =	vmul.f32 v23, v11  }
0x54d: {  	v27 =	vmul.f32 v27, v13;
	v29 =	vmul.f32 v29, v12  }
0x54e: {  	v20 =	vadd.f32 v24, v20  }
0x54f: {  	v24 =	vadd.f32 v25, v27;
	v23 =	vadd.f32 v29, v23;
	_ =	sdelay $0x1  }
0x550: {  	v20 =	vadd.f32 v26, v20;
	v23 =	vadd.f32 v24, v23;
	_ =	sdelay $0x1  }
0x551: {  	v20 =	vadd.f32 v28, v20;
	[tilespmem:s5+$0x30] =	vst v23  }
0x552: {  	v24 =	vld [tilespmem:s15+$0x100]  }
0x553: {  	v20 =	vadd.f32 v30, v20;
	v25 =	vld [tilespmem:s15+$0x110]  }
0x554: {  	v26 =	vld [tilespmem:s15+$0x130]  }
0x555: {  	v20 =	vadd.f32 v32, v20;
	v27 =	vld [tilespmem:s15+$0x120];
	s15 =	smov.u32 s11;
	_ =	sdelay $0x1  }
0x556: {  	v20 =	vadd.f32 v33, v20  }
0x557: {  	v24 =	vmul.f32 v24, v11;
	v25 =	vmul.f32 v25, v12  }
0x558: {  	v20 =	vadd.f32 v21, v20;
	v21 =	vmul.f32 v26, v14  }
0x559: {  	v24 =	vadd.f32 v25, v24;
	v25 =	vmul.f32 v27, v13  }
0x55a: {  	v20 =	vadd.f32 v22, v20  }
0x55b: {  	v21 =	vadd.f32 v21, v25  }
0x55c: {  	v20 =	vadd.f32 v23, v20  }
0x55d: {  	v21 =	vadd.f32 v21, v24;
	_ =	sdelay $0x1  }
0x55e: {  	[tilespmem:s5+$0x40] =	vst v21;
	v20 =	vadd.f32 v21, v20;
	s5 =	smov.u32 s4  }
0x55f: {  	v21 =	vld [tilespmem:s11+$0xFFFFFEC0]  }
0x560: {  	v22 =	vld [tilespmem:s11+$0xFFFFFEF0]  }
0x561: {  	v23 =	vld [tilespmem:s11+$0xFFFFFEE0]  }
0x562: {  	v24 =	vld [tilespmem:s11+$0xFFFFFED0];
	_ =	sdelay $0x3  }
0x563: {  	v21 =	vmul.f32 v21, v11;
	v23 =	vmul.f32 v23, v13  }
0x564: {  	v22 =	vmul.f32 v22, v14;
	v24 =	vmul.f32 v24, v12;
	_ =	sdelay $0x1  }
0x565: {  	v22 =	vadd.f32 v22, v23;
	v21 =	vadd.f32 v24, v21;
	_ =	sdelay $0x1  }
0x566: {  	v24 =	vadd.f32 v22, v21;
	_ =	sdelay $0x1  }
0x567: {  	[tilespmem:s4+$0xFFFFFFB0] =	vst v24  }
0x568: {  	v21 =	vld [tilespmem:s11+$0xFFFFFF30]  }
0x569: {  	v22 =	vld [tilespmem:s11+$0xFFFFFF00]  }
0x56a: {  	v23 =	vld [tilespmem:s11+$0xFFFFFF20]  }
0x56b: {  	v25 =	vld [tilespmem:s11+$0xFFFFFF10];
	_ =	sdelay $0x1  }
0x56c: {  	v21 =	vmul.f32 v21, v14  }
0x56d: {  	v22 =	vmul.f32 v22, v11  }
0x56e: {  	v23 =	vmul.f32 v23, v13  }
0x56f: {  	v25 =	vmul.f32 v25, v12  }
0x570: {  	v21 =	vadd.f32 v21, v23  }
0x571: {  	v22 =	vadd.f32 v25, v22;
	_ =	sdelay $0x1  }
0x572: {  	v26 =	vadd.f32 v21, v22;
	_ =	sdelay $0x1  }
0x573: {  	[tilespmem:s4+$0xFFFFFFC0] =	vst v26  }
0x574: {  	v21 =	vld [tilespmem:s11+$0xFFFFFF40]  }
0x575: {  	v22 =	vld [tilespmem:s11+$0xFFFFFF60]  }
0x576: {  	v23 =	vld [tilespmem:s11+$0xFFFFFF50]  }
0x577: {  	v25 =	vld [tilespmem:s11+$0xFFFFFF70];
	_ =	sdelay $0x2  }
0x578: {  	v21 =	vmul.f32 v21, v11  }
0x579: {  	v22 =	vmul.f32 v22, v13;
	v23 =	vmul.f32 v23, v12  }
0x57a: {  	v25 =	vmul.f32 v25, v14  }
0x57b: {  	v21 =	vadd.f32 v23, v21  }
0x57c: {  	v22 =	vadd.f32 v25, v22;
	_ =	sdelay $0x1  }
0x57d: {  	v28 =	vadd.f32 v22, v21;
	_ =	sdelay $0x1  }
0x57e: {  	[tilespmem:s4+$0xFFFFFFD0] =	vst v28  }
0x57f: {  	v21 =	vld [tilespmem:s11+$0xFFFFFFA0]  }
0x580: {  	v22 =	vld [tilespmem:s11+$0xFFFFFF90]  }
0x581: {  	v23 =	vld [tilespmem:s11+$0xFFFFFF80]  }
0x582: {  	v25 =	vld [tilespmem:s11+$0xFFFFFFB0];
	_ =	sdelay $0x2  }
0x583: {  	v22 =	vmul.f32 v22, v12  }
0x584: {  	v21 =	vmul.f32 v21, v13;
	v23 =	vmul.f32 v23, v11  }
0x585: {  	v25 =	vmul.f32 v25, v14  }
0x586: {  	v22 =	vadd.f32 v22, v23  }
0x587: {  	v21 =	vadd.f32 v25, v21;
	_ =	sdelay $0x1  }
0x588: {  	v30 =	vadd.f32 v21, v22;
	_ =	sdelay $0x1  }
0x589: {  	[tilespmem:s4+$0xFFFFFFE0] =	vst v30  }
0x58a: {  	v21 =	vld [tilespmem:s11+$0xFFFFFFE0]  }
0x58b: {  	v22 =	vld [tilespmem:s11+$0xFFFFFFD0]  }
0x58c: {  	v23 =	vld [tilespmem:s11+$0xFFFFFFC0]  }
0x58d: {  	v25 =	vld [tilespmem:s11+$0xFFFFFFF0];
	_ =	sdelay $0x2  }
0x58e: {  	v22 =	vmul.f32 v22, v12  }
0x58f: {  	v21 =	vmul.f32 v21, v13;
	v23 =	vmul.f32 v23, v11  }
0x590: {  	v25 =	vmul.f32 v25, v14  }
0x591: {  	v22 =	vadd.f32 v22, v23  }
0x592: {  	v21 =	vadd.f32 v25, v21;
	_ =	sdelay $0x1  }
0x593: {  	v32 =	vadd.f32 v21, v22;
	_ =	sdelay $0x1  }
0x594: {  	[tilespmem:s4+$0xFFFFFFF0] =	vst v32  }
0x595: {  	v21 =	vld [tilespmem:s11+$0x20]  }
0x596: {  	v22 =	vld [tilespmem:s11+$0x0]  }
0x597: {  	v23 =	vld [tilespmem:s11+$0x10]  }
0x598: {  	v25 =	vld [tilespmem:s11+$0x30];
	_ =	sdelay $0x3  }
0x599: {  	v21 =	vmul.f32 v21, v13;
	v22 =	vmul.f32 v22, v11  }
0x59a: {  	v23 =	vmul.f32 v23, v12;
	v25 =	vmul.f32 v25, v14;
	_ =	sdelay $0x1  }
0x59b: {  	v22 =	vadd.f32 v23, v22;
	v21 =	vadd.f32 v25, v21;
	_ =	sdelay $0x1  }
0x59c: {  	v33 =	vadd.f32 v21, v22;
	_ =	sdelay $0x1  }
0x59d: {  	[tilespmem:s4+$0x0] =	vst v33  }
0x59e: {  	v21 =	vld [tilespmem:s11+$0x70]  }
0x59f: {  	v22 =	vld [tilespmem:s11+$0x50]  }
0x5a0: {  	v23 =	vld [tilespmem:s11+$0x60]  }
0x5a1: {  	v25 =	vld [tilespmem:s11+$0x40];
	_ =	sdelay $0x2  }
0x5a2: {  	v22 =	vmul.f32 v22, v12  }
0x5a3: {  	v21 =	vmul.f32 v21, v14;
	v23 =	vmul.f32 v23, v13  }
0x5a4: {  	v25 =	vmul.f32 v25, v11  }
0x5a5: {  	v21 =	vadd.f32 v21, v23  }
0x5a6: {  	v22 =	vadd.f32 v22, v25;
	_ =	sdelay $0x1  }
0x5a7: {  	v21 =	vadd.f32 v21, v22;
	_ =	sdelay $0x1  }
0x5a8: {  	[tilespmem:s4+$0x10] =	vst v21  }
0x5a9: {  	v22 =	vld [tilespmem:s11+$0x80]  }
0x5aa: {  	v23 =	vld [tilespmem:s11+$0x90]  }
0x5ab: {  	v25 =	vld [tilespmem:s11+$0xA0]  }
0x5ac: {  	v27 =	vld [tilespmem:s11+$0xB0];
	_ =	sdelay $0x1  }
0x5ad: {  	v22 =	vmul.f32 v22, v11  }
0x5ae: {  	v23 =	vmul.f32 v23, v12  }
0x5af: {  	v25 =	vmul.f32 v25, v13  }
0x5b0: {  	v22 =	vadd.f32 v23, v22;
	v23 =	vmul.f32 v27, v14;
	_ =	sdelay $0x1  }
0x5b1: {  	v23 =	vadd.f32 v23, v25;
	_ =	sdelay $0x1  }
.Ltmp4:
0x5b2: {  	v22 =	vadd.f32 v23, v22;
	(pc) =	sbr.rel @p0 .LBB2_12-.Ltmp4, $4  }
0x5b3: {  	_ = 	snop  }
0x5b4: {  	[tilespmem:s4+$0x20] =	vst v22  }
0x5b5: {  	v23 =	vld [tilespmem:s11+$0xC0]  }
0x5b6: {  	v25 =	vld [tilespmem:s11+$0xF0]  }
0x5b7: {  	v27 =	vld [tilespmem:s15+$0xE0]  }
0x5b8: {  	v29 =	vld [tilespmem:s15+$0xD0];
	_ =	sdelay $0x3  }
0x5b9: {  	v23 =	vmul.f32 v23, v11;
	v25 =	vmul.f32 v25, v14  }
0x5ba: {  	v29 =	vmul.f32 v29, v12;
	v27 =	vmul.f32 v27, v13;
	_ =	sdelay $0x1  }
0x5bb: {  	v23 =	vadd.f32 v29, v23;
	v25 =	vadd.f32 v25, v27;
	_ =	sdelay $0x1  }
0x5bc: {  	v23 =	vadd.f32 v25, v23  }
0x5bd: {  	v34 =	vld [tilespmem:$0x1FE40]  }
0x5be: {  	v36 =	vld [tilespmem:$0x1FE50];
	[tilespmem:s5+$0x30] =	vst v23  }
0x5bf: {  	v41 =	vld [tilespmem:s15+$0x100]  }
0x5c0: {  	v42 =	vld [tilespmem:s15+$0x110]  }
0x5c1: {  	v43 =	vld [tilespmem:s15+$0x130]  }
0x5c2: {  	v31 =	vld [tilespmem:s15+$0x120]  }
0x5c3: {  	v37 =	vld [tilespmem:$0x1FE80]  }
0x5c4: {  	v38 =	vld [tilespmem:$0x1FE90]  }
0x5c5: {  	v39 =	vld [tilespmem:$0x1FEA0]  }
0x5c6: {  	v40 =	vld [tilespmem:$0x1FEB0];
	v11 =	vmul.f32 v41, v11;
	v45 =	vmul.f32 v42, v12  }
0x5c7: {  	v29 =	vld [tilespmem:$0x1FE20];
	v46 =	vmul.f32 v43, v14;
	v25 =	vmul.f32 v31, v13  }
0x5c8: {  	v31 =	vld [tilespmem:$0x1FE30]  }
0x5c9: {  	v41 =	vld [tilespmem:$0x1FEC0];
	v11 =	vadd.f32 v45, v11;
	v27 =	vadd.f32 v46, v25  }
0x5ca: {  	v42 =	vld [tilespmem:$0x1FED0]  }
0x5cb: {  	v43 =	vld [tilespmem:$0x1FEE0];
	v11 =	vadd.f32 v27, v11  }
0x5cc: {  	v45 =	vld [tilespmem:$0x1FFC0]  }
0x5cd: {  	v46 =	vld [tilespmem:$0x1FFD0];
	[tilespmem:s5+$0x40] =	vst v11  }
0x5ce: {  	v12 =	vld.idx.msk [tilespmem:v2+s23+$0x0], $0xffff  }
0x5cf: {  	v25 =	vld.idx.msk [tilespmem:v29+s23+$0x0], $0xffff  }
0x5d0: {  	v29 =	vld.idx.msk [tilespmem:v34+s23+$0x0], $0xffff  }
0x5d1: {  	v34 =	vld [tilespmem:$0x1FE60]  }
0x5d2: {  	v37 =	vld.idx.msk [tilespmem:v37+s23+$0x0], $0xffff  }
0x5d3: {  	v38 =	vld.idx.msk [tilespmem:v38+s23+$0x0], $0xffff  }
0x5d4: {  	v39 =	vld.idx.msk [tilespmem:v39+s23+$0x0], $0xffff  }
0x5d5: {  	v27 =	vld.idx.msk [tilespmem:v31+s23+$0x0], $0xffff  }
0x5d6: {  	v31 =	vld.idx.msk [tilespmem:v36+s23+$0x0], $0xffff  }
0x5d7: {  	v36 =	vld [tilespmem:$0x1FE70]  }
0x5d8: {  	v40 =	vld.idx.msk [tilespmem:v40+s23+$0x0], $0xffff  }
0x5d9: {  	v41 =	vld.idx.msk [tilespmem:v41+s23+$0x0], $0xffff  }
0x5da: {  	v42 =	vld.idx.msk [tilespmem:v42+s23+$0x0], $0xffff  }
0x5db: {  	v43 =	vld.idx.msk [tilespmem:v43+s23+$0x0], $0xffff  }
0x5dc: {  	v13 =	vld.idx.msk [tilespmem:v45+s23+$0x0], $0xffff  }
0x5dd: {  	v14 =	vld.idx.msk [tilespmem:v46+s23+$0x0], $0xffff  }
0x5de: {  	v34 =	vld.idx.msk [tilespmem:v34+s23+$0x0], $0xffff  }
0x5df: {  	v36 =	vld.idx.msk [tilespmem:v36+s23+$0x0], $0xffff  }
0x5e0: {  	v38 =	vadd.f32 v39, v38  }
0x5e1: {  	v39 =	vadd.f32 v41, v40;
	v40 =	vadd.f32 v43, v42  }
0x5e2: {  	v12 =	vadd.f32 v13, v12;
	v13 =	vadd.f32 v25, v14  }
0x5e3: {  	v14 =	vadd.f32 v29, v27;
	v43 =	vadd.f32 v40, v39;
	v39 =	vld [tilespmem:$0x1FF40]  }
0x5e4: {  	v40 =	vld [tilespmem:$0x1FF50];
	v25 =	vadd.f32 v34, v31;
	v37 =	vadd.f32 v37, v36  }
0x5e5: {  	v12 =	vadd.f32 v13, v12;
	v31 =	vld [tilespmem:$0x1FEF0]  }
0x5e6: {  	v34 =	vld [tilespmem:$0x1FF00];
	v41 =	vadd.f32 v25, v14;
	v42 =	vadd.f32 v38, v37  }
0x5e7: {  	v36 =	vld [tilespmem:$0x1FF10]  }
0x5e8: {  	v37 =	vld [tilespmem:$0x1FF20];
	v12 =	vadd.f32 v41, v12;
	v29 =	vadd.f32 v43, v42  }
0x5e9: {  	v38 =	vld [tilespmem:$0x1FF30]  }
0x5ea: {  	v41 =	vld [tilespmem:$0x1FF60];
	v12 =	vadd.f32 v29, v12  }
0x5eb: {  	v43 =	vld [tilespmem:$0x1FFE0]  }
0x5ec: {  	v42 =	vld [tilespmem:$0x1FF70];
	[tilespmem:v16+s16+$0x0] =	vst.idx.msk $0xffff, v12  }
0x5ed: {  	v13 =	vld.idx.msk [tilespmem:v31+s23+$0x0], $0xffff  }
0x5ee: {  	v14 =	vld.idx.msk [tilespmem:v34+s23+$0x0], $0xffff  }
0x5ef: {  	v16 =	vld.idx.msk [tilespmem:v36+s23+$0x0], $0xffff  }
0x5f0: {  	v31 =	vld.idx.msk [tilespmem:v40+s23+$0x0], $0xffff  }
0x5f1: {  	v40 =	vld [tilespmem:$0x1FF80]  }
0x5f2: {  	v34 =	vld.idx.msk [tilespmem:v41+s23+$0x0], $0xffff  }
0x5f3: {  	v41 =	vld [tilespmem:$0x1FF90]  }
0x5f4: {  	v36 =	vld.idx.msk [tilespmem:v42+s23+$0x0], $0xffff  }
0x5f5: {  	v42 =	vld [tilespmem:$0x1FFA0]  }
0x5f6: {  	v29 =	vld.idx.msk [tilespmem:v39+s23+$0x0], $0xffff  }
0x5f7: {  	v25 =	vld.idx.msk [tilespmem:v37+s23+$0x0], $0xffff  }
0x5f8: {  	v27 =	vld.idx.msk [tilespmem:v38+s23+$0x0], $0xffff  }
0x5f9: {  	v37 =	vld.idx.msk [tilespmem:v40+s23+$0x0], $0xffff  }
0x5fa: {  	v40 =	vld [tilespmem:$0x1FFB0]  }
0x5fb: {  	v38 =	vld.idx.msk [tilespmem:v41+s23+$0x0], $0xffff  }
0x5fc: {  	v41 =	vld [tilespmem:$0x1FD70]  }
0x5fd: {  	v39 =	vld.idx.msk [tilespmem:v42+s23+$0x0], $0xffff  }
0x5fe: {  	v42 =	vld [tilespmem:$0x1FD80];
	_ =	sdelay $0x4  }
0x5ff: {  	v12 =	vld.idx.msk [tilespmem:v43+s23+$0x0], $0xffff  }
0x600: {  	v40 =	vld.idx.msk [tilespmem:v40+s23+$0x0], $0xffff  }
0x601: {  	v41 =	vld.idx.msk [tilespmem:v41+s23+$0x0], $0xffff  }
0x602: {  	v42 =	vld.idx.msk [tilespmem:v42+s23+$0x0], $0xffff;
	_ =	sdelay $0x1  }
0x603: {  	v12 =	vadd.f32 v13, v12;
	v13 =	vadd.f32 v16, v14  }
0x604: {  	v14 =	vadd.f32 v27, v25;
	v16 =	vadd.f32 v31, v29  }
0x605: {  	v36 =	vadd.f32 v36, v34;
	v38 =	vadd.f32 v38, v37  }
0x606: {  	v31 =	vld [tilespmem:$0x1FD90];
	v40 =	vadd.f32 v40, v39;
	v41 =	vadd.f32 v42, v41  }
0x607: {  	v34 =	vld [tilespmem:$0x1FDA0];
	v12 =	vadd.f32 v13, v12;
	v25 =	vadd.f32 v38, v36  }
0x608: {  	v37 =	vld [tilespmem:$0x1FDC0];
	v42 =	vadd.f32 v16, v14;
	v27 =	vadd.f32 v41, v40  }
0x609: {  	v36 =	vld [tilespmem:$0x1FDB0]  }
0x60a: {  	v38 =	vld [tilespmem:$0x1FDD0];
	v12 =	vadd.f32 v42, v12;
	v29 =	vadd.f32 v27, v25  }
0x60b: {  	v39 =	vld [tilespmem:$0x1FDE0]  }
0x60c: {  	v40 =	vld [tilespmem:$0x1FDF0];
	v12 =	vadd.f32 v29, v12  }
0x60d: {  	v41 =	vld [tilespmem:$0x1FE00]  }
0x60e: {  	v42 =	vld [tilespmem:$0x1FE10];
	[tilespmem:v18+s16+$0x0] =	vst.idx.msk $0xffff, v12  }
0x60f: {  	v12 =	vld.idx.msk [tilespmem:v31+s23+$0x0], $0xffff  }
0x610: {  	v13 =	vld.idx.msk [tilespmem:v34+s23+$0x0], $0xffff  }
0x611: {  	v14 =	vld.idx.msk [tilespmem:v36+s23+$0x0], $0xffff  }
0x612: {  	v16 =	vld.idx.msk [tilespmem:v37+s23+$0x0], $0xffff  }
0x613: {  	v18 =	vld.idx.msk [tilespmem:v38+s23+$0x0], $0xffff  }
0x614: {  	v25 =	vld.idx.msk [tilespmem:v39+s23+$0x0], $0xffff  }
0x615: {  	v34 =	vld.idx.msk [tilespmem:v47+s23+$0x0], $0xffff  }
0x616: {  	v36 =	vld.idx.msk [tilespmem:v48+s23+$0x0], $0xffff  }
0x617: {  	v37 =	vld.idx.msk [tilespmem:v49+s23+$0x0], $0xffff  }
0x618: {  	v38 =	vld.idx.msk [tilespmem:v50+s23+$0x0], $0xffff  }
0x619: {  	v39 =	vld.idx.msk [tilespmem:v51+s23+$0x0], $0xffff  }
0x61a: {  	v27 =	vld.idx.msk [tilespmem:v40+s23+$0x0], $0xffff  }
0x61b: {  	v29 =	vld.idx.msk [tilespmem:v41+s23+$0x0], $0xffff  }
0x61c: {  	v31 =	vld.idx.msk [tilespmem:v42+s23+$0x0], $0xffff  }
0x61d: {  	v40 =	vld.idx.msk [tilespmem:v52+s23+$0x0], $0xffff  }
0x61e: {  	v41 =	vld.idx.msk [tilespmem:v53+s23+$0x0], $0xffff;
	_ =	sdelay $0x1  }
0x61f: {  	v12 =	vadd.f32 v13, v12;
	v13 =	vadd.f32 v16, v14  }
0x620: {  	v14 =	vadd.f32 v25, v18;
	v37 =	vadd.f32 v37, v36  }
0x621: {  	v39 =	vadd.f32 v39, v38;
	v16 =	vadd.f32 v29, v27  }
0x622: {  	v34 =	vadd.f32 v34, v31;
	v42 =	vadd.f32 v41, v40  }
0x623: {  	v12 =	vadd.f32 v13, v12;
	v31 =	vadd.f32 v16, v14  }
0x624: {  	v34 =	vadd.f32 v37, v34;
	v36 =	vadd.f32 v42, v39  }
0x625: {  	v37 =	vadd.f32 v24, v20  }
0x626: {  	v12 =	vadd.f32 v31, v12;
	v38 =	vadd.f32 v36, v34  }
0x627: {  	v39 =	vadd.f32 v26, v37  }
0x628: {  	v12 =	vadd.f32 v38, v12  }
0x629: {  	v40 =	vadd.f32 v28, v39  }
0x62a: {  	[tilespmem:v17+s16+$0x0] =	vst.idx.msk $0xffff, v12  }
0x62b: {  	v41 =	vadd.f32 v30, v40;
	v13 =	vld.idx.msk [tilespmem:v54+s23+$0x0], $0xffff  }
0x62c: {  	v42 =	vld.idx.msk [tilespmem:v55+s23+$0x0], $0xffff  }
0x62d: {  	v16 =	vld.idx.msk [tilespmem:v56+s23+$0x0], $0xffff;
	v12 =	vadd.f32 v32, v41  }
0x62e: {  	v17 =	vld.idx.msk [tilespmem:v57+s23+$0x0], $0xffff  }
0x62f: {  	v18 =	vld.idx.msk [tilespmem:v58+s23+$0x0], $0xffff;
	v12 =	vadd.f32 v33, v12  }
0x630: {  	v20 =	vld.idx.msk [tilespmem:v59+s23+$0x0], $0xffff  }
0x631: {  	v24 =	vld.idx.msk [tilespmem:v61+s23+$0x0], $0xffff;
	v12 =	vadd.f32 v21, v12  }
0x632: {  	v34 =	vld.idx.msk [tilespmem:v35+s23+$0x0], $0xffff  }
0x633: {  	v36 =	vld.idx.msk [tilespmem:v0+s23+$0x0], $0xffff;
	v12 =	vadd.f32 v22, v12  }
0x634: {  	v37 =	vld.idx.msk [tilespmem:v6+s23+$0x0], $0xffff  }
0x635: {  	v38 =	vld.idx.msk [tilespmem:v7+s23+$0x0], $0xffff;
	v12 =	vadd.f32 v23, v12  }
0x636: {  	v40 =	vld.idx.msk [tilespmem:v8+s23+$0x0], $0xffff  }
0x637: {  	v39 =	vperm.xlane v19, v1;
	v28 =	vld.idx.msk [tilespmem:v9+s23+$0x0], $0xffff;
	v11 =	vadd.f32 v11, v12  }
0x638: {  	v33 =	vld.idx.msk [tilespmem:v63+s23+$0x0], $0xffff  }
0x639: {  	v21 =	vld.idx.msk [tilespmem:v60+s23+$0x0], $0xffff;
	v13 =	vadd.f32 v42, v13;
	v42 =	vadd.f32 v39, v19;
	v41 =	vperm.xlane v11, v1  }
0x63a: {  	v22 =	vld.idx.msk [tilespmem:v62+s23+$0x0], $0xffff  }
0x63b: {  	v16 =	vadd.f32 v17, v16;
	v32 =	vperm.xlane v42, v3;
	v11 =	vadd.f32 v41, v11  }
0x63c: {  	v30 =	vadd.f32 v20, v18;
	v34 =	vadd.f32 v36, v34  }
0x63d: {  	v19 =	vadd.f32 v28, v40;
	v14 =	vadd.f32 v32, v42;
	v36 =	vperm.xlane v11, v3  }
0x63e: {  	v31 =	vadd.f32 v24, v21;
	v12 =	vadd.f32 v38, v37  }
0x63f: {  	v33 =	vadd.f32 v33, v22;
	v11 =	vadd.f32 v36, v11  }
0x640: {  	v13 =	vadd.f32 v16, v13;
	v38 =	vperm.xlane v14, v4;
	v37 =	vadd.f32 v31, v30  }
0x641: {  	v12 =	vadd.f32 v19, v12;
	v39 =	vadd.f32 v34, v33;
	v40 =	vperm.xlane v11, v4  }
0x642: {  	v14 =	vadd.f32 v38, v14;
	v13 =	vadd.f32 v37, v13  }
0x643: {  	s0 =	sadd.s32 $0x1, s0;
	v12 =	vadd.f32 v12, v39;
	v11 =	vadd.f32 v40, v11  }
0x644: {  	p0 =	sne.s32 s0, $0x8;
	v41 =	vperm.xlane v14, v5  }
.Ltmp5:
0x645: {  	v12 =	vadd.f32 v12, v13;
	v42 =	vperm.xlane v11, v5;
	(pc) =	sbr.rel @p0 .LBB2_9-.Ltmp5, $4  }
0x646: {  	v14 =	vadd.f32 v41, v14  }
0x647: {  	[tilespmem:v15+s16+$0x0] =	vst.idx.msk $0x3, v12;
	v11 =	vadd.f32 v42, v11  }
0x648: {  	[tilespmem:v10+s10+$0x0] =	vst.idx.msk vm0, v14  }
0x649: {  	s1 =	sadd.s32 $0xC80, s1;
	s2 =	sadd.s32 $0xC80, s2;
	[tilespmem:v10+s12+$0x0] =	vst.idx.msk vm0, v11  }
0x64a: {  	s18 =	sadd.s32 $0x1, s18  }
0x64b: {  	p0 =	sne.s32 s18, $0x20  }
.Ltmp6:
0x64c: {  	s0 =	rddreg [dreg:$0x8];
	(pc) =	sbr.rel @p0 .LBB2_2-.Ltmp6, $4  }
0x64d: {  	s28 =	rddreg [dreg:$0x9];
	s0 =	sadd.s32 s0, s21  }
0x64e: {  	[hbm4b:s0+s7] =	stream.linear.scatter [tilespmem:s14], [sflag:$0x4], $0x190, $0x38;
	[tilespmem:$0x1BD90] =	vst v63  }
0x64f: {  	s0 =	sadd.s32 s28, s21  }
0x650: {  	[hbm4b:s0+s7] =	stream.linear.scatter [tilespmem:s16], [sflag:$0x4], $0x190, $0x38;
	[tilespmem:$0x1BD90] =	vst v63  }
0x651: {  	s0 =	simm.s32 $0x3  }
0x652: {  	_ =	swait.ge [sflag:s0], $0x190  }
0x653: {  	[sflag:s0] =	ssyncset.done $0x0  }
0x654: {  	[sflag:s0] =	ssyncadd.s32 $0xFFFFFE70  }
0x655: {  	_ =	swait.ge [sflag:s0], $0x190  }
0x656: {  	[sflag:s0] =	ssyncset.done $0x0  }
0x657: {  	s21 =	simm.s32 $0x4;
	[sflag:s0] =	ssyncadd.s32 $0xFFFFFE70  }
0x658: {  	_ =	swait.ge [sflag:s21], $0x190  }
0x659: {  	[sflag:s21] =	ssyncset.done $0x0  }
0x65a: {  	[sflag:s21] =	ssyncadd.s32 $0xFFFFFE70  }
0x65b: {  	_ =	swait.ge [sflag:s21], $0x190  }
0x65c: {  	[sflag:s21] =	ssyncset.done $0x0  }
0x65d: {  	s0 =	simm.s32 $0x0;
	[sflag:s21] =	ssyncadd.s32 $0xFFFFFE70  }
0x65e: {  	v0 =	vld [tilespmem:s0+$0x1AD90]  }
0x65f: {  	v6 =	vld [tilespmem:s0+$0x1AB90]  }
0x660: {  	v7 =	vld [tilespmem:s0+$0x1AF90];
	_ =	sdelay $0x3  }
0x661: {  	v8 =	vmul.f32 $2.000000030e-01, v0;
	v9 =	vmul.f32 $2.000000030e-01, v6  }
0x662: {  	v10 =	vmul.f32 $2.000000030e-01, v7;
	vm1 =	vge.f32 v0, $0.0e+00;
	vm2 =	vge.f32 v6, $0.0e+00  }
0x663: {  	vm3 =	vge.f32 v7, $0.0e+00;
	v0 =	vsel vm1, v0, v8;
	v6 =	vsel vm2, v6, v9  }
0x664: {  	v7 =	vsel vm3, v7, v10;
	v8 =	vmax.f32 v6, v0  }
0x665: {  	v8 =	vmax.f32 v8, v7  }
0x666: {  	v6 =	vsub.f32 v6, v8  }
0x667: {  	v0 =	vsub.f32 v0, v8  }
0x668: {  	v6 =	vmul.f32 $1.442695020e+00, v6  }
0x669: {  	v7 =	vsub.f32 v7, v8;
	v0 =	vmul.f32 $1.442695020e+00, v0  }
0x66a: {  	(erf) = vpow2.f32 v6  }
0x66b: {  	v6 =	vmul.f32 $1.442695020e+00, v7;
	(erf) = vpow2.f32 v0;
	_ =	sdelay $0x1  }
0x66c: {  	(erf) = vpow2.f32 v6;
	_ =	sdelay $0x5  }
0x66d: {  	v0 =	vpop (erf)  }
0x66e: {  	v6 =	vpop (erf)  }
0x66f: {  	v7 =	vadd.f32 v6, v0  }
0x670: {  	v8 =	vpop (erf)  }
0x671: {  	v7 =	vadd.f32 v7, v8;
	_ =	sdelay $0x1  }
0x672: {  	(erf) = vrcp.f32 v7;
	_ =	sdelay $0x8  }
0x673: {  	v9 =	vpop (erf)  }
0x674: {  	v10 =	vmul.f32 v9, v0;
	v11 =	vmul.f32 v9, v6;
	_ =	sdelay $0x1  }
0x675: {  	v7 =	vld [tilespmem:s0+$0x1A790];
	v6 =	vadd.f32 v11, v10  }
0x676: {  	v0 =	vld [tilespmem:s0+$0x1A990]  }
0x677: {  	(erf) = vrcp.f32 v6  }
0x678: {  	s1 =	simm.s32 $0x0  }
0x679: {  	v6 =	vmov s1  }
0x67a: {  	v19 =	vld [tilespmem:$0x1FFF0];
	v6 =	vmul.u32 $0x3, v6  }
0x67b: {  	v13 =	vmul.f32 $1.999999960e-02, v7;
	v12 =	vmul.f32 $1.999999960e-02, v0  }
0x67c: {  	v0 =	vmul.u32 $0x3, v44;
	v14 =	vbroadcast v6, $0x0  }
0x67d: {  	v6 =	vmul.f32 v10, v13;
	v7 =	vmul.f32 v11, v12  }
0x67e: {  	v15 =	vor.u32 v0, v14  }
0x67f: {  	v16 =	vadd.f32 v7, v6;
	v7 =	vadd.s32 $0x1, v0;
	v15 =	vand.u32 v19, v15  }
0x680: {  	v6 =	vadd.s32 $0x2, v0;
	v17 =	vor.u32 v7, v14;
	v18 =	vpop (erf)  }
0x681: {  	[tilespmem:s0+$0x1B590] =	vst v12;
	v14 =	vor.u32 v6, v14;
	v12 =	vmul.f32 v18, v16  }
0x682: {  	[tilespmem:s0+$0x1B390] =	vst v13  }
0x683: {  	[tilespmem:s0+$0x1B190] =	vst v12  }
0x684: {  	v8 =	vmul.f32 v9, v8;
	[tilespmem:v15+s17+$0x0] =	vst.idx.msk $0xffff, v10  }
0x685: {  	[tilespmem:v17+s17+$0x0] =	vst.idx.msk $0xffff, v11  }
0x686: {  	[tilespmem:v14+s17+$0x0] =	vst.idx.msk $0xffff, v8  }
0x687: {  	v8 =	vld [tilespmem:s0+$0x1ABA0]  }
0x688: {  	v9 =	vld [tilespmem:s0+$0x1ADA0]  }
0x689: {  	v10 =	vld [tilespmem:s0+$0x1AFA0];
	_ =	sdelay $0x3  }
0x68a: {  	v11 =	vmul.f32 $2.000000030e-01, v8;
	v12 =	vmul.f32 $2.000000030e-01, v9  }
0x68b: {  	vm1 =	vge.f32 v8, $0.0e+00;
	vm2 =	vge.f32 v9, $0.0e+00;
	v13 =	vmul.f32 $2.000000030e-01, v10  }
0x68c: {  	v8 =	vsel vm1, v8, v11;
	v9 =	vsel vm2, v9, v12;
	vm1 =	vge.f32 v10, $0.0e+00  }
0x68d: {  	v10 =	vsel vm1, v10, v13;
	v11 =	vmax.f32 v8, v9  }
0x68e: {  	v11 =	vmax.f32 v11, v10  }
0x68f: {  	v8 =	vsub.f32 v8, v11  }
0x690: {  	v9 =	vsub.f32 v9, v11  }
0x691: {  	v8 =	vmul.f32 $1.442695020e+00, v8  }
0x692: {  	v10 =	vsub.f32 v10, v11;
	v9 =	vmul.f32 $1.442695020e+00, v9  }
0x693: {  	(erf) = vpow2.f32 v8  }
0x694: {  	v8 =	vmul.f32 $1.442695020e+00, v10;
	(erf) = vpow2.f32 v9;
	_ =	sdelay $0x1  }
0x695: {  	(erf) = vpow2.f32 v8;
	_ =	sdelay $0x5  }
0x696: {  	v8 =	vpop (erf)  }
0x697: {  	v9 =	vpop (erf)  }
0x698: {  	v10 =	vadd.f32 v9, v8  }
0x699: {  	v11 =	vpop (erf)  }
0x69a: {  	v10 =	vadd.f32 v10, v11;
	_ =	sdelay $0x1  }
0x69b: {  	(erf) = vrcp.f32 v10;
	_ =	sdelay $0x8  }
0x69c: {  	v10 =	vpop (erf)  }
0x69d: {  	v8 =	vmul.f32 v10, v8;
	v9 =	vmul.f32 v10, v9;
	_ =	sdelay $0x1  }
0x69e: {  	v12 =	vld [tilespmem:s0+$0x1A9A0];
	v13 =	vadd.f32 v9, v8  }
0x69f: {  	v14 =	vld [tilespmem:s0+$0x1A7A0]  }
0x6a0: {  	(erf) = vrcp.f32 v13;
	_ =	sdelay $0x1  }
0x6a1: {  	s2 =	simm.s32 $0x10  }
0x6a2: {  	v12 =	vmul.f32 $1.999999960e-02, v12;
	v13 =	vmov s2  }
0x6a3: {  	v14 =	vmul.f32 $1.999999960e-02, v14;
	v13 =	vmul.u32 $0x3, v13  }
0x6a4: {  	v15 =	vmul.f32 v9, v12  }
0x6a5: {  	v16 =	vmul.f32 v8, v14;
	v13 =	vbroadcast v13, $0x0;
	_ =	sdelay $0x1  }
0x6a6: {  	v15 =	vadd.f32 v15, v16;
	v16 =	vadd.s32 v0, v13  }
0x6a7: {  	v17 =	vadd.s32 v7, v13;
	v18 =	vpop (erf)  }
0x6a8: {  	[tilespmem:s0+$0x1B3A0] =	vst v14;
	v13 =	vadd.s32 v6, v13;
	v15 =	vmul.f32 v18, v15  }
0x6a9: {  	[tilespmem:s0+$0x1B5A0] =	vst v12  }
0x6aa: {  	[tilespmem:s0+$0x1B1A0] =	vst v15  }
0x6ab: {  	v10 =	vmul.f32 v10, v11;
	[tilespmem:v16+s17+$0x0] =	vst.idx.msk $0xffff, v8  }
0x6ac: {  	[tilespmem:v17+s17+$0x0] =	vst.idx.msk $0xffff, v9  }
0x6ad: {  	[tilespmem:v13+s17+$0x0] =	vst.idx.msk $0xffff, v10  }
0x6ae: {  	v8 =	vld [tilespmem:s0+$0x1ABB0]  }
0x6af: {  	v9 =	vld [tilespmem:s0+$0x1ADB0]  }
0x6b0: {  	v10 =	vld [tilespmem:s0+$0x1AFB0];
	_ =	sdelay $0x3  }
0x6b1: {  	v11 =	vmul.f32 $2.000000030e-01, v8;
	v12 =	vmul.f32 $2.000000030e-01, v9  }
0x6b2: {  	vm1 =	vge.f32 v8, $0.0e+00;
	vm2 =	vge.f32 v9, $0.0e+00;
	v13 =	vmul.f32 $2.000000030e-01, v10  }
0x6b3: {  	v8 =	vsel vm1, v8, v11;
	v9 =	vsel vm2, v9, v12;
	vm1 =	vge.f32 v10, $0.0e+00  }
0x6b4: {  	v10 =	vsel vm1, v10, v13;
	v11 =	vmax.f32 v8, v9  }
0x6b5: {  	v11 =	vmax.f32 v11, v10  }
0x6b6: {  	v8 =	vsub.f32 v8, v11  }
0x6b7: {  	v9 =	vsub.f32 v9, v11  }
0x6b8: {  	v8 =	vmul.f32 $1.442695020e+00, v8  }
0x6b9: {  	v10 =	vsub.f32 v10, v11;
	v9 =	vmul.f32 $1.442695020e+00, v9  }
0x6ba: {  	(erf) = vpow2.f32 v8  }
0x6bb: {  	v8 =	vmul.f32 $1.442695020e+00, v10;
	(erf) = vpow2.f32 v9;
	_ =	sdelay $0x1  }
0x6bc: {  	(erf) = vpow2.f32 v8;
	_ =	sdelay $0x5  }
0x6bd: {  	v8 =	vpop (erf)  }
0x6be: {  	v9 =	vpop (erf)  }
0x6bf: {  	v10 =	vadd.f32 v9, v8  }
0x6c0: {  	v11 =	vpop (erf)  }
0x6c1: {  	v10 =	vadd.f32 v10, v11;
	_ =	sdelay $0x1  }
0x6c2: {  	(erf) = vrcp.f32 v10;
	_ =	sdelay $0x3  }
0x6c3: {  	v10 =	vld [tilespmem:s0+$0x1A7B0];
	_ =	sdelay $0x4  }
0x6c4: {  	v12 =	vld [tilespmem:s0+$0x1A9B0];
	v13 =	vmul.f32 $1.999999960e-02, v10;
	v14 =	vpop (erf)  }
0x6c5: {  	v10 =	vmul.f32 v14, v8;
	v9 =	vmul.f32 v14, v9;
	_ =	sdelay $0x1  }
0x6c6: {  	v17 =	vadd.f32 v9, v10;
	_ =	sdelay $0x1  }
0x6c7: {  	v12 =	vmul.f32 $1.999999960e-02, v12;
	(erf) = vrcp.f32 v17;
	_ =	sdelay $0x1  }
0x6c8: {  	s25 =	simm.s32 $0x30;
	s28 =	simm.s32 $0x20;
	v15 =	vmul.f32 v10, v13;
	v16 =	vmul.f32 v9, v12  }
0x6c9: {  	[tilespmem:s0+$0x1B5B0] =	vst v12;
	v8 =	vmov s25;
	v11 =	vmul.f32 v14, v11;
	v14 =	vmov s28  }
0x6ca: {  	s4 =	simm.s32 $0x0;
	s2 =	simm.s32 $0x0;
	[tilespmem:s0+$0x1B3B0] =	vst v13;
	v8 =	vmul.u32 $0x3, v8;
	v13 =	vmul.u32 $0x3, v14;
	v12 =	vadd.f32 v16, v15  }
.LBB2_16:
0x6cb: {  	s2 =	sadd.s32 $0x4, s2;
	s1 =	sadd.s32 $0x40, s1;
	s4 =	sadd.s32 $0x100, s4  }
0x6cc: {  	s3 =	sadd.s32 $0x30, s1;
	p0 =	slt.u32 s2, $0x1C;
	v13 =	vbroadcast v13, $0x0  }
0x6cd: {  	v14 =	vmov s3  }
0x6ce: {  	v14 =	vmul.u32 $0x3, v14;
	v15 =	vadd.s32 v0, v13  }
0x6cf: {  	v16 =	vadd.s32 v7, v13;
	v17 =	vpop (erf)  }
0x6d0: {  	v13 =	vadd.s32 v6, v13;
	v12 =	vmul.f32 v17, v12;
	_ =	sdelay $0x1  }
0x6d1: {  	[tilespmem:s0+$0x1B1B0] =	vst v12  }
0x6d2: {  	[tilespmem:v15+s17+$0x0] =	vst.idx.msk $0xffff, v10  }
0x6d3: {  	s3 =	sshra.s32 s4, $0x2;
	[tilespmem:v16+s17+$0x0] =	vst.idx.msk $0xffff, v9  }
0x6d4: {  	[tilespmem:v13+s17+$0x0] =	vst.idx.msk $0xffff, v11  }
0x6d5: {  	v9 =	vld [tilespmem:s0+$0x1ABC0]  }
0x6d6: {  	v10 =	vld [tilespmem:s0+$0x1ADC0]  }
0x6d7: {  	v11 =	vld [tilespmem:s0+$0x1AFC0]  }
0x6d8: {  	v12 =	vld [tilespmem:s0+$0x1A7C0]  }
0x6d9: {  	v13 =	vld [tilespmem:s0+$0x1A9C0]  }
0x6da: {  	v15 =	vmul.f32 $2.000000030e-01, v9  }
0x6db: {  	vm1 =	vge.f32 v9, $0.0e+00;
	v16 =	vmul.f32 $2.000000030e-01, v10  }
0x6dc: {  	v9 =	vsel vm1, v9, v15;
	vm1 =	vge.f32 v10, $0.0e+00;
	v15 =	vmul.f32 $2.000000030e-01, v11  }
0x6dd: {  	v10 =	vsel vm1, v10, v16;
	vm1 =	vge.f32 v11, $0.0e+00  }
0x6de: {  	v11 =	vsel vm1, v11, v15;
	v15 =	vmax.f32 v9, v10  }
0x6df: {  	v15 =	vmax.f32 v15, v11  }
0x6e0: {  	v9 =	vsub.f32 v9, v15;
	v10 =	vsub.f32 v10, v15  }
0x6e1: {  	v11 =	vsub.f32 v11, v15  }
0x6e2: {  	v9 =	vmul.f32 $1.442695020e+00, v9;
	v10 =	vmul.f32 $1.442695020e+00, v10  }
0x6e3: {  	v11 =	vmul.f32 $1.442695020e+00, v11  }
0x6e4: {  	(erf) = vpow2.f32 v9  }
0x6e5: {  	(erf) = vpow2.f32 v10;
	_ =	sdelay $0x1  }
0x6e6: {  	(erf) = vpow2.f32 v11;
	_ =	sdelay $0x5  }
0x6e7: {  	v9 =	vpop (erf)  }
0x6e8: {  	v10 =	vpop (erf)  }
0x6e9: {  	v11 =	vadd.f32 v10, v9  }
0x6ea: {  	v15 =	vpop (erf)  }
0x6eb: {  	v11 =	vadd.f32 v11, v15;
	_ =	sdelay $0x1  }
0x6ec: {  	(erf) = vrcp.f32 v11;
	_ =	sdelay $0x8  }
0x6ed: {  	v11 =	vmul.f32 $1.999999960e-02, v12;
	v12 =	vmul.f32 $1.999999960e-02, v13;
	v13 =	vpop (erf)  }
0x6ee: {  	v9 =	vmul.f32 v13, v9;
	v10 =	vmul.f32 v13, v10  }
0x6ef: {  	v13 =	vmul.f32 v13, v15;
	[tilespmem:s0+$0x1B3C0] =	vst v11  }
0x6f0: {  	v11 =	vmul.f32 v9, v11;
	v15 =	vmul.f32 v10, v12;
	v16 =	vadd.f32 v10, v9;
	[tilespmem:s0+$0x1B5C0] =	vst v12;
	_ =	sdelay $0x1  }
0x6f1: {  	v11 =	vadd.f32 v15, v11;
	(erf) = vrcp.f32 v16;
	_ =	sdelay $0x5  }
0x6f2: {  	v12 =	vbroadcast v8, $0x0;
	v8 =	vmov v14;
	_ =	sdelay $0x1  }
0x6f3: {  	v14 =	vadd.s32 v0, v12  }
0x6f4: {  	v15 =	vadd.s32 v7, v12;
	v16 =	vpop (erf)  }
0x6f5: {  	v12 =	vadd.s32 v6, v12;
	v11 =	vmul.f32 v16, v11;
	_ =	sdelay $0x1  }
0x6f6: {  	[tilespmem:s0+$0x1B1C0] =	vst v11;
	s0 =	smov.u32 s3  }
0x6f7: {  	[tilespmem:v14+s17+$0x0] =	vst.idx.msk $0xffff, v9  }
0x6f8: {  	[tilespmem:v15+s17+$0x0] =	vst.idx.msk $0xffff, v10  }
0x6f9: {  	[tilespmem:v12+s17+$0x0] =	vst.idx.msk $0xffff, v13  }
0x6fa: {  	v9 =	vld [tilespmem:s0+$0x1AD90]  }
0x6fb: {  	v10 =	vld [tilespmem:s0+$0x1AF90]  }
0x6fc: {  	v11 =	vld [tilespmem:s0+$0x1AB90];
	_ =	sdelay $0x3  }
0x6fd: {  	v12 =	vmul.f32 $2.000000030e-01, v9;
	vm1 =	vge.f32 v10, $0.0e+00;
	v13 =	vmul.f32 $2.000000030e-01, v10  }
0x6fe: {  	vm2 =	vge.f32 v9, $0.0e+00;
	v14 =	vmul.f32 $2.000000030e-01, v11  }
0x6ff: {  	vm3 =	vge.f32 v11, $0.0e+00;
	v9 =	vsel vm2, v9, v12;
	v10 =	vsel vm1, v10, v13  }
0x700: {  	v11 =	vsel vm3, v11, v14  }
0x701: {  	v12 =	vmax.f32 v11, v9  }
0x702: {  	v12 =	vmax.f32 v12, v10  }
0x703: {  	v11 =	vsub.f32 v11, v12;
	v9 =	vsub.f32 v9, v12  }
0x704: {  	v10 =	vsub.f32 v10, v12  }
0x705: {  	v11 =	vmul.f32 $1.442695020e+00, v11;
	v9 =	vmul.f32 $1.442695020e+00, v9  }
0x706: {  	v10 =	vmul.f32 $1.442695020e+00, v10  }
0x707: {  	(erf) = vpow2.f32 v11  }
0x708: {  	(erf) = vpow2.f32 v9;
	_ =	sdelay $0x1  }
0x709: {  	(erf) = vpow2.f32 v10;
	_ =	sdelay $0x5  }
0x70a: {  	v9 =	vpop (erf)  }
0x70b: {  	v10 =	vpop (erf)  }
0x70c: {  	v11 =	vadd.f32 v10, v9  }
0x70d: {  	v12 =	vpop (erf)  }
0x70e: {  	v11 =	vadd.f32 v11, v12;
	v13 =	vld [tilespmem:s0+$0x1A990];
	_ =	sdelay $0x1  }
0x70f: {  	(erf) = vrcp.f32 v11;
	_ =	sdelay $0x1  }
0x710: {  	v11 =	vld [tilespmem:s0+$0x1A790];
	_ =	sdelay $0x1  }
0x711: {  	v13 =	vmul.f32 $1.999999960e-02, v13;
	_ =	sdelay $0x3  }
0x712: {  	v11 =	vmul.f32 $1.999999960e-02, v11  }
0x713: {  	v14 =	vpop (erf)  }
0x714: {  	v9 =	vmul.f32 v14, v9;
	v10 =	vmul.f32 v14, v10  }
0x715: {  	v12 =	vmul.f32 v14, v12  }
0x716: {  	v14 =	vmul.f32 v9, v11;
	v15 =	vmul.f32 v10, v13;
	v16 =	vadd.f32 v10, v9;
	_ =	sdelay $0x1  }
0x717: {  	v14 =	vadd.f32 v15, v14;
	(erf) = vrcp.f32 v16;
	_ =	sdelay $0x1  }
0x718: {  	v15 =	vmov s1  }
0x719: {  	v15 =	vmul.u32 $0x3, v15;
	_ =	sdelay $0x1  }
0x71a: {  	v15 =	vbroadcast v15, $0x0;
	_ =	sdelay $0x1  }
0x71b: {  	v16 =	vor.u32 v0, v15  }
0x71c: {  	[tilespmem:s0+$0x1B590] =	vst v13;
	v13 =	vand.u32 v19, v16  }
0x71d: {  	v16 =	vor.u32 v7, v15;
	v17 =	vpop (erf)  }
0x71e: {  	v15 =	vor.u32 v6, v15;
	v14 =	vmul.f32 v17, v14  }
0x71f: {  	[tilespmem:s0+$0x1B390] =	vst v11  }
0x720: {  	[tilespmem:s0+$0x1B190] =	vst v14  }
0x721: {  	[tilespmem:v13+s17+$0x0] =	vst.idx.msk $0xffff, v9  }
0x722: {  	[tilespmem:v16+s17+$0x0] =	vst.idx.msk $0xffff, v10  }
0x723: {  	[tilespmem:v15+s17+$0x0] =	vst.idx.msk $0xffff, v12  }
0x724: {  	v9 =	vld [tilespmem:s0+$0x1ABA0]  }
0x725: {  	v10 =	vld [tilespmem:s0+$0x1ADA0]  }
0x726: {  	v11 =	vld [tilespmem:s0+$0x1AFA0];
	_ =	sdelay $0x2  }
0x727: {  	v12 =	vmul.f32 $2.000000030e-01, v9  }
0x728: {  	vm1 =	vge.f32 v9, $0.0e+00;
	v13 =	vmul.f32 $2.000000030e-01, v10  }
0x729: {  	v9 =	vsel vm1, v9, v12;
	vm1 =	vge.f32 v10, $0.0e+00;
	v12 =	vmul.f32 $2.000000030e-01, v11  }
0x72a: {  	v10 =	vsel vm1, v10, v13;
	vm1 =	vge.f32 v11, $0.0e+00  }
0x72b: {  	v11 =	vsel vm1, v11, v12;
	v12 =	vmax.f32 v9, v10  }
0x72c: {  	v12 =	vmax.f32 v12, v11  }
0x72d: {  	v9 =	vsub.f32 v9, v12;
	v10 =	vsub.f32 v10, v12  }
0x72e: {  	v11 =	vsub.f32 v11, v12  }
0x72f: {  	v9 =	vmul.f32 $1.442695020e+00, v9;
	v10 =	vmul.f32 $1.442695020e+00, v10  }
0x730: {  	v11 =	vmul.f32 $1.442695020e+00, v11  }
0x731: {  	(erf) = vpow2.f32 v9  }
0x732: {  	(erf) = vpow2.f32 v10;
	_ =	sdelay $0x1  }
0x733: {  	(erf) = vpow2.f32 v11;
	_ =	sdelay $0x5  }
0x734: {  	v9 =	vpop (erf)  }
0x735: {  	v10 =	vpop (erf)  }
0x736: {  	v11 =	vadd.f32 v10, v9  }
0x737: {  	v12 =	vpop (erf)  }
0x738: {  	v11 =	vadd.f32 v11, v12;
	_ =	sdelay $0x1  }
0x739: {  	(erf) = vrcp.f32 v11;
	_ =	sdelay $0x3  }
0x73a: {  	v11 =	vld [tilespmem:s0+$0x1A9A0]  }
0x73b: {  	v13 =	vld [tilespmem:s0+$0x1A7A0];
	_ =	sdelay $0x3  }
0x73c: {  	v11 =	vmul.f32 $1.999999960e-02, v11;
	v14 =	vpop (erf)  }
0x73d: {  	v9 =	vmul.f32 v14, v9;
	v10 =	vmul.f32 v14, v10  }
0x73e: {  	v12 =	vmul.f32 v14, v12;
	v13 =	vmul.f32 $1.999999960e-02, v13  }
0x73f: {  	v14 =	vmul.f32 v10, v11;
	v15 =	vadd.f32 v10, v9  }
0x740: {  	v16 =	vmul.f32 v9, v13  }
0x741: {  	(erf) = vrcp.f32 v15  }
0x742: {  	v14 =	vadd.f32 v14, v16  }
0x743: {  	s3 =	sadd.s32 $0x10, s1  }
0x744: {  	v15 =	vmov s3  }
0x745: {  	v15 =	vmul.u32 $0x3, v15;
	_ =	sdelay $0x1  }
0x746: {  	v15 =	vbroadcast v15, $0x0;
	_ =	sdelay $0x1  }
0x747: {  	v16 =	vadd.s32 v0, v15;
	v17 =	vadd.s32 v6, v15  }
0x748: {  	v15 =	vadd.s32 v7, v15;
	v18 =	vpop (erf)  }
0x749: {  	v14 =	vmul.f32 v18, v14;
	[tilespmem:s0+$0x1B5A0] =	vst v11  }
0x74a: {  	[tilespmem:s0+$0x1B3A0] =	vst v13  }
0x74b: {  	[tilespmem:s0+$0x1B1A0] =	vst v14  }
0x74c: {  	[tilespmem:v16+s17+$0x0] =	vst.idx.msk $0xffff, v9  }
0x74d: {  	[tilespmem:v15+s17+$0x0] =	vst.idx.msk $0xffff, v10  }
0x74e: {  	[tilespmem:v17+s17+$0x0] =	vst.idx.msk $0xffff, v12  }
0x74f: {  	v9 =	vld [tilespmem:s0+$0x1ABB0]  }
0x750: {  	v10 =	vld [tilespmem:s0+$0x1ADB0]  }
0x751: {  	v11 =	vld [tilespmem:s0+$0x1AFB0]  }
0x752: {  	v12 =	vld [tilespmem:s0+$0x1A7B0]  }
0x753: {  	v13 =	vld [tilespmem:s0+$0x1A9B0]  }
0x754: {  	v14 =	vmul.f32 $2.000000030e-01, v9  }
0x755: {  	vm1 =	vge.f32 v9, $0.0e+00;
	v15 =	vmul.f32 $2.000000030e-01, v10  }
0x756: {  	v9 =	vsel vm1, v9, v14;
	vm1 =	vge.f32 v10, $0.0e+00;
	v14 =	vmul.f32 $2.000000030e-01, v11  }
0x757: {  	v10 =	vsel vm1, v10, v15;
	vm1 =	vge.f32 v11, $0.0e+00  }
0x758: {  	v11 =	vsel vm1, v11, v14;
	v14 =	vmax.f32 v9, v10  }
0x759: {  	v14 =	vmax.f32 v14, v11  }
0x75a: {  	v9 =	vsub.f32 v9, v14;
	v10 =	vsub.f32 v10, v14  }
0x75b: {  	v11 =	vsub.f32 v11, v14  }
0x75c: {  	v9 =	vmul.f32 $1.442695020e+00, v9;
	v10 =	vmul.f32 $1.442695020e+00, v10  }
0x75d: {  	v11 =	vmul.f32 $1.442695020e+00, v11  }
0x75e: {  	(erf) = vpow2.f32 v9  }
0x75f: {  	(erf) = vpow2.f32 v10;
	_ =	sdelay $0x1  }
0x760: {  	(erf) = vpow2.f32 v11;
	_ =	sdelay $0x5  }
0x761: {  	v9 =	vpop (erf)  }
0x762: {  	v11 =	vpop (erf)  }
0x763: {  	v10 =	vadd.f32 v11, v9  }
0x764: {  	v14 =	vpop (erf)  }
0x765: {  	v10 =	vadd.f32 v10, v14;
	_ =	sdelay $0x1  }
0x766: {  	(erf) = vrcp.f32 v10;
	_ =	sdelay $0x8  }
0x767: {  	v12 =	vmul.f32 $1.999999960e-02, v12;
	v13 =	vmul.f32 $1.999999960e-02, v13;
	v15 =	vpop (erf)  }
0x768: {  	v10 =	vmul.f32 v15, v9;
	v9 =	vmul.f32 v15, v11  }
0x769: {  	v11 =	vmul.f32 v15, v14;
	[tilespmem:s0+$0x1B5B0] =	vst v13  }
0x76a: {  	v14 =	vmul.f32 v10, v12;
	v13 =	vmul.f32 v9, v13;
	v15 =	vadd.f32 v9, v10;
	[tilespmem:s0+$0x1B3B0] =	vst v12;
	_ =	sdelay $0x1  }
.Ltmp7:
0x76b: {  	v12 =	vadd.f32 v13, v14;
	(erf) = vrcp.f32 v15;
	(pc) =	sbr.rel @p0 .LBB2_16-.Ltmp7, $4  }
0x76c: {  	_ = 	snop  }
0x76d: {  	s3 =	sadd.s32 $0x20, s1  }
0x76e: {  	v13 =	vmov s3  }
0x76f: {  	v13 =	vmul.u32 $0x3, v13  }
0x770: {  	_ = 	snop  }
0x771: {  	v13 =	vbroadcast v13, $0x0;
	_ =	sdelay $0x1  }
0x772: {  	v14 =	vadd.s32 v0, v13  }
0x773: {  	v15 =	vadd.s32 v7, v13;
	v16 =	vpop (erf)  }
0x774: {  	v13 =	vadd.s32 v6, v13;
	v12 =	vmul.f32 v16, v12;
	_ =	sdelay $0x1  }
0x775: {  	[tilespmem:s0+$0x1B1B0] =	vst v12  }
0x776: {  	[tilespmem:v14+s17+$0x0] =	vst.idx.msk $0xffff, v10  }
0x777: {  	[tilespmem:v15+s17+$0x0] =	vst.idx.msk $0xffff, v9  }
0x778: {  	[tilespmem:v13+s17+$0x0] =	vst.idx.msk $0xffff, v11  }
0x779: {  	v9 =	vld [tilespmem:s0+$0x1ABC0]  }
0x77a: {  	v10 =	vld [tilespmem:s0+$0x1ADC0]  }
0x77b: {  	v11 =	vld [tilespmem:s0+$0x1AFC0];
	_ =	sdelay $0x3  }
0x77c: {  	v49 =	vmul.f32 $2.000000030e-01, v9;
	v50 =	vmul.f32 $2.000000030e-01, v10  }
0x77d: {  	vm1 =	vge.f32 v9, $0.0e+00;
	vm2 =	vge.f32 v10, $0.0e+00;
	v51 =	vmul.f32 $2.000000030e-01, v11  }
0x77e: {  	v9 =	vsel vm1, v9, v49;
	v10 =	vsel vm2, v10, v50;
	vm1 =	vge.f32 v11, $0.0e+00  }
0x77f: {  	v11 =	vsel vm1, v11, v51;
	v12 =	vmax.f32 v9, v10  }
0x780: {  	v12 =	vmax.f32 v12, v11  }
0x781: {  	v9 =	vsub.f32 v9, v12  }
0x782: {  	v10 =	vsub.f32 v10, v12  }
0x783: {  	v9 =	vmul.f32 $1.442695020e+00, v9  }
0x784: {  	v11 =	vsub.f32 v11, v12;
	v10 =	vmul.f32 $1.442695020e+00, v10  }
0x785: {  	(erf) = vpow2.f32 v9  }
0x786: {  	v52 =	vmul.f32 $1.442695020e+00, v11;
	(erf) = vpow2.f32 v10;
	_ =	sdelay $0x1  }
0x787: {  	(erf) = vpow2.f32 v52;
	_ =	sdelay $0x5  }
0x788: {  	v53 =	vpop (erf)  }
0x789: {  	v10 =	vpop (erf)  }
0x78a: {  	v54 =	vadd.f32 v10, v53  }
0x78b: {  	v55 =	vpop (erf)  }
0x78c: {  	v11 =	vadd.f32 v54, v55;
	_ =	sdelay $0x1  }
0x78d: {  	(erf) = vrcp.f32 v11;
	_ =	sdelay $0x8  }
0x78e: {  	v11 =	vpop (erf)  }
0x78f: {  	v9 =	vmul.f32 v11, v53;
	v10 =	vmul.f32 v11, v10;
	_ =	sdelay $0x1  }
0x790: {  	v56 =	vld [tilespmem:s0+$0x1A7C0];
	v57 =	vadd.f32 v10, v9  }
0x791: {  	v15 =	vld [tilespmem:s0+$0x1A9C0]  }
0x792: {  	(erf) = vrcp.f32 v57;
	_ =	sdelay $0x3  }
0x793: {  	v13 =	vmul.f32 $1.999999960e-02, v56;
	v58 =	vmul.f32 $1.999999960e-02, v15  }
0x794: {  	v8 =	vbroadcast v8, $0x0  }
0x795: {  	v59 =	vmul.f32 v9, v13;
	v60 =	vmul.f32 v10, v58;
	_ =	sdelay $0x1  }
0x796: {  	v0 =	vadd.s32 v0, v8;
	v15 =	vadd.f32 v60, v59  }
0x797: {  	v7 =	vadd.s32 v7, v8;
	v61 =	vpop (erf)  }
0x798: {  	v6 =	vadd.s32 v6, v8;
	[tilespmem:s0+$0x1B3C0] =	vst v13;
	v62 =	vmul.f32 v61, v15  }
0x799: {  	[tilespmem:s0+$0x1B5C0] =	vst v58  }
0x79a: {  	[tilespmem:s0+$0x1B1C0] =	vst v62  }
0x79b: {  	v63 =	vmul.f32 v11, v55;
	[tilespmem:v0+s17+$0x0] =	vst.idx.msk $0xffff, v9  }
0x79c: {  	[tilespmem:v7+s17+$0x0] =	vst.idx.msk $0xffff, v10  }
0x79d: {  	s8 =	rddreg [dreg:$0x12];
	s1 =	simm.s32 $0x1B190;
	[tilespmem:v6+s17+$0x0] =	vst.idx.msk $0xffff, v63  }
0x79e: {  	[hbm4b:s8+s7] =	stream.linear.scatter [tilespmem:s1], [sflag:$0x5], $0x200, $0x38;
	[tilespmem:$0x1BD90] =	vst v63  }
0x79f: {  	_ =	swait.ge [sflag:s22], $0x200  }
0x7a0: {  	[sflag:s22] =	ssyncset.done $0x0  }
0x7a1: {  	s11 =	rddreg [dreg:$0x13];
	[sflag:s22] =	ssyncadd.s32 $0xFFFFFE00  }
0x7a2: {  	[hbm4b:s11+s7] =	stream.linear.scatter [tilespmem:s17], [sflag:$0x5], $0x600, $0x38;
	[tilespmem:$0x1BD90] =	vst v63  }
0x7a3: {  	_ =	swait.ge [sflag:s22], $0x600  }
0x7a4: {  	[sflag:s22] =	ssyncset.done $0x0  }
0x7a5: {  	s18 =	simm.s32 $0x1B390;
	s15 =	rddreg [dreg:$0x14];
	[sflag:s22] =	ssyncadd.s32 $0xFFFFFA00  }
0x7a6: {  	[hbm4b:s15+s7] =	stream.linear.scatter [tilespmem:s18], [sflag:$0x5], $0x200, $0x38;
	[tilespmem:$0x1BD90] =	vst v63  }
0x7a7: {  	_ =	swait.ge [sflag:s22], $0x200  }
0x7a8: {  	[sflag:s22] =	ssyncset.done $0x0  }
0x7a9: {  	s21 =	simm.s32 $0x1B590;
	s19 =	rddreg [dreg:$0x15];
	[sflag:s22] =	ssyncadd.s32 $0xFFFFFE00  }
0x7aa: {  	[hbm4b:s19+s7] =	stream.linear.scatter [tilespmem:s21], [sflag:$0x5], $0x200, $0x38;
	[tilespmem:$0x1BD90] =	vst v63  }
0x7ab: {  	_ =	swait.ge [sflag:s22], $0x200  }
0x7ac: {  	s25 =	rddreg [dreg:$0x17]  }
0x7ad: {  	s28 =	rddreg [dreg:$0x16];
	s1 =	sadd.s32 $0x1, s25  }
0x7ae: {  	p0 =	sne.s32 s1, s28  }
.Ltmp8:
0x7af: {  	_ = 	snop;
	(pc) =	sbr.rel @p0 .LBB2_1-.Ltmp8, $3  }
0x7b0: {  	_ =	sdelay $0x1  }
0x7b1: {  	[sflag:s22] =	ssyncset.done $0x0  }
0x7b2: {  	[sflag:s22] =	ssyncadd.s32 $0xFFFFFE00  }
0x7b3: {  	_ =	sfence.sel $0x180000  }
0x7b4: {  	[bflag:$0x0] =	sbarrier.arrive $0xFFFF  }
0x7b5: {  	_ =	strace $0x90000047  }
0x7b6: {  	s0 =	stileid.u32;
	[bflag:$0x2] =	sbarrier.arrive $0xFFFF  }
0x7b7: {  	p0 =	sne.s32 s0, $0x0;
	s0 =	rddreg [dreg:$0xa]  }
0x7b8: {  	s0 =	sadd.s32 @!p0 $0x100000, s0  }
0x7b9: {  	[sflag:s0] =	ssyncadd.tile.s32 @!p0 $0x1;
	_ =	shalt  }
.Lfunc_end2:
_tile_overlayer_lowered:
.L_overlay_start_2:
0x7ba: {  	(tag) =	ssettag $0x2  }
0x7bb: {  	s0 =	rddreg [dreg:$0x0];
	s2 =	stileid.u32  }
0x7bc: {  	s1 =	rddreg [dreg:$0x1];
	p0 =	sne.s32 s2, $0x0  }
0x7bd: {  	s3 =	rddreg [dreg:$0x2];
	[bflag:$0x3] =	sbarrier.arrive $0xFFFF;
	s2 =	simm.s32 @!p0 $0x1C05  }
0x7be: {  	[timem:s3], [sflag:s2] =	dma.local @!p0 [hbm:s0], s1  }
0x7bf: {  	s0 =	simm.s32 @!p0 $0x5  }
0x7c0: {  	_ =	swait.ge @!p0 [sflag:s0], s1  }
0x7c1: {  	s1 =	ssub.s32 @!p0 $0x0, s1;
	[sflag:s0] =	ssyncset.done @!p0 $0x0  }
0x7c2: {  	[sflag:s0] =	ssyncadd.s32 @!p0 s1  }
0x7c3: {  	[bflag:$0x3] =	sbarrier.arrive $0xFFFF  }
0x7c4: {  	_ =	shalt  }

</sc_bundles>
